<compile_context>
chip_gen: v7x
topology: tpu7x:2x2x1
jax: 0.10.2.dev20260603
libtpu: 0.0.44.dev20260713+nightly
codegen_flags: <defaults>
</compile_context>

<pallas_src>
import functools

import numpy as np
import jax
import jax.numpy as jnp
from jax import lax
from jax.experimental import pallas as pl
from jax.experimental.pallas import tpu as pltpu
from jax.experimental.pallas import tpu_sc as plsc

NC = 2
NS = 16
NT = NC * NS
L = 16
K = 128


def _make_spmm(n_out, batch, chunks):
    rows_per_tile = n_out // NS
    mesh = plsc.VectorSubcoreMesh(core_axis_name="c", subcore_axis_name="s",
                                  num_cores=NC, num_subcores=NS)

    @functools.partial(
        pl.kernel,
        mesh=mesh,
        compiler_params=pltpu.CompilerParams(use_tc_tiling_on_sc=False,
                                             needs_layout_passes=False),
        out_type=jax.ShapeDtypeStruct((NC, n_out, batch), jnp.float32),
        scratch_types=[
            pltpu.VMEM_SHARED((n_out, batch), jnp.float32),
            pltpu.VMEM((chunks * K,), jnp.int32),
            pltpu.VMEM((chunks, K), jnp.int32),
            pltpu.VMEM((chunks * K,), jnp.float32),
            pltpu.VMEM((K, batch), jnp.float32),
            pltpu.VMEM((K, batch), jnp.float32),
            pltpu.VMEM((K, batch), jnp.float32),
            pltpu.VMEM((K, batch), jnp.float32),
            pltpu.SemaphoreType.DMA,
            pltpu.SemaphoreType.DMA,
            pltpu.SemaphoreType.DMA,
            pltpu.SemaphoreType.DMA,
            pltpu.SemaphoreType.DMA,
        ],
    )
    def spmm(xt_hbm, rows_hbm, cols_hbm, vals_hbm, out_hbm,
             acc, rows_all, cols_all, vals_all, gath0, gath1, con0, con1,
             isem, gsem0, gsem1, ssem0, ssem1):
        c = lax.axis_index("c")
        s = lax.axis_index("s")
        wid = s * NC + c

        slab = chunks * K
        soff = pl.multiple_of(wid * slab, K)
        pltpu.async_copy(rows_hbm.at[pl.ds(soff, slab)], rows_all, isem)
        pltpu.async_copy(cols_hbm.at[wid], cols_all, isem)
        pltpu.async_copy(vals_hbm.at[pl.ds(soff, slab)], vals_all, isem)

        def zero_row(k, carry):
            for h in range(batch // L):
                gath0[k, pl.ds(h * L, L)] = jnp.zeros((L,), jnp.float32)
            return carry
        lax.fori_loop(0, K, zero_row, 0)
        for r in range(rows_per_tile // K):
            pltpu.sync_copy(gath0,
                            acc.at[pl.ds(s * rows_per_tile + r * K, K)])

        for _ in range(3):
            pltpu.make_async_copy(
                rows_hbm.at[pl.ds(soff, slab)], rows_all, isem).wait()

        pltpu.async_copy(xt_hbm.at[rows_all.at[pl.ds(0, K)]], gath0, gsem0)
        pltpu.async_copy(xt_hbm.at[rows_all.at[pl.ds(K, K)]], gath1, gsem1)
        plsc.subcore_barrier()

        def scale(t, gsrc, cdst):
            def scale_group(gi, carry):
                bk = pl.multiple_of(gi * L, L)
                v16 = vals_all[pl.ds(pl.multiple_of(t * K, K) + bk, L)]
                for j in range(L):
                    val = v16.at[jnp.full((L,), j, jnp.int32)].get(
                        mode="promise_in_bounds")
                    for h in range(batch // L):
                        cdst[bk + j, pl.ds(h * L, L)] = (
                            gsrc[bk + j, pl.ds(h * L, L)] * val)
                return carry
            lax.fori_loop(0, K // L, scale_group, 0, unroll=2)

        def half_step(t, gbuf, cbuf, gsem, ssem):
            pltpu.make_async_copy(
                xt_hbm.at[rows_all.at[pl.ds(pl.multiple_of(t * K, K), K)]],
                gbuf, gsem).wait()

            @pl.when(t >= 2)
            def _():
                pltpu.make_async_copy(
                    cbuf, acc.at[cols_all.at[t]], ssem).wait()

            scale(t, gbuf, cbuf)

            @pl.when(t + 2 < chunks)
            def _():
                pltpu.async_copy(
                    xt_hbm.at[rows_all.at[pl.ds(pl.multiple_of((t + 2) * K, K), K)]],
                    gbuf, gsem)

            pltpu.async_copy(cbuf, acc.at[cols_all.at[t]], ssem, add=True)

        def pipe_body(g, carry):
            t0 = g * 2
            half_step(t0, gath0, con0, gsem0, ssem0)
            half_step(t0 + 1, gath1, con1, gsem1, ssem1)
            return carry
        lax.fori_loop(0, chunks // 2, pipe_body, 0)

        pltpu.make_async_copy(con0, acc.at[cols_all.at[0]], ssem0).wait()
        pltpu.make_async_copy(con1, acc.at[cols_all.at[1]], ssem1).wait()
        plsc.subcore_barrier()

        for r in range(rows_per_tile // K):
            off = s * rows_per_tile + r * K
            pltpu.sync_copy(acc.at[pl.ds(off, K)],
                            out_hbm.at[c].at[pl.ds(off, K)])

    return spmm


def kernel(x, rows, cols, values, bias):
    if x.ndim == 1:
        x = x[None, :]
    batch = x.shape[0]
    n_out = bias.shape[0]
    bpad = (-batch) % L
    if bpad:
        x = jnp.pad(x, ((0, bpad), (0, 0)))
    nnz = rows.shape[0]
    n_in = x.shape[1]
    region = NT * K * 2
    nnz_pad = ((nnz + region - 1) // region) * region
    pad = nnz_pad - nnz
    chunks = nnz_pad // (NT * K)
    pad_rows = jnp.asarray(np.arange(pad, dtype=np.int32) * 61 % n_in)
    pad_cols = jnp.asarray(np.arange(pad, dtype=np.int32) * 61 % n_out)
    pad_vals = jnp.zeros((pad,), jnp.float32)
    rows_p = jnp.concatenate([rows.astype(jnp.int32), pad_rows])
    cols_p = jnp.concatenate(
        [cols.astype(jnp.int32), pad_cols]).reshape(NT, chunks, K)
    vals_p = jnp.concatenate([values.astype(jnp.float32), pad_vals])
    xt = x.T

    spmm = _make_spmm(n_out, batch + bpad, chunks)
    partials = spmm(xt, rows_p, cols_p, vals_p)
    out_t = partials[0] + partials[1] + bias[:, None].astype(jnp.float32)
    return out_t.T[:batch]

# --- scband reference (transcript-rebuilt; emitter-appended) ---
"""Pipeline reference for scband-sparse-linear-11596411699831 (READ-ONLY COPY).

The authoritative reference and input builder live on the scoring server;
editing this copy changes nothing except your own understanding.
"""

import jax, jax.numpy as jnp
import numpy as np

IN_F = 16384
OUT_F = 16384
SPARSITY = 0.999
BATCH = 64


def setup_inputs(seed: int = 0) -> dict:
    key = jax.random.key(seed)
    k1, k2, k3, k4 = jax.random.split(key, 4)
    nnz = max(int(IN_F * OUT_F * (1.0 - SPARSITY)), 1)
    # COO indices of the sparse weight W (in_features, out_features)
    rows = jax.random.randint(k1, (nnz,), 0, IN_F, dtype=jnp.int32)
    cols = jax.random.randint(k2, (nnz,), 0, OUT_F, dtype=jnp.int32)
    values = jax.random.normal(k3, (nnz,), dtype=jnp.float32) * (1.0 / np.sqrt(IN_F))
    bias = jnp.zeros((OUT_F,), dtype=jnp.float32)
    x = jax.random.normal(k4, (BATCH, IN_F), dtype=jnp.float32)
    return {"x": x, "rows": rows, "cols": cols, "values": values, "bias": bias}


def reference(x, rows, cols, values, bias):
    # Faithful translation of SparseLinear.forward: res = bias + x @ W_sparse
    # where W_sparse is a coalesced (duplicate-summing) sparse (IN_F, OUT_F) matrix
    # given in COO form by (rows, cols, values).
    if x.ndim == 1:
        x = x[None, :]
    # gather input columns at the source-row index of each nonzero: [B, nnz]
    gathered = jnp.take(x, rows, axis=1)
    contrib = gathered * values[None, :]
    # scatter-add contributions into output columns (segment reduce over cols)
    out_t = jax.ops.segment_sum(contrib.T, cols, num_segments=OUT_F)  # [OUT_F, B]
    res = out_t.T + bias[None, :]
    return res

if __name__ == "__main__":
    import jax
    _d = setup_inputs()
    print(jax.jit(kernel)(*tuple(_d.values())))

</pallas_src>

<mosaic_0001>
#map = affine_map<(d0, d1) -> (0, 0)>
#map1 = affine_map<(d0, d1) -> (0)>
#map2 = affine_map<(d0, d1) -> (0, 0, 0)>
module attributes {stable_mosaic.version = 14 : i64} {
  func.func @spmm(%arg0: i32, %arg1: i32, %arg2: memref<16384x64xf32, #tpu.memory_space<hbm>>, %arg3: memref<270336xi32, #tpu.memory_space<hbm>>, %arg4: memref<32x66x128xi32, #tpu.memory_space<hbm>>, %arg5: memref<270336xf32, #tpu.memory_space<hbm>>, %arg6: memref<2x16384x64xf32, #tpu.memory_space<hbm>>, %arg7: memref<16384x64xf32, #tpu.memory_space<vmem_shared>>, %arg8: memref<8448xi32, #tpu.memory_space<vmem>>, %arg9: memref<66x128xi32, #tpu.memory_space<vmem>>, %arg10: memref<8448xf32, #tpu.memory_space<vmem>>, %arg11: memref<128x64xf32, #tpu.memory_space<vmem>>, %arg12: memref<128x64xf32, #tpu.memory_space<vmem>>, %arg13: memref<128x64xf32, #tpu.memory_space<vmem>>, %arg14: memref<128x64xf32, #tpu.memory_space<vmem>>, %arg15: memref<!tpu.dma_semaphore, #tpu.memory_space<semaphore_mem>>, %arg16: memref<!tpu.dma_semaphore, #tpu.memory_space<semaphore_mem>>, %arg17: memref<!tpu.dma_semaphore, #tpu.memory_space<semaphore_mem>>, %arg18: memref<!tpu.dma_semaphore, #tpu.memory_space<semaphore_mem>>, %arg19: memref<!tpu.dma_semaphore, #tpu.memory_space<semaphore_mem>>) attributes {dimension_semantics = [#tpu.dimension_semantics<core_parallel>, #tpu.dimension_semantics<subcore_parallel>], iteration_bounds = array<i64: 2, 16>, scalar_prefetch = 0 : i64, scratch_operands = 13 : i64, tpu.core_type = #tpu.core_type<sc_vector_subcore>, window_params = [{transform_indices = #map}, {transform_indices = #map1}, {transform_indices = #map2}, {transform_indices = #map1}, {transform_indices = #map2}]} {
    %mul3A = arith.constant 2 : i32
    %mul3A_0 = arith.muli %arg1, %mul3A : i32
    %add3A = arith.addi %mul3A_0, %arg0 : i32
    %mul3A_1 = arith.constant 8448 : i32
    %mul3A_2 = arith.muli %add3A, %mul3A_1 : i32
    %multiple_of3A = tpu.assume_multiple %mul3A_2, 128 : i32
    %dma_start3A = tpu.memref_slice %arg3[%multiple_of3A] : memref<270336xi32, #tpu.memory_space<hbm>> -> memref<8448xi32, #tpu.memory_space<hbm>>
    %dma_start3A_3 = tpu.memref_slice %arg3[%multiple_of3A] : memref<270336xi32, #tpu.memory_space<hbm>> -> memref<8448xi32, #tpu.memory_space<hbm>>
    tpu.enqueue_dma source(%dma_start3A_3 : memref<8448xi32, #tpu.memory_space<hbm>>) target(%arg8 : memref<8448xi32, #tpu.memory_space<vmem>>) target_semaphore(%arg15 : memref<!tpu.dma_semaphore, #tpu.memory_space<semaphore_mem>>)
    %dma_start3A_4 = arith.constant 0 : i32
    %dma_start3A_5 = arith.constant 0 : i32
    %dma_start3A_6 = tpu.memref_slice %arg4[%add3A, %dma_start3A_4, %dma_start3A_5] : memref<32x66x128xi32, #tpu.memory_space<hbm>> -> memref<1x66x128xi32, #tpu.memory_space<hbm>>
    %dma_start3A_7 = tpu.memref_squeeze %dma_start3A_6 : memref<1x66x128xi32, #tpu.memory_space<hbm>> -> memref<66x128xi32, #tpu.memory_space<hbm>>
    %dma_start3A_8 = arith.constant 0 : i32
    %dma_start3A_9 = arith.constant 0 : i32
    %dma_start3A_10 = tpu.memref_slice %arg4[%add3A, %dma_start3A_8, %dma_start3A_9] : memref<32x66x128xi32, #tpu.memory_space<hbm>> -> memref<1x66x128xi32, #tpu.memory_space<hbm>>
    %dma_start3A_11 = tpu.memref_squeeze %dma_start3A_10 : memref<1x66x128xi32, #tpu.memory_space<hbm>> -> memref<66x128xi32, #tpu.memory_space<hbm>>
    tpu.enqueue_dma source(%dma_start3A_11 : memref<66x128xi32, #tpu.memory_space<hbm>>) target(%arg9 : memref<66x128xi32, #tpu.memory_space<vmem>>) target_semaphore(%arg15 : memref<!tpu.dma_semaphore, #tpu.memory_space<semaphore_mem>>)
    %dma_start3A_12 = tpu.memref_slice %arg5[%multiple_of3A] : memref<270336xf32, #tpu.memory_space<hbm>> -> memref<8448xf32, #tpu.memory_space<hbm>>
    %dma_start3A_13 = tpu.memref_slice %arg5[%multiple_of3A] : memref<270336xf32, #tpu.memory_space<hbm>> -> memref<8448xf32, #tpu.memory_space<hbm>>
    tpu.enqueue_dma source(%dma_start3A_13 : memref<8448xf32, #tpu.memory_space<hbm>>) target(%arg10 : memref<8448xf32, #tpu.memory_space<vmem>>) target_semaphore(%arg15 : memref<!tpu.dma_semaphore, #tpu.memory_space<semaphore_mem>>)
    %scan3A = arith.constant 0 : i32
    %scan3A_14 = arith.constant 0 : i32
    %scan3A_15 = arith.constant 128 : i32
    %scan3A_16 = arith.addi %scan3A_14, %scan3A_15 : i32
    %scan3A_17 = arith.constant 1 : i32
    scf.for %scan3A_119 = %scan3A_14 to %scan3A_16 step %scan3A_17  : i32 {
      %broadcast_in_dim3A = arith.constant 0.000000e+00 : f32
      %broadcast_in_dim3A_120 = vector.broadcast %broadcast_in_dim3A : f32 to vector<16xf32>
      %swap3A = arith.index_cast %scan3A_119 : i32 to index
      %swap3A_121 = arith.constant 0 : index
      %swap3A_122 = tpu.vector_load %arg11[%swap3A, %swap3A_121] {strides = array<i32>} : memref<128x64xf32, #tpu.memory_space<vmem>>, vector<16xf32>,
      tpu.vector_store %arg11[%swap3A, %swap3A_121], %broadcast_in_dim3A_120 {strides = array<i32>} : memref<128x64xf32, #tpu.memory_space<vmem>>, vector<16xf32>,
      %broadcast_in_dim3A_123 = arith.constant 0.000000e+00 : f32
      %broadcast_in_dim3A_124 = vector.broadcast %broadcast_in_dim3A_123 : f32 to vector<16xf32>
      %swap3A_125 = arith.index_cast %scan3A_119 : i32 to index
      %swap3A_126 = arith.constant 16 : index
      %swap3A_127 = tpu.vector_load %arg11[%swap3A_125, %swap3A_126] {strides = array<i32>} : memref<128x64xf32, #tpu.memory_space<vmem>>, vector<16xf32>,
      tpu.vector_store %arg11[%swap3A_125, %swap3A_126], %broadcast_in_dim3A_124 {strides = array<i32>} : memref<128x64xf32, #tpu.memory_space<vmem>>, vector<16xf32>,
      %broadcast_in_dim3A_128 = arith.constant 0.000000e+00 : f32
      %broadcast_in_dim3A_129 = vector.broadcast %broadcast_in_dim3A_128 : f32 to vector<16xf32>
      %swap3A_130 = arith.index_cast %scan3A_119 : i32 to index
      %swap3A_131 = arith.constant 32 : index
      %swap3A_132 = tpu.vector_load %arg11[%swap3A_130, %swap3A_131] {strides = array<i32>} : memref<128x64xf32, #tpu.memory_space<vmem>>, vector<16xf32>,
      tpu.vector_store %arg11[%swap3A_130, %swap3A_131], %broadcast_in_dim3A_129 {strides = array<i32>} : memref<128x64xf32, #tpu.memory_space<vmem>>, vector<16xf32>,
      %broadcast_in_dim3A_133 = arith.constant 0.000000e+00 : f32
      %broadcast_in_dim3A_134 = vector.broadcast %broadcast_in_dim3A_133 : f32 to vector<16xf32>
      %swap3A_135 = arith.index_cast %scan3A_119 : i32 to index
      %swap3A_136 = arith.constant 48 : index
      %swap3A_137 = tpu.vector_load %arg11[%swap3A_135, %swap3A_136] {strides = array<i32>} : memref<128x64xf32, #tpu.memory_space<vmem>>, vector<16xf32>,
      tpu.vector_store %arg11[%swap3A_135, %swap3A_136], %broadcast_in_dim3A_134 {strides = array<i32>} : memref<128x64xf32, #tpu.memory_space<vmem>>, vector<16xf32>,
    }
    %scan3A_18 = arith.constant 128 : i32
    %mul3A_19 = arith.constant 1024 : i32
    %mul3A_20 = arith.muli %arg1, %mul3A_19 : i32
    %add3A_21 = arith.constant 0 : i32
    %add3A_22 = arith.addi %mul3A_20, %add3A_21 : i32
    "tpu.region"() ({
      %run_scoped3A = tpu.sem_alloc : memref<!tpu.dma_semaphore, #tpu.memory_space<semaphore_mem>>
      %dma_start3A_119 = arith.constant 0 : i32
      %dma_start3A_120 = tpu.memref_slice %arg7[%add3A_22, %dma_start3A_119] : memref<16384x64xf32, #tpu.memory_space<vmem_shared>> -> memref<128x64xf32, #tpu.memory_space<vmem_shared>>
      %dma_start3A_121 = arith.constant 0 : i32
      %dma_start3A_122 = tpu.memref_slice %arg7[%add3A_22, %dma_start3A_121] : memref<16384x64xf32, #tpu.memory_space<vmem_shared>> -> memref<128x64xf32, #tpu.memory_space<vmem_shared>>
      tpu.enqueue_dma source(%arg11 : memref<128x64xf32, #tpu.memory_space<vmem>>) target(%dma_start3A_122 : memref<128x64xf32, #tpu.memory_space<vmem_shared>>) target_semaphore(%run_scoped3A : memref<!tpu.dma_semaphore, #tpu.memory_space<semaphore_mem>>)
      %dma_wait3A_123 = arith.constant 0 : i32
      %dma_wait3A_124 = tpu.memref_slice %arg7[%add3A_22, %dma_wait3A_123] : memref<16384x64xf32, #tpu.memory_space<vmem_shared>> -> memref<128x64xf32, #tpu.memory_space<vmem_shared>>
      %dma_wait3A_125 = arith.constant 0 : i32
      %dma_wait3A_126 = tpu.memref_slice %arg7[%add3A_22, %dma_wait3A_125] : memref<16384x64xf32, #tpu.memory_space<vmem_shared>> -> memref<128x64xf32, #tpu.memory_space<vmem_shared>>
      tpu.wait_dma2 semaphore(%run_scoped3A : memref<!tpu.dma_semaphore, #tpu.memory_space<semaphore_mem>>) src(%arg11 : memref<128x64xf32, #tpu.memory_space<vmem>>) dst(%dma_wait3A_126 : memref<128x64xf32, #tpu.memory_space<vmem_shared>>)
      tpu.yield
    }) : () -> ()
    %mul3A_23 = arith.constant 1024 : i32
    %mul3A_24 = arith.muli %arg1, %mul3A_23 : i32
    %add3A_25 = arith.constant 128 : i32
    %add3A_26 = arith.addi %mul3A_24, %add3A_25 : i32
    "tpu.region"() ({
      %run_scoped3A = tpu.sem_alloc : memref<!tpu.dma_semaphore, #tpu.memory_space<semaphore_mem>>
      %dma_start3A_119 = arith.constant 0 : i32
      %dma_start3A_120 = tpu.memref_slice %arg7[%add3A_26, %dma_start3A_119] : memref<16384x64xf32, #tpu.memory_space<vmem_shared>> -> memref<128x64xf32, #tpu.memory_space<vmem_shared>>
      %dma_start3A_121 = arith.constant 0 : i32
      %dma_start3A_122 = tpu.memref_slice %arg7[%add3A_26, %dma_start3A_121] : memref<16384x64xf32, #tpu.memory_space<vmem_shared>> -> memref<128x64xf32, #tpu.memory_space<vmem_shared>>
      tpu.enqueue_dma source(%arg11 : memref<128x64xf32, #tpu.memory_space<vmem>>) target(%dma_start3A_122 : memref<128x64xf32, #tpu.memory_space<vmem_shared>>) target_semaphore(%run_scoped3A : memref<!tpu.dma_semaphore, #tpu.memory_space<semaphore_mem>>)
      %dma_wait3A_123 = arith.constant 0 : i32
      %dma_wait3A_124 = tpu.memref_slice %arg7[%add3A_26, %dma_wait3A_123] : memref<16384x64xf32, #tpu.memory_space<vmem_shared>> -> memref<128x64xf32, #tpu.memory_space<vmem_shared>>
      %dma_wait3A_125 = arith.constant 0 : i32
      %dma_wait3A_126 = tpu.memref_slice %arg7[%add3A_26, %dma_wait3A_125] : memref<16384x64xf32, #tpu.memory_space<vmem_shared>> -> memref<128x64xf32, #tpu.memory_space<vmem_shared>>
      tpu.wait_dma2 semaphore(%run_scoped3A : memref<!tpu.dma_semaphore, #tpu.memory_space<semaphore_mem>>) src(%arg11 : memref<128x64xf32, #tpu.memory_space<vmem>>) dst(%dma_wait3A_126 : memref<128x64xf32, #tpu.memory_space<vmem_shared>>)
      tpu.yield
    }) : () -> ()
    %mul3A_27 = arith.constant 1024 : i32
    %mul3A_28 = arith.muli %arg1, %mul3A_27 : i32
    %add3A_29 = arith.constant 256 : i32
    %add3A_30 = arith.addi %mul3A_28, %add3A_29 : i32
    "tpu.region"() ({
      %run_scoped3A = tpu.sem_alloc : memref<!tpu.dma_semaphore, #tpu.memory_space<semaphore_mem>>
      %dma_start3A_119 = arith.constant 0 : i32
      %dma_start3A_120 = tpu.memref_slice %arg7[%add3A_30, %dma_start3A_119] : memref<16384x64xf32, #tpu.memory_space<vmem_shared>> -> memref<128x64xf32, #tpu.memory_space<vmem_shared>>
      %dma_start3A_121 = arith.constant 0 : i32
      %dma_start3A_122 = tpu.memref_slice %arg7[%add3A_30, %dma_start3A_121] : memref<16384x64xf32, #tpu.memory_space<vmem_shared>> -> memref<128x64xf32, #tpu.memory_space<vmem_shared>>
      tpu.enqueue_dma source(%arg11 : memref<128x64xf32, #tpu.memory_space<vmem>>) target(%dma_start3A_122 : memref<128x64xf32, #tpu.memory_space<vmem_shared>>) target_semaphore(%run_scoped3A : memref<!tpu.dma_semaphore, #tpu.memory_space<semaphore_mem>>)
      %dma_wait3A_123 = arith.constant 0 : i32
      %dma_wait3A_124 = tpu.memref_slice %arg7[%add3A_30, %dma_wait3A_123] : memref<16384x64xf32, #tpu.memory_space<vmem_shared>> -> memref<128x64xf32, #tpu.memory_space<vmem_shared>>
      %dma_wait3A_125 = arith.constant 0 : i32
      %dma_wait3A_126 = tpu.memref_slice %arg7[%add3A_30, %dma_wait3A_125] : memref<16384x64xf32, #tpu.memory_space<vmem_shared>> -> memref<128x64xf32, #tpu.memory_space<vmem_shared>>
      tpu.wait_dma2 semaphore(%run_scoped3A : memref<!tpu.dma_semaphore, #tpu.memory_space<semaphore_mem>>) src(%arg11 : memref<128x64xf32, #tpu.memory_space<vmem>>) dst(%dma_wait3A_126 : memref<128x64xf32, #tpu.memory_space<vmem_shared>>)
      tpu.yield
    }) : () -> ()
    %mul3A_31 = arith.constant 1024 : i32
    %mul3A_32 = arith.muli %arg1, %mul3A_31 : i32
    %add3A_33 = arith.constant 384 : i32
    %add3A_34 = arith.addi %mul3A_32, %add3A_33 : i32
    "tpu.region"() ({
      %run_scoped3A = tpu.sem_alloc : memref<!tpu.dma_semaphore, #tpu.memory_space<semaphore_mem>>
      %dma_start3A_119 = arith.constant 0 : i32
      %dma_start3A_120 = tpu.memref_slice %arg7[%add3A_34, %dma_start3A_119] : memref<16384x64xf32, #tpu.memory_space<vmem_shared>> -> memref<128x64xf32, #tpu.memory_space<vmem_shared>>
      %dma_start3A_121 = arith.constant 0 : i32
      %dma_start3A_122 = tpu.memref_slice %arg7[%add3A_34, %dma_start3A_121] : memref<16384x64xf32, #tpu.memory_space<vmem_shared>> -> memref<128x64xf32, #tpu.memory_space<vmem_shared>>
      tpu.enqueue_dma source(%arg11 : memref<128x64xf32, #tpu.memory_space<vmem>>) target(%dma_start3A_122 : memref<128x64xf32, #tpu.memory_space<vmem_shared>>) target_semaphore(%run_scoped3A : memref<!tpu.dma_semaphore, #tpu.memory_space<semaphore_mem>>)
      %dma_wait3A_123 = arith.constant 0 : i32
      %dma_wait3A_124 = tpu.memref_slice %arg7[%add3A_34, %dma_wait3A_123] : memref<16384x64xf32, #tpu.memory_space<vmem_shared>> -> memref<128x64xf32, #tpu.memory_space<vmem_shared>>
      %dma_wait3A_125 = arith.constant 0 : i32
      %dma_wait3A_126 = tpu.memref_slice %arg7[%add3A_34, %dma_wait3A_125] : memref<16384x64xf32, #tpu.memory_space<vmem_shared>> -> memref<128x64xf32, #tpu.memory_space<vmem_shared>>
      tpu.wait_dma2 semaphore(%run_scoped3A : memref<!tpu.dma_semaphore, #tpu.memory_space<semaphore_mem>>) src(%arg11 : memref<128x64xf32, #tpu.memory_space<vmem>>) dst(%dma_wait3A_126 : memref<128x64xf32, #tpu.memory_space<vmem_shared>>)
      tpu.yield
    }) : () -> ()
    %mul3A_35 = arith.constant 1024 : i32
    %mul3A_36 = arith.muli %arg1, %mul3A_35 : i32
    %add3A_37 = arith.constant 512 : i32
    %add3A_38 = arith.addi %mul3A_36, %add3A_37 : i32
    "tpu.region"() ({
      %run_scoped3A = tpu.sem_alloc : memref<!tpu.dma_semaphore, #tpu.memory_space<semaphore_mem>>
      %dma_start3A_119 = arith.constant 0 : i32
      %dma_start3A_120 = tpu.memref_slice %arg7[%add3A_38, %dma_start3A_119] : memref<16384x64xf32, #tpu.memory_space<vmem_shared>> -> memref<128x64xf32, #tpu.memory_space<vmem_shared>>
      %dma_start3A_121 = arith.constant 0 : i32
      %dma_start3A_122 = tpu.memref_slice %arg7[%add3A_38, %dma_start3A_121] : memref<16384x64xf32, #tpu.memory_space<vmem_shared>> -> memref<128x64xf32, #tpu.memory_space<vmem_shared>>
      tpu.enqueue_dma source(%arg11 : memref<128x64xf32, #tpu.memory_space<vmem>>) target(%dma_start3A_122 : memref<128x64xf32, #tpu.memory_space<vmem_shared>>) target_semaphore(%run_scoped3A : memref<!tpu.dma_semaphore, #tpu.memory_space<semaphore_mem>>)
      %dma_wait3A_123 = arith.constant 0 : i32
      %dma_wait3A_124 = tpu.memref_slice %arg7[%add3A_38, %dma_wait3A_123] : memref<16384x64xf32, #tpu.memory_space<vmem_shared>> -> memref<128x64xf32, #tpu.memory_space<vmem_shared>>
      %dma_wait3A_125 = arith.constant 0 : i32
      %dma_wait3A_126 = tpu.memref_slice %arg7[%add3A_38, %dma_wait3A_125] : memref<16384x64xf32, #tpu.memory_space<vmem_shared>> -> memref<128x64xf32, #tpu.memory_space<vmem_shared>>
      tpu.wait_dma2 semaphore(%run_scoped3A : memref<!tpu.dma_semaphore, #tpu.memory_space<semaphore_mem>>) src(%arg11 : memref<128x64xf32, #tpu.memory_space<vmem>>) dst(%dma_wait3A_126 : memref<128x64xf32, #tpu.memory_space<vmem_shared>>)
      tpu.yield
    }) : () -> ()
    %mul3A_39 = arith.constant 1024 : i32
    %mul3A_40 = arith.muli %arg1, %mul3A_39 : i32
    %add3A_41 = arith.constant 640 : i32
    %add3A_42 = arith.addi %mul3A_40, %add3A_41 : i32
    "tpu.region"() ({
      %run_scoped3A = tpu.sem_alloc : memref<!tpu.dma_semaphore, #tpu.memory_space<semaphore_mem>>
      %dma_start3A_119 = arith.constant 0 : i32
      %dma_start3A_120 = tpu.memref_slice %arg7[%add3A_42, %dma_start3A_119] : memref<16384x64xf32, #tpu.memory_space<vmem_shared>> -> memref<128x64xf32, #tpu.memory_space<vmem_shared>>
      %dma_start3A_121 = arith.constant 0 : i32
      %dma_start3A_122 = tpu.memref_slice %arg7[%add3A_42, %dma_start3A_121] : memref<16384x64xf32, #tpu.memory_space<vmem_shared>> -> memref<128x64xf32, #tpu.memory_space<vmem_shared>>
      tpu.enqueue_dma source(%arg11 : memref<128x64xf32, #tpu.memory_space<vmem>>) target(%dma_start3A_122 : memref<128x64xf32, #tpu.memory_space<vmem_shared>>) target_semaphore(%run_scoped3A : memref<!tpu.dma_semaphore, #tpu.memory_space<semaphore_mem>>)
      %dma_wait3A_123 = arith.constant 0 : i32
      %dma_wait3A_124 = tpu.memref_slice %arg7[%add3A_42, %dma_wait3A_123] : memref<16384x64xf32, #tpu.memory_space<vmem_shared>> -> memref<128x64xf32, #tpu.memory_space<vmem_shared>>
      %dma_wait3A_125 = arith.constant 0 : i32
      %dma_wait3A_126 = tpu.memref_slice %arg7[%add3A_42, %dma_wait3A_125] : memref<16384x64xf32, #tpu.memory_space<vmem_shared>> -> memref<128x64xf32, #tpu.memory_space<vmem_shared>>
      tpu.wait_dma2 semaphore(%run_scoped3A : memref<!tpu.dma_semaphore, #tpu.memory_space<semaphore_mem>>) src(%arg11 : memref<128x64xf32, #tpu.memory_space<vmem>>) dst(%dma_wait3A_126 : memref<128x64xf32, #tpu.memory_space<vmem_shared>>)
      tpu.yield
    }) : () -> ()
    %mul3A_43 = arith.constant 1024 : i32
    %mul3A_44 = arith.muli %arg1, %mul3A_43 : i32
    %add3A_45 = arith.constant 768 : i32
    %add3A_46 = arith.addi %mul3A_44, %add3A_45 : i32
    "tpu.region"() ({
      %run_scoped3A = tpu.sem_alloc : memref<!tpu.dma_semaphore, #tpu.memory_space<semaphore_mem>>
      %dma_start3A_119 = arith.constant 0 : i32
      %dma_start3A_120 = tpu.memref_slice %arg7[%add3A_46, %dma_start3A_119] : memref<16384x64xf32, #tpu.memory_space<vmem_shared>> -> memref<128x64xf32, #tpu.memory_space<vmem_shared>>
      %dma_start3A_121 = arith.constant 0 : i32
      %dma_start3A_122 = tpu.memref_slice %arg7[%add3A_46, %dma_start3A_121] : memref<16384x64xf32, #tpu.memory_space<vmem_shared>> -> memref<128x64xf32, #tpu.memory_space<vmem_shared>>
      tpu.enqueue_dma source(%arg11 : memref<128x64xf32, #tpu.memory_space<vmem>>) target(%dma_start3A_122 : memref<128x64xf32, #tpu.memory_space<vmem_shared>>) target_semaphore(%run_scoped3A : memref<!tpu.dma_semaphore, #tpu.memory_space<semaphore_mem>>)
      %dma_wait3A_123 = arith.constant 0 : i32
      %dma_wait3A_124 = tpu.memref_slice %arg7[%add3A_46, %dma_wait3A_123] : memref<16384x64xf32, #tpu.memory_space<vmem_shared>> -> memref<128x64xf32, #tpu.memory_space<vmem_shared>>
      %dma_wait3A_125 = arith.constant 0 : i32
      %dma_wait3A_126 = tpu.memref_slice %arg7[%add3A_46, %dma_wait3A_125] : memref<16384x64xf32, #tpu.memory_space<vmem_shared>> -> memref<128x64xf32, #tpu.memory_space<vmem_shared>>
      tpu.wait_dma2 semaphore(%run_scoped3A : memref<!tpu.dma_semaphore, #tpu.memory_space<semaphore_mem>>) src(%arg11 : memref<128x64xf32, #tpu.memory_space<vmem>>) dst(%dma_wait3A_126 : memref<128x64xf32, #tpu.memory_space<vmem_shared>>)
      tpu.yield
    }) : () -> ()
    %mul3A_47 = arith.constant 1024 : i32
    %mul3A_48 = arith.muli %arg1, %mul3A_47 : i32
    %add3A_49 = arith.constant 896 : i32
    %add3A_50 = arith.addi %mul3A_48, %add3A_49 : i32
    "tpu.region"() ({
      %run_scoped3A = tpu.sem_alloc : memref<!tpu.dma_semaphore, #tpu.memory_space<semaphore_mem>>
      %dma_start3A_119 = arith.constant 0 : i32
      %dma_start3A_120 = tpu.memref_slice %arg7[%add3A_50, %dma_start3A_119] : memref<16384x64xf32, #tpu.memory_space<vmem_shared>> -> memref<128x64xf32, #tpu.memory_space<vmem_shared>>
      %dma_start3A_121 = arith.constant 0 : i32
      %dma_start3A_122 = tpu.memref_slice %arg7[%add3A_50, %dma_start3A_121] : memref<16384x64xf32, #tpu.memory_space<vmem_shared>> -> memref<128x64xf32, #tpu.memory_space<vmem_shared>>
      tpu.enqueue_dma source(%arg11 : memref<128x64xf32, #tpu.memory_space<vmem>>) target(%dma_start3A_122 : memref<128x64xf32, #tpu.memory_space<vmem_shared>>) target_semaphore(%run_scoped3A : memref<!tpu.dma_semaphore, #tpu.memory_space<semaphore_mem>>)
      %dma_wait3A_123 = arith.constant 0 : i32
      %dma_wait3A_124 = tpu.memref_slice %arg7[%add3A_50, %dma_wait3A_123] : memref<16384x64xf32, #tpu.memory_space<vmem_shared>> -> memref<128x64xf32, #tpu.memory_space<vmem_shared>>
      %dma_wait3A_125 = arith.constant 0 : i32
      %dma_wait3A_126 = tpu.memref_slice %arg7[%add3A_50, %dma_wait3A_125] : memref<16384x64xf32, #tpu.memory_space<vmem_shared>> -> memref<128x64xf32, #tpu.memory_space<vmem_shared>>
      tpu.wait_dma2 semaphore(%run_scoped3A : memref<!tpu.dma_semaphore, #tpu.memory_space<semaphore_mem>>) src(%arg11 : memref<128x64xf32, #tpu.memory_space<vmem>>) dst(%dma_wait3A_126 : memref<128x64xf32, #tpu.memory_space<vmem_shared>>)
      tpu.yield
    }) : () -> ()
    %dma_wait3A = tpu.memref_slice %arg3[%multiple_of3A] : memref<270336xi32, #tpu.memory_space<hbm>> -> memref<8448xi32, #tpu.memory_space<hbm>>
    %dma_wait3A_51 = tpu.memref_slice %arg3[%multiple_of3A] : memref<270336xi32, #tpu.memory_space<hbm>> -> memref<8448xi32, #tpu.memory_space<hbm>>
    tpu.wait_dma2 semaphore(%arg15 : memref<!tpu.dma_semaphore, #tpu.memory_space<semaphore_mem>>) src(%dma_wait3A_51 : memref<8448xi32, #tpu.memory_space<hbm>>) dst(%arg8 : memref<8448xi32, #tpu.memory_space<vmem>>)
    %dma_wait3A_52 = tpu.memref_slice %arg3[%multiple_of3A] : memref<270336xi32, #tpu.memory_space<hbm>> -> memref<8448xi32, #tpu.memory_space<hbm>>
    %dma_wait3A_53 = tpu.memref_slice %arg3[%multiple_of3A] : memref<270336xi32, #tpu.memory_space<hbm>> -> memref<8448xi32, #tpu.memory_space<hbm>>
    tpu.wait_dma2 semaphore(%arg15 : memref<!tpu.dma_semaphore, #tpu.memory_space<semaphore_mem>>) src(%dma_wait3A_53 : memref<8448xi32, #tpu.memory_space<hbm>>) dst(%arg8 : memref<8448xi32, #tpu.memory_space<vmem>>)
    %dma_wait3A_54 = tpu.memref_slice %arg3[%multiple_of3A] : memref<270336xi32, #tpu.memory_space<hbm>> -> memref<8448xi32, #tpu.memory_space<hbm>>
    %dma_wait3A_55 = tpu.memref_slice %arg3[%multiple_of3A] : memref<270336xi32, #tpu.memory_space<hbm>> -> memref<8448xi32, #tpu.memory_space<hbm>>
    tpu.wait_dma2 semaphore(%arg15 : memref<!tpu.dma_semaphore, #tpu.memory_space<semaphore_mem>>) src(%dma_wait3A_55 : memref<8448xi32, #tpu.memory_space<hbm>>) dst(%arg8 : memref<8448xi32, #tpu.memory_space<vmem>>)
    %dma_start3A_56 = arith.constant 0 : i32
    %dma_start3A_57 = tpu.memref_slice %arg8[%dma_start3A_56] : memref<8448xi32, #tpu.memory_space<vmem>> -> memref<128xi32, #tpu.memory_space<vmem>>
    %dma_start3A_58 = arith.constant 0 : i32
    %dma_start3A_59 = arith.constant 0 : i32
    %dma_start3A_60 = tpu.memref_slice %arg2[%dma_start3A_58, %dma_start3A_59] : memref<16384x64xf32, #tpu.memory_space<hbm>> -> memref<16384x64xf32, #tpu.memory_space<hbm>>
    tpu.enqueue_indirect_dma source(%dma_start3A_60 : memref<16384x64xf32, #tpu.memory_space<hbm>>) target(%arg11 : memref<128x64xf32, #tpu.memory_space<vmem>>) offsets(%dma_start3A_57 : memref<128xi32, #tpu.memory_space<vmem>>) semaphore(%arg16 : memref<!tpu.dma_semaphore, #tpu.memory_space<semaphore_mem>>)
    %dma_start3A_61 = arith.constant 128 : i32
    %dma_start3A_62 = tpu.memref_slice %arg8[%dma_start3A_61] : memref<8448xi32, #tpu.memory_space<vmem>> -> memref<128xi32, #tpu.memory_space<vmem>>
    %dma_start3A_63 = arith.constant 0 : i32
    %dma_start3A_64 = arith.constant 0 : i32
    %dma_start3A_65 = tpu.memref_slice %arg2[%dma_start3A_63, %dma_start3A_64] : memref<16384x64xf32, #tpu.memory_space<hbm>> -> memref<16384x64xf32, #tpu.memory_space<hbm>>
    tpu.enqueue_indirect_dma source(%dma_start3A_65 : memref<16384x64xf32, #tpu.memory_space<hbm>>) target(%arg12 : memref<128x64xf32, #tpu.memory_space<vmem>>) offsets(%dma_start3A_62 : memref<128xi32, #tpu.memory_space<vmem>>) semaphore(%arg17 : memref<!tpu.dma_semaphore, #tpu.memory_space<semaphore_mem>>)
    %barrier3A = arith.constant 0 : index
    tpu.barrier barrier_id(%barrier3A)
    %scan3A_66 = arith.constant 0 : i32
    %scan3A_67 = arith.constant 0 : i32
    %scan3A_68 = arith.constant 33 : i32
    %scan3A_69 = arith.addi %scan3A_67, %scan3A_68 : i32
    %scan3A_70 = arith.constant 1 : i32
    scf.for %scan3A_119 = %scan3A_67 to %scan3A_69 step %scan3A_70  : i32 {
      %mul3A_120 = arith.constant 2 : i32
      %mul3A_121 = arith.muli %scan3A_119, %mul3A_120 : i32
      %mul3A_122 = arith.constant 128 : i32
      %mul3A_123 = arith.muli %mul3A_121, %mul3A_122 : i32
      %multiple_of3A_124 = tpu.assume_multiple %mul3A_123, 128 : i32
      %dma_wait3A_125 = tpu.memref_slice %arg8[%multiple_of3A_124] : memref<8448xi32, #tpu.memory_space<vmem>> -> memref<128xi32, #tpu.memory_space<vmem>>
      %dma_wait3A_126 = arith.constant 0 : i32
      %dma_wait3A_127 = arith.constant 0 : i32
      %dma_wait3A_128 = tpu.memref_slice %arg2[%dma_wait3A_126, %dma_wait3A_127] : memref<16384x64xf32, #tpu.memory_space<hbm>> -> memref<16384x64xf32, #tpu.memory_space<hbm>>
      tpu.wait_indirect_dma semaphore(%arg16 : memref<!tpu.dma_semaphore, #tpu.memory_space<semaphore_mem>>) src(%dma_wait3A_128 : memref<16384x64xf32, #tpu.memory_space<hbm>>) dst(%arg11 : memref<128x64xf32, #tpu.memory_space<vmem>>)
      %ge3A = arith.constant 2 : i32
      %ge3A_129 = arith.cmpi sge, %mul3A_121, %ge3A : i32
      %convert_element_type3A = arith.extui %ge3A_129 : i1 to i32
      %cond3A = arith.constant 0 : i32
      %cond3A_130 = arith.cmpi ne, %convert_element_type3A, %cond3A : i32
      scf.if %cond3A_130 {
        %dma_wait3A_182 = arith.constant 0 : i32
        %dma_wait3A_183 = tpu.memref_slice %arg9[%mul3A_121, %dma_wait3A_182] : memref<66x128xi32, #tpu.memory_space<vmem>> -> memref<1x128xi32, #tpu.memory_space<vmem>>
        %dma_wait3A_184 = tpu.memref_squeeze %dma_wait3A_183 : memref<1x128xi32, #tpu.memory_space<vmem>> -> memref<128xi32, #tpu.memory_space<vmem>>
        %dma_wait3A_185 = arith.constant 0 : i32
        %dma_wait3A_186 = arith.constant 0 : i32
        %dma_wait3A_187 = tpu.memref_slice %arg7[%dma_wait3A_185, %dma_wait3A_186] : memref<16384x64xf32, #tpu.memory_space<vmem_shared>> -> memref<16384x64xf32, #tpu.memory_space<vmem_shared>>
        tpu.wait_indirect_dma semaphore(%arg18 : memref<!tpu.dma_semaphore, #tpu.memory_space<semaphore_mem>>) src(%arg13 : memref<128x64xf32, #tpu.memory_space<vmem>>) dst(%dma_wait3A_187 : memref<16384x64xf32, #tpu.memory_space<vmem_shared>>)
      } else {
      }
      %scan3A_131 = arith.constant 0 : i32
      %scan3A_132 = arith.constant 0 : i32
      %scan3A_133 = arith.constant 8 : i32
      %scan3A_134 = arith.addi %scan3A_132, %scan3A_133 : i32
      %scan3A_135 = arith.constant 2 : i32
      scf.for %scan3A_182 = %scan3A_132 to %scan3A_134 step %scan3A_135  : i32 {
        %mul3A_183 = arith.constant 16 : i32
        %mul3A_184 = arith.muli %scan3A_182, %mul3A_183 : i32
        %multiple_of3A_185 = tpu.assume_multiple %mul3A_184, 16 : i32
        %mul3A_186 = arith.constant 128 : i32
        %mul3A_187 = arith.muli %mul3A_121, %mul3A_186 : i32
        %multiple_of3A_188 = tpu.assume_multiple %mul3A_187, 128 : i32
        %add3A_189 = arith.addi %multiple_of3A_188, %multiple_of3A_185 : i32
        %get3A = arith.index_cast %add3A_189 : i32 to index
        %get3A_190 = tpu.vector_load %arg10[%get3A] {strides = array<i32>} : memref<8448xf32, #tpu.memory_space<vmem>>, vector<16xf32>,
        %broadcast_in_dim3A = arith.constant 0 : i32
        %broadcast_in_dim3A_191 = vector.broadcast %broadcast_in_dim3A : i32 to vector<16xi32>
        %lt3A_192 = arith.constant 0 : i32
        %lt3A_193 = vector.broadcast %lt3A_192 : i32 to vector<16xi32>
        %lt3A_194 = arith.cmpi slt, %broadcast_in_dim3A_191, %lt3A_193 : vector<16xi32>
        %add3A_195 = arith.constant 16 : i32
        %add3A_196 = vector.broadcast %add3A_195 : i32 to vector<16xi32>
        %add3A_197 = arith.addi %broadcast_in_dim3A_191, %add3A_196 : vector<16xi32>
        %select_n3A = arith.select %lt3A_194, %add3A_197, %broadcast_in_dim3A_191 : vector<16xi1>, vector<16xi32>
        %broadcast_in_dim3A_198 = vector.shape_cast %select_n3A : vector<16xi32> to vector<16x1xi32>
        %gather3A = vector.shape_cast %broadcast_in_dim3A_198 : vector<16x1xi32> to vector<16xi32>
        %gather3A_199 = tpu.dynamic_gather %get3A_190[%gather3A] in [0] : vector<16xf32>, vector<16xi32> -> vector<16xf32>
        %add3A_200 = arith.constant 0 : i32
        %add3A_201 = arith.addi %multiple_of3A_185, %add3A_200 : i32
        %get3A_202 = arith.index_cast %add3A_201 : i32 to index
        %get3A_203 = arith.constant 0 : index
        %get3A_204 = tpu.vector_load %arg11[%get3A_202, %get3A_203] {strides = array<i32>} : memref<128x64xf32, #tpu.memory_space<vmem>>, vector<16xf32>,
        %mul3A_205 = arith.mulf %get3A_204, %gather3A_199 : vector<16xf32>
        %add3A_206 = arith.constant 0 : i32
        %add3A_207 = arith.addi %multiple_of3A_185, %add3A_206 : i32
        %swap3A = arith.index_cast %add3A_207 : i32 to index
        %swap3A_208 = arith.constant 0 : index
        %swap3A_209 = tpu.vector_load %arg13[%swap3A, %swap3A_208] {strides = array<i32>} : memref<128x64xf32, #tpu.memory_space<vmem>>, vector<16xf32>,
        tpu.vector_store %arg13[%swap3A, %swap3A_208], %mul3A_205 {strides = array<i32>} : memref<128x64xf32, #tpu.memory_space<vmem>>, vector<16xf32>,
        %add3A_210 = arith.constant 0 : i32
        %add3A_211 = arith.addi %multiple_of3A_185, %add3A_210 : i32
        %get3A_212 = arith.index_cast %add3A_211 : i32 to index
        %get3A_213 = arith.constant 16 : index
        %get3A_214 = tpu.vector_load %arg11[%get3A_212, %get3A_213] {strides = array<i32>} : memref<128x64xf32, #tpu.memory_space<vmem>>, vector<16xf32>,
        %mul3A_215 = arith.mulf %get3A_214, %gather3A_199 : vector<16xf32>
        %add3A_216 = arith.constant 0 : i32
        %add3A_217 = arith.addi %multiple_of3A_185, %add3A_216 : i32
        %swap3A_218 = arith.index_cast %add3A_217 : i32 to index
        %swap3A_219 = arith.constant 16 : index
        %swap3A_220 = tpu.vector_load %arg13[%swap3A_218, %swap3A_219] {strides = array<i32>} : memref<128x64xf32, #tpu.memory_space<vmem>>, vector<16xf32>,
        tpu.vector_store %arg13[%swap3A_218, %swap3A_219], %mul3A_215 {strides = array<i32>} : memref<128x64xf32, #tpu.memory_space<vmem>>, vector<16xf32>,
        %add3A_221 = arith.constant 0 : i32
        %add3A_222 = arith.addi %multiple_of3A_185, %add3A_221 : i32
        %get3A_223 = arith.index_cast %add3A_222 : i32 to index
        %get3A_224 = arith.constant 32 : index
        %get3A_225 = tpu.vector_load %arg11[%get3A_223, %get3A_224] {strides = array<i32>} : memref<128x64xf32, #tpu.memory_space<vmem>>, vector<16xf32>,
        %mul3A_226 = arith.mulf %get3A_225, %gather3A_199 : vector<16xf32>
        %add3A_227 = arith.constant 0 : i32
        %add3A_228 = arith.addi %multiple_of3A_185, %add3A_227 : i32
        %swap3A_229 = arith.index_cast %add3A_228 : i32 to index
        %swap3A_230 = arith.constant 32 : index
        %swap3A_231 = tpu.vector_load %arg13[%swap3A_229, %swap3A_230] {strides = array<i32>} : memref<128x64xf32, #tpu.memory_space<vmem>>, vector<16xf32>,
        tpu.vector_store %arg13[%swap3A_229, %swap3A_230], %mul3A_226 {strides = array<i32>} : memref<128x64xf32, #tpu.memory_space<vmem>>, vector<16xf32>,
        %add3A_232 = arith.constant 0 : i32
        %add3A_233 = arith.addi %multiple_of3A_185, %add3A_232 : i32
        %get3A_234 = arith.index_cast %add3A_233 : i32 to index
        %get3A_235 = arith.constant 48 : index
        %get3A_236 = tpu.vector_load %arg11[%get3A_234, %get3A_235] {strides = array<i32>} : memref<128x64xf32, #tpu.memory_space<vmem>>, vector<16xf32>,
        %mul3A_237 = arith.mulf %get3A_236, %gather3A_199 : vector<16xf32>
        %add3A_238 = arith.constant 0 : i32
        %add3A_239 = arith.addi %multiple_of3A_185, %add3A_238 : i32
        %swap3A_240 = arith.index_cast %add3A_239 : i32 to index
        %swap3A_241 = arith.constant 48 : index
        %swap3A_242 = tpu.vector_load %arg13[%swap3A_240, %swap3A_241] {strides = array<i32>} : memref<128x64xf32, #tpu.memory_space<vmem>>, vector<16xf32>,
        tpu.vector_store %arg13[%swap3A_240, %swap3A_241], %mul3A_237 {strides = array<i32>} : memref<128x64xf32, #tpu.memory_space<vmem>>, vector<16xf32>,
        %broadcast_in_dim3A_243 = arith.constant 1 : i32
        %broadcast_in_dim3A_244 = vector.broadcast %broadcast_in_dim3A_243 : i32 to vector<16xi32>
        %lt3A_245 = arith.constant 0 : i32
        %lt3A_246 = vector.broadcast %lt3A_245 : i32 to vector<16xi32>
        %lt3A_247 = arith.cmpi slt, %broadcast_in_dim3A_244, %lt3A_246 : vector<16xi32>
        %add3A_248 = arith.constant 16 : i32
        %add3A_249 = vector.broadcast %add3A_248 : i32 to vector<16xi32>
        %add3A_250 = arith.addi %broadcast_in_dim3A_244, %add3A_249 : vector<16xi32>
        %select_n3A_251 = arith.select %lt3A_247, %add3A_250, %broadcast_in_dim3A_244 : vector<16xi1>, vector<16xi32>
        %broadcast_in_dim3A_252 = vector.shape_cast %select_n3A_251 : vector<16xi32> to vector<16x1xi32>
        %gather3A_253 = vector.shape_cast %broadcast_in_dim3A_252 : vector<16x1xi32> to vector<16xi32>
        %gather3A_254 = tpu.dynamic_gather %get3A_190[%gather3A_253] in [0] : vector<16xf32>, vector<16xi32> -> vector<16xf32>
        %add3A_255 = arith.constant 1 : i32
        %add3A_256 = arith.addi %multiple_of3A_185, %add3A_255 : i32
        %get3A_257 = arith.index_cast %add3A_256 : i32 to index
        %get3A_258 = arith.constant 0 : index
        %get3A_259 = tpu.vector_load %arg11[%get3A_257, %get3A_258] {strides = array<i32>} : memref<128x64xf32, #tpu.memory_space<vmem>>, vector<16xf32>,
        %mul3A_260 = arith.mulf %get3A_259, %gather3A_254 : vector<16xf32>
        %add3A_261 = arith.constant 1 : i32
        %add3A_262 = arith.addi %multiple_of3A_185, %add3A_261 : i32
        %swap3A_263 = arith.index_cast %add3A_262 : i32 to index
        %swap3A_264 = arith.constant 0 : index
        %swap3A_265 = tpu.vector_load %arg13[%swap3A_263, %swap3A_264] {strides = array<i32>} : memref<128x64xf32, #tpu.memory_space<vmem>>, vector<16xf32>,
        tpu.vector_store %arg13[%swap3A_263, %swap3A_264], %mul3A_260 {strides = array<i32>} : memref<128x64xf32, #tpu.memory_space<vmem>>, vector<16xf32>,
        %add3A_266 = arith.constant 1 : i32
        %add3A_267 = arith.addi %multiple_of3A_185, %add3A_266 : i32
        %get3A_268 = arith.index_cast %add3A_267 : i32 to index
        %get3A_269 = arith.constant 16 : index
        %get3A_270 = tpu.vector_load %arg11[%get3A_268, %get3A_269] {strides = array<i32>} : memref<128x64xf32, #tpu.memory_space<vmem>>, vector<16xf32>,
        %mul3A_271 = arith.mulf %get3A_270, %gather3A_254 : vector<16xf32>
        %add3A_272 = arith.constant 1 : i32
        %add3A_273 = arith.addi %multiple_of3A_185, %add3A_272 : i32
        %swap3A_274 = arith.index_cast %add3A_273 : i32 to index
        %swap3A_275 = arith.constant 16 : index
        %swap3A_276 = tpu.vector_load %arg13[%swap3A_274, %swap3A_275] {strides = array<i32>} : memref<128x64xf32, #tpu.memory_space<vmem>>, vector<16xf32>,
        tpu.vector_store %arg13[%swap3A_274, %swap3A_275], %mul3A_271 {strides = array<i32>} : memref<128x64xf32, #tpu.memory_space<vmem>>, vector<16xf32>,
        %add3A_277 = arith.constant 1 : i32
        %add3A_278 = arith.addi %multiple_of3A_185, %add3A_277 : i32
        %get3A_279 = arith.index_cast %add3A_278 : i32 to index
        %get3A_280 = arith.constant 32 : index
        %get3A_281 = tpu.vector_load %arg11[%get3A_279, %get3A_280] {strides = array<i32>} : memref<128x64xf32, #tpu.memory_space<vmem>>, vector<16xf32>,
        %mul3A_282 = arith.mulf %get3A_281, %gather3A_254 : vector<16xf32>
        %add3A_283 = arith.constant 1 : i32
        %add3A_284 = arith.addi %multiple_of3A_185, %add3A_283 : i32
        %swap3A_285 = arith.index_cast %add3A_284 : i32 to index
        %swap3A_286 = arith.constant 32 : index
        %swap3A_287 = tpu.vector_load %arg13[%swap3A_285, %swap3A_286] {strides = array<i32>} : memref<128x64xf32, #tpu.memory_space<vmem>>, vector<16xf32>,
        tpu.vector_store %arg13[%swap3A_285, %swap3A_286], %mul3A_282 {strides = array<i32>} : memref<128x64xf32, #tpu.memory_space<vmem>>, vector<16xf32>,
        %add3A_288 = arith.constant 1 : i32
        %add3A_289 = arith.addi %multiple_of3A_185, %add3A_288 : i32
        %get3A_290 = arith.index_cast %add3A_289 : i32 to index
        %get3A_291 = arith.constant 48 : index
        %get3A_292 = tpu.vector_load %arg11[%get3A_290, %get3A_291] {strides = array<i32>} : memref<128x64xf32, #tpu.memory_space<vmem>>, vector<16xf32>,
        %mul3A_293 = arith.mulf %get3A_292, %gather3A_254 : vector<16xf32>
        %add3A_294 = arith.constant 1 : i32
        %add3A_295 = arith.addi %multiple_of3A_185, %add3A_294 : i32
        %swap3A_296 = arith.index_cast %add3A_295 : i32 to index
        %swap3A_297 = arith.constant 48 : index
        %swap3A_298 = tpu.vector_load %arg13[%swap3A_296, %swap3A_297] {strides = array<i32>} : memref<128x64xf32, #tpu.memory_space<vmem>>, vector<16xf32>,
        tpu.vector_store %arg13[%swap3A_296, %swap3A_297], %mul3A_293 {strides = array<i32>} : memref<128x64xf32, #tpu.memory_space<vmem>>, vector<16xf32>,
        %broadcast_in_dim3A_299 = arith.constant 2 : i32
        %broadcast_in_dim3A_300 = vector.broadcast %broadcast_in_dim3A_299 : i32 to vector<16xi32>
        %lt3A_301 = arith.constant 0 : i32
        %lt3A_302 = vector.broadcast %lt3A_301 : i32 to vector<16xi32>
        %lt3A_303 = arith.cmpi slt, %broadcast_in_dim3A_300, %lt3A_302 : vector<16xi32>
        %add3A_304 = arith.constant 16 : i32
        %add3A_305 = vector.broadcast %add3A_304 : i32 to vector<16xi32>
        %add3A_306 = arith.addi %broadcast_in_dim3A_300, %add3A_305 : vector<16xi32>
        %select_n3A_307 = arith.select %lt3A_303, %add3A_306, %broadcast_in_dim3A_300 : vector<16xi1>, vector<16xi32>
        %broadcast_in_dim3A_308 = vector.shape_cast %select_n3A_307 : vector<16xi32> to vector<16x1xi32>
        %gather3A_309 = vector.shape_cast %broadcast_in_dim3A_308 : vector<16x1xi32> to vector<16xi32>
        %gather3A_310 = tpu.dynamic_gather %get3A_190[%gather3A_309] in [0] : vector<16xf32>, vector<16xi32> -> vector<16xf32>
        %add3A_311 = arith.constant 2 : i32
        %add3A_312 = arith.addi %multiple_of3A_185, %add3A_311 : i32
        %get3A_313 = arith.index_cast %add3A_312 : i32 to index
        %get3A_314 = arith.constant 0 : index
        %get3A_315 = tpu.vector_load %arg11[%get3A_313, %get3A_314] {strides = array<i32>} : memref<128x64xf32, #tpu.memory_space<vmem>>, vector<16xf32>,
        %mul3A_316 = arith.mulf %get3A_315, %gather3A_310 : vector<16xf32>
        %add3A_317 = arith.constant 2 : i32
        %add3A_318 = arith.addi %multiple_of3A_185, %add3A_317 : i32
        %swap3A_319 = arith.index_cast %add3A_318 : i32 to index
        %swap3A_320 = arith.constant 0 : index
        %swap3A_321 = tpu.vector_load %arg13[%swap3A_319, %swap3A_320] {strides = array<i32>} : memref<128x64xf32, #tpu.memory_space<vmem>>, vector<16xf32>,
        tpu.vector_store %arg13[%swap3A_319, %swap3A_320], %mul3A_316 {strides = array<i32>} : memref<128x64xf32, #tpu.memory_space<vmem>>, vector<16xf32>,
        %add3A_322 = arith.constant 2 : i32
        %add3A_323 = arith.addi %multiple_of3A_185, %add3A_322 : i32
        %get3A_324 = arith.index_cast %add3A_323 : i32 to index
        %get3A_325 = arith.constant 16 : index
        %get3A_326 = tpu.vector_load %arg11[%get3A_324, %get3A_325] {strides = array<i32>} : memref<128x64xf32, #tpu.memory_space<vmem>>, vector<16xf32>,
        %mul3A_327 = arith.mulf %get3A_326, %gather3A_310 : vector<16xf32>
        %add3A_328 = arith.constant 2 : i32
        %add3A_329 = arith.addi %multiple_of3A_185, %add3A_328 : i32
        %swap3A_330 = arith.index_cast %add3A_329 : i32 to index
        %swap3A_331 = arith.constant 16 : index
        %swap3A_332 = tpu.vector_load %arg13[%swap3A_330, %swap3A_331] {strides = array<i32>} : memref<128x64xf32, #tpu.memory_space<vmem>>, vector<16xf32>,
        tpu.vector_store %arg13[%swap3A_330, %swap3A_331], %mul3A_327 {strides = array<i32>} : memref<128x64xf32, #tpu.memory_space<vmem>>, vector<16xf32>,
        %add3A_333 = arith.constant 2 : i32
        %add3A_334 = arith.addi %multiple_of3A_185, %add3A_333 : i32
        %get3A_335 = arith.index_cast %add3A_334 : i32 to index
        %get3A_336 = arith.constant 32 : index
        %get3A_337 = tpu.vector_load %arg11[%get3A_335, %get3A_336] {strides = array<i32>} : memref<128x64xf32, #tpu.memory_space<vmem>>, vector<16xf32>,
        %mul3A_338 = arith.mulf %get3A_337, %gather3A_310 : vector<16xf32>
        %add3A_339 = arith.constant 2 : i32
        %add3A_340 = arith.addi %multiple_of3A_185, %add3A_339 : i32
        %swap3A_341 = arith.index_cast %add3A_340 : i32 to index
        %swap3A_342 = arith.constant 32 : index
        %swap3A_343 = tpu.vector_load %arg13[%swap3A_341, %swap3A_342] {strides = array<i32>} : memref<128x64xf32, #tpu.memory_space<vmem>>, vector<16xf32>,
        tpu.vector_store %arg13[%swap3A_341, %swap3A_342], %mul3A_338 {strides = array<i32>} : memref<128x64xf32, #tpu.memory_space<vmem>>, vector<16xf32>,
        %add3A_344 = arith.constant 2 : i32
        %add3A_345 = arith.addi %multiple_of3A_185, %add3A_344 : i32
        %get3A_346 = arith.index_cast %add3A_345 : i32 to index
        %get3A_347 = arith.constant 48 : index
        %get3A_348 = tpu.vector_load %arg11[%get3A_346, %get3A_347] {strides = array<i32>} : memref<128x64xf32, #tpu.memory_space<vmem>>, vector<16xf32>,
        %mul3A_349 = arith.mulf %get3A_348, %gather3A_310 : vector<16xf32>
        %add3A_350 = arith.constant 2 : i32
        %add3A_351 = arith.addi %multiple_of3A_185, %add3A_350 : i32
        %swap3A_352 = arith.index_cast %add3A_351 : i32 to index
        %swap3A_353 = arith.constant 48 : index
        %swap3A_354 = tpu.vector_load %arg13[%swap3A_352, %swap3A_353] {strides = array<i32>} : memref<128x64xf32, #tpu.memory_space<vmem>>, vector<16xf32>,
        tpu.vector_store %arg13[%swap3A_352, %swap3A_353], %mul3A_349 {strides = array<i32>} : memref<128x64xf32, #tpu.memory_space<vmem>>, vector<16xf32>,
        %broadcast_in_dim3A_355 = arith.constant 3 : i32
        %broadcast_in_dim3A_356 = vector.broadcast %broadcast_in_dim3A_355 : i32 to vector<16xi32>
        %lt3A_357 = arith.constant 0 : i32
        %lt3A_358 = vector.broadcast %lt3A_357 : i32 to vector<16xi32>
        %lt3A_359 = arith.cmpi slt, %broadcast_in_dim3A_356, %lt3A_358 : vector<16xi32>
        %add3A_360 = arith.constant 16 : i32
        %add3A_361 = vector.broadcast %add3A_360 : i32 to vector<16xi32>
        %add3A_362 = arith.addi %broadcast_in_dim3A_356, %add3A_361 : vector<16xi32>
        %select_n3A_363 = arith.select %lt3A_359, %add3A_362, %broadcast_in_dim3A_356 : vector<16xi1>, vector<16xi32>
        %broadcast_in_dim3A_364 = vector.shape_cast %select_n3A_363 : vector<16xi32> to vector<16x1xi32>
        %gather3A_365 = vector.shape_cast %broadcast_in_dim3A_364 : vector<16x1xi32> to vector<16xi32>
        %gather3A_366 = tpu.dynamic_gather %get3A_190[%gather3A_365] in [0] : vector<16xf32>, vector<16xi32> -> vector<16xf32>
        %add3A_367 = arith.constant 3 : i32
        %add3A_368 = arith.addi %multiple_of3A_185, %add3A_367 : i32
        %get3A_369 = arith.index_cast %add3A_368 : i32 to index
        %get3A_370 = arith.constant 0 : index
        %get3A_371 = tpu.vector_load %arg11[%get3A_369, %get3A_370] {strides = array<i32>} : memref<128x64xf32, #tpu.memory_space<vmem>>, vector<16xf32>,
        %mul3A_372 = arith.mulf %get3A_371, %gather3A_366 : vector<16xf32>
        %add3A_373 = arith.constant 3 : i32
        %add3A_374 = arith.addi %multiple_of3A_185, %add3A_373 : i32
        %swap3A_375 = arith.index_cast %add3A_374 : i32 to index
        %swap3A_376 = arith.constant 0 : index
        %swap3A_377 = tpu.vector_load %arg13[%swap3A_375, %swap3A_376] {strides = array<i32>} : memref<128x64xf32, #tpu.memory_space<vmem>>, vector<16xf32>,
        tpu.vector_store %arg13[%swap3A_375, %swap3A_376], %mul3A_372 {strides = array<i32>} : memref<128x64xf32, #tpu.memory_space<vmem>>, vector<16xf32>,
        %add3A_378 = arith.constant 3 : i32
        %add3A_379 = arith.addi %multiple_of3A_185, %add3A_378 : i32
        %get3A_380 = arith.index_cast %add3A_379 : i32 to index
        %get3A_381 = arith.constant 16 : index
        %get3A_382 = tpu.vector_load %arg11[%get3A_380, %get3A_381] {strides = array<i32>} : memref<128x64xf32, #tpu.memory_space<vmem>>, vector<16xf32>,
        %mul3A_383 = arith.mulf %get3A_382, %gather3A_366 : vector<16xf32>
        %add3A_384 = arith.constant 3 : i32
        %add3A_385 = arith.addi %multiple_of3A_185, %add3A_384 : i32
        %swap3A_386 = arith.index_cast %add3A_385 : i32 to index
        %swap3A_387 = arith.constant 16 : index
        %swap3A_388 = tpu.vector_load %arg13[%swap3A_386, %swap3A_387] {strides = array<i32>} : memref<128x64xf32, #tpu.memory_space<vmem>>, vector<16xf32>,
        tpu.vector_store %arg13[%swap3A_386, %swap3A_387], %mul3A_383 {strides = array<i32>} : memref<128x64xf32, #tpu.memory_space<vmem>>, vector<16xf32>,
        %add3A_389 = arith.constant 3 : i32
        %add3A_390 = arith.addi %multiple_of3A_185, %add3A_389 : i32
        %get3A_391 = arith.index_cast %add3A_390 : i32 to index
        %get3A_392 = arith.constant 32 : index
        %get3A_393 = tpu.vector_load %arg11[%get3A_391, %get3A_392] {strides = array<i32>} : memref<128x64xf32, #tpu.memory_space<vmem>>, vector<16xf32>,
        %mul3A_394 = arith.mulf %get3A_393, %gather3A_366 : vector<16xf32>
        %add3A_395 = arith.constant 3 : i32
        %add3A_396 = arith.addi %multiple_of3A_185, %add3A_395 : i32
        %swap3A_397 = arith.index_cast %add3A_396 : i32 to index
        %swap3A_398 = arith.constant 32 : index
        %swap3A_399 = tpu.vector_load %arg13[%swap3A_397, %swap3A_398] {strides = array<i32>} : memref<128x64xf32, #tpu.memory_space<vmem>>, vector<16xf32>,
        tpu.vector_store %arg13[%swap3A_397, %swap3A_398], %mul3A_394 {strides = array<i32>} : memref<128x64xf32, #tpu.memory_space<vmem>>, vector<16xf32>,
        %add3A_400 = arith.constant 3 : i32
        %add3A_401 = arith.addi %multiple_of3A_185, %add3A_400 : i32
        %get3A_402 = arith.index_cast %add3A_401 : i32 to index
        %get3A_403 = arith.constant 48 : index
        %get3A_404 = tpu.vector_load %arg11[%get3A_402, %get3A_403] {strides = array<i32>} : memref<128x64xf32, #tpu.memory_space<vmem>>, vector<16xf32>,
        %mul3A_405 = arith.mulf %get3A_404, %gather3A_366 : vector<16xf32>
        %add3A_406 = arith.constant 3 : i32
        %add3A_407 = arith.addi %multiple_of3A_185, %add3A_406 : i32
        %swap3A_408 = arith.index_cast %add3A_407 : i32 to index
        %swap3A_409 = arith.constant 48 : index
        %swap3A_410 = tpu.vector_load %arg13[%swap3A_408, %swap3A_409] {strides = array<i32>} : memref<128x64xf32, #tpu.memory_space<vmem>>, vector<16xf32>,
        tpu.vector_store %arg13[%swap3A_408, %swap3A_409], %mul3A_405 {strides = array<i32>} : memref<128x64xf32, #tpu.memory_space<vmem>>, vector<16xf32>,
        %broadcast_in_dim3A_411 = arith.constant 4 : i32
        %broadcast_in_dim3A_412 = vector.broadcast %broadcast_in_dim3A_411 : i32 to vector<16xi32>
        %lt3A_413 = arith.constant 0 : i32
        %lt3A_414 = vector.broadcast %lt3A_413 : i32 to vector<16xi32>
        %lt3A_415 = arith.cmpi slt, %broadcast_in_dim3A_412, %lt3A_414 : vector<16xi32>
        %add3A_416 = arith.constant 16 : i32
        %add3A_417 = vector.broadcast %add3A_416 : i32 to vector<16xi32>
        %add3A_418 = arith.addi %broadcast_in_dim3A_412, %add3A_417 : vector<16xi32>
        %select_n3A_419 = arith.select %lt3A_415, %add3A_418, %broadcast_in_dim3A_412 : vector<16xi1>, vector<16xi32>
        %broadcast_in_dim3A_420 = vector.shape_cast %select_n3A_419 : vector<16xi32> to vector<16x1xi32>
        %gather3A_421 = vector.shape_cast %broadcast_in_dim3A_420 : vector<16x1xi32> to vector<16xi32>
        %gather3A_422 = tpu.dynamic_gather %get3A_190[%gather3A_421] in [0] : vector<16xf32>, vector<16xi32> -> vector<16xf32>
        %add3A_423 = arith.constant 4 : i32
        %add3A_424 = arith.addi %multiple_of3A_185, %add3A_423 : i32
        %get3A_425 = arith.index_cast %add3A_424 : i32 to index
        %get3A_426 = arith.constant 0 : index
        %get3A_427 = tpu.vector_load %arg11[%get3A_425, %get3A_426] {strides = array<i32>} : memref<128x64xf32, #tpu.memory_space<vmem>>, vector<16xf32>,
        %mul3A_428 = arith.mulf %get3A_427, %gather3A_422 : vector<16xf32>
        %add3A_429 = arith.constant 4 : i32
        %add3A_430 = arith.addi %multiple_of3A_185, %add3A_429 : i32
        %swap3A_431 = arith.index_cast %add3A_430 : i32 to index
        %swap3A_432 = arith.constant 0 : index
        %swap3A_433 = tpu.vector_load %arg13[%swap3A_431, %swap3A_432] {strides = array<i32>} : memref<128x64xf32, #tpu.memory_space<vmem>>, vector<16xf32>,
        tpu.vector_store %arg13[%swap3A_431, %swap3A_432], %mul3A_428 {strides = array<i32>} : memref<128x64xf32, #tpu.memory_space<vmem>>, vector<16xf32>,
        %add3A_434 = arith.constant 4 : i32
        %add3A_435 = arith.addi %multiple_of3A_185, %add3A_434 : i32
        %get3A_436 = arith.index_cast %add3A_435 : i32 to index
        %get3A_437 = arith.constant 16 : index
        %get3A_438 = tpu.vector_load %arg11[%get3A_436, %get3A_437] {strides = array<i32>} : memref<128x64xf32, #tpu.memory_space<vmem>>, vector<16xf32>,
        %mul3A_439 = arith.mulf %get3A_438, %gather3A_422 : vector<16xf32>
        %add3A_440 = arith.constant 4 : i32
        %add3A_441 = arith.addi %multiple_of3A_185, %add3A_440 : i32
        %swap3A_442 = arith.index_cast %add3A_441 : i32 to index
        %swap3A_443 = arith.constant 16 : index
        %swap3A_444 = tpu.vector_load %arg13[%swap3A_442, %swap3A_443] {strides = array<i32>} : memref<128x64xf32, #tpu.memory_space<vmem>>, vector<16xf32>,
        tpu.vector_store %arg13[%swap3A_442, %swap3A_443], %mul3A_439 {strides = array<i32>} : memref<128x64xf32, #tpu.memory_space<vmem>>, vector<16xf32>,
        %add3A_445 = arith.constant 4 : i32
        %add3A_446 = arith.addi %multiple_of3A_185, %add3A_445 : i32
        %get3A_447 = arith.index_cast %add3A_446 : i32 to index
        %get3A_448 = arith.constant 32 : index
        %get3A_449 = tpu.vector_load %arg11[%get3A_447, %get3A_448] {strides = array<i32>} : memref<128x64xf32, #tpu.memory_space<vmem>>, vector<16xf32>,
        %mul3A_450 = arith.mulf %get3A_449, %gather3A_422 : vector<16xf32>
        %add3A_451 = arith.constant 4 : i32
        %add3A_452 = arith.addi %multiple_of3A_185, %add3A_451 : i32
        %swap3A_453 = arith.index_cast %add3A_452 : i32 to index
        %swap3A_454 = arith.constant 32 : index
        %swap3A_455 = tpu.vector_load %arg13[%swap3A_453, %swap3A_454] {strides = array<i32>} : memref<128x64xf32, #tpu.memory_space<vmem>>, vector<16xf32>,
        tpu.vector_store %arg13[%swap3A_453, %swap3A_454], %mul3A_450 {strides = array<i32>} : memref<128x64xf32, #tpu.memory_space<vmem>>, vector<16xf32>,
        %add3A_456 = arith.constant 4 : i32
        %add3A_457 = arith.addi %multiple_of3A_185, %add3A_456 : i32
        %get3A_458 = arith.index_cast %add3A_457 : i32 to index
        %get3A_459 = arith.constant 48 : index
        %get3A_460 = tpu.vector_load %arg11[%get3A_458, %get3A_459] {strides = array<i32>} : memref<128x64xf32, #tpu.memory_space<vmem>>, vector<16xf32>,
        %mul3A_461 = arith.mulf %get3A_460, %gather3A_422 : vector<16xf32>
        %add3A_462 = arith.constant 4 : i32
        %add3A_463 = arith.addi %multiple_of3A_185, %add3A_462 : i32
        %swap3A_464 = arith.index_cast %add3A_463 : i32 to index
        %swap3A_465 = arith.constant 48 : index
        %swap3A_466 = tpu.vector_load %arg13[%swap3A_464, %swap3A_465] {strides = array<i32>} : memref<128x64xf32, #tpu.memory_space<vmem>>, vector<16xf32>,
        tpu.vector_store %arg13[%swap3A_464, %swap3A_465], %mul3A_461 {strides = array<i32>} : memref<128x64xf32, #tpu.memory_space<vmem>>, vector<16xf32>,
        %broadcast_in_dim3A_467 = arith.constant 5 : i32
        %broadcast_in_dim3A_468 = vector.broadcast %broadcast_in_dim3A_467 : i32 to vector<16xi32>
        %lt3A_469 = arith.constant 0 : i32
        %lt3A_470 = vector.broadcast %lt3A_469 : i32 to vector<16xi32>
        %lt3A_471 = arith.cmpi slt, %broadcast_in_dim3A_468, %lt3A_470 : vector<16xi32>
        %add3A_472 = arith.constant 16 : i32
        %add3A_473 = vector.broadcast %add3A_472 : i32 to vector<16xi32>
        %add3A_474 = arith.addi %broadcast_in_dim3A_468, %add3A_473 : vector<16xi32>
        %select_n3A_475 = arith.select %lt3A_471, %add3A_474, %broadcast_in_dim3A_468 : vector<16xi1>, vector<16xi32>
        %broadcast_in_dim3A_476 = vector.shape_cast %select_n3A_475 : vector<16xi32> to vector<16x1xi32>
        %gather3A_477 = vector.shape_cast %broadcast_in_dim3A_476 : vector<16x1xi32> to vector<16xi32>
        %gather3A_478 = tpu.dynamic_gather %get3A_190[%gather3A_477] in [0] : vector<16xf32>, vector<16xi32> -> vector<16xf32>
        %add3A_479 = arith.constant 5 : i32
        %add3A_480 = arith.addi %multiple_of3A_185, %add3A_479 : i32
        %get3A_481 = arith.index_cast %add3A_480 : i32 to index
        %get3A_482 = arith.constant 0 : index
        %get3A_483 = tpu.vector_load %arg11[%get3A_481, %get3A_482] {strides = array<i32>} : memref<128x64xf32, #tpu.memory_space<vmem>>, vector<16xf32>,
        %mul3A_484 = arith.mulf %get3A_483, %gather3A_478 : vector<16xf32>
        %add3A_485 = arith.constant 5 : i32
        %add3A_486 = arith.addi %multiple_of3A_185, %add3A_485 : i32
        %swap3A_487 = arith.index_cast %add3A_486 : i32 to index
        %swap3A_488 = arith.constant 0 : index
        %swap3A_489 = tpu.vector_load %arg13[%swap3A_487, %swap3A_488] {strides = array<i32>} : memref<128x64xf32, #tpu.memory_space<vmem>>, vector<16xf32>,
        tpu.vector_store %arg13[%swap3A_487, %swap3A_488], %mul3A_484 {strides = array<i32>} : memref<128x64xf32, #tpu.memory_space<vmem>>, vector<16xf32>,
        %add3A_490 = arith.constant 5 : i32
        %add3A_491 = arith.addi %multiple_of3A_185, %add3A_490 : i32
        %get3A_492 = arith.index_cast %add3A_491 : i32 to index
        %get3A_493 = arith.constant 16 : index
        %get3A_494 = tpu.vector_load %arg11[%get3A_492, %get3A_493] {strides = array<i32>} : memref<128x64xf32, #tpu.memory_space<vmem>>, vector<16xf32>,
        %mul3A_495 = arith.mulf %get3A_494, %gather3A_478 : vector<16xf32>
        %add3A_496 = arith.constant 5 : i32
        %add3A_497 = arith.addi %multiple_of3A_185, %add3A_496 : i32
        %swap3A_498 = arith.index_cast %add3A_497 : i32 to index
        %swap3A_499 = arith.constant 16 : index
        %swap3A_500 = tpu.vector_load %arg13[%swap3A_498, %swap3A_499] {strides = array<i32>} : memref<128x64xf32, #tpu.memory_space<vmem>>, vector<16xf32>,
        tpu.vector_store %arg13[%swap3A_498, %swap3A_499], %mul3A_495 {strides = array<i32>} : memref<128x64xf32, #tpu.memory_space<vmem>>, vector<16xf32>,
        %add3A_501 = arith.constant 5 : i32
        %add3A_502 = arith.addi %multiple_of3A_185, %add3A_501 : i32
        %get3A_503 = arith.index_cast %add3A_502 : i32 to index
        %get3A_504 = arith.constant 32 : index
        %get3A_505 = tpu.vector_load %arg11[%get3A_503, %get3A_504] {strides = array<i32>} : memref<128x64xf32, #tpu.memory_space<vmem>>, vector<16xf32>,
        %mul3A_506 = arith.mulf %get3A_505, %gather3A_478 : vector<16xf32>
        %add3A_507 = arith.constant 5 : i32
        %add3A_508 = arith.addi %multiple_of3A_185, %add3A_507 : i32
        %swap3A_509 = arith.index_cast %add3A_508 : i32 to index
        %swap3A_510 = arith.constant 32 : index
        %swap3A_511 = tpu.vector_load %arg13[%swap3A_509, %swap3A_510] {strides = array<i32>} : memref<128x64xf32, #tpu.memory_space<vmem>>, vector<16xf32>,
        tpu.vector_store %arg13[%swap3A_509, %swap3A_510], %mul3A_506 {strides = array<i32>} : memref<128x64xf32, #tpu.memory_space<vmem>>, vector<16xf32>,
        %add3A_512 = arith.constant 5 : i32
        %add3A_513 = arith.addi %multiple_of3A_185, %add3A_512 : i32
        %get3A_514 = arith.index_cast %add3A_513 : i32 to index
        %get3A_515 = arith.constant 48 : index
        %get3A_516 = tpu.vector_load %arg11[%get3A_514, %get3A_515] {strides = array<i32>} : memref<128x64xf32, #tpu.memory_space<vmem>>, vector<16xf32>,
        %mul3A_517 = arith.mulf %get3A_516, %gather3A_478 : vector<16xf32>
        %add3A_518 = arith.constant 5 : i32
        %add3A_519 = arith.addi %multiple_of3A_185, %add3A_518 : i32
        %swap3A_520 = arith.index_cast %add3A_519 : i32 to index
        %swap3A_521 = arith.constant 48 : index
        %swap3A_522 = tpu.vector_load %arg13[%swap3A_520, %swap3A_521] {strides = array<i32>} : memref<128x64xf32, #tpu.memory_space<vmem>>, vector<16xf32>,
        tpu.vector_store %arg13[%swap3A_520, %swap3A_521], %mul3A_517 {strides = array<i32>} : memref<128x64xf32, #tpu.memory_space<vmem>>, vector<16xf32>,
        %broadcast_in_dim3A_523 = arith.constant 6 : i32
        %broadcast_in_dim3A_524 = vector.broadcast %broadcast_in_dim3A_523 : i32 to vector<16xi32>
        %lt3A_525 = arith.constant 0 : i32
        %lt3A_526 = vector.broadcast %lt3A_525 : i32 to vector<16xi32>
        %lt3A_527 = arith.cmpi slt, %broadcast_in_dim3A_524, %lt3A_526 : vector<16xi32>
        %add3A_528 = arith.constant 16 : i32
        %add3A_529 = vector.broadcast %add3A_528 : i32 to vector<16xi32>
        %add3A_530 = arith.addi %broadcast_in_dim3A_524, %add3A_529 : vector<16xi32>
        %select_n3A_531 = arith.select %lt3A_527, %add3A_530, %broadcast_in_dim3A_524 : vector<16xi1>, vector<16xi32>
        %broadcast_in_dim3A_532 = vector.shape_cast %select_n3A_531 : vector<16xi32> to vector<16x1xi32>
        %gather3A_533 = vector.shape_cast %broadcast_in_dim3A_532 : vector<16x1xi32> to vector<16xi32>
        %gather3A_534 = tpu.dynamic_gather %get3A_190[%gather3A_533] in [0] : vector<16xf32>, vector<16xi32> -> vector<16xf32>
        %add3A_535 = arith.constant 6 : i32
        %add3A_536 = arith.addi %multiple_of3A_185, %add3A_535 : i32
        %get3A_537 = arith.index_cast %add3A_536 : i32 to index
        %get3A_538 = arith.constant 0 : index
        %get3A_539 = tpu.vector_load %arg11[%get3A_537, %get3A_538] {strides = array<i32>} : memref<128x64xf32, #tpu.memory_space<vmem>>, vector<16xf32>,
        %mul3A_540 = arith.mulf %get3A_539, %gather3A_534 : vector<16xf32>
        %add3A_541 = arith.constant 6 : i32
        %add3A_542 = arith.addi %multiple_of3A_185, %add3A_541 : i32
        %swap3A_543 = arith.index_cast %add3A_542 : i32 to index
        %swap3A_544 = arith.constant 0 : index
        %swap3A_545 = tpu.vector_load %arg13[%swap3A_543, %swap3A_544] {strides = array<i32>} : memref<128x64xf32, #tpu.memory_space<vmem>>, vector<16xf32>,
        tpu.vector_store %arg13[%swap3A_543, %swap3A_544], %mul3A_540 {strides = array<i32>} : memref<128x64xf32, #tpu.memory_space<vmem>>, vector<16xf32>,
        %add3A_546 = arith.constant 6 : i32
        %add3A_547 = arith.addi %multiple_of3A_185, %add3A_546 : i32
        %get3A_548 = arith.index_cast %add3A_547 : i32 to index
        %get3A_549 = arith.constant 16 : index
        %get3A_550 = tpu.vector_load %arg11[%get3A_548, %get3A_549] {strides = array<i32>} : memref<128x64xf32, #tpu.memory_space<vmem>>, vector<16xf32>,
        %mul3A_551 = arith.mulf %get3A_550, %gather3A_534 : vector<16xf32>
        %add3A_552 = arith.constant 6 : i32
        %add3A_553 = arith.addi %multiple_of3A_185, %add3A_552 : i32
        %swap3A_554 = arith.index_cast %add3A_553 : i32 to index
        %swap3A_555 = arith.constant 16 : index
        %swap3A_556 = tpu.vector_load %arg13[%swap3A_554, %swap3A_555] {strides = array<i32>} : memref<128x64xf32, #tpu.memory_space<vmem>>, vector<16xf32>,
        tpu.vector_store %arg13[%swap3A_554, %swap3A_555], %mul3A_551 {strides = array<i32>} : memref<128x64xf32, #tpu.memory_space<vmem>>, vector<16xf32>,
        %add3A_557 = arith.constant 6 : i32
        %add3A_558 = arith.addi %multiple_of3A_185, %add3A_557 : i32
        %get3A_559 = arith.index_cast %add3A_558 : i32 to index
        %get3A_560 = arith.constant 32 : index
        %get3A_561 = tpu.vector_load %arg11[%get3A_559, %get3A_560] {strides = array<i32>} : memref<128x64xf32, #tpu.memory_space<vmem>>, vector<16xf32>,
        %mul3A_562 = arith.mulf %get3A_561, %gather3A_534 : vector<16xf32>
        %add3A_563 = arith.constant 6 : i32
        %add3A_564 = arith.addi %multiple_of3A_185, %add3A_563 : i32
        %swap3A_565 = arith.index_cast %add3A_564 : i32 to index
        %swap3A_566 = arith.constant 32 : index
        %swap3A_567 = tpu.vector_load %arg13[%swap3A_565, %swap3A_566] {strides = array<i32>} : memref<128x64xf32, #tpu.memory_space<vmem>>, vector<16xf32>,
        tpu.vector_store %arg13[%swap3A_565, %swap3A_566], %mul3A_562 {strides = array<i32>} : memref<128x64xf32, #tpu.memory_space<vmem>>, vector<16xf32>,
        %add3A_568 = arith.constant 6 : i32
        %add3A_569 = arith.addi %multiple_of3A_185, %add3A_568 : i32
        %get3A_570 = arith.index_cast %add3A_569 : i32 to index
        %get3A_571 = arith.constant 48 : index
        %get3A_572 = tpu.vector_load %arg11[%get3A_570, %get3A_571] {strides = array<i32>} : memref<128x64xf32, #tpu.memory_space<vmem>>, vector<16xf32>,
        %mul3A_573 = arith.mulf %get3A_572, %gather3A_534 : vector<16xf32>
        %add3A_574 = arith.constant 6 : i32
        %add3A_575 = arith.addi %multiple_of3A_185, %add3A_574 : i32
        %swap3A_576 = arith.index_cast %add3A_575 : i32 to index
        %swap3A_577 = arith.constant 48 : index
        %swap3A_578 = tpu.vector_load %arg13[%swap3A_576, %swap3A_577] {strides = array<i32>} : memref<128x64xf32, #tpu.memory_space<vmem>>, vector<16xf32>,
        tpu.vector_store %arg13[%swap3A_576, %swap3A_577], %mul3A_573 {strides = array<i32>} : memref<128x64xf32, #tpu.memory_space<vmem>>, vector<16xf32>,
        %broadcast_in_dim3A_579 = arith.constant 7 : i32
        %broadcast_in_dim3A_580 = vector.broadcast %broadcast_in_dim3A_579 : i32 to vector<16xi32>
        %lt3A_581 = arith.constant 0 : i32
        %lt3A_582 = vector.broadcast %lt3A_581 : i32 to vector<16xi32>
        %lt3A_583 = arith.cmpi slt, %broadcast_in_dim3A_580, %lt3A_582 : vector<16xi32>
        %add3A_584 = arith.constant 16 : i32
        %add3A_585 = vector.broadcast %add3A_584 : i32 to vector<16xi32>
        %add3A_586 = arith.addi %broadcast_in_dim3A_580, %add3A_585 : vector<16xi32>
        %select_n3A_587 = arith.select %lt3A_583, %add3A_586, %broadcast_in_dim3A_580 : vector<16xi1>, vector<16xi32>
        %broadcast_in_dim3A_588 = vector.shape_cast %select_n3A_587 : vector<16xi32> to vector<16x1xi32>
        %gather3A_589 = vector.shape_cast %broadcast_in_dim3A_588 : vector<16x1xi32> to vector<16xi32>
        %gather3A_590 = tpu.dynamic_gather %get3A_190[%gather3A_589] in [0] : vector<16xf32>, vector<16xi32> -> vector<16xf32>
        %add3A_591 = arith.constant 7 : i32
        %add3A_592 = arith.addi %multiple_of3A_185, %add3A_591 : i32
        %get3A_593 = arith.index_cast %add3A_592 : i32 to index
        %get3A_594 = arith.constant 0 : index
        %get3A_595 = tpu.vector_load %arg11[%get3A_593, %get3A_594] {strides = array<i32>} : memref<128x64xf32, #tpu.memory_space<vmem>>, vector<16xf32>,
        %mul3A_596 = arith.mulf %get3A_595, %gather3A_590 : vector<16xf32>
        %add3A_597 = arith.constant 7 : i32
        %add3A_598 = arith.addi %multiple_of3A_185, %add3A_597 : i32
        %swap3A_599 = arith.index_cast %add3A_598 : i32 to index
        %swap3A_600 = arith.constant 0 : index
        %swap3A_601 = tpu.vector_load %arg13[%swap3A_599, %swap3A_600] {strides = array<i32>} : memref<128x64xf32, #tpu.memory_space<vmem>>, vector<16xf32>,
        tpu.vector_store %arg13[%swap3A_599, %swap3A_600], %mul3A_596 {strides = array<i32>} : memref<128x64xf32, #tpu.memory_space<vmem>>, vector<16xf32>,
        %add3A_602 = arith.constant 7 : i32
        %add3A_603 = arith.addi %multiple_of3A_185, %add3A_602 : i32
        %get3A_604 = arith.index_cast %add3A_603 : i32 to index
        %get3A_605 = arith.constant 16 : index
        %get3A_606 = tpu.vector_load %arg11[%get3A_604, %get3A_605] {strides = array<i32>} : memref<128x64xf32, #tpu.memory_space<vmem>>, vector<16xf32>,
        %mul3A_607 = arith.mulf %get3A_606, %gather3A_590 : vector<16xf32>
        %add3A_608 = arith.constant 7 : i32
        %add3A_609 = arith.addi %multiple_of3A_185, %add3A_608 : i32
        %swap3A_610 = arith.index_cast %add3A_609 : i32 to index
        %swap3A_611 = arith.constant 16 : index
        %swap3A_612 = tpu.vector_load %arg13[%swap3A_610, %swap3A_611] {strides = array<i32>} : memref<128x64xf32, #tpu.memory_space<vmem>>, vector<16xf32>,
        tpu.vector_store %arg13[%swap3A_610, %swap3A_611], %mul3A_607 {strides = array<i32>} : memref<128x64xf32, #tpu.memory_space<vmem>>, vector<16xf32>,
        %add3A_613 = arith.constant 7 : i32
        %add3A_614 = arith.addi %multiple_of3A_185, %add3A_613 : i32
        %get3A_615 = arith.index_cast %add3A_614 : i32 to index
        %get3A_616 = arith.constant 32 : index
        %get3A_617 = tpu.vector_load %arg11[%get3A_615, %get3A_616] {strides = array<i32>} : memref<128x64xf32, #tpu.memory_space<vmem>>, vector<16xf32>,
        %mul3A_618 = arith.mulf %get3A_617, %gather3A_590 : vector<16xf32>
        %add3A_619 = arith.constant 7 : i32
        %add3A_620 = arith.addi %multiple_of3A_185, %add3A_619 : i32
        %swap3A_621 = arith.index_cast %add3A_620 : i32 to index
        %swap3A_622 = arith.constant 32 : index
        %swap3A_623 = tpu.vector_load %arg13[%swap3A_621, %swap3A_622] {strides = array<i32>} : memref<128x64xf32, #tpu.memory_space<vmem>>, vector<16xf32>,
        tpu.vector_store %arg13[%swap3A_621, %swap3A_622], %mul3A_618 {strides = array<i32>} : memref<128x64xf32, #tpu.memory_space<vmem>>, vector<16xf32>,
        %add3A_624 = arith.constant 7 : i32
        %add3A_625 = arith.addi %multiple_of3A_185, %add3A_624 : i32
        %get3A_626 = arith.index_cast %add3A_625 : i32 to index
        %get3A_627 = arith.constant 48 : index
        %get3A_628 = tpu.vector_load %arg11[%get3A_626, %get3A_627] {strides = array<i32>} : memref<128x64xf32, #tpu.memory_space<vmem>>, vector<16xf32>,
        %mul3A_629 = arith.mulf %get3A_628, %gather3A_590 : vector<16xf32>
        %add3A_630 = arith.constant 7 : i32
        %add3A_631 = arith.addi %multiple_of3A_185, %add3A_630 : i32
        %swap3A_632 = arith.index_cast %add3A_631 : i32 to index
        %swap3A_633 = arith.constant 48 : index
        %swap3A_634 = tpu.vector_load %arg13[%swap3A_632, %swap3A_633] {strides = array<i32>} : memref<128x64xf32, #tpu.memory_space<vmem>>, vector<16xf32>,
        tpu.vector_store %arg13[%swap3A_632, %swap3A_633], %mul3A_629 {strides = array<i32>} : memref<128x64xf32, #tpu.memory_space<vmem>>, vector<16xf32>,
        %broadcast_in_dim3A_635 = arith.constant 8 : i32
        %broadcast_in_dim3A_636 = vector.broadcast %broadcast_in_dim3A_635 : i32 to vector<16xi32>
        %lt3A_637 = arith.constant 0 : i32
        %lt3A_638 = vector.broadcast %lt3A_637 : i32 to vector<16xi32>
        %lt3A_639 = arith.cmpi slt, %broadcast_in_dim3A_636, %lt3A_638 : vector<16xi32>
        %add3A_640 = arith.constant 16 : i32
        %add3A_641 = vector.broadcast %add3A_640 : i32 to vector<16xi32>
        %add3A_642 = arith.addi %broadcast_in_dim3A_636, %add3A_641 : vector<16xi32>
        %select_n3A_643 = arith.select %lt3A_639, %add3A_642, %broadcast_in_dim3A_636 : vector<16xi1>, vector<16xi32>
        %broadcast_in_dim3A_644 = vector.shape_cast %select_n3A_643 : vector<16xi32> to vector<16x1xi32>
        %gather3A_645 = vector.shape_cast %broadcast_in_dim3A_644 : vector<16x1xi32> to vector<16xi32>
        %gather3A_646 = tpu.dynamic_gather %get3A_190[%gather3A_645] in [0] : vector<16xf32>, vector<16xi32> -> vector<16xf32>
        %add3A_647 = arith.constant 8 : i32
        %add3A_648 = arith.addi %multiple_of3A_185, %add3A_647 : i32
        %get3A_649 = arith.index_cast %add3A_648 : i32 to index
        %get3A_650 = arith.constant 0 : index
        %get3A_651 = tpu.vector_load %arg11[%get3A_649, %get3A_650] {strides = array<i32>} : memref<128x64xf32, #tpu.memory_space<vmem>>, vector<16xf32>,
        %mul3A_652 = arith.mulf %get3A_651, %gather3A_646 : vector<16xf32>
        %add3A_653 = arith.constant 8 : i32
        %add3A_654 = arith.addi %multiple_of3A_185, %add3A_653 : i32
        %swap3A_655 = arith.index_cast %add3A_654 : i32 to index
        %swap3A_656 = arith.constant 0 : index
        %swap3A_657 = tpu.vector_load %arg13[%swap3A_655, %swap3A_656] {strides = array<i32>} : memref<128x64xf32, #tpu.memory_space<vmem>>, vector<16xf32>,
        tpu.vector_store %arg13[%swap3A_655, %swap3A_656], %mul3A_652 {strides = array<i32>} : memref<128x64xf32, #tpu.memory_space<vmem>>, vector<16xf32>,
        %add3A_658 = arith.constant 8 : i32
        %add3A_659 = arith.addi %multiple_of3A_185, %add3A_658 : i32
        %get3A_660 = arith.index_cast %add3A_659 : i32 to index
        %get3A_661 = arith.constant 16 : index
        %get3A_662 = tpu.vector_load %arg11[%get3A_660, %get3A_661] {strides = array<i32>} : memref<128x64xf32, #tpu.memory_space<vmem>>, vector<16xf32>,
        %mul3A_663 = arith.mulf %get3A_662, %gather3A_646 : vector<16xf32>
        %add3A_664 = arith.constant 8 : i32
        %add3A_665 = arith.addi %multiple_of3A_185, %add3A_664 : i32
        %swap3A_666 = arith.index_cast %add3A_665 : i32 to index
        %swap3A_667 = arith.constant 16 : index
        %swap3A_668 = tpu.vector_load %arg13[%swap3A_666, %swap3A_667] {strides = array<i32>} : memref<128x64xf32, #tpu.memory_space<vmem>>, vector<16xf32>,
        tpu.vector_store %arg13[%swap3A_666, %swap3A_667], %mul3A_663 {strides = array<i32>} : memref<128x64xf32, #tpu.memory_space<vmem>>, vector<16xf32>,
        %add3A_669 = arith.constant 8 : i32
        %add3A_670 = arith.addi %multiple_of3A_185, %add3A_669 : i32
        %get3A_671 = arith.index_cast %add3A_670 : i32 to index
        %get3A_672 = arith.constant 32 : index
        %get3A_673 = tpu.vector_load %arg11[%get3A_671, %get3A_672] {strides = array<i32>} : memref<128x64xf32, #tpu.memory_space<vmem>>, vector<16xf32>,
        %mul3A_674 = arith.mulf %get3A_673, %gather3A_646 : vector<16xf32>
        %add3A_675 = arith.constant 8 : i32
        %add3A_676 = arith.addi %multiple_of3A_185, %add3A_675 : i32
        %swap3A_677 = arith.index_cast %add3A_676 : i32 to index
        %swap3A_678 = arith.constant 32 : index
        %swap3A_679 = tpu.vector_load %arg13[%swap3A_677, %swap3A_678] {strides = array<i32>} : memref<128x64xf32, #tpu.memory_space<vmem>>, vector<16xf32>,
        tpu.vector_store %arg13[%swap3A_677, %swap3A_678], %mul3A_674 {strides = array<i32>} : memref<128x64xf32, #tpu.memory_space<vmem>>, vector<16xf32>,
        %add3A_680 = arith.constant 8 : i32
        %add3A_681 = arith.addi %multiple_of3A_185, %add3A_680 : i32
        %get3A_682 = arith.index_cast %add3A_681 : i32 to index
        %get3A_683 = arith.constant 48 : index
        %get3A_684 = tpu.vector_load %arg11[%get3A_682, %get3A_683] {strides = array<i32>} : memref<128x64xf32, #tpu.memory_space<vmem>>, vector<16xf32>,
        %mul3A_685 = arith.mulf %get3A_684, %gather3A_646 : vector<16xf32>
        %add3A_686 = arith.constant 8 : i32
        %add3A_687 = arith.addi %multiple_of3A_185, %add3A_686 : i32
        %swap3A_688 = arith.index_cast %add3A_687 : i32 to index
        %swap3A_689 = arith.constant 48 : index
        %swap3A_690 = tpu.vector_load %arg13[%swap3A_688, %swap3A_689] {strides = array<i32>} : memref<128x64xf32, #tpu.memory_space<vmem>>, vector<16xf32>,
        tpu.vector_store %arg13[%swap3A_688, %swap3A_689], %mul3A_685 {strides = array<i32>} : memref<128x64xf32, #tpu.memory_space<vmem>>, vector<16xf32>,
        %broadcast_in_dim3A_691 = arith.constant 9 : i32
        %broadcast_in_dim3A_692 = vector.broadcast %broadcast_in_dim3A_691 : i32 to vector<16xi32>
        %lt3A_693 = arith.constant 0 : i32
        %lt3A_694 = vector.broadcast %lt3A_693 : i32 to vector<16xi32>
        %lt3A_695 = arith.cmpi slt, %broadcast_in_dim3A_692, %lt3A_694 : vector<16xi32>
        %add3A_696 = arith.constant 16 : i32
        %add3A_697 = vector.broadcast %add3A_696 : i32 to vector<16xi32>
        %add3A_698 = arith.addi %broadcast_in_dim3A_692, %add3A_697 : vector<16xi32>
        %select_n3A_699 = arith.select %lt3A_695, %add3A_698, %broadcast_in_dim3A_692 : vector<16xi1>, vector<16xi32>
        %broadcast_in_dim3A_700 = vector.shape_cast %select_n3A_699 : vector<16xi32> to vector<16x1xi32>
        %gather3A_701 = vector.shape_cast %broadcast_in_dim3A_700 : vector<16x1xi32> to vector<16xi32>
        %gather3A_702 = tpu.dynamic_gather %get3A_190[%gather3A_701] in [0] : vector<16xf32>, vector<16xi32> -> vector<16xf32>
        %add3A_703 = arith.constant 9 : i32
        %add3A_704 = arith.addi %multiple_of3A_185, %add3A_703 : i32
        %get3A_705 = arith.index_cast %add3A_704 : i32 to index
        %get3A_706 = arith.constant 0 : index
        %get3A_707 = tpu.vector_load %arg11[%get3A_705, %get3A_706] {strides = array<i32>} : memref<128x64xf32, #tpu.memory_space<vmem>>, vector<16xf32>,
        %mul3A_708 = arith.mulf %get3A_707, %gather3A_702 : vector<16xf32>
        %add3A_709 = arith.constant 9 : i32
        %add3A_710 = arith.addi %multiple_of3A_185, %add3A_709 : i32
        %swap3A_711 = arith.index_cast %add3A_710 : i32 to index
        %swap3A_712 = arith.constant 0 : index
        %swap3A_713 = tpu.vector_load %arg13[%swap3A_711, %swap3A_712] {strides = array<i32>} : memref<128x64xf32, #tpu.memory_space<vmem>>, vector<16xf32>,
        tpu.vector_store %arg13[%swap3A_711, %swap3A_712], %mul3A_708 {strides = array<i32>} : memref<128x64xf32, #tpu.memory_space<vmem>>, vector<16xf32>,
        %add3A_714 = arith.constant 9 : i32
        %add3A_715 = arith.addi %multiple_of3A_185, %add3A_714 : i32
        %get3A_716 = arith.index_cast %add3A_715 : i32 to index
        %get3A_717 = arith.constant 16 : index
        %get3A_718 = tpu.vector_load %arg11[%get3A_716, %get3A_717] {strides = array<i32>} : memref<128x64xf32, #tpu.memory_space<vmem>>, vector<16xf32>,
        %mul3A_719 = arith.mulf %get3A_718, %gather3A_702 : vector<16xf32>
        %add3A_720 = arith.constant 9 : i32
        %add3A_721 = arith.addi %multiple_of3A_185, %add3A_720 : i32
        %swap3A_722 = arith.index_cast %add3A_721 : i32 to index
        %swap3A_723 = arith.constant 16 : index
        %swap3A_724 = tpu.vector_load %arg13[%swap3A_722, %swap3A_723] {strides = array<i32>} : memref<128x64xf32, #tpu.memory_space<vmem>>, vector<16xf32>,
        tpu.vector_store %arg13[%swap3A_722, %swap3A_723], %mul3A_719 {strides = array<i32>} : memref<128x64xf32, #tpu.memory_space<vmem>>, vector<16xf32>,
        %add3A_725 = arith.constant 9 : i32
        %add3A_726 = arith.addi %multiple_of3A_185, %add3A_725 : i32
        %get3A_727 = arith.index_cast %add3A_726 : i32 to index
        %get3A_728 = arith.constant 32 : index
        %get3A_729 = tpu.vector_load %arg11[%get3A_727, %get3A_728] {strides = array<i32>} : memref<128x64xf32, #tpu.memory_space<vmem>>, vector<16xf32>,
        %mul3A_730 = arith.mulf %get3A_729, %gather3A_702 : vector<16xf32>
        %add3A_731 = arith.constant 9 : i32
        %add3A_732 = arith.addi %multiple_of3A_185, %add3A_731 : i32
        %swap3A_733 = arith.index_cast %add3A_732 : i32 to index
        %swap3A_734 = arith.constant 32 : index
        %swap3A_735 = tpu.vector_load %arg13[%swap3A_733, %swap3A_734] {strides = array<i32>} : memref<128x64xf32, #tpu.memory_space<vmem>>, vector<16xf32>,
        tpu.vector_store %arg13[%swap3A_733, %swap3A_734], %mul3A_730 {strides = array<i32>} : memref<128x64xf32, #tpu.memory_space<vmem>>, vector<16xf32>,
        %add3A_736 = arith.constant 9 : i32
        %add3A_737 = arith.addi %multiple_of3A_185, %add3A_736 : i32
        %get3A_738 = arith.index_cast %add3A_737 : i32 to index
        %get3A_739 = arith.constant 48 : index
        %get3A_740 = tpu.vector_load %arg11[%get3A_738, %get3A_739] {strides = array<i32>} : memref<128x64xf32, #tpu.memory_space<vmem>>, vector<16xf32>,
        %mul3A_741 = arith.mulf %get3A_740, %gather3A_702 : vector<16xf32>
        %add3A_742 = arith.constant 9 : i32
        %add3A_743 = arith.addi %multiple_of3A_185, %add3A_742 : i32
        %swap3A_744 = arith.index_cast %add3A_743 : i32 to index
        %swap3A_745 = arith.constant 48 : index
        %swap3A_746 = tpu.vector_load %arg13[%swap3A_744, %swap3A_745] {strides = array<i32>} : memref<128x64xf32, #tpu.memory_space<vmem>>, vector<16xf32>,
        tpu.vector_store %arg13[%swap3A_744, %swap3A_745], %mul3A_741 {strides = array<i32>} : memref<128x64xf32, #tpu.memory_space<vmem>>, vector<16xf32>,
        %broadcast_in_dim3A_747 = arith.constant 10 : i32
        %broadcast_in_dim3A_748 = vector.broadcast %broadcast_in_dim3A_747 : i32 to vector<16xi32>
        %lt3A_749 = arith.constant 0 : i32
        %lt3A_750 = vector.broadcast %lt3A_749 : i32 to vector<16xi32>
        %lt3A_751 = arith.cmpi slt, %broadcast_in_dim3A_748, %lt3A_750 : vector<16xi32>
        %add3A_752 = arith.constant 16 : i32
        %add3A_753 = vector.broadcast %add3A_752 : i32 to vector<16xi32>
        %add3A_754 = arith.addi %broadcast_in_dim3A_748, %add3A_753 : vector<16xi32>
        %select_n3A_755 = arith.select %lt3A_751, %add3A_754, %broadcast_in_dim3A_748 : vector<16xi1>, vector<16xi32>
        %broadcast_in_dim3A_756 = vector.shape_cast %select_n3A_755 : vector<16xi32> to vector<16x1xi32>
        %gather3A_757 = vector.shape_cast %broadcast_in_dim3A_756 : vector<16x1xi32> to vector<16xi32>
        %gather3A_758 = tpu.dynamic_gather %get3A_190[%gather3A_757] in [0] : vector<16xf32>, vector<16xi32> -> vector<16xf32>
        %add3A_759 = arith.constant 10 : i32
        %add3A_760 = arith.addi %multiple_of3A_185, %add3A_759 : i32
        %get3A_761 = arith.index_cast %add3A_760 : i32 to index
        %get3A_762 = arith.constant 0 : index
        %get3A_763 = tpu.vector_load %arg11[%get3A_761, %get3A_762] {strides = array<i32>} : memref<128x64xf32, #tpu.memory_space<vmem>>, vector<16xf32>,
        %mul3A_764 = arith.mulf %get3A_763, %gather3A_758 : vector<16xf32>
        %add3A_765 = arith.constant 10 : i32
        %add3A_766 = arith.addi %multiple_of3A_185, %add3A_765 : i32
        %swap3A_767 = arith.index_cast %add3A_766 : i32 to index
        %swap3A_768 = arith.constant 0 : index
        %swap3A_769 = tpu.vector_load %arg13[%swap3A_767, %swap3A_768] {strides = array<i32>} : memref<128x64xf32, #tpu.memory_space<vmem>>, vector<16xf32>,
        tpu.vector_store %arg13[%swap3A_767, %swap3A_768], %mul3A_764 {strides = array<i32>} : memref<128x64xf32, #tpu.memory_space<vmem>>, vector<16xf32>,
        %add3A_770 = arith.constant 10 : i32
        %add3A_771 = arith.addi %multiple_of3A_185, %add3A_770 : i32
        %get3A_772 = arith.index_cast %add3A_771 : i32 to index
        %get3A_773 = arith.constant 16 : index
        %get3A_774 = tpu.vector_load %arg11[%get3A_772, %get3A_773] {strides = array<i32>} : memref<128x64xf32, #tpu.memory_space<vmem>>, vector<16xf32>,
        %mul3A_775 = arith.mulf %get3A_774, %gather3A_758 : vector<16xf32>
        %add3A_776 = arith.constant 10 : i32
        %add3A_777 = arith.addi %multiple_of3A_185, %add3A_776 : i32
        %swap3A_778 = arith.index_cast %add3A_777 : i32 to index
        %swap3A_779 = arith.constant 16 : index
        %swap3A_780 = tpu.vector_load %arg13[%swap3A_778, %swap3A_779] {strides = array<i32>} : memref<128x64xf32, #tpu.memory_space<vmem>>, vector<16xf32>,
        tpu.vector_store %arg13[%swap3A_778, %swap3A_779], %mul3A_775 {strides = array<i32>} : memref<128x64xf32, #tpu.memory_space<vmem>>, vector<16xf32>,
        %add3A_781 = arith.constant 10 : i32
        %add3A_782 = arith.addi %multiple_of3A_185, %add3A_781 : i32
        %get3A_783 = arith.index_cast %add3A_782 : i32 to index
        %get3A_784 = arith.constant 32 : index
        %get3A_785 = tpu.vector_load %arg11[%get3A_783, %get3A_784] {strides = array<i32>} : memref<128x64xf32, #tpu.memory_space<vmem>>, vector<16xf32>,
        %mul3A_786 = arith.mulf %get3A_785, %gather3A_758 : vector<16xf32>
        %add3A_787 = arith.constant 10 : i32
        %add3A_788 = arith.addi %multiple_of3A_185, %add3A_787 : i32
        %swap3A_789 = arith.index_cast %add3A_788 : i32 to index
        %swap3A_790 = arith.constant 32 : index
        %swap3A_791 = tpu.vector_load %arg13[%swap3A_789, %swap3A_790] {strides = array<i32>} : memref<128x64xf32, #tpu.memory_space<vmem>>, vector<16xf32>,
        tpu.vector_store %arg13[%swap3A_789, %swap3A_790], %mul3A_786 {strides = array<i32>} : memref<128x64xf32, #tpu.memory_space<vmem>>, vector<16xf32>,
        %add3A_792 = arith.constant 10 : i32
        %add3A_793 = arith.addi %multiple_of3A_185, %add3A_792 : i32
        %get3A_794 = arith.index_cast %add3A_793 : i32 to index
        %get3A_795 = arith.constant 48 : index
        %get3A_796 = tpu.vector_load %arg11[%get3A_794, %get3A_795] {strides = array<i32>} : memref<128x64xf32, #tpu.memory_space<vmem>>, vector<16xf32>,
        %mul3A_797 = arith.mulf %get3A_796, %gather3A_758 : vector<16xf32>
        %add3A_798 = arith.constant 10 : i32
        %add3A_799 = arith.addi %multiple_of3A_185, %add3A_798 : i32
        %swap3A_800 = arith.index_cast %add3A_799 : i32 to index
        %swap3A_801 = arith.constant 48 : index
        %swap3A_802 = tpu.vector_load %arg13[%swap3A_800, %swap3A_801] {strides = array<i32>} : memref<128x64xf32, #tpu.memory_space<vmem>>, vector<16xf32>,
        tpu.vector_store %arg13[%swap3A_800, %swap3A_801], %mul3A_797 {strides = array<i32>} : memref<128x64xf32, #tpu.memory_space<vmem>>, vector<16xf32>,
        %broadcast_in_dim3A_803 = arith.constant 11 : i32
        %broadcast_in_dim3A_804 = vector.broadcast %broadcast_in_dim3A_803 : i32 to vector<16xi32>
        %lt3A_805 = arith.constant 0 : i32
        %lt3A_806 = vector.broadcast %lt3A_805 : i32 to vector<16xi32>
        %lt3A_807 = arith.cmpi slt, %broadcast_in_dim3A_804, %lt3A_806 : vector<16xi32>
        %add3A_808 = arith.constant 16 : i32
        %add3A_809 = vector.broadcast %add3A_808 : i32 to vector<16xi32>
        %add3A_810 = arith.addi %broadcast_in_dim3A_804, %add3A_809 : vector<16xi32>
        %select_n3A_811 = arith.select %lt3A_807, %add3A_810, %broadcast_in_dim3A_804 : vector<16xi1>, vector<16xi32>
        %broadcast_in_dim3A_812 = vector.shape_cast %select_n3A_811 : vector<16xi32> to vector<16x1xi32>
        %gather3A_813 = vector.shape_cast %broadcast_in_dim3A_812 : vector<16x1xi32> to vector<16xi32>
        %gather3A_814 = tpu.dynamic_gather %get3A_190[%gather3A_813] in [0] : vector<16xf32>, vector<16xi32> -> vector<16xf32>
        %add3A_815 = arith.constant 11 : i32
        %add3A_816 = arith.addi %multiple_of3A_185, %add3A_815 : i32
        %get3A_817 = arith.index_cast %add3A_816 : i32 to index
        %get3A_818 = arith.constant 0 : index
        %get3A_819 = tpu.vector_load %arg11[%get3A_817, %get3A_818] {strides = array<i32>} : memref<128x64xf32, #tpu.memory_space<vmem>>, vector<16xf32>,
        %mul3A_820 = arith.mulf %get3A_819, %gather3A_814 : vector<16xf32>
        %add3A_821 = arith.constant 11 : i32
        %add3A_822 = arith.addi %multiple_of3A_185, %add3A_821 : i32
        %swap3A_823 = arith.index_cast %add3A_822 : i32 to index
        %swap3A_824 = arith.constant 0 : index
        %swap3A_825 = tpu.vector_load %arg13[%swap3A_823, %swap3A_824] {strides = array<i32>} : memref<128x64xf32, #tpu.memory_space<vmem>>, vector<16xf32>,
        tpu.vector_store %arg13[%swap3A_823, %swap3A_824], %mul3A_820 {strides = array<i32>} : memref<128x64xf32, #tpu.memory_space<vmem>>, vector<16xf32>,
        %add3A_826 = arith.constant 11 : i32
        %add3A_827 = arith.addi %multiple_of3A_185, %add3A_826 : i32
        %get3A_828 = arith.index_cast %add3A_827 : i32 to index
        %get3A_829 = arith.constant 16 : index
        %get3A_830 = tpu.vector_load %arg11[%get3A_828, %get3A_829] {strides = array<i32>} : memref<128x64xf32, #tpu.memory_space<vmem>>, vector<16xf32>,
        %mul3A_831 = arith.mulf %get3A_830, %gather3A_814 : vector<16xf32>
        %add3A_832 = arith.constant 11 : i32
        %add3A_833 = arith.addi %multiple_of3A_185, %add3A_832 : i32
        %swap3A_834 = arith.index_cast %add3A_833 : i32 to index
        %swap3A_835 = arith.constant 16 : index
        %swap3A_836 = tpu.vector_load %arg13[%swap3A_834, %swap3A_835] {strides = array<i32>} : memref<128x64xf32, #tpu.memory_space<vmem>>, vector<16xf32>,
        tpu.vector_store %arg13[%swap3A_834, %swap3A_835], %mul3A_831 {strides = array<i32>} : memref<128x64xf32, #tpu.memory_space<vmem>>, vector<16xf32>,
        %add3A_837 = arith.constant 11 : i32
        %add3A_838 = arith.addi %multiple_of3A_185, %add3A_837 : i32
        %get3A_839 = arith.index_cast %add3A_838 : i32 to index
        %get3A_840 = arith.constant 32 : index
        %get3A_841 = tpu.vector_load %arg11[%get3A_839, %get3A_840] {strides = array<i32>} : memref<128x64xf32, #tpu.memory_space<vmem>>, vector<16xf32>,
        %mul3A_842 = arith.mulf %get3A_841, %gather3A_814 : vector<16xf32>
        %add3A_843 = arith.constant 11 : i32
        %add3A_844 = arith.addi %multiple_of3A_185, %add3A_843 : i32
        %swap3A_845 = arith.index_cast %add3A_844 : i32 to index
        %swap3A_846 = arith.constant 32 : index
        %swap3A_847 = tpu.vector_load %arg13[%swap3A_845, %swap3A_846] {strides = array<i32>} : memref<128x64xf32, #tpu.memory_space<vmem>>, vector<16xf32>,
        tpu.vector_store %arg13[%swap3A_845, %swap3A_846], %mul3A_842 {strides = array<i32>} : memref<128x64xf32, #tpu.memory_space<vmem>>, vector<16xf32>,
        %add3A_848 = arith.constant 11 : i32
        %add3A_849 = arith.addi %multiple_of3A_185, %add3A_848 : i32
        %get3A_850 = arith.index_cast %add3A_849 : i32 to index
        %get3A_851 = arith.constant 48 : index
        %get3A_852 = tpu.vector_load %arg11[%get3A_850, %get3A_851] {strides = array<i32>} : memref<128x64xf32, #tpu.memory_space<vmem>>, vector<16xf32>,
        %mul3A_853 = arith.mulf %get3A_852, %gather3A_814 : vector<16xf32>
        %add3A_854 = arith.constant 11 : i32
        %add3A_855 = arith.addi %multiple_of3A_185, %add3A_854 : i32
        %swap3A_856 = arith.index_cast %add3A_855 : i32 to index
        %swap3A_857 = arith.constant 48 : index
        %swap3A_858 = tpu.vector_load %arg13[%swap3A_856, %swap3A_857] {strides = array<i32>} : memref<128x64xf32, #tpu.memory_space<vmem>>, vector<16xf32>,
        tpu.vector_store %arg13[%swap3A_856, %swap3A_857], %mul3A_853 {strides = array<i32>} : memref<128x64xf32, #tpu.memory_space<vmem>>, vector<16xf32>,
        %broadcast_in_dim3A_859 = arith.constant 12 : i32
        %broadcast_in_dim3A_860 = vector.broadcast %broadcast_in_dim3A_859 : i32 to vector<16xi32>
        %lt3A_861 = arith.constant 0 : i32
        %lt3A_862 = vector.broadcast %lt3A_861 : i32 to vector<16xi32>
        %lt3A_863 = arith.cmpi slt, %broadcast_in_dim3A_860, %lt3A_862 : vector<16xi32>
        %add3A_864 = arith.constant 16 : i32
        %add3A_865 = vector.broadcast %add3A_864 : i32 to vector<16xi32>
        %add3A_866 = arith.addi %broadcast_in_dim3A_860, %add3A_865 : vector<16xi32>
        %select_n3A_867 = arith.select %lt3A_863, %add3A_866, %broadcast_in_dim3A_860 : vector<16xi1>, vector<16xi32>
        %broadcast_in_dim3A_868 = vector.shape_cast %select_n3A_867 : vector<16xi32> to vector<16x1xi32>
        %gather3A_869 = vector.shape_cast %broadcast_in_dim3A_868 : vector<16x1xi32> to vector<16xi32>
        %gather3A_870 = tpu.dynamic_gather %get3A_190[%gather3A_869] in [0] : vector<16xf32>, vector<16xi32> -> vector<16xf32>
        %add3A_871 = arith.constant 12 : i32
        %add3A_872 = arith.addi %multiple_of3A_185, %add3A_871 : i32
        %get3A_873 = arith.index_cast %add3A_872 : i32 to index
        %get3A_874 = arith.constant 0 : index
        %get3A_875 = tpu.vector_load %arg11[%get3A_873, %get3A_874] {strides = array<i32>} : memref<128x64xf32, #tpu.memory_space<vmem>>, vector<16xf32>,
        %mul3A_876 = arith.mulf %get3A_875, %gather3A_870 : vector<16xf32>
        %add3A_877 = arith.constant 12 : i32
        %add3A_878 = arith.addi %multiple_of3A_185, %add3A_877 : i32
        %swap3A_879 = arith.index_cast %add3A_878 : i32 to index
        %swap3A_880 = arith.constant 0 : index
        %swap3A_881 = tpu.vector_load %arg13[%swap3A_879, %swap3A_880] {strides = array<i32>} : memref<128x64xf32, #tpu.memory_space<vmem>>, vector<16xf32>,
        tpu.vector_store %arg13[%swap3A_879, %swap3A_880], %mul3A_876 {strides = array<i32>} : memref<128x64xf32, #tpu.memory_space<vmem>>, vector<16xf32>,
        %add3A_882 = arith.constant 12 : i32
        %add3A_883 = arith.addi %multiple_of3A_185, %add3A_882 : i32
        %get3A_884 = arith.index_cast %add3A_883 : i32 to index
        %get3A_885 = arith.constant 16 : index
        %get3A_886 = tpu.vector_load %arg11[%get3A_884, %get3A_885] {strides = array<i32>} : memref<128x64xf32, #tpu.memory_space<vmem>>, vector<16xf32>,
        %mul3A_887 = arith.mulf %get3A_886, %gather3A_870 : vector<16xf32>
        %add3A_888 = arith.constant 12 : i32
        %add3A_889 = arith.addi %multiple_of3A_185, %add3A_888 : i32
        %swap3A_890 = arith.index_cast %add3A_889 : i32 to index
        %swap3A_891 = arith.constant 16 : index
        %swap3A_892 = tpu.vector_load %arg13[%swap3A_890, %swap3A_891] {strides = array<i32>} : memref<128x64xf32, #tpu.memory_space<vmem>>, vector<16xf32>,
        tpu.vector_store %arg13[%swap3A_890, %swap3A_891], %mul3A_887 {strides = array<i32>} : memref<128x64xf32, #tpu.memory_space<vmem>>, vector<16xf32>,
        %add3A_893 = arith.constant 12 : i32
        %add3A_894 = arith.addi %multiple_of3A_185, %add3A_893 : i32
        %get3A_895 = arith.index_cast %add3A_894 : i32 to index
        %get3A_896 = arith.constant 32 : index
        %get3A_897 = tpu.vector_load %arg11[%get3A_895, %get3A_896] {strides = array<i32>} : memref<128x64xf32, #tpu.memory_space<vmem>>, vector<16xf32>,
        %mul3A_898 = arith.mulf %get3A_897, %gather3A_870 : vector<16xf32>
        %add3A_899 = arith.constant 12 : i32
        %add3A_900 = arith.addi %multiple_of3A_185, %add3A_899 : i32
        %swap3A_901 = arith.index_cast %add3A_900 : i32 to index
        %swap3A_902 = arith.constant 32 : index
        %swap3A_903 = tpu.vector_load %arg13[%swap3A_901, %swap3A_902] {strides = array<i32>} : memref<128x64xf32, #tpu.memory_space<vmem>>, vector<16xf32>,
        tpu.vector_store %arg13[%swap3A_901, %swap3A_902], %mul3A_898 {strides = array<i32>} : memref<128x64xf32, #tpu.memory_space<vmem>>, vector<16xf32>,
        %add3A_904 = arith.constant 12 : i32
        %add3A_905 = arith.addi %multiple_of3A_185, %add3A_904 : i32
        %get3A_906 = arith.index_cast %add3A_905 : i32 to index
        %get3A_907 = arith.constant 48 : index
        %get3A_908 = tpu.vector_load %arg11[%get3A_906, %get3A_907] {strides = array<i32>} : memref<128x64xf32, #tpu.memory_space<vmem>>, vector<16xf32>,
        %mul3A_909 = arith.mulf %get3A_908, %gather3A_870 : vector<16xf32>
        %add3A_910 = arith.constant 12 : i32
        %add3A_911 = arith.addi %multiple_of3A_185, %add3A_910 : i32
        %swap3A_912 = arith.index_cast %add3A_911 : i32 to index
        %swap3A_913 = arith.constant 48 : index
        %swap3A_914 = tpu.vector_load %arg13[%swap3A_912, %swap3A_913] {strides = array<i32>} : memref<128x64xf32, #tpu.memory_space<vmem>>, vector<16xf32>,
        tpu.vector_store %arg13[%swap3A_912, %swap3A_913], %mul3A_909 {strides = array<i32>} : memref<128x64xf32, #tpu.memory_space<vmem>>, vector<16xf32>,
        %broadcast_in_dim3A_915 = arith.constant 13 : i32
        %broadcast_in_dim3A_916 = vector.broadcast %broadcast_in_dim3A_915 : i32 to vector<16xi32>
        %lt3A_917 = arith.constant 0 : i32
        %lt3A_918 = vector.broadcast %lt3A_917 : i32 to vector<16xi32>
        %lt3A_919 = arith.cmpi slt, %broadcast_in_dim3A_916, %lt3A_918 : vector<16xi32>
        %add3A_920 = arith.constant 16 : i32
        %add3A_921 = vector.broadcast %add3A_920 : i32 to vector<16xi32>
        %add3A_922 = arith.addi %broadcast_in_dim3A_916, %add3A_921 : vector<16xi32>
        %select_n3A_923 = arith.select %lt3A_919, %add3A_922, %broadcast_in_dim3A_916 : vector<16xi1>, vector<16xi32>
        %broadcast_in_dim3A_924 = vector.shape_cast %select_n3A_923 : vector<16xi32> to vector<16x1xi32>
        %gather3A_925 = vector.shape_cast %broadcast_in_dim3A_924 : vector<16x1xi32> to vector<16xi32>
        %gather3A_926 = tpu.dynamic_gather %get3A_190[%gather3A_925] in [0] : vector<16xf32>, vector<16xi32> -> vector<16xf32>
        %add3A_927 = arith.constant 13 : i32
        %add3A_928 = arith.addi %multiple_of3A_185, %add3A_927 : i32
        %get3A_929 = arith.index_cast %add3A_928 : i32 to index
        %get3A_930 = arith.constant 0 : index
        %get3A_931 = tpu.vector_load %arg11[%get3A_929, %get3A_930] {strides = array<i32>} : memref<128x64xf32, #tpu.memory_space<vmem>>, vector<16xf32>,
        %mul3A_932 = arith.mulf %get3A_931, %gather3A_926 : vector<16xf32>
        %add3A_933 = arith.constant 13 : i32
        %add3A_934 = arith.addi %multiple_of3A_185, %add3A_933 : i32
        %swap3A_935 = arith.index_cast %add3A_934 : i32 to index
        %swap3A_936 = arith.constant 0 : index
        %swap3A_937 = tpu.vector_load %arg13[%swap3A_935, %swap3A_936] {strides = array<i32>} : memref<128x64xf32, #tpu.memory_space<vmem>>, vector<16xf32>,
        tpu.vector_store %arg13[%swap3A_935, %swap3A_936], %mul3A_932 {strides = array<i32>} : memref<128x64xf32, #tpu.memory_space<vmem>>, vector<16xf32>,
        %add3A_938 = arith.constant 13 : i32
        %add3A_939 = arith.addi %multiple_of3A_185, %add3A_938 : i32
        %get3A_940 = arith.index_cast %add3A_939 : i32 to index
        %get3A_941 = arith.constant 16 : index
        %get3A_942 = tpu.vector_load %arg11[%get3A_940, %get3A_941] {strides = array<i32>} : memref<128x64xf32, #tpu.memory_space<vmem>>, vector<16xf32>,
        %mul3A_943 = arith.mulf %get3A_942, %gather3A_926 : vector<16xf32>
        %add3A_944 = arith.constant 13 : i32
        %add3A_945 = arith.addi %multiple_of3A_185, %add3A_944 : i32
        %swap3A_946 = arith.index_cast %add3A_945 : i32 to index
        %swap3A_947 = arith.constant 16 : index
        %swap3A_948 = tpu.vector_load %arg13[%swap3A_946, %swap3A_947] {strides = array<i32>} : memref<128x64xf32, #tpu.memory_space<vmem>>, vector<16xf32>,
        tpu.vector_store %arg13[%swap3A_946, %swap3A_947], %mul3A_943 {strides = array<i32>} : memref<128x64xf32, #tpu.memory_space<vmem>>, vector<16xf32>,
        %add3A_949 = arith.constant 13 : i32
        %add3A_950 = arith.addi %multiple_of3A_185, %add3A_949 : i32
        %get3A_951 = arith.index_cast %add3A_950 : i32 to index
        %get3A_952 = arith.constant 32 : index
        %get3A_953 = tpu.vector_load %arg11[%get3A_951, %get3A_952] {strides = array<i32>} : memref<128x64xf32, #tpu.memory_space<vmem>>, vector<16xf32>,
        %mul3A_954 = arith.mulf %get3A_953, %gather3A_926 : vector<16xf32>
        %add3A_955 = arith.constant 13 : i32
        %add3A_956 = arith.addi %multiple_of3A_185, %add3A_955 : i32
        %swap3A_957 = arith.index_cast %add3A_956 : i32 to index
        %swap3A_958 = arith.constant 32 : index
        %swap3A_959 = tpu.vector_load %arg13[%swap3A_957, %swap3A_958] {strides = array<i32>} : memref<128x64xf32, #tpu.memory_space<vmem>>, vector<16xf32>,
        tpu.vector_store %arg13[%swap3A_957, %swap3A_958], %mul3A_954 {strides = array<i32>} : memref<128x64xf32, #tpu.memory_space<vmem>>, vector<16xf32>,
        %add3A_960 = arith.constant 13 : i32
        %add3A_961 = arith.addi %multiple_of3A_185, %add3A_960 : i32
        %get3A_962 = arith.index_cast %add3A_961 : i32 to index
        %get3A_963 = arith.constant 48 : index
        %get3A_964 = tpu.vector_load %arg11[%get3A_962, %get3A_963] {strides = array<i32>} : memref<128x64xf32, #tpu.memory_space<vmem>>, vector<16xf32>,
        %mul3A_965 = arith.mulf %get3A_964, %gather3A_926 : vector<16xf32>
        %add3A_966 = arith.constant 13 : i32
        %add3A_967 = arith.addi %multiple_of3A_185, %add3A_966 : i32
        %swap3A_968 = arith.index_cast %add3A_967 : i32 to index
        %swap3A_969 = arith.constant 48 : index
        %swap3A_970 = tpu.vector_load %arg13[%swap3A_968, %swap3A_969] {strides = array<i32>} : memref<128x64xf32, #tpu.memory_space<vmem>>, vector<16xf32>,
        tpu.vector_store %arg13[%swap3A_968, %swap3A_969], %mul3A_965 {strides = array<i32>} : memref<128x64xf32, #tpu.memory_space<vmem>>, vector<16xf32>,
        %broadcast_in_dim3A_971 = arith.constant 14 : i32
        %broadcast_in_dim3A_972 = vector.broadcast %broadcast_in_dim3A_971 : i32 to vector<16xi32>
        %lt3A_973 = arith.constant 0 : i32
        %lt3A_974 = vector.broadcast %lt3A_973 : i32 to vector<16xi32>
        %lt3A_975 = arith.cmpi slt, %broadcast_in_dim3A_972, %lt3A_974 : vector<16xi32>
        %add3A_976 = arith.constant 16 : i32
        %add3A_977 = vector.broadcast %add3A_976 : i32 to vector<16xi32>
        %add3A_978 = arith.addi %broadcast_in_dim3A_972, %add3A_977 : vector<16xi32>
        %select_n3A_979 = arith.select %lt3A_975, %add3A_978, %broadcast_in_dim3A_972 : vector<16xi1>, vector<16xi32>
        %broadcast_in_dim3A_980 = vector.shape_cast %select_n3A_979 : vector<16xi32> to vector<16x1xi32>
        %gather3A_981 = vector.shape_cast %broadcast_in_dim3A_980 : vector<16x1xi32> to vector<16xi32>
        %gather3A_982 = tpu.dynamic_gather %get3A_190[%gather3A_981] in [0] : vector<16xf32>, vector<16xi32> -> vector<16xf32>
        %add3A_983 = arith.constant 14 : i32
        %add3A_984 = arith.addi %multiple_of3A_185, %add3A_983 : i32
        %get3A_985 = arith.index_cast %add3A_984 : i32 to index
        %get3A_986 = arith.constant 0 : index
        %get3A_987 = tpu.vector_load %arg11[%get3A_985, %get3A_986] {strides = array<i32>} : memref<128x64xf32, #tpu.memory_space<vmem>>, vector<16xf32>,
        %mul3A_988 = arith.mulf %get3A_987, %gather3A_982 : vector<16xf32>
        %add3A_989 = arith.constant 14 : i32
        %add3A_990 = arith.addi %multiple_of3A_185, %add3A_989 : i32
        %swap3A_991 = arith.index_cast %add3A_990 : i32 to index
        %swap3A_992 = arith.constant 0 : index
        %swap3A_993 = tpu.vector_load %arg13[%swap3A_991, %swap3A_992] {strides = array<i32>} : memref<128x64xf32, #tpu.memory_space<vmem>>, vector<16xf32>,
        tpu.vector_store %arg13[%swap3A_991, %swap3A_992], %mul3A_988 {strides = array<i32>} : memref<128x64xf32, #tpu.memory_space<vmem>>, vector<16xf32>,
        %add3A_994 = arith.constant 14 : i32
        %add3A_995 = arith.addi %multiple_of3A_185, %add3A_994 : i32
        %get3A_996 = arith.index_cast %add3A_995 : i32 to index
        %get3A_997 = arith.constant 16 : index
        %get3A_998 = tpu.vector_load %arg11[%get3A_996, %get3A_997] {strides = array<i32>} : memref<128x64xf32, #tpu.memory_space<vmem>>, vector<16xf32>,
        %mul3A_999 = arith.mulf %get3A_998, %gather3A_982 : vector<16xf32>
        %add3A_1000 = arith.constant 14 : i32
        %add3A_1001 = arith.addi %multiple_of3A_185, %add3A_1000 : i32
        %swap3A_1002 = arith.index_cast %add3A_1001 : i32 to index
        %swap3A_1003 = arith.constant 16 : index
        %swap3A_1004 = tpu.vector_load %arg13[%swap3A_1002, %swap3A_1003] {strides = array<i32>} : memref<128x64xf32, #tpu.memory_space<vmem>>, vector<16xf32>,
        tpu.vector_store %arg13[%swap3A_1002, %swap3A_1003], %mul3A_999 {strides = array<i32>} : memref<128x64xf32, #tpu.memory_space<vmem>>, vector<16xf32>,
        %add3A_1005 = arith.constant 14 : i32
        %add3A_1006 = arith.addi %multiple_of3A_185, %add3A_1005 : i32
        %get3A_1007 = arith.index_cast %add3A_1006 : i32 to index
        %get3A_1008 = arith.constant 32 : index
        %get3A_1009 = tpu.vector_load %arg11[%get3A_1007, %get3A_1008] {strides = array<i32>} : memref<128x64xf32, #tpu.memory_space<vmem>>, vector<16xf32>,
        %mul3A_1010 = arith.mulf %get3A_1009, %gather3A_982 : vector<16xf32>
        %add3A_1011 = arith.constant 14 : i32
        %add3A_1012 = arith.addi %multiple_of3A_185, %add3A_1011 : i32
        %swap3A_1013 = arith.index_cast %add3A_1012 : i32 to index
        %swap3A_1014 = arith.constant 32 : index
        %swap3A_1015 = tpu.vector_load %arg13[%swap3A_1013, %swap3A_1014] {strides = array<i32>} : memref<128x64xf32, #tpu.memory_space<vmem>>, vector<16xf32>,
        tpu.vector_store %arg13[%swap3A_1013, %swap3A_1014], %mul3A_1010 {strides = array<i32>} : memref<128x64xf32, #tpu.memory_space<vmem>>, vector<16xf32>,
        %add3A_1016 = arith.constant 14 : i32
        %add3A_1017 = arith.addi %multiple_of3A_185, %add3A_1016 : i32
        %get3A_1018 = arith.index_cast %add3A_1017 : i32 to index
        %get3A_1019 = arith.constant 48 : index
        %get3A_1020 = tpu.vector_load %arg11[%get3A_1018, %get3A_1019] {strides = array<i32>} : memref<128x64xf32, #tpu.memory_space<vmem>>, vector<16xf32>,
        %mul3A_1021 = arith.mulf %get3A_1020, %gather3A_982 : vector<16xf32>
        %add3A_1022 = arith.constant 14 : i32
        %add3A_1023 = arith.addi %multiple_of3A_185, %add3A_1022 : i32
        %swap3A_1024 = arith.index_cast %add3A_1023 : i32 to index
        %swap3A_1025 = arith.constant 48 : index
        %swap3A_1026 = tpu.vector_load %arg13[%swap3A_1024, %swap3A_1025] {strides = array<i32>} : memref<128x64xf32, #tpu.memory_space<vmem>>, vector<16xf32>,
        tpu.vector_store %arg13[%swap3A_1024, %swap3A_1025], %mul3A_1021 {strides = array<i32>} : memref<128x64xf32, #tpu.memory_space<vmem>>, vector<16xf32>,
        %broadcast_in_dim3A_1027 = arith.constant 15 : i32
        %broadcast_in_dim3A_1028 = vector.broadcast %broadcast_in_dim3A_1027 : i32 to vector<16xi32>
        %lt3A_1029 = arith.constant 0 : i32
        %lt3A_1030 = vector.broadcast %lt3A_1029 : i32 to vector<16xi32>
        %lt3A_1031 = arith.cmpi slt, %broadcast_in_dim3A_1028, %lt3A_1030 : vector<16xi32>
        %add3A_1032 = arith.constant 16 : i32
        %add3A_1033 = vector.broadcast %add3A_1032 : i32 to vector<16xi32>
        %add3A_1034 = arith.addi %broadcast_in_dim3A_1028, %add3A_1033 : vector<16xi32>
        %select_n3A_1035 = arith.select %lt3A_1031, %add3A_1034, %broadcast_in_dim3A_1028 : vector<16xi1>, vector<16xi32>
        %broadcast_in_dim3A_1036 = vector.shape_cast %select_n3A_1035 : vector<16xi32> to vector<16x1xi32>
        %gather3A_1037 = vector.shape_cast %broadcast_in_dim3A_1036 : vector<16x1xi32> to vector<16xi32>
        %gather3A_1038 = tpu.dynamic_gather %get3A_190[%gather3A_1037] in [0] : vector<16xf32>, vector<16xi32> -> vector<16xf32>
        %add3A_1039 = arith.constant 15 : i32
        %add3A_1040 = arith.addi %multiple_of3A_185, %add3A_1039 : i32
        %get3A_1041 = arith.index_cast %add3A_1040 : i32 to index
        %get3A_1042 = arith.constant 0 : index
        %get3A_1043 = tpu.vector_load %arg11[%get3A_1041, %get3A_1042] {strides = array<i32>} : memref<128x64xf32, #tpu.memory_space<vmem>>, vector<16xf32>,
        %mul3A_1044 = arith.mulf %get3A_1043, %gather3A_1038 : vector<16xf32>
        %add3A_1045 = arith.constant 15 : i32
        %add3A_1046 = arith.addi %multiple_of3A_185, %add3A_1045 : i32
        %swap3A_1047 = arith.index_cast %add3A_1046 : i32 to index
        %swap3A_1048 = arith.constant 0 : index
        %swap3A_1049 = tpu.vector_load %arg13[%swap3A_1047, %swap3A_1048] {strides = array<i32>} : memref<128x64xf32, #tpu.memory_space<vmem>>, vector<16xf32>,
        tpu.vector_store %arg13[%swap3A_1047, %swap3A_1048], %mul3A_1044 {strides = array<i32>} : memref<128x64xf32, #tpu.memory_space<vmem>>, vector<16xf32>,
        %add3A_1050 = arith.constant 15 : i32
        %add3A_1051 = arith.addi %multiple_of3A_185, %add3A_1050 : i32
        %get3A_1052 = arith.index_cast %add3A_1051 : i32 to index
        %get3A_1053 = arith.constant 16 : index
        %get3A_1054 = tpu.vector_load %arg11[%get3A_1052, %get3A_1053] {strides = array<i32>} : memref<128x64xf32, #tpu.memory_space<vmem>>, vector<16xf32>,
        %mul3A_1055 = arith.mulf %get3A_1054, %gather3A_1038 : vector<16xf32>
        %add3A_1056 = arith.constant 15 : i32
        %add3A_1057 = arith.addi %multiple_of3A_185, %add3A_1056 : i32
        %swap3A_1058 = arith.index_cast %add3A_1057 : i32 to index
        %swap3A_1059 = arith.constant 16 : index
        %swap3A_1060 = tpu.vector_load %arg13[%swap3A_1058, %swap3A_1059] {strides = array<i32>} : memref<128x64xf32, #tpu.memory_space<vmem>>, vector<16xf32>,
        tpu.vector_store %arg13[%swap3A_1058, %swap3A_1059], %mul3A_1055 {strides = array<i32>} : memref<128x64xf32, #tpu.memory_space<vmem>>, vector<16xf32>,
        %add3A_1061 = arith.constant 15 : i32
        %add3A_1062 = arith.addi %multiple_of3A_185, %add3A_1061 : i32
        %get3A_1063 = arith.index_cast %add3A_1062 : i32 to index
        %get3A_1064 = arith.constant 32 : index
        %get3A_1065 = tpu.vector_load %arg11[%get3A_1063, %get3A_1064] {strides = array<i32>} : memref<128x64xf32, #tpu.memory_space<vmem>>, vector<16xf32>,
        %mul3A_1066 = arith.mulf %get3A_1065, %gather3A_1038 : vector<16xf32>
        %add3A_1067 = arith.constant 15 : i32
        %add3A_1068 = arith.addi %multiple_of3A_185, %add3A_1067 : i32
        %swap3A_1069 = arith.index_cast %add3A_1068 : i32 to index
        %swap3A_1070 = arith.constant 32 : index
        %swap3A_1071 = tpu.vector_load %arg13[%swap3A_1069, %swap3A_1070] {strides = array<i32>} : memref<128x64xf32, #tpu.memory_space<vmem>>, vector<16xf32>,
        tpu.vector_store %arg13[%swap3A_1069, %swap3A_1070], %mul3A_1066 {strides = array<i32>} : memref<128x64xf32, #tpu.memory_space<vmem>>, vector<16xf32>,
        %add3A_1072 = arith.constant 15 : i32
        %add3A_1073 = arith.addi %multiple_of3A_185, %add3A_1072 : i32
        %get3A_1074 = arith.index_cast %add3A_1073 : i32 to index
        %get3A_1075 = arith.constant 48 : index
        %get3A_1076 = tpu.vector_load %arg11[%get3A_1074, %get3A_1075] {strides = array<i32>} : memref<128x64xf32, #tpu.memory_space<vmem>>, vector<16xf32>,
        %mul3A_1077 = arith.mulf %get3A_1076, %gather3A_1038 : vector<16xf32>
        %add3A_1078 = arith.constant 15 : i32
        %add3A_1079 = arith.addi %multiple_of3A_185, %add3A_1078 : i32
        %swap3A_1080 = arith.index_cast %add3A_1079 : i32 to index
        %swap3A_1081 = arith.constant 48 : index
        %swap3A_1082 = tpu.vector_load %arg13[%swap3A_1080, %swap3A_1081] {strides = array<i32>} : memref<128x64xf32, #tpu.memory_space<vmem>>, vector<16xf32>,
        tpu.vector_store %arg13[%swap3A_1080, %swap3A_1081], %mul3A_1077 {strides = array<i32>} : memref<128x64xf32, #tpu.memory_space<vmem>>, vector<16xf32>,
        %scan3A_1083 = arith.constant 1 : i32
        %scan3A_1084 = arith.addi %scan3A_182, %scan3A_1083 : i32
        %mul3A_1085 = arith.constant 16 : i32
        %mul3A_1086 = arith.muli %scan3A_1084, %mul3A_1085 : i32
        %multiple_of3A_1087 = tpu.assume_multiple %mul3A_1086, 16 : i32
        %mul3A_1088 = arith.constant 128 : i32
        %mul3A_1089 = arith.muli %mul3A_121, %mul3A_1088 : i32
        %multiple_of3A_1090 = tpu.assume_multiple %mul3A_1089, 128 : i32
        %add3A_1091 = arith.addi %multiple_of3A_1090, %multiple_of3A_1087 : i32
        %get3A_1092 = arith.index_cast %add3A_1091 : i32 to index
        %get3A_1093 = tpu.vector_load %arg10[%get3A_1092] {strides = array<i32>} : memref<8448xf32, #tpu.memory_space<vmem>>, vector<16xf32>,
        %broadcast_in_dim3A_1094 = arith.constant 0 : i32
        %broadcast_in_dim3A_1095 = vector.broadcast %broadcast_in_dim3A_1094 : i32 to vector<16xi32>
        %lt3A_1096 = arith.constant 0 : i32
        %lt3A_1097 = vector.broadcast %lt3A_1096 : i32 to vector<16xi32>
        %lt3A_1098 = arith.cmpi slt, %broadcast_in_dim3A_1095, %lt3A_1097 : vector<16xi32>
        %add3A_1099 = arith.constant 16 : i32
        %add3A_1100 = vector.broadcast %add3A_1099 : i32 to vector<16xi32>
        %add3A_1101 = arith.addi %broadcast_in_dim3A_1095, %add3A_1100 : vector<16xi32>
        %select_n3A_1102 = arith.select %lt3A_1098, %add3A_1101, %broadcast_in_dim3A_1095 : vector<16xi1>, vector<16xi32>
        %broadcast_in_dim3A_1103 = vector.shape_cast %select_n3A_1102 : vector<16xi32> to vector<16x1xi32>
        %gather3A_1104 = vector.shape_cast %broadcast_in_dim3A_1103 : vector<16x1xi32> to vector<16xi32>
        %gather3A_1105 = tpu.dynamic_gather %get3A_1093[%gather3A_1104] in [0] : vector<16xf32>, vector<16xi32> -> vector<16xf32>
        %add3A_1106 = arith.constant 0 : i32
        %add3A_1107 = arith.addi %multiple_of3A_1087, %add3A_1106 : i32
        %get3A_1108 = arith.index_cast %add3A_1107 : i32 to index
        %get3A_1109 = arith.constant 0 : index
        %get3A_1110 = tpu.vector_load %arg11[%get3A_1108, %get3A_1109] {strides = array<i32>} : memref<128x64xf32, #tpu.memory_space<vmem>>, vector<16xf32>,
        %mul3A_1111 = arith.mulf %get3A_1110, %gather3A_1105 : vector<16xf32>
        %add3A_1112 = arith.constant 0 : i32
        %add3A_1113 = arith.addi %multiple_of3A_1087, %add3A_1112 : i32
        %swap3A_1114 = arith.index_cast %add3A_1113 : i32 to index
        %swap3A_1115 = arith.constant 0 : index
        %swap3A_1116 = tpu.vector_load %arg13[%swap3A_1114, %swap3A_1115] {strides = array<i32>} : memref<128x64xf32, #tpu.memory_space<vmem>>, vector<16xf32>,
        tpu.vector_store %arg13[%swap3A_1114, %swap3A_1115], %mul3A_1111 {strides = array<i32>} : memref<128x64xf32, #tpu.memory_space<vmem>>, vector<16xf32>,
        %add3A_1117 = arith.constant 0 : i32
        %add3A_1118 = arith.addi %multiple_of3A_1087, %add3A_1117 : i32
        %get3A_1119 = arith.index_cast %add3A_1118 : i32 to index
        %get3A_1120 = arith.constant 16 : index
        %get3A_1121 = tpu.vector_load %arg11[%get3A_1119, %get3A_1120] {strides = array<i32>} : memref<128x64xf32, #tpu.memory_space<vmem>>, vector<16xf32>,
        %mul3A_1122 = arith.mulf %get3A_1121, %gather3A_1105 : vector<16xf32>
        %add3A_1123 = arith.constant 0 : i32
        %add3A_1124 = arith.addi %multiple_of3A_1087, %add3A_1123 : i32
        %swap3A_1125 = arith.index_cast %add3A_1124 : i32 to index
        %swap3A_1126 = arith.constant 16 : index
        %swap3A_1127 = tpu.vector_load %arg13[%swap3A_1125, %swap3A_1126] {strides = array<i32>} : memref<128x64xf32, #tpu.memory_space<vmem>>, vector<16xf32>,
        tpu.vector_store %arg13[%swap3A_1125, %swap3A_1126], %mul3A_1122 {strides = array<i32>} : memref<128x64xf32, #tpu.memory_space<vmem>>, vector<16xf32>,
        %add3A_1128 = arith.constant 0 : i32
        %add3A_1129 = arith.addi %multiple_of3A_1087, %add3A_1128 : i32
        %get3A_1130 = arith.index_cast %add3A_1129 : i32 to index
        %get3A_1131 = arith.constant 32 : index
        %get3A_1132 = tpu.vector_load %arg11[%get3A_1130, %get3A_1131] {strides = array<i32>} : memref<128x64xf32, #tpu.memory_space<vmem>>, vector<16xf32>,
        %mul3A_1133 = arith.mulf %get3A_1132, %gather3A_1105 : vector<16xf32>
        %add3A_1134 = arith.constant 0 : i32
        %add3A_1135 = arith.addi %multiple_of3A_1087, %add3A_1134 : i32
        %swap3A_1136 = arith.index_cast %add3A_1135 : i32 to index
        %swap3A_1137 = arith.constant 32 : index
        %swap3A_1138 = tpu.vector_load %arg13[%swap3A_1136, %swap3A_1137] {strides = array<i32>} : memref<128x64xf32, #tpu.memory_space<vmem>>, vector<16xf32>,
        tpu.vector_store %arg13[%swap3A_1136, %swap3A_1137], %mul3A_1133 {strides = array<i32>} : memref<128x64xf32, #tpu.memory_space<vmem>>, vector<16xf32>,
        %add3A_1139 = arith.constant 0 : i32
        %add3A_1140 = arith.addi %multiple_of3A_1087, %add3A_1139 : i32
        %get3A_1141 = arith.index_cast %add3A_1140 : i32 to index
        %get3A_1142 = arith.constant 48 : index
        %get3A_1143 = tpu.vector_load %arg11[%get3A_1141, %get3A_1142] {strides = array<i32>} : memref<128x64xf32, #tpu.memory_space<vmem>>, vector<16xf32>,
        %mul3A_1144 = arith.mulf %get3A_1143, %gather3A_1105 : vector<16xf32>
        %add3A_1145 = arith.constant 0 : i32
        %add3A_1146 = arith.addi %multiple_of3A_1087, %add3A_1145 : i32
        %swap3A_1147 = arith.index_cast %add3A_1146 : i32 to index
        %swap3A_1148 = arith.constant 48 : index
        %swap3A_1149 = tpu.vector_load %arg13[%swap3A_1147, %swap3A_1148] {strides = array<i32>} : memref<128x64xf32, #tpu.memory_space<vmem>>, vector<16xf32>,
        tpu.vector_store %arg13[%swap3A_1147, %swap3A_1148], %mul3A_1144 {strides = array<i32>} : memref<128x64xf32, #tpu.memory_space<vmem>>, vector<16xf32>,
        %broadcast_in_dim3A_1150 = arith.constant 1 : i32
        %broadcast_in_dim3A_1151 = vector.broadcast %broadcast_in_dim3A_1150 : i32 to vector<16xi32>
        %lt3A_1152 = arith.constant 0 : i32
        %lt3A_1153 = vector.broadcast %lt3A_1152 : i32 to vector<16xi32>
        %lt3A_1154 = arith.cmpi slt, %broadcast_in_dim3A_1151, %lt3A_1153 : vector<16xi32>
        %add3A_1155 = arith.constant 16 : i32
        %add3A_1156 = vector.broadcast %add3A_1155 : i32 to vector<16xi32>
        %add3A_1157 = arith.addi %broadcast_in_dim3A_1151, %add3A_1156 : vector<16xi32>
        %select_n3A_1158 = arith.select %lt3A_1154, %add3A_1157, %broadcast_in_dim3A_1151 : vector<16xi1>, vector<16xi32>
        %broadcast_in_dim3A_1159 = vector.shape_cast %select_n3A_1158 : vector<16xi32> to vector<16x1xi32>
        %gather3A_1160 = vector.shape_cast %broadcast_in_dim3A_1159 : vector<16x1xi32> to vector<16xi32>
        %gather3A_1161 = tpu.dynamic_gather %get3A_1093[%gather3A_1160] in [0] : vector<16xf32>, vector<16xi32> -> vector<16xf32>
        %add3A_1162 = arith.constant 1 : i32
        %add3A_1163 = arith.addi %multiple_of3A_1087, %add3A_1162 : i32
        %get3A_1164 = arith.index_cast %add3A_1163 : i32 to index
        %get3A_1165 = arith.constant 0 : index
        %get3A_1166 = tpu.vector_load %arg11[%get3A_1164, %get3A_1165] {strides = array<i32>} : memref<128x64xf32, #tpu.memory_space<vmem>>, vector<16xf32>,
        %mul3A_1167 = arith.mulf %get3A_1166, %gather3A_1161 : vector<16xf32>
        %add3A_1168 = arith.constant 1 : i32
        %add3A_1169 = arith.addi %multiple_of3A_1087, %add3A_1168 : i32
        %swap3A_1170 = arith.index_cast %add3A_1169 : i32 to index
        %swap3A_1171 = arith.constant 0 : index
        %swap3A_1172 = tpu.vector_load %arg13[%swap3A_1170, %swap3A_1171] {strides = array<i32>} : memref<128x64xf32, #tpu.memory_space<vmem>>, vector<16xf32>,
        tpu.vector_store %arg13[%swap3A_1170, %swap3A_1171], %mul3A_1167 {strides = array<i32>} : memref<128x64xf32, #tpu.memory_space<vmem>>, vector<16xf32>,
        %add3A_1173 = arith.constant 1 : i32
        %add3A_1174 = arith.addi %multiple_of3A_1087, %add3A_1173 : i32
        %get3A_1175 = arith.index_cast %add3A_1174 : i32 to index
        %get3A_1176 = arith.constant 16 : index
        %get3A_1177 = tpu.vector_load %arg11[%get3A_1175, %get3A_1176] {strides = array<i32>} : memref<128x64xf32, #tpu.memory_space<vmem>>, vector<16xf32>,
        %mul3A_1178 = arith.mulf %get3A_1177, %gather3A_1161 : vector<16xf32>
        %add3A_1179 = arith.constant 1 : i32
        %add3A_1180 = arith.addi %multiple_of3A_1087, %add3A_1179 : i32
        %swap3A_1181 = arith.index_cast %add3A_1180 : i32 to index
        %swap3A_1182 = arith.constant 16 : index
        %swap3A_1183 = tpu.vector_load %arg13[%swap3A_1181, %swap3A_1182] {strides = array<i32>} : memref<128x64xf32, #tpu.memory_space<vmem>>, vector<16xf32>,
        tpu.vector_store %arg13[%swap3A_1181, %swap3A_1182], %mul3A_1178 {strides = array<i32>} : memref<128x64xf32, #tpu.memory_space<vmem>>, vector<16xf32>,
        %add3A_1184 = arith.constant 1 : i32
        %add3A_1185 = arith.addi %multiple_of3A_1087, %add3A_1184 : i32
        %get3A_1186 = arith.index_cast %add3A_1185 : i32 to index
        %get3A_1187 = arith.constant 32 : index
        %get3A_1188 = tpu.vector_load %arg11[%get3A_1186, %get3A_1187] {strides = array<i32>} : memref<128x64xf32, #tpu.memory_space<vmem>>, vector<16xf32>,
        %mul3A_1189 = arith.mulf %get3A_1188, %gather3A_1161 : vector<16xf32>
        %add3A_1190 = arith.constant 1 : i32
        %add3A_1191 = arith.addi %multiple_of3A_1087, %add3A_1190 : i32
        %swap3A_1192 = arith.index_cast %add3A_1191 : i32 to index
        %swap3A_1193 = arith.constant 32 : index
        %swap3A_1194 = tpu.vector_load %arg13[%swap3A_1192, %swap3A_1193] {strides = array<i32>} : memref<128x64xf32, #tpu.memory_space<vmem>>, vector<16xf32>,
        tpu.vector_store %arg13[%swap3A_1192, %swap3A_1193], %mul3A_1189 {strides = array<i32>} : memref<128x64xf32, #tpu.memory_space<vmem>>, vector<16xf32>,
        %add3A_1195 = arith.constant 1 : i32
        %add3A_1196 = arith.addi %multiple_of3A_1087, %add3A_1195 : i32
        %get3A_1197 = arith.index_cast %add3A_1196 : i32 to index
        %get3A_1198 = arith.constant 48 : index
        %get3A_1199 = tpu.vector_load %arg11[%get3A_1197, %get3A_1198] {strides = array<i32>} : memref<128x64xf32, #tpu.memory_space<vmem>>, vector<16xf32>,
        %mul3A_1200 = arith.mulf %get3A_1199, %gather3A_1161 : vector<16xf32>
        %add3A_1201 = arith.constant 1 : i32
        %add3A_1202 = arith.addi %multiple_of3A_1087, %add3A_1201 : i32
        %swap3A_1203 = arith.index_cast %add3A_1202 : i32 to index
        %swap3A_1204 = arith.constant 48 : index
        %swap3A_1205 = tpu.vector_load %arg13[%swap3A_1203, %swap3A_1204] {strides = array<i32>} : memref<128x64xf32, #tpu.memory_space<vmem>>, vector<16xf32>,
        tpu.vector_store %arg13[%swap3A_1203, %swap3A_1204], %mul3A_1200 {strides = array<i32>} : memref<128x64xf32, #tpu.memory_space<vmem>>, vector<16xf32>,
        %broadcast_in_dim3A_1206 = arith.constant 2 : i32
        %broadcast_in_dim3A_1207 = vector.broadcast %broadcast_in_dim3A_1206 : i32 to vector<16xi32>
        %lt3A_1208 = arith.constant 0 : i32
        %lt3A_1209 = vector.broadcast %lt3A_1208 : i32 to vector<16xi32>
        %lt3A_1210 = arith.cmpi slt, %broadcast_in_dim3A_1207, %lt3A_1209 : vector<16xi32>
        %add3A_1211 = arith.constant 16 : i32
        %add3A_1212 = vector.broadcast %add3A_1211 : i32 to vector<16xi32>
        %add3A_1213 = arith.addi %broadcast_in_dim3A_1207, %add3A_1212 : vector<16xi32>
        %select_n3A_1214 = arith.select %lt3A_1210, %add3A_1213, %broadcast_in_dim3A_1207 : vector<16xi1>, vector<16xi32>
        %broadcast_in_dim3A_1215 = vector.shape_cast %select_n3A_1214 : vector<16xi32> to vector<16x1xi32>
        %gather3A_1216 = vector.shape_cast %broadcast_in_dim3A_1215 : vector<16x1xi32> to vector<16xi32>
        %gather3A_1217 = tpu.dynamic_gather %get3A_1093[%gather3A_1216] in [0] : vector<16xf32>, vector<16xi32> -> vector<16xf32>
        %add3A_1218 = arith.constant 2 : i32
        %add3A_1219 = arith.addi %multiple_of3A_1087, %add3A_1218 : i32
        %get3A_1220 = arith.index_cast %add3A_1219 : i32 to index
        %get3A_1221 = arith.constant 0 : index
        %get3A_1222 = tpu.vector_load %arg11[%get3A_1220, %get3A_1221] {strides = array<i32>} : memref<128x64xf32, #tpu.memory_space<vmem>>, vector<16xf32>,
        %mul3A_1223 = arith.mulf %get3A_1222, %gather3A_1217 : vector<16xf32>
        %add3A_1224 = arith.constant 2 : i32
        %add3A_1225 = arith.addi %multiple_of3A_1087, %add3A_1224 : i32
        %swap3A_1226 = arith.index_cast %add3A_1225 : i32 to index
        %swap3A_1227 = arith.constant 0 : index
        %swap3A_1228 = tpu.vector_load %arg13[%swap3A_1226, %swap3A_1227] {strides = array<i32>} : memref<128x64xf32, #tpu.memory_space<vmem>>, vector<16xf32>,
        tpu.vector_store %arg13[%swap3A_1226, %swap3A_1227], %mul3A_1223 {strides = array<i32>} : memref<128x64xf32, #tpu.memory_space<vmem>>, vector<16xf32>,
        %add3A_1229 = arith.constant 2 : i32
        %add3A_1230 = arith.addi %multiple_of3A_1087, %add3A_1229 : i32
        %get3A_1231 = arith.index_cast %add3A_1230 : i32 to index
        %get3A_1232 = arith.constant 16 : index
        %get3A_1233 = tpu.vector_load %arg11[%get3A_1231, %get3A_1232] {strides = array<i32>} : memref<128x64xf32, #tpu.memory_space<vmem>>, vector<16xf32>,
        %mul3A_1234 = arith.mulf %get3A_1233, %gather3A_1217 : vector<16xf32>
        %add3A_1235 = arith.constant 2 : i32
        %add3A_1236 = arith.addi %multiple_of3A_1087, %add3A_1235 : i32
        %swap3A_1237 = arith.index_cast %add3A_1236 : i32 to index
        %swap3A_1238 = arith.constant 16 : index
        %swap3A_1239 = tpu.vector_load %arg13[%swap3A_1237, %swap3A_1238] {strides = array<i32>} : memref<128x64xf32, #tpu.memory_space<vmem>>, vector<16xf32>,
        tpu.vector_store %arg13[%swap3A_1237, %swap3A_1238], %mul3A_1234 {strides = array<i32>} : memref<128x64xf32, #tpu.memory_space<vmem>>, vector<16xf32>,
        %add3A_1240 = arith.constant 2 : i32
        %add3A_1241 = arith.addi %multiple_of3A_1087, %add3A_1240 : i32
        %get3A_1242 = arith.index_cast %add3A_1241 : i32 to index
        %get3A_1243 = arith.constant 32 : index
        %get3A_1244 = tpu.vector_load %arg11[%get3A_1242, %get3A_1243] {strides = array<i32>} : memref<128x64xf32, #tpu.memory_space<vmem>>, vector<16xf32>,
        %mul3A_1245 = arith.mulf %get3A_1244, %gather3A_1217 : vector<16xf32>
        %add3A_1246 = arith.constant 2 : i32
        %add3A_1247 = arith.addi %multiple_of3A_1087, %add3A_1246 : i32
        %swap3A_1248 = arith.index_cast %add3A_1247 : i32 to index
        %swap3A_1249 = arith.constant 32 : index
        %swap3A_1250 = tpu.vector_load %arg13[%swap3A_1248, %swap3A_1249] {strides = array<i32>} : memref<128x64xf32, #tpu.memory_space<vmem>>, vector<16xf32>,
        tpu.vector_store %arg13[%swap3A_1248, %swap3A_1249], %mul3A_1245 {strides = array<i32>} : memref<128x64xf32, #tpu.memory_space<vmem>>, vector<16xf32>,
        %add3A_1251 = arith.constant 2 : i32
        %add3A_1252 = arith.addi %multiple_of3A_1087, %add3A_1251 : i32
        %get3A_1253 = arith.index_cast %add3A_1252 : i32 to index
        %get3A_1254 = arith.constant 48 : index
        %get3A_1255 = tpu.vector_load %arg11[%get3A_1253, %get3A_1254] {strides = array<i32>} : memref<128x64xf32, #tpu.memory_space<vmem>>, vector<16xf32>,
        %mul3A_1256 = arith.mulf %get3A_1255, %gather3A_1217 : vector<16xf32>
        %add3A_1257 = arith.constant 2 : i32
        %add3A_1258 = arith.addi %multiple_of3A_1087, %add3A_1257 : i32
        %swap3A_1259 = arith.index_cast %add3A_1258 : i32 to index
        %swap3A_1260 = arith.constant 48 : index
        %swap3A_1261 = tpu.vector_load %arg13[%swap3A_1259, %swap3A_1260] {strides = array<i32>} : memref<128x64xf32, #tpu.memory_space<vmem>>, vector<16xf32>,
        tpu.vector_store %arg13[%swap3A_1259, %swap3A_1260], %mul3A_1256 {strides = array<i32>} : memref<128x64xf32, #tpu.memory_space<vmem>>, vector<16xf32>,
        %broadcast_in_dim3A_1262 = arith.constant 3 : i32
        %broadcast_in_dim3A_1263 = vector.broadcast %broadcast_in_dim3A_1262 : i32 to vector<16xi32>
        %lt3A_1264 = arith.constant 0 : i32
        %lt3A_1265 = vector.broadcast %lt3A_1264 : i32 to vector<16xi32>
        %lt3A_1266 = arith.cmpi slt, %broadcast_in_dim3A_1263, %lt3A_1265 : vector<16xi32>
        %add3A_1267 = arith.constant 16 : i32
        %add3A_1268 = vector.broadcast %add3A_1267 : i32 to vector<16xi32>
        %add3A_1269 = arith.addi %broadcast_in_dim3A_1263, %add3A_1268 : vector<16xi32>
        %select_n3A_1270 = arith.select %lt3A_1266, %add3A_1269, %broadcast_in_dim3A_1263 : vector<16xi1>, vector<16xi32>
        %broadcast_in_dim3A_1271 = vector.shape_cast %select_n3A_1270 : vector<16xi32> to vector<16x1xi32>
        %gather3A_1272 = vector.shape_cast %broadcast_in_dim3A_1271 : vector<16x1xi32> to vector<16xi32>
        %gather3A_1273 = tpu.dynamic_gather %get3A_1093[%gather3A_1272] in [0] : vector<16xf32>, vector<16xi32> -> vector<16xf32>
        %add3A_1274 = arith.constant 3 : i32
        %add3A_1275 = arith.addi %multiple_of3A_1087, %add3A_1274 : i32
        %get3A_1276 = arith.index_cast %add3A_1275 : i32 to index
        %get3A_1277 = arith.constant 0 : index
        %get3A_1278 = tpu.vector_load %arg11[%get3A_1276, %get3A_1277] {strides = array<i32>} : memref<128x64xf32, #tpu.memory_space<vmem>>, vector<16xf32>,
        %mul3A_1279 = arith.mulf %get3A_1278, %gather3A_1273 : vector<16xf32>
        %add3A_1280 = arith.constant 3 : i32
        %add3A_1281 = arith.addi %multiple_of3A_1087, %add3A_1280 : i32
        %swap3A_1282 = arith.index_cast %add3A_1281 : i32 to index
        %swap3A_1283 = arith.constant 0 : index
        %swap3A_1284 = tpu.vector_load %arg13[%swap3A_1282, %swap3A_1283] {strides = array<i32>} : memref<128x64xf32, #tpu.memory_space<vmem>>, vector<16xf32>,
        tpu.vector_store %arg13[%swap3A_1282, %swap3A_1283], %mul3A_1279 {strides = array<i32>} : memref<128x64xf32, #tpu.memory_space<vmem>>, vector<16xf32>,
        %add3A_1285 = arith.constant 3 : i32
        %add3A_1286 = arith.addi %multiple_of3A_1087, %add3A_1285 : i32
        %get3A_1287 = arith.index_cast %add3A_1286 : i32 to index
        %get3A_1288 = arith.constant 16 : index
        %get3A_1289 = tpu.vector_load %arg11[%get3A_1287, %get3A_1288] {strides = array<i32>} : memref<128x64xf32, #tpu.memory_space<vmem>>, vector<16xf32>,
        %mul3A_1290 = arith.mulf %get3A_1289, %gather3A_1273 : vector<16xf32>
        %add3A_1291 = arith.constant 3 : i32
        %add3A_1292 = arith.addi %multiple_of3A_1087, %add3A_1291 : i32
        %swap3A_1293 = arith.index_cast %add3A_1292 : i32 to index
        %swap3A_1294 = arith.constant 16 : index
        %swap3A_1295 = tpu.vector_load %arg13[%swap3A_1293, %swap3A_1294] {strides = array<i32>} : memref<128x64xf32, #tpu.memory_space<vmem>>, vector<16xf32>,
        tpu.vector_store %arg13[%swap3A_1293, %swap3A_1294], %mul3A_1290 {strides = array<i32>} : memref<128x64xf32, #tpu.memory_space<vmem>>, vector<16xf32>,
        %add3A_1296 = arith.constant 3 : i32
        %add3A_1297 = arith.addi %multiple_of3A_1087, %add3A_1296 : i32
        %get3A_1298 = arith.index_cast %add3A_1297 : i32 to index
        %get3A_1299 = arith.constant 32 : index
        %get3A_1300 = tpu.vector_load %arg11[%get3A_1298, %get3A_1299] {strides = array<i32>} : memref<128x64xf32, #tpu.memory_space<vmem>>, vector<16xf32>,
        %mul3A_1301 = arith.mulf %get3A_1300, %gather3A_1273 : vector<16xf32>
        %add3A_1302 = arith.constant 3 : i32
        %add3A_1303 = arith.addi %multiple_of3A_1087, %add3A_1302 : i32
        %swap3A_1304 = arith.index_cast %add3A_1303 : i32 to index
        %swap3A_1305 = arith.constant 32 : index
        %swap3A_1306 = tpu.vector_load %arg13[%swap3A_1304, %swap3A_1305] {strides = array<i32>} : memref<128x64xf32, #tpu.memory_space<vmem>>, vector<16xf32>,
        tpu.vector_store %arg13[%swap3A_1304, %swap3A_1305], %mul3A_1301 {strides = array<i32>} : memref<128x64xf32, #tpu.memory_space<vmem>>, vector<16xf32>,
        %add3A_1307 = arith.constant 3 : i32
        %add3A_1308 = arith.addi %multiple_of3A_1087, %add3A_1307 : i32
        %get3A_1309 = arith.index_cast %add3A_1308 : i32 to index
        %get3A_1310 = arith.constant 48 : index
        %get3A_1311 = tpu.vector_load %arg11[%get3A_1309, %get3A_1310] {strides = array<i32>} : memref<128x64xf32, #tpu.memory_space<vmem>>, vector<16xf32>,
        %mul3A_1312 = arith.mulf %get3A_1311, %gather3A_1273 : vector<16xf32>
        %add3A_1313 = arith.constant 3 : i32
        %add3A_1314 = arith.addi %multiple_of3A_1087, %add3A_1313 : i32
        %swap3A_1315 = arith.index_cast %add3A_1314 : i32 to index
        %swap3A_1316 = arith.constant 48 : index
        %swap3A_1317 = tpu.vector_load %arg13[%swap3A_1315, %swap3A_1316] {strides = array<i32>} : memref<128x64xf32, #tpu.memory_space<vmem>>, vector<16xf32>,
        tpu.vector_store %arg13[%swap3A_1315, %swap3A_1316], %mul3A_1312 {strides = array<i32>} : memref<128x64xf32, #tpu.memory_space<vmem>>, vector<16xf32>,
        %broadcast_in_dim3A_1318 = arith.constant 4 : i32
        %broadcast_in_dim3A_1319 = vector.broadcast %broadcast_in_dim3A_1318 : i32 to vector<16xi32>
        %lt3A_1320 = arith.constant 0 : i32
        %lt3A_1321 = vector.broadcast %lt3A_1320 : i32 to vector<16xi32>
        %lt3A_1322 = arith.cmpi slt, %broadcast_in_dim3A_1319, %lt3A_1321 : vector<16xi32>
        %add3A_1323 = arith.constant 16 : i32
        %add3A_1324 = vector.broadcast %add3A_1323 : i32 to vector<16xi32>
        %add3A_1325 = arith.addi %broadcast_in_dim3A_1319, %add3A_1324 : vector<16xi32>
        %select_n3A_1326 = arith.select %lt3A_1322, %add3A_1325, %broadcast_in_dim3A_1319 : vector<16xi1>, vector<16xi32>
        %broadcast_in_dim3A_1327 = vector.shape_cast %select_n3A_1326 : vector<16xi32> to vector<16x1xi32>
        %gather3A_1328 = vector.shape_cast %broadcast_in_dim3A_1327 : vector<16x1xi32> to vector<16xi32>
        %gather3A_1329 = tpu.dynamic_gather %get3A_1093[%gather3A_1328] in [0] : vector<16xf32>, vector<16xi32> -> vector<16xf32>
        %add3A_1330 = arith.constant 4 : i32
        %add3A_1331 = arith.addi %multiple_of3A_1087, %add3A_1330 : i32
        %get3A_1332 = arith.index_cast %add3A_1331 : i32 to index
        %get3A_1333 = arith.constant 0 : index
        %get3A_1334 = tpu.vector_load %arg11[%get3A_1332, %get3A_1333] {strides = array<i32>} : memref<128x64xf32, #tpu.memory_space<vmem>>, vector<16xf32>,
        %mul3A_1335 = arith.mulf %get3A_1334, %gather3A_1329 : vector<16xf32>
        %add3A_1336 = arith.constant 4 : i32
        %add3A_1337 = arith.addi %multiple_of3A_1087, %add3A_1336 : i32
        %swap3A_1338 = arith.index_cast %add3A_1337 : i32 to index
        %swap3A_1339 = arith.constant 0 : index
        %swap3A_1340 = tpu.vector_load %arg13[%swap3A_1338, %swap3A_1339] {strides = array<i32>} : memref<128x64xf32, #tpu.memory_space<vmem>>, vector<16xf32>,
        tpu.vector_store %arg13[%swap3A_1338, %swap3A_1339], %mul3A_1335 {strides = array<i32>} : memref<128x64xf32, #tpu.memory_space<vmem>>, vector<16xf32>,
        %add3A_1341 = arith.constant 4 : i32
        %add3A_1342 = arith.addi %multiple_of3A_1087, %add3A_1341 : i32
        %get3A_1343 = arith.index_cast %add3A_1342 : i32 to index
        %get3A_1344 = arith.constant 16 : index
        %get3A_1345 = tpu.vector_load %arg11[%get3A_1343, %get3A_1344] {strides = array<i32>} : memref<128x64xf32, #tpu.memory_space<vmem>>, vector<16xf32>,
        %mul3A_1346 = arith.mulf %get3A_1345, %gather3A_1329 : vector<16xf32>
        %add3A_1347 = arith.constant 4 : i32
        %add3A_1348 = arith.addi %multiple_of3A_1087, %add3A_1347 : i32
        %swap3A_1349 = arith.index_cast %add3A_1348 : i32 to index
        %swap3A_1350 = arith.constant 16 : index
        %swap3A_1351 = tpu.vector_load %arg13[%swap3A_1349, %swap3A_1350] {strides = array<i32>} : memref<128x64xf32, #tpu.memory_space<vmem>>, vector<16xf32>,
        tpu.vector_store %arg13[%swap3A_1349, %swap3A_1350], %mul3A_1346 {strides = array<i32>} : memref<128x64xf32, #tpu.memory_space<vmem>>, vector<16xf32>,
        %add3A_1352 = arith.constant 4 : i32
        %add3A_1353 = arith.addi %multiple_of3A_1087, %add3A_1352 : i32
        %get3A_1354 = arith.index_cast %add3A_1353 : i32 to index
        %get3A_1355 = arith.constant 32 : index
        %get3A_1356 = tpu.vector_load %arg11[%get3A_1354, %get3A_1355] {strides = array<i32>} : memref<128x64xf32, #tpu.memory_space<vmem>>, vector<16xf32>,
        %mul3A_1357 = arith.mulf %get3A_1356, %gather3A_1329 : vector<16xf32>
        %add3A_1358 = arith.constant 4 : i32
        %add3A_1359 = arith.addi %multiple_of3A_1087, %add3A_1358 : i32
        %swap3A_1360 = arith.index_cast %add3A_1359 : i32 to index
        %swap3A_1361 = arith.constant 32 : index
        %swap3A_1362 = tpu.vector_load %arg13[%swap3A_1360, %swap3A_1361] {strides = array<i32>} : memref<128x64xf32, #tpu.memory_space<vmem>>, vector<16xf32>,
        tpu.vector_store %arg13[%swap3A_1360, %swap3A_1361], %mul3A_1357 {strides = array<i32>} : memref<128x64xf32, #tpu.memory_space<vmem>>, vector<16xf32>,
        %add3A_1363 = arith.constant 4 : i32
        %add3A_1364 = arith.addi %multiple_of3A_1087, %add3A_1363 : i32
        %get3A_1365 = arith.index_cast %add3A_1364 : i32 to index
        %get3A_1366 = arith.constant 48 : index
        %get3A_1367 = tpu.vector_load %arg11[%get3A_1365, %get3A_1366] {strides = array<i32>} : memref<128x64xf32, #tpu.memory_space<vmem>>, vector<16xf32>,
        %mul3A_1368 = arith.mulf %get3A_1367, %gather3A_1329 : vector<16xf32>
        %add3A_1369 = arith.constant 4 : i32
        %add3A_1370 = arith.addi %multiple_of3A_1087, %add3A_1369 : i32
        %swap3A_1371 = arith.index_cast %add3A_1370 : i32 to index
        %swap3A_1372 = arith.constant 48 : index
        %swap3A_1373 = tpu.vector_load %arg13[%swap3A_1371, %swap3A_1372] {strides = array<i32>} : memref<128x64xf32, #tpu.memory_space<vmem>>, vector<16xf32>,
        tpu.vector_store %arg13[%swap3A_1371, %swap3A_1372], %mul3A_1368 {strides = array<i32>} : memref<128x64xf32, #tpu.memory_space<vmem>>, vector<16xf32>,
        %broadcast_in_dim3A_1374 = arith.constant 5 : i32
        %broadcast_in_dim3A_1375 = vector.broadcast %broadcast_in_dim3A_1374 : i32 to vector<16xi32>
        %lt3A_1376 = arith.constant 0 : i32
        %lt3A_1377 = vector.broadcast %lt3A_1376 : i32 to vector<16xi32>
        %lt3A_1378 = arith.cmpi slt, %broadcast_in_dim3A_1375, %lt3A_1377 : vector<16xi32>
        %add3A_1379 = arith.constant 16 : i32
        %add3A_1380 = vector.broadcast %add3A_1379 : i32 to vector<16xi32>
        %add3A_1381 = arith.addi %broadcast_in_dim3A_1375, %add3A_1380 : vector<16xi32>
        %select_n3A_1382 = arith.select %lt3A_1378, %add3A_1381, %broadcast_in_dim3A_1375 : vector<16xi1>, vector<16xi32>
        %broadcast_in_dim3A_1383 = vector.shape_cast %select_n3A_1382 : vector<16xi32> to vector<16x1xi32>
        %gather3A_1384 = vector.shape_cast %broadcast_in_dim3A_1383 : vector<16x1xi32> to vector<16xi32>
        %gather3A_1385 = tpu.dynamic_gather %get3A_1093[%gather3A_1384] in [0] : vector<16xf32>, vector<16xi32> -> vector<16xf32>
        %add3A_1386 = arith.constant 5 : i32
        %add3A_1387 = arith.addi %multiple_of3A_1087, %add3A_1386 : i32
        %get3A_1388 = arith.index_cast %add3A_1387 : i32 to index
        %get3A_1389 = arith.constant 0 : index
        %get3A_1390 = tpu.vector_load %arg11[%get3A_1388, %get3A_1389] {strides = array<i32>} : memref<128x64xf32, #tpu.memory_space<vmem>>, vector<16xf32>,
        %mul3A_1391 = arith.mulf %get3A_1390, %gather3A_1385 : vector<16xf32>
        %add3A_1392 = arith.constant 5 : i32
        %add3A_1393 = arith.addi %multiple_of3A_1087, %add3A_1392 : i32
        %swap3A_1394 = arith.index_cast %add3A_1393 : i32 to index
        %swap3A_1395 = arith.constant 0 : index
        %swap3A_1396 = tpu.vector_load %arg13[%swap3A_1394, %swap3A_1395] {strides = array<i32>} : memref<128x64xf32, #tpu.memory_space<vmem>>, vector<16xf32>,
        tpu.vector_store %arg13[%swap3A_1394, %swap3A_1395], %mul3A_1391 {strides = array<i32>} : memref<128x64xf32, #tpu.memory_space<vmem>>, vector<16xf32>,
        %add3A_1397 = arith.constant 5 : i32
        %add3A_1398 = arith.addi %multiple_of3A_1087, %add3A_1397 : i32
        %get3A_1399 = arith.index_cast %add3A_1398 : i32 to index
        %get3A_1400 = arith.constant 16 : index
        %get3A_1401 = tpu.vector_load %arg11[%get3A_1399, %get3A_1400] {strides = array<i32>} : memref<128x64xf32, #tpu.memory_space<vmem>>, vector<16xf32>,
        %mul3A_1402 = arith.mulf %get3A_1401, %gather3A_1385 : vector<16xf32>
        %add3A_1403 = arith.constant 5 : i32
        %add3A_1404 = arith.addi %multiple_of3A_1087, %add3A_1403 : i32
        %swap3A_1405 = arith.index_cast %add3A_1404 : i32 to index
        %swap3A_1406 = arith.constant 16 : index
        %swap3A_1407 = tpu.vector_load %arg13[%swap3A_1405, %swap3A_1406] {strides = array<i32>} : memref<128x64xf32, #tpu.memory_space<vmem>>, vector<16xf32>,
        tpu.vector_store %arg13[%swap3A_1405, %swap3A_1406], %mul3A_1402 {strides = array<i32>} : memref<128x64xf32, #tpu.memory_space<vmem>>, vector<16xf32>,
        %add3A_1408 = arith.constant 5 : i32
        %add3A_1409 = arith.addi %multiple_of3A_1087, %add3A_1408 : i32
        %get3A_1410 = arith.index_cast %add3A_1409 : i32 to index
        %get3A_1411 = arith.constant 32 : index
        %get3A_1412 = tpu.vector_load %arg11[%get3A_1410, %get3A_1411] {strides = array<i32>} : memref<128x64xf32, #tpu.memory_space<vmem>>, vector<16xf32>,
        %mul3A_1413 = arith.mulf %get3A_1412, %gather3A_1385 : vector<16xf32>
        %add3A_1414 = arith.constant 5 : i32
        %add3A_1415 = arith.addi %multiple_of3A_1087, %add3A_1414 : i32
        %swap3A_1416 = arith.index_cast %add3A_1415 : i32 to index
        %swap3A_1417 = arith.constant 32 : index
        %swap3A_1418 = tpu.vector_load %arg13[%swap3A_1416, %swap3A_1417] {strides = array<i32>} : memref<128x64xf32, #tpu.memory_space<vmem>>, vector<16xf32>,
        tpu.vector_store %arg13[%swap3A_1416, %swap3A_1417], %mul3A_1413 {strides = array<i32>} : memref<128x64xf32, #tpu.memory_space<vmem>>, vector<16xf32>,
        %add3A_1419 = arith.constant 5 : i32
        %add3A_1420 = arith.addi %multiple_of3A_1087, %add3A_1419 : i32
        %get3A_1421 = arith.index_cast %add3A_1420 : i32 to index
        %get3A_1422 = arith.constant 48 : index
        %get3A_1423 = tpu.vector_load %arg11[%get3A_1421, %get3A_1422] {strides = array<i32>} : memref<128x64xf32, #tpu.memory_space<vmem>>, vector<16xf32>,
        %mul3A_1424 = arith.mulf %get3A_1423, %gather3A_1385 : vector<16xf32>
        %add3A_1425 = arith.constant 5 : i32
        %add3A_1426 = arith.addi %multiple_of3A_1087, %add3A_1425 : i32
        %swap3A_1427 = arith.index_cast %add3A_1426 : i32 to index
        %swap3A_1428 = arith.constant 48 : index
        %swap3A_1429 = tpu.vector_load %arg13[%swap3A_1427, %swap3A_1428] {strides = array<i32>} : memref<128x64xf32, #tpu.memory_space<vmem>>, vector<16xf32>,
        tpu.vector_store %arg13[%swap3A_1427, %swap3A_1428], %mul3A_1424 {strides = array<i32>} : memref<128x64xf32, #tpu.memory_space<vmem>>, vector<16xf32>,
        %broadcast_in_dim3A_1430 = arith.constant 6 : i32
        %broadcast_in_dim3A_1431 = vector.broadcast %broadcast_in_dim3A_1430 : i32 to vector<16xi32>
        %lt3A_1432 = arith.constant 0 : i32
        %lt3A_1433 = vector.broadcast %lt3A_1432 : i32 to vector<16xi32>
        %lt3A_1434 = arith.cmpi slt, %broadcast_in_dim3A_1431, %lt3A_1433 : vector<16xi32>
        %add3A_1435 = arith.constant 16 : i32
        %add3A_1436 = vector.broadcast %add3A_1435 : i32 to vector<16xi32>
        %add3A_1437 = arith.addi %broadcast_in_dim3A_1431, %add3A_1436 : vector<16xi32>
        %select_n3A_1438 = arith.select %lt3A_1434, %add3A_1437, %broadcast_in_dim3A_1431 : vector<16xi1>, vector<16xi32>
        %broadcast_in_dim3A_1439 = vector.shape_cast %select_n3A_1438 : vector<16xi32> to vector<16x1xi32>
        %gather3A_1440 = vector.shape_cast %broadcast_in_dim3A_1439 : vector<16x1xi32> to vector<16xi32>
        %gather3A_1441 = tpu.dynamic_gather %get3A_1093[%gather3A_1440] in [0] : vector<16xf32>, vector<16xi32> -> vector<16xf32>
        %add3A_1442 = arith.constant 6 : i32
        %add3A_1443 = arith.addi %multiple_of3A_1087, %add3A_1442 : i32
        %get3A_1444 = arith.index_cast %add3A_1443 : i32 to index
        %get3A_1445 = arith.constant 0 : index
        %get3A_1446 = tpu.vector_load %arg11[%get3A_1444, %get3A_1445] {strides = array<i32>} : memref<128x64xf32, #tpu.memory_space<vmem>>, vector<16xf32>,
        %mul3A_1447 = arith.mulf %get3A_1446, %gather3A_1441 : vector<16xf32>
        %add3A_1448 = arith.constant 6 : i32
        %add3A_1449 = arith.addi %multiple_of3A_1087, %add3A_1448 : i32
        %swap3A_1450 = arith.index_cast %add3A_1449 : i32 to index
        %swap3A_1451 = arith.constant 0 : index
        %swap3A_1452 = tpu.vector_load %arg13[%swap3A_1450, %swap3A_1451] {strides = array<i32>} : memref<128x64xf32, #tpu.memory_space<vmem>>, vector<16xf32>,
        tpu.vector_store %arg13[%swap3A_1450, %swap3A_1451], %mul3A_1447 {strides = array<i32>} : memref<128x64xf32, #tpu.memory_space<vmem>>, vector<16xf32>,
        %add3A_1453 = arith.constant 6 : i32
        %add3A_1454 = arith.addi %multiple_of3A_1087, %add3A_1453 : i32
        %get3A_1455 = arith.index_cast %add3A_1454 : i32 to index
        %get3A_1456 = arith.constant 16 : index
        %get3A_1457 = tpu.vector_load %arg11[%get3A_1455, %get3A_1456] {strides = array<i32>} : memref<128x64xf32, #tpu.memory_space<vmem>>, vector<16xf32>,
        %mul3A_1458 = arith.mulf %get3A_1457, %gather3A_1441 : vector<16xf32>
        %add3A_1459 = arith.constant 6 : i32
        %add3A_1460 = arith.addi %multiple_of3A_1087, %add3A_1459 : i32
        %swap3A_1461 = arith.index_cast %add3A_1460 : i32 to index
        %swap3A_1462 = arith.constant 16 : index
        %swap3A_1463 = tpu.vector_load %arg13[%swap3A_1461, %swap3A_1462] {strides = array<i32>} : memref<128x64xf32, #tpu.memory_space<vmem>>, vector<16xf32>,
        tpu.vector_store %arg13[%swap3A_1461, %swap3A_1462], %mul3A_1458 {strides = array<i32>} : memref<128x64xf32, #tpu.memory_space<vmem>>, vector<16xf32>,
        %add3A_1464 = arith.constant 6 : i32
        %add3A_1465 = arith.addi %multiple_of3A_1087, %add3A_1464 : i32
        %get3A_1466 = arith.index_cast %add3A_1465 : i32 to index
        %get3A_1467 = arith.constant 32 : index
        %get3A_1468 = tpu.vector_load %arg11[%get3A_1466, %get3A_1467] {strides = array<i32>} : memref<128x64xf32, #tpu.memory_space<vmem>>, vector<16xf32>,
        %mul3A_1469 = arith.mulf %get3A_1468, %gather3A_1441 : vector<16xf32>
        %add3A_1470 = arith.constant 6 : i32
        %add3A_1471 = arith.addi %multiple_of3A_1087, %add3A_1470 : i32
        %swap3A_1472 = arith.index_cast %add3A_1471 : i32 to index
        %swap3A_1473 = arith.constant 32 : index
        %swap3A_1474 = tpu.vector_load %arg13[%swap3A_1472, %swap3A_1473] {strides = array<i32>} : memref<128x64xf32, #tpu.memory_space<vmem>>, vector<16xf32>,
        tpu.vector_store %arg13[%swap3A_1472, %swap3A_1473], %mul3A_1469 {strides = array<i32>} : memref<128x64xf32, #tpu.memory_space<vmem>>, vector<16xf32>,
        %add3A_1475 = arith.constant 6 : i32
        %add3A_1476 = arith.addi %multiple_of3A_1087, %add3A_1475 : i32
        %get3A_1477 = arith.index_cast %add3A_1476 : i32 to index
        %get3A_1478 = arith.constant 48 : index
        %get3A_1479 = tpu.vector_load %arg11[%get3A_1477, %get3A_1478] {strides = array<i32>} : memref<128x64xf32, #tpu.memory_space<vmem>>, vector<16xf32>,
        %mul3A_1480 = arith.mulf %get3A_1479, %gather3A_1441 : vector<16xf32>
        %add3A_1481 = arith.constant 6 : i32
        %add3A_1482 = arith.addi %multiple_of3A_1087, %add3A_1481 : i32
        %swap3A_1483 = arith.index_cast %add3A_1482 : i32 to index
        %swap3A_1484 = arith.constant 48 : index
        %swap3A_1485 = tpu.vector_load %arg13[%swap3A_1483, %swap3A_1484] {strides = array<i32>} : memref<128x64xf32, #tpu.memory_space<vmem>>, vector<16xf32>,
        tpu.vector_store %arg13[%swap3A_1483, %swap3A_1484], %mul3A_1480 {strides = array<i32>} : memref<128x64xf32, #tpu.memory_space<vmem>>, vector<16xf32>,
        %broadcast_in_dim3A_1486 = arith.constant 7 : i32
        %broadcast_in_dim3A_1487 = vector.broadcast %broadcast_in_dim3A_1486 : i32 to vector<16xi32>
        %lt3A_1488 = arith.constant 0 : i32
        %lt3A_1489 = vector.broadcast %lt3A_1488 : i32 to vector<16xi32>
        %lt3A_1490 = arith.cmpi slt, %broadcast_in_dim3A_1487, %lt3A_1489 : vector<16xi32>
        %add3A_1491 = arith.constant 16 : i32
        %add3A_1492 = vector.broadcast %add3A_1491 : i32 to vector<16xi32>
        %add3A_1493 = arith.addi %broadcast_in_dim3A_1487, %add3A_1492 : vector<16xi32>
        %select_n3A_1494 = arith.select %lt3A_1490, %add3A_1493, %broadcast_in_dim3A_1487 : vector<16xi1>, vector<16xi32>
        %broadcast_in_dim3A_1495 = vector.shape_cast %select_n3A_1494 : vector<16xi32> to vector<16x1xi32>
        %gather3A_1496 = vector.shape_cast %broadcast_in_dim3A_1495 : vector<16x1xi32> to vector<16xi32>
        %gather3A_1497 = tpu.dynamic_gather %get3A_1093[%gather3A_1496] in [0] : vector<16xf32>, vector<16xi32> -> vector<16xf32>
        %add3A_1498 = arith.constant 7 : i32
        %add3A_1499 = arith.addi %multiple_of3A_1087, %add3A_1498 : i32
        %get3A_1500 = arith.index_cast %add3A_1499 : i32 to index
        %get3A_1501 = arith.constant 0 : index
        %get3A_1502 = tpu.vector_load %arg11[%get3A_1500, %get3A_1501] {strides = array<i32>} : memref<128x64xf32, #tpu.memory_space<vmem>>, vector<16xf32>,
        %mul3A_1503 = arith.mulf %get3A_1502, %gather3A_1497 : vector<16xf32>
        %add3A_1504 = arith.constant 7 : i32
        %add3A_1505 = arith.addi %multiple_of3A_1087, %add3A_1504 : i32
        %swap3A_1506 = arith.index_cast %add3A_1505 : i32 to index
        %swap3A_1507 = arith.constant 0 : index
        %swap3A_1508 = tpu.vector_load %arg13[%swap3A_1506, %swap3A_1507] {strides = array<i32>} : memref<128x64xf32, #tpu.memory_space<vmem>>, vector<16xf32>,
        tpu.vector_store %arg13[%swap3A_1506, %swap3A_1507], %mul3A_1503 {strides = array<i32>} : memref<128x64xf32, #tpu.memory_space<vmem>>, vector<16xf32>,
        %add3A_1509 = arith.constant 7 : i32
        %add3A_1510 = arith.addi %multiple_of3A_1087, %add3A_1509 : i32
        %get3A_1511 = arith.index_cast %add3A_1510 : i32 to index
        %get3A_1512 = arith.constant 16 : index
        %get3A_1513 = tpu.vector_load %arg11[%get3A_1511, %get3A_1512] {strides = array<i32>} : memref<128x64xf32, #tpu.memory_space<vmem>>, vector<16xf32>,
        %mul3A_1514 = arith.mulf %get3A_1513, %gather3A_1497 : vector<16xf32>
        %add3A_1515 = arith.constant 7 : i32
        %add3A_1516 = arith.addi %multiple_of3A_1087, %add3A_1515 : i32
        %swap3A_1517 = arith.index_cast %add3A_1516 : i32 to index
        %swap3A_1518 = arith.constant 16 : index
        %swap3A_1519 = tpu.vector_load %arg13[%swap3A_1517, %swap3A_1518] {strides = array<i32>} : memref<128x64xf32, #tpu.memory_space<vmem>>, vector<16xf32>,
        tpu.vector_store %arg13[%swap3A_1517, %swap3A_1518], %mul3A_1514 {strides = array<i32>} : memref<128x64xf32, #tpu.memory_space<vmem>>, vector<16xf32>,
        %add3A_1520 = arith.constant 7 : i32
        %add3A_1521 = arith.addi %multiple_of3A_1087, %add3A_1520 : i32
        %get3A_1522 = arith.index_cast %add3A_1521 : i32 to index
        %get3A_1523 = arith.constant 32 : index
        %get3A_1524 = tpu.vector_load %arg11[%get3A_1522, %get3A_1523] {strides = array<i32>} : memref<128x64xf32, #tpu.memory_space<vmem>>, vector<16xf32>,
        %mul3A_1525 = arith.mulf %get3A_1524, %gather3A_1497 : vector<16xf32>
        %add3A_1526 = arith.constant 7 : i32
        %add3A_1527 = arith.addi %multiple_of3A_1087, %add3A_1526 : i32
        %swap3A_1528 = arith.index_cast %add3A_1527 : i32 to index
        %swap3A_1529 = arith.constant 32 : index
        %swap3A_1530 = tpu.vector_load %arg13[%swap3A_1528, %swap3A_1529] {strides = array<i32>} : memref<128x64xf32, #tpu.memory_space<vmem>>, vector<16xf32>,
        tpu.vector_store %arg13[%swap3A_1528, %swap3A_1529], %mul3A_1525 {strides = array<i32>} : memref<128x64xf32, #tpu.memory_space<vmem>>, vector<16xf32>,
        %add3A_1531 = arith.constant 7 : i32
        %add3A_1532 = arith.addi %multiple_of3A_1087, %add3A_1531 : i32
        %get3A_1533 = arith.index_cast %add3A_1532 : i32 to index
        %get3A_1534 = arith.constant 48 : index
        %get3A_1535 = tpu.vector_load %arg11[%get3A_1533, %get3A_1534] {strides = array<i32>} : memref<128x64xf32, #tpu.memory_space<vmem>>, vector<16xf32>,
        %mul3A_1536 = arith.mulf %get3A_1535, %gather3A_1497 : vector<16xf32>
        %add3A_1537 = arith.constant 7 : i32
        %add3A_1538 = arith.addi %multiple_of3A_1087, %add3A_1537 : i32
        %swap3A_1539 = arith.index_cast %add3A_1538 : i32 to index
        %swap3A_1540 = arith.constant 48 : index
        %swap3A_1541 = tpu.vector_load %arg13[%swap3A_1539, %swap3A_1540] {strides = array<i32>} : memref<128x64xf32, #tpu.memory_space<vmem>>, vector<16xf32>,
        tpu.vector_store %arg13[%swap3A_1539, %swap3A_1540], %mul3A_1536 {strides = array<i32>} : memref<128x64xf32, #tpu.memory_space<vmem>>, vector<16xf32>,
        %broadcast_in_dim3A_1542 = arith.constant 8 : i32
        %broadcast_in_dim3A_1543 = vector.broadcast %broadcast_in_dim3A_1542 : i32 to vector<16xi32>
        %lt3A_1544 = arith.constant 0 : i32
        %lt3A_1545 = vector.broadcast %lt3A_1544 : i32 to vector<16xi32>
        %lt3A_1546 = arith.cmpi slt, %broadcast_in_dim3A_1543, %lt3A_1545 : vector<16xi32>
        %add3A_1547 = arith.constant 16 : i32
        %add3A_1548 = vector.broadcast %add3A_1547 : i32 to vector<16xi32>
        %add3A_1549 = arith.addi %broadcast_in_dim3A_1543, %add3A_1548 : vector<16xi32>
        %select_n3A_1550 = arith.select %lt3A_1546, %add3A_1549, %broadcast_in_dim3A_1543 : vector<16xi1>, vector<16xi32>
        %broadcast_in_dim3A_1551 = vector.shape_cast %select_n3A_1550 : vector<16xi32> to vector<16x1xi32>
        %gather3A_1552 = vector.shape_cast %broadcast_in_dim3A_1551 : vector<16x1xi32> to vector<16xi32>
        %gather3A_1553 = tpu.dynamic_gather %get3A_1093[%gather3A_1552] in [0] : vector<16xf32>, vector<16xi32> -> vector<16xf32>
        %add3A_1554 = arith.constant 8 : i32
        %add3A_1555 = arith.addi %multiple_of3A_1087, %add3A_1554 : i32
        %get3A_1556 = arith.index_cast %add3A_1555 : i32 to index
        %get3A_1557 = arith.constant 0 : index
        %get3A_1558 = tpu.vector_load %arg11[%get3A_1556, %get3A_1557] {strides = array<i32>} : memref<128x64xf32, #tpu.memory_space<vmem>>, vector<16xf32>,
        %mul3A_1559 = arith.mulf %get3A_1558, %gather3A_1553 : vector<16xf32>
        %add3A_1560 = arith.constant 8 : i32
        %add3A_1561 = arith.addi %multiple_of3A_1087, %add3A_1560 : i32
        %swap3A_1562 = arith.index_cast %add3A_1561 : i32 to index
        %swap3A_1563 = arith.constant 0 : index
        %swap3A_1564 = tpu.vector_load %arg13[%swap3A_1562, %swap3A_1563] {strides = array<i32>} : memref<128x64xf32, #tpu.memory_space<vmem>>, vector<16xf32>,
        tpu.vector_store %arg13[%swap3A_1562, %swap3A_1563], %mul3A_1559 {strides = array<i32>} : memref<128x64xf32, #tpu.memory_space<vmem>>, vector<16xf32>,
        %add3A_1565 = arith.constant 8 : i32
        %add3A_1566 = arith.addi %multiple_of3A_1087, %add3A_1565 : i32
        %get3A_1567 = arith.index_cast %add3A_1566 : i32 to index
        %get3A_1568 = arith.constant 16 : index
        %get3A_1569 = tpu.vector_load %arg11[%get3A_1567, %get3A_1568] {strides = array<i32>} : memref<128x64xf32, #tpu.memory_space<vmem>>, vector<16xf32>,
        %mul3A_1570 = arith.mulf %get3A_1569, %gather3A_1553 : vector<16xf32>
        %add3A_1571 = arith.constant 8 : i32
        %add3A_1572 = arith.addi %multiple_of3A_1087, %add3A_1571 : i32
        %swap3A_1573 = arith.index_cast %add3A_1572 : i32 to index
        %swap3A_1574 = arith.constant 16 : index
        %swap3A_1575 = tpu.vector_load %arg13[%swap3A_1573, %swap3A_1574] {strides = array<i32>} : memref<128x64xf32, #tpu.memory_space<vmem>>, vector<16xf32>,
        tpu.vector_store %arg13[%swap3A_1573, %swap3A_1574], %mul3A_1570 {strides = array<i32>} : memref<128x64xf32, #tpu.memory_space<vmem>>, vector<16xf32>,
        %add3A_1576 = arith.constant 8 : i32
        %add3A_1577 = arith.addi %multiple_of3A_1087, %add3A_1576 : i32
        %get3A_1578 = arith.index_cast %add3A_1577 : i32 to index
        %get3A_1579 = arith.constant 32 : index
        %get3A_1580 = tpu.vector_load %arg11[%get3A_1578, %get3A_1579] {strides = array<i32>} : memref<128x64xf32, #tpu.memory_space<vmem>>, vector<16xf32>,
        %mul3A_1581 = arith.mulf %get3A_1580, %gather3A_1553 : vector<16xf32>
        %add3A_1582 = arith.constant 8 : i32
        %add3A_1583 = arith.addi %multiple_of3A_1087, %add3A_1582 : i32
        %swap3A_1584 = arith.index_cast %add3A_1583 : i32 to index
        %swap3A_1585 = arith.constant 32 : index
        %swap3A_1586 = tpu.vector_load %arg13[%swap3A_1584, %swap3A_1585] {strides = array<i32>} : memref<128x64xf32, #tpu.memory_space<vmem>>, vector<16xf32>,
        tpu.vector_store %arg13[%swap3A_1584, %swap3A_1585], %mul3A_1581 {strides = array<i32>} : memref<128x64xf32, #tpu.memory_space<vmem>>, vector<16xf32>,
        %add3A_1587 = arith.constant 8 : i32
        %add3A_1588 = arith.addi %multiple_of3A_1087, %add3A_1587 : i32
        %get3A_1589 = arith.index_cast %add3A_1588 : i32 to index
        %get3A_1590 = arith.constant 48 : index
        %get3A_1591 = tpu.vector_load %arg11[%get3A_1589, %get3A_1590] {strides = array<i32>} : memref<128x64xf32, #tpu.memory_space<vmem>>, vector<16xf32>,
        %mul3A_1592 = arith.mulf %get3A_1591, %gather3A_1553 : vector<16xf32>
        %add3A_1593 = arith.constant 8 : i32
        %add3A_1594 = arith.addi %multiple_of3A_1087, %add3A_1593 : i32
        %swap3A_1595 = arith.index_cast %add3A_1594 : i32 to index
        %swap3A_1596 = arith.constant 48 : index
        %swap3A_1597 = tpu.vector_load %arg13[%swap3A_1595, %swap3A_1596] {strides = array<i32>} : memref<128x64xf32, #tpu.memory_space<vmem>>, vector<16xf32>,
        tpu.vector_store %arg13[%swap3A_1595, %swap3A_1596], %mul3A_1592 {strides = array<i32>} : memref<128x64xf32, #tpu.memory_space<vmem>>, vector<16xf32>,
        %broadcast_in_dim3A_1598 = arith.constant 9 : i32
        %broadcast_in_dim3A_1599 = vector.broadcast %broadcast_in_dim3A_1598 : i32 to vector<16xi32>
        %lt3A_1600 = arith.constant 0 : i32
        %lt3A_1601 = vector.broadcast %lt3A_1600 : i32 to vector<16xi32>
        %lt3A_1602 = arith.cmpi slt, %broadcast_in_dim3A_1599, %lt3A_1601 : vector<16xi32>
        %add3A_1603 = arith.constant 16 : i32
        %add3A_1604 = vector.broadcast %add3A_1603 : i32 to vector<16xi32>
        %add3A_1605 = arith.addi %broadcast_in_dim3A_1599, %add3A_1604 : vector<16xi32>
        %select_n3A_1606 = arith.select %lt3A_1602, %add3A_1605, %broadcast_in_dim3A_1599 : vector<16xi1>, vector<16xi32>
        %broadcast_in_dim3A_1607 = vector.shape_cast %select_n3A_1606 : vector<16xi32> to vector<16x1xi32>
        %gather3A_1608 = vector.shape_cast %broadcast_in_dim3A_1607 : vector<16x1xi32> to vector<16xi32>
        %gather3A_1609 = tpu.dynamic_gather %get3A_1093[%gather3A_1608] in [0] : vector<16xf32>, vector<16xi32> -> vector<16xf32>
        %add3A_1610 = arith.constant 9 : i32
        %add3A_1611 = arith.addi %multiple_of3A_1087, %add3A_1610 : i32
        %get3A_1612 = arith.index_cast %add3A_1611 : i32 to index
        %get3A_1613 = arith.constant 0 : index
        %get3A_1614 = tpu.vector_load %arg11[%get3A_1612, %get3A_1613] {strides = array<i32>} : memref<128x64xf32, #tpu.memory_space<vmem>>, vector<16xf32>,
        %mul3A_1615 = arith.mulf %get3A_1614, %gather3A_1609 : vector<16xf32>
        %add3A_1616 = arith.constant 9 : i32
        %add3A_1617 = arith.addi %multiple_of3A_1087, %add3A_1616 : i32
        %swap3A_1618 = arith.index_cast %add3A_1617 : i32 to index
        %swap3A_1619 = arith.constant 0 : index
        %swap3A_1620 = tpu.vector_load %arg13[%swap3A_1618, %swap3A_1619] {strides = array<i32>} : memref<128x64xf32, #tpu.memory_space<vmem>>, vector<16xf32>,
        tpu.vector_store %arg13[%swap3A_1618, %swap3A_1619], %mul3A_1615 {strides = array<i32>} : memref<128x64xf32, #tpu.memory_space<vmem>>, vector<16xf32>,
        %add3A_1621 = arith.constant 9 : i32
        %add3A_1622 = arith.addi %multiple_of3A_1087, %add3A_1621 : i32
        %get3A_1623 = arith.index_cast %add3A_1622 : i32 to index
        %get3A_1624 = arith.constant 16 : index
        %get3A_1625 = tpu.vector_load %arg11[%get3A_1623, %get3A_1624] {strides = array<i32>} : memref<128x64xf32, #tpu.memory_space<vmem>>, vector<16xf32>,
        %mul3A_1626 = arith.mulf %get3A_1625, %gather3A_1609 : vector<16xf32>
        %add3A_1627 = arith.constant 9 : i32
        %add3A_1628 = arith.addi %multiple_of3A_1087, %add3A_1627 : i32
        %swap3A_1629 = arith.index_cast %add3A_1628 : i32 to index
        %swap3A_1630 = arith.constant 16 : index
        %swap3A_1631 = tpu.vector_load %arg13[%swap3A_1629, %swap3A_1630] {strides = array<i32>} : memref<128x64xf32, #tpu.memory_space<vmem>>, vector<16xf32>,
        tpu.vector_store %arg13[%swap3A_1629, %swap3A_1630], %mul3A_1626 {strides = array<i32>} : memref<128x64xf32, #tpu.memory_space<vmem>>, vector<16xf32>,
        %add3A_1632 = arith.constant 9 : i32
        %add3A_1633 = arith.addi %multiple_of3A_1087, %add3A_1632 : i32
        %get3A_1634 = arith.index_cast %add3A_1633 : i32 to index
        %get3A_1635 = arith.constant 32 : index
        %get3A_1636 = tpu.vector_load %arg11[%get3A_1634, %get3A_1635] {strides = array<i32>} : memref<128x64xf32, #tpu.memory_space<vmem>>, vector<16xf32>,
        %mul3A_1637 = arith.mulf %get3A_1636, %gather3A_1609 : vector<16xf32>
        %add3A_1638 = arith.constant 9 : i32
        %add3A_1639 = arith.addi %multiple_of3A_1087, %add3A_1638 : i32
        %swap3A_1640 = arith.index_cast %add3A_1639 : i32 to index
        %swap3A_1641 = arith.constant 32 : index
        %swap3A_1642 = tpu.vector_load %arg13[%swap3A_1640, %swap3A_1641] {strides = array<i32>} : memref<128x64xf32, #tpu.memory_space<vmem>>, vector<16xf32>,
        tpu.vector_store %arg13[%swap3A_1640, %swap3A_1641], %mul3A_1637 {strides = array<i32>} : memref<128x64xf32, #tpu.memory_space<vmem>>, vector<16xf32>,
        %add3A_1643 = arith.constant 9 : i32
        %add3A_1644 = arith.addi %multiple_of3A_1087, %add3A_1643 : i32
        %get3A_1645 = arith.index_cast %add3A_1644 : i32 to index
        %get3A_1646 = arith.constant 48 : index
        %get3A_1647 = tpu.vector_load %arg11[%get3A_1645, %get3A_1646] {strides = array<i32>} : memref<128x64xf32, #tpu.memory_space<vmem>>, vector<16xf32>,
        %mul3A_1648 = arith.mulf %get3A_1647, %gather3A_1609 : vector<16xf32>
        %add3A_1649 = arith.constant 9 : i32
        %add3A_1650 = arith.addi %multiple_of3A_1087, %add3A_1649 : i32
        %swap3A_1651 = arith.index_cast %add3A_1650 : i32 to index
        %swap3A_1652 = arith.constant 48 : index
        %swap3A_1653 = tpu.vector_load %arg13[%swap3A_1651, %swap3A_1652] {strides = array<i32>} : memref<128x64xf32, #tpu.memory_space<vmem>>, vector<16xf32>,
        tpu.vector_store %arg13[%swap3A_1651, %swap3A_1652], %mul3A_1648 {strides = array<i32>} : memref<128x64xf32, #tpu.memory_space<vmem>>, vector<16xf32>,
        %broadcast_in_dim3A_1654 = arith.constant 10 : i32
        %broadcast_in_dim3A_1655 = vector.broadcast %broadcast_in_dim3A_1654 : i32 to vector<16xi32>
        %lt3A_1656 = arith.constant 0 : i32
        %lt3A_1657 = vector.broadcast %lt3A_1656 : i32 to vector<16xi32>
        %lt3A_1658 = arith.cmpi slt, %broadcast_in_dim3A_1655, %lt3A_1657 : vector<16xi32>
        %add3A_1659 = arith.constant 16 : i32
        %add3A_1660 = vector.broadcast %add3A_1659 : i32 to vector<16xi32>
        %add3A_1661 = arith.addi %broadcast_in_dim3A_1655, %add3A_1660 : vector<16xi32>
        %select_n3A_1662 = arith.select %lt3A_1658, %add3A_1661, %broadcast_in_dim3A_1655 : vector<16xi1>, vector<16xi32>
        %broadcast_in_dim3A_1663 = vector.shape_cast %select_n3A_1662 : vector<16xi32> to vector<16x1xi32>
        %gather3A_1664 = vector.shape_cast %broadcast_in_dim3A_1663 : vector<16x1xi32> to vector<16xi32>
        %gather3A_1665 = tpu.dynamic_gather %get3A_1093[%gather3A_1664] in [0] : vector<16xf32>, vector<16xi32> -> vector<16xf32>
        %add3A_1666 = arith.constant 10 : i32
        %add3A_1667 = arith.addi %multiple_of3A_1087, %add3A_1666 : i32
        %get3A_1668 = arith.index_cast %add3A_1667 : i32 to index
        %get3A_1669 = arith.constant 0 : index
        %get3A_1670 = tpu.vector_load %arg11[%get3A_1668, %get3A_1669] {strides = array<i32>} : memref<128x64xf32, #tpu.memory_space<vmem>>, vector<16xf32>,
        %mul3A_1671 = arith.mulf %get3A_1670, %gather3A_1665 : vector<16xf32>
        %add3A_1672 = arith.constant 10 : i32
        %add3A_1673 = arith.addi %multiple_of3A_1087, %add3A_1672 : i32
        %swap3A_1674 = arith.index_cast %add3A_1673 : i32 to index
        %swap3A_1675 = arith.constant 0 : index
        %swap3A_1676 = tpu.vector_load %arg13[%swap3A_1674, %swap3A_1675] {strides = array<i32>} : memref<128x64xf32, #tpu.memory_space<vmem>>, vector<16xf32>,
        tpu.vector_store %arg13[%swap3A_1674, %swap3A_1675], %mul3A_1671 {strides = array<i32>} : memref<128x64xf32, #tpu.memory_space<vmem>>, vector<16xf32>,
        %add3A_1677 = arith.constant 10 : i32
        %add3A_1678 = arith.addi %multiple_of3A_1087, %add3A_1677 : i32
        %get3A_1679 = arith.index_cast %add3A_1678 : i32 to index
        %get3A_1680 = arith.constant 16 : index
        %get3A_1681 = tpu.vector_load %arg11[%get3A_1679, %get3A_1680] {strides = array<i32>} : memref<128x64xf32, #tpu.memory_space<vmem>>, vector<16xf32>,
        %mul3A_1682 = arith.mulf %get3A_1681, %gather3A_1665 : vector<16xf32>
        %add3A_1683 = arith.constant 10 : i32
        %add3A_1684 = arith.addi %multiple_of3A_1087, %add3A_1683 : i32
        %swap3A_1685 = arith.index_cast %add3A_1684 : i32 to index
        %swap3A_1686 = arith.constant 16 : index
        %swap3A_1687 = tpu.vector_load %arg13[%swap3A_1685, %swap3A_1686] {strides = array<i32>} : memref<128x64xf32, #tpu.memory_space<vmem>>, vector<16xf32>,
        tpu.vector_store %arg13[%swap3A_1685, %swap3A_1686], %mul3A_1682 {strides = array<i32>} : memref<128x64xf32, #tpu.memory_space<vmem>>, vector<16xf32>,
        %add3A_1688 = arith.constant 10 : i32
        %add3A_1689 = arith.addi %multiple_of3A_1087, %add3A_1688 : i32
        %get3A_1690 = arith.index_cast %add3A_1689 : i32 to index
        %get3A_1691 = arith.constant 32 : index
        %get3A_1692 = tpu.vector_load %arg11[%get3A_1690, %get3A_1691] {strides = array<i32>} : memref<128x64xf32, #tpu.memory_space<vmem>>, vector<16xf32>,
        %mul3A_1693 = arith.mulf %get3A_1692, %gather3A_1665 : vector<16xf32>
        %add3A_1694 = arith.constant 10 : i32
        %add3A_1695 = arith.addi %multiple_of3A_1087, %add3A_1694 : i32
        %swap3A_1696 = arith.index_cast %add3A_1695 : i32 to index
        %swap3A_1697 = arith.constant 32 : index
        %swap3A_1698 = tpu.vector_load %arg13[%swap3A_1696, %swap3A_1697] {strides = array<i32>} : memref<128x64xf32, #tpu.memory_space<vmem>>, vector<16xf32>,
        tpu.vector_store %arg13[%swap3A_1696, %swap3A_1697], %mul3A_1693 {strides = array<i32>} : memref<128x64xf32, #tpu.memory_space<vmem>>, vector<16xf32>,
        %add3A_1699 = arith.constant 10 : i32
        %add3A_1700 = arith.addi %multiple_of3A_1087, %add3A_1699 : i32
        %get3A_1701 = arith.index_cast %add3A_1700 : i32 to index
        %get3A_1702 = arith.constant 48 : index
        %get3A_1703 = tpu.vector_load %arg11[%get3A_1701, %get3A_1702] {strides = array<i32>} : memref<128x64xf32, #tpu.memory_space<vmem>>, vector<16xf32>,
        %mul3A_1704 = arith.mulf %get3A_1703, %gather3A_1665 : vector<16xf32>
        %add3A_1705 = arith.constant 10 : i32
        %add3A_1706 = arith.addi %multiple_of3A_1087, %add3A_1705 : i32
        %swap3A_1707 = arith.index_cast %add3A_1706 : i32 to index
        %swap3A_1708 = arith.constant 48 : index
        %swap3A_1709 = tpu.vector_load %arg13[%swap3A_1707, %swap3A_1708] {strides = array<i32>} : memref<128x64xf32, #tpu.memory_space<vmem>>, vector<16xf32>,
        tpu.vector_store %arg13[%swap3A_1707, %swap3A_1708], %mul3A_1704 {strides = array<i32>} : memref<128x64xf32, #tpu.memory_space<vmem>>, vector<16xf32>,
        %broadcast_in_dim3A_1710 = arith.constant 11 : i32
        %broadcast_in_dim3A_1711 = vector.broadcast %broadcast_in_dim3A_1710 : i32 to vector<16xi32>
        %lt3A_1712 = arith.constant 0 : i32
        %lt3A_1713 = vector.broadcast %lt3A_1712 : i32 to vector<16xi32>
        %lt3A_1714 = arith.cmpi slt, %broadcast_in_dim3A_1711, %lt3A_1713 : vector<16xi32>
        %add3A_1715 = arith.constant 16 : i32
        %add3A_1716 = vector.broadcast %add3A_1715 : i32 to vector<16xi32>
        %add3A_1717 = arith.addi %broadcast_in_dim3A_1711, %add3A_1716 : vector<16xi32>
        %select_n3A_1718 = arith.select %lt3A_1714, %add3A_1717, %broadcast_in_dim3A_1711 : vector<16xi1>, vector<16xi32>
        %broadcast_in_dim3A_1719 = vector.shape_cast %select_n3A_1718 : vector<16xi32> to vector<16x1xi32>
        %gather3A_1720 = vector.shape_cast %broadcast_in_dim3A_1719 : vector<16x1xi32> to vector<16xi32>
        %gather3A_1721 = tpu.dynamic_gather %get3A_1093[%gather3A_1720] in [0] : vector<16xf32>, vector<16xi32> -> vector<16xf32>
        %add3A_1722 = arith.constant 11 : i32
        %add3A_1723 = arith.addi %multiple_of3A_1087, %add3A_1722 : i32
        %get3A_1724 = arith.index_cast %add3A_1723 : i32 to index
        %get3A_1725 = arith.constant 0 : index
        %get3A_1726 = tpu.vector_load %arg11[%get3A_1724, %get3A_1725] {strides = array<i32>} : memref<128x64xf32, #tpu.memory_space<vmem>>, vector<16xf32>,
        %mul3A_1727 = arith.mulf %get3A_1726, %gather3A_1721 : vector<16xf32>
        %add3A_1728 = arith.constant 11 : i32
        %add3A_1729 = arith.addi %multiple_of3A_1087, %add3A_1728 : i32
        %swap3A_1730 = arith.index_cast %add3A_1729 : i32 to index
        %swap3A_1731 = arith.constant 0 : index
        %swap3A_1732 = tpu.vector_load %arg13[%swap3A_1730, %swap3A_1731] {strides = array<i32>} : memref<128x64xf32, #tpu.memory_space<vmem>>, vector<16xf32>,
        tpu.vector_store %arg13[%swap3A_1730, %swap3A_1731], %mul3A_1727 {strides = array<i32>} : memref<128x64xf32, #tpu.memory_space<vmem>>, vector<16xf32>,
        %add3A_1733 = arith.constant 11 : i32
        %add3A_1734 = arith.addi %multiple_of3A_1087, %add3A_1733 : i32
        %get3A_1735 = arith.index_cast %add3A_1734 : i32 to index
        %get3A_1736 = arith.constant 16 : index
        %get3A_1737 = tpu.vector_load %arg11[%get3A_1735, %get3A_1736] {strides = array<i32>} : memref<128x64xf32, #tpu.memory_space<vmem>>, vector<16xf32>,
        %mul3A_1738 = arith.mulf %get3A_1737, %gather3A_1721 : vector<16xf32>
        %add3A_1739 = arith.constant 11 : i32
        %add3A_1740 = arith.addi %multiple_of3A_1087, %add3A_1739 : i32
        %swap3A_1741 = arith.index_cast %add3A_1740 : i32 to index
        %swap3A_1742 = arith.constant 16 : index
        %swap3A_1743 = tpu.vector_load %arg13[%swap3A_1741, %swap3A_1742] {strides = array<i32>} : memref<128x64xf32, #tpu.memory_space<vmem>>, vector<16xf32>,
        tpu.vector_store %arg13[%swap3A_1741, %swap3A_1742], %mul3A_1738 {strides = array<i32>} : memref<128x64xf32, #tpu.memory_space<vmem>>, vector<16xf32>,
        %add3A_1744 = arith.constant 11 : i32
        %add3A_1745 = arith.addi %multiple_of3A_1087, %add3A_1744 : i32
        %get3A_1746 = arith.index_cast %add3A_1745 : i32 to index
        %get3A_1747 = arith.constant 32 : index
        %get3A_1748 = tpu.vector_load %arg11[%get3A_1746, %get3A_1747] {strides = array<i32>} : memref<128x64xf32, #tpu.memory_space<vmem>>, vector<16xf32>,
        %mul3A_1749 = arith.mulf %get3A_1748, %gather3A_1721 : vector<16xf32>
        %add3A_1750 = arith.constant 11 : i32
        %add3A_1751 = arith.addi %multiple_of3A_1087, %add3A_1750 : i32
        %swap3A_1752 = arith.index_cast %add3A_1751 : i32 to index
        %swap3A_1753 = arith.constant 32 : index
        %swap3A_1754 = tpu.vector_load %arg13[%swap3A_1752, %swap3A_1753] {strides = array<i32>} : memref<128x64xf32, #tpu.memory_space<vmem>>, vector<16xf32>,
        tpu.vector_store %arg13[%swap3A_1752, %swap3A_1753], %mul3A_1749 {strides = array<i32>} : memref<128x64xf32, #tpu.memory_space<vmem>>, vector<16xf32>,
        %add3A_1755 = arith.constant 11 : i32
        %add3A_1756 = arith.addi %multiple_of3A_1087, %add3A_1755 : i32
        %get3A_1757 = arith.index_cast %add3A_1756 : i32 to index
        %get3A_1758 = arith.constant 48 : index
        %get3A_1759 = tpu.vector_load %arg11[%get3A_1757, %get3A_1758] {strides = array<i32>} : memref<128x64xf32, #tpu.memory_space<vmem>>, vector<16xf32>,
        %mul3A_1760 = arith.mulf %get3A_1759, %gather3A_1721 : vector<16xf32>
        %add3A_1761 = arith.constant 11 : i32
        %add3A_1762 = arith.addi %multiple_of3A_1087, %add3A_1761 : i32
        %swap3A_1763 = arith.index_cast %add3A_1762 : i32 to index
        %swap3A_1764 = arith.constant 48 : index
        %swap3A_1765 = tpu.vector_load %arg13[%swap3A_1763, %swap3A_1764] {strides = array<i32>} : memref<128x64xf32, #tpu.memory_space<vmem>>, vector<16xf32>,
        tpu.vector_store %arg13[%swap3A_1763, %swap3A_1764], %mul3A_1760 {strides = array<i32>} : memref<128x64xf32, #tpu.memory_space<vmem>>, vector<16xf32>,
        %broadcast_in_dim3A_1766 = arith.constant 12 : i32
        %broadcast_in_dim3A_1767 = vector.broadcast %broadcast_in_dim3A_1766 : i32 to vector<16xi32>
        %lt3A_1768 = arith.constant 0 : i32
        %lt3A_1769 = vector.broadcast %lt3A_1768 : i32 to vector<16xi32>
        %lt3A_1770 = arith.cmpi slt, %broadcast_in_dim3A_1767, %lt3A_1769 : vector<16xi32>
        %add3A_1771 = arith.constant 16 : i32
        %add3A_1772 = vector.broadcast %add3A_1771 : i32 to vector<16xi32>
        %add3A_1773 = arith.addi %broadcast_in_dim3A_1767, %add3A_1772 : vector<16xi32>
        %select_n3A_1774 = arith.select %lt3A_1770, %add3A_1773, %broadcast_in_dim3A_1767 : vector<16xi1>, vector<16xi32>
        %broadcast_in_dim3A_1775 = vector.shape_cast %select_n3A_1774 : vector<16xi32> to vector<16x1xi32>
        %gather3A_1776 = vector.shape_cast %broadcast_in_dim3A_1775 : vector<16x1xi32> to vector<16xi32>
        %gather3A_1777 = tpu.dynamic_gather %get3A_1093[%gather3A_1776] in [0] : vector<16xf32>, vector<16xi32> -> vector<16xf32>
        %add3A_1778 = arith.constant 12 : i32
        %add3A_1779 = arith.addi %multiple_of3A_1087, %add3A_1778 : i32
        %get3A_1780 = arith.index_cast %add3A_1779 : i32 to index
        %get3A_1781 = arith.constant 0 : index
        %get3A_1782 = tpu.vector_load %arg11[%get3A_1780, %get3A_1781] {strides = array<i32>} : memref<128x64xf32, #tpu.memory_space<vmem>>, vector<16xf32>,
        %mul3A_1783 = arith.mulf %get3A_1782, %gather3A_1777 : vector<16xf32>
        %add3A_1784 = arith.constant 12 : i32
        %add3A_1785 = arith.addi %multiple_of3A_1087, %add3A_1784 : i32
        %swap3A_1786 = arith.index_cast %add3A_1785 : i32 to index
        %swap3A_1787 = arith.constant 0 : index
        %swap3A_1788 = tpu.vector_load %arg13[%swap3A_1786, %swap3A_1787] {strides = array<i32>} : memref<128x64xf32, #tpu.memory_space<vmem>>, vector<16xf32>,
        tpu.vector_store %arg13[%swap3A_1786, %swap3A_1787], %mul3A_1783 {strides = array<i32>} : memref<128x64xf32, #tpu.memory_space<vmem>>, vector<16xf32>,
        %add3A_1789 = arith.constant 12 : i32
        %add3A_1790 = arith.addi %multiple_of3A_1087, %add3A_1789 : i32
        %get3A_1791 = arith.index_cast %add3A_1790 : i32 to index
        %get3A_1792 = arith.constant 16 : index
        %get3A_1793 = tpu.vector_load %arg11[%get3A_1791, %get3A_1792] {strides = array<i32>} : memref<128x64xf32, #tpu.memory_space<vmem>>, vector<16xf32>,
        %mul3A_1794 = arith.mulf %get3A_1793, %gather3A_1777 : vector<16xf32>
        %add3A_1795 = arith.constant 12 : i32
        %add3A_1796 = arith.addi %multiple_of3A_1087, %add3A_1795 : i32
        %swap3A_1797 = arith.index_cast %add3A_1796 : i32 to index
        %swap3A_1798 = arith.constant 16 : index
        %swap3A_1799 = tpu.vector_load %arg13[%swap3A_1797, %swap3A_1798] {strides = array<i32>} : memref<128x64xf32, #tpu.memory_space<vmem>>, vector<16xf32>,
        tpu.vector_store %arg13[%swap3A_1797, %swap3A_1798], %mul3A_1794 {strides = array<i32>} : memref<128x64xf32, #tpu.memory_space<vmem>>, vector<16xf32>,
        %add3A_1800 = arith.constant 12 : i32
        %add3A_1801 = arith.addi %multiple_of3A_1087, %add3A_1800 : i32
        %get3A_1802 = arith.index_cast %add3A_1801 : i32 to index
        %get3A_1803 = arith.constant 32 : index
        %get3A_1804 = tpu.vector_load %arg11[%get3A_1802, %get3A_1803] {strides = array<i32>} : memref<128x64xf32, #tpu.memory_space<vmem>>, vector<16xf32>,
        %mul3A_1805 = arith.mulf %get3A_1804, %gather3A_1777 : vector<16xf32>
        %add3A_1806 = arith.constant 12 : i32
        %add3A_1807 = arith.addi %multiple_of3A_1087, %add3A_1806 : i32
        %swap3A_1808 = arith.index_cast %add3A_1807 : i32 to index
        %swap3A_1809 = arith.constant 32 : index
        %swap3A_1810 = tpu.vector_load %arg13[%swap3A_1808, %swap3A_1809] {strides = array<i32>} : memref<128x64xf32, #tpu.memory_space<vmem>>, vector<16xf32>,
        tpu.vector_store %arg13[%swap3A_1808, %swap3A_1809], %mul3A_1805 {strides = array<i32>} : memref<128x64xf32, #tpu.memory_space<vmem>>, vector<16xf32>,
        %add3A_1811 = arith.constant 12 : i32
        %add3A_1812 = arith.addi %multiple_of3A_1087, %add3A_1811 : i32
        %get3A_1813 = arith.index_cast %add3A_1812 : i32 to index
        %get3A_1814 = arith.constant 48 : index
        %get3A_1815 = tpu.vector_load %arg11[%get3A_1813, %get3A_1814] {strides = array<i32>} : memref<128x64xf32, #tpu.memory_space<vmem>>, vector<16xf32>,
        %mul3A_1816 = arith.mulf %get3A_1815, %gather3A_1777 : vector<16xf32>
        %add3A_1817 = arith.constant 12 : i32
        %add3A_1818 = arith.addi %multiple_of3A_1087, %add3A_1817 : i32
        %swap3A_1819 = arith.index_cast %add3A_1818 : i32 to index
        %swap3A_1820 = arith.constant 48 : index
        %swap3A_1821 = tpu.vector_load %arg13[%swap3A_1819, %swap3A_1820] {strides = array<i32>} : memref<128x64xf32, #tpu.memory_space<vmem>>, vector<16xf32>,
        tpu.vector_store %arg13[%swap3A_1819, %swap3A_1820], %mul3A_1816 {strides = array<i32>} : memref<128x64xf32, #tpu.memory_space<vmem>>, vector<16xf32>,
        %broadcast_in_dim3A_1822 = arith.constant 13 : i32
        %broadcast_in_dim3A_1823 = vector.broadcast %broadcast_in_dim3A_1822 : i32 to vector<16xi32>
        %lt3A_1824 = arith.constant 0 : i32
        %lt3A_1825 = vector.broadcast %lt3A_1824 : i32 to vector<16xi32>
        %lt3A_1826 = arith.cmpi slt, %broadcast_in_dim3A_1823, %lt3A_1825 : vector<16xi32>
        %add3A_1827 = arith.constant 16 : i32
        %add3A_1828 = vector.broadcast %add3A_1827 : i32 to vector<16xi32>
        %add3A_1829 = arith.addi %broadcast_in_dim3A_1823, %add3A_1828 : vector<16xi32>
        %select_n3A_1830 = arith.select %lt3A_1826, %add3A_1829, %broadcast_in_dim3A_1823 : vector<16xi1>, vector<16xi32>
        %broadcast_in_dim3A_1831 = vector.shape_cast %select_n3A_1830 : vector<16xi32> to vector<16x1xi32>
        %gather3A_1832 = vector.shape_cast %broadcast_in_dim3A_1831 : vector<16x1xi32> to vector<16xi32>
        %gather3A_1833 = tpu.dynamic_gather %get3A_1093[%gather3A_1832] in [0] : vector<16xf32>, vector<16xi32> -> vector<16xf32>
        %add3A_1834 = arith.constant 13 : i32
        %add3A_1835 = arith.addi %multiple_of3A_1087, %add3A_1834 : i32
        %get3A_1836 = arith.index_cast %add3A_1835 : i32 to index
        %get3A_1837 = arith.constant 0 : index
        %get3A_1838 = tpu.vector_load %arg11[%get3A_1836, %get3A_1837] {strides = array<i32>} : memref<128x64xf32, #tpu.memory_space<vmem>>, vector<16xf32>,
        %mul3A_1839 = arith.mulf %get3A_1838, %gather3A_1833 : vector<16xf32>
        %add3A_1840 = arith.constant 13 : i32
        %add3A_1841 = arith.addi %multiple_of3A_1087, %add3A_1840 : i32
        %swap3A_1842 = arith.index_cast %add3A_1841 : i32 to index
        %swap3A_1843 = arith.constant 0 : index
        %swap3A_1844 = tpu.vector_load %arg13[%swap3A_1842, %swap3A_1843] {strides = array<i32>} : memref<128x64xf32, #tpu.memory_space<vmem>>, vector<16xf32>,
        tpu.vector_store %arg13[%swap3A_1842, %swap3A_1843], %mul3A_1839 {strides = array<i32>} : memref<128x64xf32, #tpu.memory_space<vmem>>, vector<16xf32>,
        %add3A_1845 = arith.constant 13 : i32
        %add3A_1846 = arith.addi %multiple_of3A_1087, %add3A_1845 : i32
        %get3A_1847 = arith.index_cast %add3A_1846 : i32 to index
        %get3A_1848 = arith.constant 16 : index
        %get3A_1849 = tpu.vector_load %arg11[%get3A_1847, %get3A_1848] {strides = array<i32>} : memref<128x64xf32, #tpu.memory_space<vmem>>, vector<16xf32>,
        %mul3A_1850 = arith.mulf %get3A_1849, %gather3A_1833 : vector<16xf32>
        %add3A_1851 = arith.constant 13 : i32
        %add3A_1852 = arith.addi %multiple_of3A_1087, %add3A_1851 : i32
        %swap3A_1853 = arith.index_cast %add3A_1852 : i32 to index
        %swap3A_1854 = arith.constant 16 : index
        %swap3A_1855 = tpu.vector_load %arg13[%swap3A_1853, %swap3A_1854] {strides = array<i32>} : memref<128x64xf32, #tpu.memory_space<vmem>>, vector<16xf32>,
        tpu.vector_store %arg13[%swap3A_1853, %swap3A_1854], %mul3A_1850 {strides = array<i32>} : memref<128x64xf32, #tpu.memory_space<vmem>>, vector<16xf32>,
        %add3A_1856 = arith.constant 13 : i32
        %add3A_1857 = arith.addi %multiple_of3A_1087, %add3A_1856 : i32
        %get3A_1858 = arith.index_cast %add3A_1857 : i32 to index
        %get3A_1859 = arith.constant 32 : index
        %get3A_1860 = tpu.vector_load %arg11[%get3A_1858, %get3A_1859] {strides = array<i32>} : memref<128x64xf32, #tpu.memory_space<vmem>>, vector<16xf32>,
        %mul3A_1861 = arith.mulf %get3A_1860, %gather3A_1833 : vector<16xf32>
        %add3A_1862 = arith.constant 13 : i32
        %add3A_1863 = arith.addi %multiple_of3A_1087, %add3A_1862 : i32
        %swap3A_1864 = arith.index_cast %add3A_1863 : i32 to index
        %swap3A_1865 = arith.constant 32 : index
        %swap3A_1866 = tpu.vector_load %arg13[%swap3A_1864, %swap3A_1865] {strides = array<i32>} : memref<128x64xf32, #tpu.memory_space<vmem>>, vector<16xf32>,
        tpu.vector_store %arg13[%swap3A_1864, %swap3A_1865], %mul3A_1861 {strides = array<i32>} : memref<128x64xf32, #tpu.memory_space<vmem>>, vector<16xf32>,
        %add3A_1867 = arith.constant 13 : i32
        %add3A_1868 = arith.addi %multiple_of3A_1087, %add3A_1867 : i32
        %get3A_1869 = arith.index_cast %add3A_1868 : i32 to index
        %get3A_1870 = arith.constant 48 : index
        %get3A_1871 = tpu.vector_load %arg11[%get3A_1869, %get3A_1870] {strides = array<i32>} : memref<128x64xf32, #tpu.memory_space<vmem>>, vector<16xf32>,
        %mul3A_1872 = arith.mulf %get3A_1871, %gather3A_1833 : vector<16xf32>
        %add3A_1873 = arith.constant 13 : i32
        %add3A_1874 = arith.addi %multiple_of3A_1087, %add3A_1873 : i32
        %swap3A_1875 = arith.index_cast %add3A_1874 : i32 to index
        %swap3A_1876 = arith.constant 48 : index
        %swap3A_1877 = tpu.vector_load %arg13[%swap3A_1875, %swap3A_1876] {strides = array<i32>} : memref<128x64xf32, #tpu.memory_space<vmem>>, vector<16xf32>,
        tpu.vector_store %arg13[%swap3A_1875, %swap3A_1876], %mul3A_1872 {strides = array<i32>} : memref<128x64xf32, #tpu.memory_space<vmem>>, vector<16xf32>,
        %broadcast_in_dim3A_1878 = arith.constant 14 : i32
        %broadcast_in_dim3A_1879 = vector.broadcast %broadcast_in_dim3A_1878 : i32 to vector<16xi32>
        %lt3A_1880 = arith.constant 0 : i32
        %lt3A_1881 = vector.broadcast %lt3A_1880 : i32 to vector<16xi32>
        %lt3A_1882 = arith.cmpi slt, %broadcast_in_dim3A_1879, %lt3A_1881 : vector<16xi32>
        %add3A_1883 = arith.constant 16 : i32
        %add3A_1884 = vector.broadcast %add3A_1883 : i32 to vector<16xi32>
        %add3A_1885 = arith.addi %broadcast_in_dim3A_1879, %add3A_1884 : vector<16xi32>
        %select_n3A_1886 = arith.select %lt3A_1882, %add3A_1885, %broadcast_in_dim3A_1879 : vector<16xi1>, vector<16xi32>
        %broadcast_in_dim3A_1887 = vector.shape_cast %select_n3A_1886 : vector<16xi32> to vector<16x1xi32>
        %gather3A_1888 = vector.shape_cast %broadcast_in_dim3A_1887 : vector<16x1xi32> to vector<16xi32>
        %gather3A_1889 = tpu.dynamic_gather %get3A_1093[%gather3A_1888] in [0] : vector<16xf32>, vector<16xi32> -> vector<16xf32>
        %add3A_1890 = arith.constant 14 : i32
        %add3A_1891 = arith.addi %multiple_of3A_1087, %add3A_1890 : i32
        %get3A_1892 = arith.index_cast %add3A_1891 : i32 to index
        %get3A_1893 = arith.constant 0 : index
        %get3A_1894 = tpu.vector_load %arg11[%get3A_1892, %get3A_1893] {strides = array<i32>} : memref<128x64xf32, #tpu.memory_space<vmem>>, vector<16xf32>,
        %mul3A_1895 = arith.mulf %get3A_1894, %gather3A_1889 : vector<16xf32>
        %add3A_1896 = arith.constant 14 : i32
        %add3A_1897 = arith.addi %multiple_of3A_1087, %add3A_1896 : i32
        %swap3A_1898 = arith.index_cast %add3A_1897 : i32 to index
        %swap3A_1899 = arith.constant 0 : index
        %swap3A_1900 = tpu.vector_load %arg13[%swap3A_1898, %swap3A_1899] {strides = array<i32>} : memref<128x64xf32, #tpu.memory_space<vmem>>, vector<16xf32>,
        tpu.vector_store %arg13[%swap3A_1898, %swap3A_1899], %mul3A_1895 {strides = array<i32>} : memref<128x64xf32, #tpu.memory_space<vmem>>, vector<16xf32>,
        %add3A_1901 = arith.constant 14 : i32
        %add3A_1902 = arith.addi %multiple_of3A_1087, %add3A_1901 : i32
        %get3A_1903 = arith.index_cast %add3A_1902 : i32 to index
        %get3A_1904 = arith.constant 16 : index
        %get3A_1905 = tpu.vector_load %arg11[%get3A_1903, %get3A_1904] {strides = array<i32>} : memref<128x64xf32, #tpu.memory_space<vmem>>, vector<16xf32>,
        %mul3A_1906 = arith.mulf %get3A_1905, %gather3A_1889 : vector<16xf32>
        %add3A_1907 = arith.constant 14 : i32
        %add3A_1908 = arith.addi %multiple_of3A_1087, %add3A_1907 : i32
        %swap3A_1909 = arith.index_cast %add3A_1908 : i32 to index
        %swap3A_1910 = arith.constant 16 : index
        %swap3A_1911 = tpu.vector_load %arg13[%swap3A_1909, %swap3A_1910] {strides = array<i32>} : memref<128x64xf32, #tpu.memory_space<vmem>>, vector<16xf32>,
        tpu.vector_store %arg13[%swap3A_1909, %swap3A_1910], %mul3A_1906 {strides = array<i32>} : memref<128x64xf32, #tpu.memory_space<vmem>>, vector<16xf32>,
        %add3A_1912 = arith.constant 14 : i32
        %add3A_1913 = arith.addi %multiple_of3A_1087, %add3A_1912 : i32
        %get3A_1914 = arith.index_cast %add3A_1913 : i32 to index
        %get3A_1915 = arith.constant 32 : index
        %get3A_1916 = tpu.vector_load %arg11[%get3A_1914, %get3A_1915] {strides = array<i32>} : memref<128x64xf32, #tpu.memory_space<vmem>>, vector<16xf32>,
        %mul3A_1917 = arith.mulf %get3A_1916, %gather3A_1889 : vector<16xf32>
        %add3A_1918 = arith.constant 14 : i32
        %add3A_1919 = arith.addi %multiple_of3A_1087, %add3A_1918 : i32
        %swap3A_1920 = arith.index_cast %add3A_1919 : i32 to index
        %swap3A_1921 = arith.constant 32 : index
        %swap3A_1922 = tpu.vector_load %arg13[%swap3A_1920, %swap3A_1921] {strides = array<i32>} : memref<128x64xf32, #tpu.memory_space<vmem>>, vector<16xf32>,
        tpu.vector_store %arg13[%swap3A_1920, %swap3A_1921], %mul3A_1917 {strides = array<i32>} : memref<128x64xf32, #tpu.memory_space<vmem>>, vector<16xf32>,
        %add3A_1923 = arith.constant 14 : i32
        %add3A_1924 = arith.addi %multiple_of3A_1087, %add3A_1923 : i32
        %get3A_1925 = arith.index_cast %add3A_1924 : i32 to index
        %get3A_1926 = arith.constant 48 : index
        %get3A_1927 = tpu.vector_load %arg11[%get3A_1925, %get3A_1926] {strides = array<i32>} : memref<128x64xf32, #tpu.memory_space<vmem>>, vector<16xf32>,
        %mul3A_1928 = arith.mulf %get3A_1927, %gather3A_1889 : vector<16xf32>
        %add3A_1929 = arith.constant 14 : i32
        %add3A_1930 = arith.addi %multiple_of3A_1087, %add3A_1929 : i32
        %swap3A_1931 = arith.index_cast %add3A_1930 : i32 to index
        %swap3A_1932 = arith.constant 48 : index
        %swap3A_1933 = tpu.vector_load %arg13[%swap3A_1931, %swap3A_1932] {strides = array<i32>} : memref<128x64xf32, #tpu.memory_space<vmem>>, vector<16xf32>,
        tpu.vector_store %arg13[%swap3A_1931, %swap3A_1932], %mul3A_1928 {strides = array<i32>} : memref<128x64xf32, #tpu.memory_space<vmem>>, vector<16xf32>,
        %broadcast_in_dim3A_1934 = arith.constant 15 : i32
        %broadcast_in_dim3A_1935 = vector.broadcast %broadcast_in_dim3A_1934 : i32 to vector<16xi32>
        %lt3A_1936 = arith.constant 0 : i32
        %lt3A_1937 = vector.broadcast %lt3A_1936 : i32 to vector<16xi32>
        %lt3A_1938 = arith.cmpi slt, %broadcast_in_dim3A_1935, %lt3A_1937 : vector<16xi32>
        %add3A_1939 = arith.constant 16 : i32
        %add3A_1940 = vector.broadcast %add3A_1939 : i32 to vector<16xi32>
        %add3A_1941 = arith.addi %broadcast_in_dim3A_1935, %add3A_1940 : vector<16xi32>
        %select_n3A_1942 = arith.select %lt3A_1938, %add3A_1941, %broadcast_in_dim3A_1935 : vector<16xi1>, vector<16xi32>
        %broadcast_in_dim3A_1943 = vector.shape_cast %select_n3A_1942 : vector<16xi32> to vector<16x1xi32>
        %gather3A_1944 = vector.shape_cast %broadcast_in_dim3A_1943 : vector<16x1xi32> to vector<16xi32>
        %gather3A_1945 = tpu.dynamic_gather %get3A_1093[%gather3A_1944] in [0] : vector<16xf32>, vector<16xi32> -> vector<16xf32>
        %add3A_1946 = arith.constant 15 : i32
        %add3A_1947 = arith.addi %multiple_of3A_1087, %add3A_1946 : i32
        %get3A_1948 = arith.index_cast %add3A_1947 : i32 to index
        %get3A_1949 = arith.constant 0 : index
        %get3A_1950 = tpu.vector_load %arg11[%get3A_1948, %get3A_1949] {strides = array<i32>} : memref<128x64xf32, #tpu.memory_space<vmem>>, vector<16xf32>,
        %mul3A_1951 = arith.mulf %get3A_1950, %gather3A_1945 : vector<16xf32>
        %add3A_1952 = arith.constant 15 : i32
        %add3A_1953 = arith.addi %multiple_of3A_1087, %add3A_1952 : i32
        %swap3A_1954 = arith.index_cast %add3A_1953 : i32 to index
        %swap3A_1955 = arith.constant 0 : index
        %swap3A_1956 = tpu.vector_load %arg13[%swap3A_1954, %swap3A_1955] {strides = array<i32>} : memref<128x64xf32, #tpu.memory_space<vmem>>, vector<16xf32>,
        tpu.vector_store %arg13[%swap3A_1954, %swap3A_1955], %mul3A_1951 {strides = array<i32>} : memref<128x64xf32, #tpu.memory_space<vmem>>, vector<16xf32>,
        %add3A_1957 = arith.constant 15 : i32
        %add3A_1958 = arith.addi %multiple_of3A_1087, %add3A_1957 : i32
        %get3A_1959 = arith.index_cast %add3A_1958 : i32 to index
        %get3A_1960 = arith.constant 16 : index
        %get3A_1961 = tpu.vector_load %arg11[%get3A_1959, %get3A_1960] {strides = array<i32>} : memref<128x64xf32, #tpu.memory_space<vmem>>, vector<16xf32>,
        %mul3A_1962 = arith.mulf %get3A_1961, %gather3A_1945 : vector<16xf32>
        %add3A_1963 = arith.constant 15 : i32
        %add3A_1964 = arith.addi %multiple_of3A_1087, %add3A_1963 : i32
        %swap3A_1965 = arith.index_cast %add3A_1964 : i32 to index
        %swap3A_1966 = arith.constant 16 : index
        %swap3A_1967 = tpu.vector_load %arg13[%swap3A_1965, %swap3A_1966] {strides = array<i32>} : memref<128x64xf32, #tpu.memory_space<vmem>>, vector<16xf32>,
        tpu.vector_store %arg13[%swap3A_1965, %swap3A_1966], %mul3A_1962 {strides = array<i32>} : memref<128x64xf32, #tpu.memory_space<vmem>>, vector<16xf32>,
        %add3A_1968 = arith.constant 15 : i32
        %add3A_1969 = arith.addi %multiple_of3A_1087, %add3A_1968 : i32
        %get3A_1970 = arith.index_cast %add3A_1969 : i32 to index
        %get3A_1971 = arith.constant 32 : index
        %get3A_1972 = tpu.vector_load %arg11[%get3A_1970, %get3A_1971] {strides = array<i32>} : memref<128x64xf32, #tpu.memory_space<vmem>>, vector<16xf32>,
        %mul3A_1973 = arith.mulf %get3A_1972, %gather3A_1945 : vector<16xf32>
        %add3A_1974 = arith.constant 15 : i32
        %add3A_1975 = arith.addi %multiple_of3A_1087, %add3A_1974 : i32
        %swap3A_1976 = arith.index_cast %add3A_1975 : i32 to index
        %swap3A_1977 = arith.constant 32 : index
        %swap3A_1978 = tpu.vector_load %arg13[%swap3A_1976, %swap3A_1977] {strides = array<i32>} : memref<128x64xf32, #tpu.memory_space<vmem>>, vector<16xf32>,
        tpu.vector_store %arg13[%swap3A_1976, %swap3A_1977], %mul3A_1973 {strides = array<i32>} : memref<128x64xf32, #tpu.memory_space<vmem>>, vector<16xf32>,
        %add3A_1979 = arith.constant 15 : i32
        %add3A_1980 = arith.addi %multiple_of3A_1087, %add3A_1979 : i32
        %get3A_1981 = arith.index_cast %add3A_1980 : i32 to index
        %get3A_1982 = arith.constant 48 : index
        %get3A_1983 = tpu.vector_load %arg11[%get3A_1981, %get3A_1982] {strides = array<i32>} : memref<128x64xf32, #tpu.memory_space<vmem>>, vector<16xf32>,
        %mul3A_1984 = arith.mulf %get3A_1983, %gather3A_1945 : vector<16xf32>
        %add3A_1985 = arith.constant 15 : i32
        %add3A_1986 = arith.addi %multiple_of3A_1087, %add3A_1985 : i32
        %swap3A_1987 = arith.index_cast %add3A_1986 : i32 to index
        %swap3A_1988 = arith.constant 48 : index
        %swap3A_1989 = tpu.vector_load %arg13[%swap3A_1987, %swap3A_1988] {strides = array<i32>} : memref<128x64xf32, #tpu.memory_space<vmem>>, vector<16xf32>,
        tpu.vector_store %arg13[%swap3A_1987, %swap3A_1988], %mul3A_1984 {strides = array<i32>} : memref<128x64xf32, #tpu.memory_space<vmem>>, vector<16xf32>,
      }
      %scan3A_136 = arith.constant 8 : i32
      %add3A_137 = arith.constant 2 : i32
      %add3A_138 = arith.addi %mul3A_121, %add3A_137 : i32
      %lt3A = arith.constant 66 : i32
      %lt3A_139 = arith.cmpi slt, %add3A_138, %lt3A : i32
      %convert_element_type3A_140 = arith.extui %lt3A_139 : i1 to i32
      %cond3A_141 = arith.constant 0 : i32
      %cond3A_142 = arith.cmpi ne, %convert_element_type3A_140, %cond3A_141 : i32
      scf.if %cond3A_142 {
        %add3A_182 = arith.constant 2 : i32
        %add3A_183 = arith.addi %mul3A_121, %add3A_182 : i32
        %mul3A_184 = arith.constant 128 : i32
        %mul3A_185 = arith.muli %add3A_183, %mul3A_184 : i32
        %multiple_of3A_186 = tpu.assume_multiple %mul3A_185, 128 : i32
        %dma_start3A_187 = tpu.memref_slice %arg8[%multiple_of3A_186] : memref<8448xi32, #tpu.memory_space<vmem>> -> memref<128xi32, #tpu.memory_space<vmem>>
        %dma_start3A_188 = arith.constant 0 : i32
        %dma_start3A_189 = arith.constant 0 : i32
        %dma_start3A_190 = tpu.memref_slice %arg2[%dma_start3A_188, %dma_start3A_189] : memref<16384x64xf32, #tpu.memory_space<hbm>> -> memref<16384x64xf32, #tpu.memory_space<hbm>>
        tpu.enqueue_indirect_dma source(%dma_start3A_190 : memref<16384x64xf32, #tpu.memory_space<hbm>>) target(%arg11 : memref<128x64xf32, #tpu.memory_space<vmem>>) offsets(%dma_start3A_187 : memref<128xi32, #tpu.memory_space<vmem>>) semaphore(%arg16 : memref<!tpu.dma_semaphore, #tpu.memory_space<semaphore_mem>>)
      } else {
      }
      %dma_start3A_143 = arith.constant 0 : i32
      %dma_start3A_144 = tpu.memref_slice %arg9[%mul3A_121, %dma_start3A_143] : memref<66x128xi32, #tpu.memory_space<vmem>> -> memref<1x128xi32, #tpu.memory_space<vmem>>
      %dma_start3A_145 = tpu.memref_squeeze %dma_start3A_144 : memref<1x128xi32, #tpu.memory_space<vmem>> -> memref<128xi32, #tpu.memory_space<vmem>>
      %dma_start3A_146 = arith.constant 0 : i32
      %dma_start3A_147 = arith.constant 0 : i32
      %dma_start3A_148 = tpu.memref_slice %arg7[%dma_start3A_146, %dma_start3A_147] : memref<16384x64xf32, #tpu.memory_space<vmem_shared>> -> memref<16384x64xf32, #tpu.memory_space<vmem_shared>>
      tpu.enqueue_indirect_dma source(%arg13 : memref<128x64xf32, #tpu.memory_space<vmem>>) target(%dma_start3A_148 : memref<16384x64xf32, #tpu.memory_space<vmem_shared>>) offsets(%dma_start3A_145 : memref<128xi32, #tpu.memory_space<vmem>>) semaphore(%arg18 : memref<!tpu.dma_semaphore, #tpu.memory_space<semaphore_mem>>) {add = true}
      %add3A_149 = arith.constant 1 : i32
      %add3A_150 = arith.addi %mul3A_121, %add3A_149 : i32
      %mul3A_151 = arith.constant 128 : i32
      %mul3A_152 = arith.muli %add3A_150, %mul3A_151 : i32
      %multiple_of3A_153 = tpu.assume_multiple %mul3A_152, 128 : i32
      %dma_wait3A_154 = tpu.memref_slice %arg8[%multiple_of3A_153] : memref<8448xi32, #tpu.memory_space<vmem>> -> memref<128xi32, #tpu.memory_space<vmem>>
      %dma_wait3A_155 = arith.constant 0 : i32
      %dma_wait3A_156 = arith.constant 0 : i32
      %dma_wait3A_157 = tpu.memref_slice %arg2[%dma_wait3A_155, %dma_wait3A_156] : memref<16384x64xf32, #tpu.memory_space<hbm>> -> memref<16384x64xf32, #tpu.memory_space<hbm>>
      tpu.wait_indirect_dma semaphore(%arg17 : memref<!tpu.dma_semaphore, #tpu.memory_space<semaphore_mem>>) src(%dma_wait3A_157 : memref<16384x64xf32, #tpu.memory_space<hbm>>) dst(%arg12 : memref<128x64xf32, #tpu.memory_space<vmem>>)
      %ge3A_158 = arith.constant 2 : i32
      %ge3A_159 = arith.cmpi sge, %add3A_150, %ge3A_158 : i32
      %convert_element_type3A_160 = arith.extui %ge3A_159 : i1 to i32
      %cond3A_161 = arith.constant 0 : i32
      %cond3A_162 = arith.cmpi ne, %convert_element_type3A_160, %cond3A_161 : i32
      scf.if %cond3A_162 {
        %dma_wait3A_182 = arith.constant 0 : i32
        %dma_wait3A_183 = tpu.memref_slice %arg9[%add3A_150, %dma_wait3A_182] : memref<66x128xi32, #tpu.memory_space<vmem>> -> memref<1x128xi32, #tpu.memory_space<vmem>>
        %dma_wait3A_184 = tpu.memref_squeeze %dma_wait3A_183 : memref<1x128xi32, #tpu.memory_space<vmem>> -> memref<128xi32, #tpu.memory_space<vmem>>
        %dma_wait3A_185 = arith.constant 0 : i32
        %dma_wait3A_186 = arith.constant 0 : i32
        %dma_wait3A_187 = tpu.memref_slice %arg7[%dma_wait3A_185, %dma_wait3A_186] : memref<16384x64xf32, #tpu.memory_space<vmem_shared>> -> memref<16384x64xf32, #tpu.memory_space<vmem_shared>>
        tpu.wait_indirect_dma semaphore(%arg19 : memref<!tpu.dma_semaphore, #tpu.memory_space<semaphore_mem>>) src(%arg14 : memref<128x64xf32, #tpu.memory_space<vmem>>) dst(%dma_wait3A_187 : memref<16384x64xf32, #tpu.memory_space<vmem_shared>>)
      } else {
      }
      %scan3A_163 = arith.constant 0 : i32
      %scan3A_164 = arith.constant 0 : i32
      %scan3A_165 = arith.constant 8 : i32
      %scan3A_166 = arith.addi %scan3A_164, %scan3A_165 : i32
      %scan3A_167 = arith.constant 2 : i32
      scf.for %scan3A_182 = %scan3A_164 to %scan3A_166 step %scan3A_167  : i32 {
        %mul3A_183 = arith.constant 16 : i32
        %mul3A_184 = arith.muli %scan3A_182, %mul3A_183 : i32
        %multiple_of3A_185 = tpu.assume_multiple %mul3A_184, 16 : i32
        %mul3A_186 = arith.constant 128 : i32
        %mul3A_187 = arith.muli %add3A_150, %mul3A_186 : i32
        %multiple_of3A_188 = tpu.assume_multiple %mul3A_187, 128 : i32
        %add3A_189 = arith.addi %multiple_of3A_188, %multiple_of3A_185 : i32
        %get3A = arith.index_cast %add3A_189 : i32 to index
        %get3A_190 = tpu.vector_load %arg10[%get3A] {strides = array<i32>} : memref<8448xf32, #tpu.memory_space<vmem>>, vector<16xf32>,
        %broadcast_in_dim3A = arith.constant 0 : i32
        %broadcast_in_dim3A_191 = vector.broadcast %broadcast_in_dim3A : i32 to vector<16xi32>
        %lt3A_192 = arith.constant 0 : i32
        %lt3A_193 = vector.broadcast %lt3A_192 : i32 to vector<16xi32>
        %lt3A_194 = arith.cmpi slt, %broadcast_in_dim3A_191, %lt3A_193 : vector<16xi32>
        %add3A_195 = arith.constant 16 : i32
        %add3A_196 = vector.broadcast %add3A_195 : i32 to vector<16xi32>
        %add3A_197 = arith.addi %broadcast_in_dim3A_191, %add3A_196 : vector<16xi32>
        %select_n3A = arith.select %lt3A_194, %add3A_197, %broadcast_in_dim3A_191 : vector<16xi1>, vector<16xi32>
        %broadcast_in_dim3A_198 = vector.shape_cast %select_n3A : vector<16xi32> to vector<16x1xi32>
        %gather3A = vector.shape_cast %broadcast_in_dim3A_198 : vector<16x1xi32> to vector<16xi32>
        %gather3A_199 = tpu.dynamic_gather %get3A_190[%gather3A] in [0] : vector<16xf32>, vector<16xi32> -> vector<16xf32>
        %add3A_200 = arith.constant 0 : i32
        %add3A_201 = arith.addi %multiple_of3A_185, %add3A_200 : i32
        %get3A_202 = arith.index_cast %add3A_201 : i32 to index
        %get3A_203 = arith.constant 0 : index
        %get3A_204 = tpu.vector_load %arg12[%get3A_202, %get3A_203] {strides = array<i32>} : memref<128x64xf32, #tpu.memory_space<vmem>>, vector<16xf32>,
        %mul3A_205 = arith.mulf %get3A_204, %gather3A_199 : vector<16xf32>
        %add3A_206 = arith.constant 0 : i32
        %add3A_207 = arith.addi %multiple_of3A_185, %add3A_206 : i32
        %swap3A = arith.index_cast %add3A_207 : i32 to index
        %swap3A_208 = arith.constant 0 : index
        %swap3A_209 = tpu.vector_load %arg14[%swap3A, %swap3A_208] {strides = array<i32>} : memref<128x64xf32, #tpu.memory_space<vmem>>, vector<16xf32>,
        tpu.vector_store %arg14[%swap3A, %swap3A_208], %mul3A_205 {strides = array<i32>} : memref<128x64xf32, #tpu.memory_space<vmem>>, vector<16xf32>,
        %add3A_210 = arith.constant 0 : i32
        %add3A_211 = arith.addi %multiple_of3A_185, %add3A_210 : i32
        %get3A_212 = arith.index_cast %add3A_211 : i32 to index
        %get3A_213 = arith.constant 16 : index
        %get3A_214 = tpu.vector_load %arg12[%get3A_212, %get3A_213] {strides = array<i32>} : memref<128x64xf32, #tpu.memory_space<vmem>>, vector<16xf32>,
        %mul3A_215 = arith.mulf %get3A_214, %gather3A_199 : vector<16xf32>
        %add3A_216 = arith.constant 0 : i32
        %add3A_217 = arith.addi %multiple_of3A_185, %add3A_216 : i32
        %swap3A_218 = arith.index_cast %add3A_217 : i32 to index
        %swap3A_219 = arith.constant 16 : index
        %swap3A_220 = tpu.vector_load %arg14[%swap3A_218, %swap3A_219] {strides = array<i32>} : memref<128x64xf32, #tpu.memory_space<vmem>>, vector<16xf32>,
        tpu.vector_store %arg14[%swap3A_218, %swap3A_219], %mul3A_215 {strides = array<i32>} : memref<128x64xf32, #tpu.memory_space<vmem>>, vector<16xf32>,
        %add3A_221 = arith.constant 0 : i32
        %add3A_222 = arith.addi %multiple_of3A_185, %add3A_221 : i32
        %get3A_223 = arith.index_cast %add3A_222 : i32 to index
        %get3A_224 = arith.constant 32 : index
        %get3A_225 = tpu.vector_load %arg12[%get3A_223, %get3A_224] {strides = array<i32>} : memref<128x64xf32, #tpu.memory_space<vmem>>, vector<16xf32>,
        %mul3A_226 = arith.mulf %get3A_225, %gather3A_199 : vector<16xf32>
        %add3A_227 = arith.constant 0 : i32
        %add3A_228 = arith.addi %multiple_of3A_185, %add3A_227 : i32
        %swap3A_229 = arith.index_cast %add3A_228 : i32 to index
        %swap3A_230 = arith.constant 32 : index
        %swap3A_231 = tpu.vector_load %arg14[%swap3A_229, %swap3A_230] {strides = array<i32>} : memref<128x64xf32, #tpu.memory_space<vmem>>, vector<16xf32>,
        tpu.vector_store %arg14[%swap3A_229, %swap3A_230], %mul3A_226 {strides = array<i32>} : memref<128x64xf32, #tpu.memory_space<vmem>>, vector<16xf32>,
        %add3A_232 = arith.constant 0 : i32
        %add3A_233 = arith.addi %multiple_of3A_185, %add3A_232 : i32
        %get3A_234 = arith.index_cast %add3A_233 : i32 to index
        %get3A_235 = arith.constant 48 : index
        %get3A_236 = tpu.vector_load %arg12[%get3A_234, %get3A_235] {strides = array<i32>} : memref<128x64xf32, #tpu.memory_space<vmem>>, vector<16xf32>,
        %mul3A_237 = arith.mulf %get3A_236, %gather3A_199 : vector<16xf32>
        %add3A_238 = arith.constant 0 : i32
        %add3A_239 = arith.addi %multiple_of3A_185, %add3A_238 : i32
        %swap3A_240 = arith.index_cast %add3A_239 : i32 to index
        %swap3A_241 = arith.constant 48 : index
        %swap3A_242 = tpu.vector_load %arg14[%swap3A_240, %swap3A_241] {strides = array<i32>} : memref<128x64xf32, #tpu.memory_space<vmem>>, vector<16xf32>,
        tpu.vector_store %arg14[%swap3A_240, %swap3A_241], %mul3A_237 {strides = array<i32>} : memref<128x64xf32, #tpu.memory_space<vmem>>, vector<16xf32>,
        %broadcast_in_dim3A_243 = arith.constant 1 : i32
        %broadcast_in_dim3A_244 = vector.broadcast %broadcast_in_dim3A_243 : i32 to vector<16xi32>
        %lt3A_245 = arith.constant 0 : i32
        %lt3A_246 = vector.broadcast %lt3A_245 : i32 to vector<16xi32>
        %lt3A_247 = arith.cmpi slt, %broadcast_in_dim3A_244, %lt3A_246 : vector<16xi32>
        %add3A_248 = arith.constant 16 : i32
        %add3A_249 = vector.broadcast %add3A_248 : i32 to vector<16xi32>
        %add3A_250 = arith.addi %broadcast_in_dim3A_244, %add3A_249 : vector<16xi32>
        %select_n3A_251 = arith.select %lt3A_247, %add3A_250, %broadcast_in_dim3A_244 : vector<16xi1>, vector<16xi32>
        %broadcast_in_dim3A_252 = vector.shape_cast %select_n3A_251 : vector<16xi32> to vector<16x1xi32>
        %gather3A_253 = vector.shape_cast %broadcast_in_dim3A_252 : vector<16x1xi32> to vector<16xi32>
        %gather3A_254 = tpu.dynamic_gather %get3A_190[%gather3A_253] in [0] : vector<16xf32>, vector<16xi32> -> vector<16xf32>
        %add3A_255 = arith.constant 1 : i32
        %add3A_256 = arith.addi %multiple_of3A_185, %add3A_255 : i32
        %get3A_257 = arith.index_cast %add3A_256 : i32 to index
        %get3A_258 = arith.constant 0 : index
        %get3A_259 = tpu.vector_load %arg12[%get3A_257, %get3A_258] {strides = array<i32>} : memref<128x64xf32, #tpu.memory_space<vmem>>, vector<16xf32>,
        %mul3A_260 = arith.mulf %get3A_259, %gather3A_254 : vector<16xf32>
        %add3A_261 = arith.constant 1 : i32
        %add3A_262 = arith.addi %multiple_of3A_185, %add3A_261 : i32
        %swap3A_263 = arith.index_cast %add3A_262 : i32 to index
        %swap3A_264 = arith.constant 0 : index
        %swap3A_265 = tpu.vector_load %arg14[%swap3A_263, %swap3A_264] {strides = array<i32>} : memref<128x64xf32, #tpu.memory_space<vmem>>, vector<16xf32>,
        tpu.vector_store %arg14[%swap3A_263, %swap3A_264], %mul3A_260 {strides = array<i32>} : memref<128x64xf32, #tpu.memory_space<vmem>>, vector<16xf32>,
        %add3A_266 = arith.constant 1 : i32
        %add3A_267 = arith.addi %multiple_of3A_185, %add3A_266 : i32
        %get3A_268 = arith.index_cast %add3A_267 : i32 to index
        %get3A_269 = arith.constant 16 : index
        %get3A_270 = tpu.vector_load %arg12[%get3A_268, %get3A_269] {strides = array<i32>} : memref<128x64xf32, #tpu.memory_space<vmem>>, vector<16xf32>,
        %mul3A_271 = arith.mulf %get3A_270, %gather3A_254 : vector<16xf32>
        %add3A_272 = arith.constant 1 : i32
        %add3A_273 = arith.addi %multiple_of3A_185, %add3A_272 : i32
        %swap3A_274 = arith.index_cast %add3A_273 : i32 to index
        %swap3A_275 = arith.constant 16 : index
        %swap3A_276 = tpu.vector_load %arg14[%swap3A_274, %swap3A_275] {strides = array<i32>} : memref<128x64xf32, #tpu.memory_space<vmem>>, vector<16xf32>,
        tpu.vector_store %arg14[%swap3A_274, %swap3A_275], %mul3A_271 {strides = array<i32>} : memref<128x64xf32, #tpu.memory_space<vmem>>, vector<16xf32>,
        %add3A_277 = arith.constant 1 : i32
        %add3A_278 = arith.addi %multiple_of3A_185, %add3A_277 : i32
        %get3A_279 = arith.index_cast %add3A_278 : i32 to index
        %get3A_280 = arith.constant 32 : index
        %get3A_281 = tpu.vector_load %arg12[%get3A_279, %get3A_280] {strides = array<i32>} : memref<128x64xf32, #tpu.memory_space<vmem>>, vector<16xf32>,
        %mul3A_282 = arith.mulf %get3A_281, %gather3A_254 : vector<16xf32>
        %add3A_283 = arith.constant 1 : i32
        %add3A_284 = arith.addi %multiple_of3A_185, %add3A_283 : i32
        %swap3A_285 = arith.index_cast %add3A_284 : i32 to index
        %swap3A_286 = arith.constant 32 : index
        %swap3A_287 = tpu.vector_load %arg14[%swap3A_285, %swap3A_286] {strides = array<i32>} : memref<128x64xf32, #tpu.memory_space<vmem>>, vector<16xf32>,
        tpu.vector_store %arg14[%swap3A_285, %swap3A_286], %mul3A_282 {strides = array<i32>} : memref<128x64xf32, #tpu.memory_space<vmem>>, vector<16xf32>,
        %add3A_288 = arith.constant 1 : i32
        %add3A_289 = arith.addi %multiple_of3A_185, %add3A_288 : i32
        %get3A_290 = arith.index_cast %add3A_289 : i32 to index
        %get3A_291 = arith.constant 48 : index
        %get3A_292 = tpu.vector_load %arg12[%get3A_290, %get3A_291] {strides = array<i32>} : memref<128x64xf32, #tpu.memory_space<vmem>>, vector<16xf32>,
        %mul3A_293 = arith.mulf %get3A_292, %gather3A_254 : vector<16xf32>
        %add3A_294 = arith.constant 1 : i32
        %add3A_295 = arith.addi %multiple_of3A_185, %add3A_294 : i32
        %swap3A_296 = arith.index_cast %add3A_295 : i32 to index
        %swap3A_297 = arith.constant 48 : index
        %swap3A_298 = tpu.vector_load %arg14[%swap3A_296, %swap3A_297] {strides = array<i32>} : memref<128x64xf32, #tpu.memory_space<vmem>>, vector<16xf32>,
        tpu.vector_store %arg14[%swap3A_296, %swap3A_297], %mul3A_293 {strides = array<i32>} : memref<128x64xf32, #tpu.memory_space<vmem>>, vector<16xf32>,
        %broadcast_in_dim3A_299 = arith.constant 2 : i32
        %broadcast_in_dim3A_300 = vector.broadcast %broadcast_in_dim3A_299 : i32 to vector<16xi32>
        %lt3A_301 = arith.constant 0 : i32
        %lt3A_302 = vector.broadcast %lt3A_301 : i32 to vector<16xi32>
        %lt3A_303 = arith.cmpi slt, %broadcast_in_dim3A_300, %lt3A_302 : vector<16xi32>
        %add3A_304 = arith.constant 16 : i32
        %add3A_305 = vector.broadcast %add3A_304 : i32 to vector<16xi32>
        %add3A_306 = arith.addi %broadcast_in_dim3A_300, %add3A_305 : vector<16xi32>
        %select_n3A_307 = arith.select %lt3A_303, %add3A_306, %broadcast_in_dim3A_300 : vector<16xi1>, vector<16xi32>
        %broadcast_in_dim3A_308 = vector.shape_cast %select_n3A_307 : vector<16xi32> to vector<16x1xi32>
        %gather3A_309 = vector.shape_cast %broadcast_in_dim3A_308 : vector<16x1xi32> to vector<16xi32>
        %gather3A_310 = tpu.dynamic_gather %get3A_190[%gather3A_309] in [0] : vector<16xf32>, vector<16xi32> -> vector<16xf32>
        %add3A_311 = arith.constant 2 : i32
        %add3A_312 = arith.addi %multiple_of3A_185, %add3A_311 : i32
        %get3A_313 = arith.index_cast %add3A_312 : i32 to index
        %get3A_314 = arith.constant 0 : index
        %get3A_315 = tpu.vector_load %arg12[%get3A_313, %get3A_314] {strides = array<i32>} : memref<128x64xf32, #tpu.memory_space<vmem>>, vector<16xf32>,
        %mul3A_316 = arith.mulf %get3A_315, %gather3A_310 : vector<16xf32>
        %add3A_317 = arith.constant 2 : i32
        %add3A_318 = arith.addi %multiple_of3A_185, %add3A_317 : i32
        %swap3A_319 = arith.index_cast %add3A_318 : i32 to index
        %swap3A_320 = arith.constant 0 : index
        %swap3A_321 = tpu.vector_load %arg14[%swap3A_319, %swap3A_320] {strides = array<i32>} : memref<128x64xf32, #tpu.memory_space<vmem>>, vector<16xf32>,
        tpu.vector_store %arg14[%swap3A_319, %swap3A_320], %mul3A_316 {strides = array<i32>} : memref<128x64xf32, #tpu.memory_space<vmem>>, vector<16xf32>,
        %add3A_322 = arith.constant 2 : i32
        %add3A_323 = arith.addi %multiple_of3A_185, %add3A_322 : i32
        %get3A_324 = arith.index_cast %add3A_323 : i32 to index
        %get3A_325 = arith.constant 16 : index
        %get3A_326 = tpu.vector_load %arg12[%get3A_324, %get3A_325] {strides = array<i32>} : memref<128x64xf32, #tpu.memory_space<vmem>>, vector<16xf32>,
        %mul3A_327 = arith.mulf %get3A_326, %gather3A_310 : vector<16xf32>
        %add3A_328 = arith.constant 2 : i32
        %add3A_329 = arith.addi %multiple_of3A_185, %add3A_328 : i32
        %swap3A_330 = arith.index_cast %add3A_329 : i32 to index
        %swap3A_331 = arith.constant 16 : index
        %swap3A_332 = tpu.vector_load %arg14[%swap3A_330, %swap3A_331] {strides = array<i32>} : memref<128x64xf32, #tpu.memory_space<vmem>>, vector<16xf32>,
        tpu.vector_store %arg14[%swap3A_330, %swap3A_331], %mul3A_327 {strides = array<i32>} : memref<128x64xf32, #tpu.memory_space<vmem>>, vector<16xf32>,
        %add3A_333 = arith.constant 2 : i32
        %add3A_334 = arith.addi %multiple_of3A_185, %add3A_333 : i32
        %get3A_335 = arith.index_cast %add3A_334 : i32 to index
        %get3A_336 = arith.constant 32 : index
        %get3A_337 = tpu.vector_load %arg12[%get3A_335, %get3A_336] {strides = array<i32>} : memref<128x64xf32, #tpu.memory_space<vmem>>, vector<16xf32>,
        %mul3A_338 = arith.mulf %get3A_337, %gather3A_310 : vector<16xf32>
        %add3A_339 = arith.constant 2 : i32
        %add3A_340 = arith.addi %multiple_of3A_185, %add3A_339 : i32
        %swap3A_341 = arith.index_cast %add3A_340 : i32 to index
        %swap3A_342 = arith.constant 32 : index
        %swap3A_343 = tpu.vector_load %arg14[%swap3A_341, %swap3A_342] {strides = array<i32>} : memref<128x64xf32, #tpu.memory_space<vmem>>, vector<16xf32>,
        tpu.vector_store %arg14[%swap3A_341, %swap3A_342], %mul3A_338 {strides = array<i32>} : memref<128x64xf32, #tpu.memory_space<vmem>>, vector<16xf32>,
        %add3A_344 = arith.constant 2 : i32
        %add3A_345 = arith.addi %multiple_of3A_185, %add3A_344 : i32
        %get3A_346 = arith.index_cast %add3A_345 : i32 to index
        %get3A_347 = arith.constant 48 : index
        %get3A_348 = tpu.vector_load %arg12[%get3A_346, %get3A_347] {strides = array<i32>} : memref<128x64xf32, #tpu.memory_space<vmem>>, vector<16xf32>,
        %mul3A_349 = arith.mulf %get3A_348, %gather3A_310 : vector<16xf32>
        %add3A_350 = arith.constant 2 : i32
        %add3A_351 = arith.addi %multiple_of3A_185, %add3A_350 : i32
        %swap3A_352 = arith.index_cast %add3A_351 : i32 to index
        %swap3A_353 = arith.constant 48 : index
        %swap3A_354 = tpu.vector_load %arg14[%swap3A_352, %swap3A_353] {strides = array<i32>} : memref<128x64xf32, #tpu.memory_space<vmem>>, vector<16xf32>,
        tpu.vector_store %arg14[%swap3A_352, %swap3A_353], %mul3A_349 {strides = array<i32>} : memref<128x64xf32, #tpu.memory_space<vmem>>, vector<16xf32>,
        %broadcast_in_dim3A_355 = arith.constant 3 : i32
        %broadcast_in_dim3A_356 = vector.broadcast %broadcast_in_dim3A_355 : i32 to vector<16xi32>
        %lt3A_357 = arith.constant 0 : i32
        %lt3A_358 = vector.broadcast %lt3A_357 : i32 to vector<16xi32>
        %lt3A_359 = arith.cmpi slt, %broadcast_in_dim3A_356, %lt3A_358 : vector<16xi32>
        %add3A_360 = arith.constant 16 : i32
        %add3A_361 = vector.broadcast %add3A_360 : i32 to vector<16xi32>
        %add3A_362 = arith.addi %broadcast_in_dim3A_356, %add3A_361 : vector<16xi32>
        %select_n3A_363 = arith.select %lt3A_359, %add3A_362, %broadcast_in_dim3A_356 : vector<16xi1>, vector<16xi32>
        %broadcast_in_dim3A_364 = vector.shape_cast %select_n3A_363 : vector<16xi32> to vector<16x1xi32>
        %gather3A_365 = vector.shape_cast %broadcast_in_dim3A_364 : vector<16x1xi32> to vector<16xi32>
        %gather3A_366 = tpu.dynamic_gather %get3A_190[%gather3A_365] in [0] : vector<16xf32>, vector<16xi32> -> vector<16xf32>
        %add3A_367 = arith.constant 3 : i32
        %add3A_368 = arith.addi %multiple_of3A_185, %add3A_367 : i32
        %get3A_369 = arith.index_cast %add3A_368 : i32 to index
        %get3A_370 = arith.constant 0 : index
        %get3A_371 = tpu.vector_load %arg12[%get3A_369, %get3A_370] {strides = array<i32>} : memref<128x64xf32, #tpu.memory_space<vmem>>, vector<16xf32>,
        %mul3A_372 = arith.mulf %get3A_371, %gather3A_366 : vector<16xf32>
        %add3A_373 = arith.constant 3 : i32
        %add3A_374 = arith.addi %multiple_of3A_185, %add3A_373 : i32
        %swap3A_375 = arith.index_cast %add3A_374 : i32 to index
        %swap3A_376 = arith.constant 0 : index
        %swap3A_377 = tpu.vector_load %arg14[%swap3A_375, %swap3A_376] {strides = array<i32>} : memref<128x64xf32, #tpu.memory_space<vmem>>, vector<16xf32>,
        tpu.vector_store %arg14[%swap3A_375, %swap3A_376], %mul3A_372 {strides = array<i32>} : memref<128x64xf32, #tpu.memory_space<vmem>>, vector<16xf32>,
        %add3A_378 = arith.constant 3 : i32
        %add3A_379 = arith.addi %multiple_of3A_185, %add3A_378 : i32
        %get3A_380 = arith.index_cast %add3A_379 : i32 to index
        %get3A_381 = arith.constant 16 : index
        %get3A_382 = tpu.vector_load %arg12[%get3A_380, %get3A_381] {strides = array<i32>} : memref<128x64xf32, #tpu.memory_space<vmem>>, vector<16xf32>,
        %mul3A_383 = arith.mulf %get3A_382, %gather3A_366 : vector<16xf32>
        %add3A_384 = arith.constant 3 : i32
        %add3A_385 = arith.addi %multiple_of3A_185, %add3A_384 : i32
        %swap3A_386 = arith.index_cast %add3A_385 : i32 to index
        %swap3A_387 = arith.constant 16 : index
        %swap3A_388 = tpu.vector_load %arg14[%swap3A_386, %swap3A_387] {strides = array<i32>} : memref<128x64xf32, #tpu.memory_space<vmem>>, vector<16xf32>,
        tpu.vector_store %arg14[%swap3A_386, %swap3A_387], %mul3A_383 {strides = array<i32>} : memref<128x64xf32, #tpu.memory_space<vmem>>, vector<16xf32>,
        %add3A_389 = arith.constant 3 : i32
        %add3A_390 = arith.addi %multiple_of3A_185, %add3A_389 : i32
        %get3A_391 = arith.index_cast %add3A_390 : i32 to index
        %get3A_392 = arith.constant 32 : index
        %get3A_393 = tpu.vector_load %arg12[%get3A_391, %get3A_392] {strides = array<i32>} : memref<128x64xf32, #tpu.memory_space<vmem>>, vector<16xf32>,
        %mul3A_394 = arith.mulf %get3A_393, %gather3A_366 : vector<16xf32>
        %add3A_395 = arith.constant 3 : i32
        %add3A_396 = arith.addi %multiple_of3A_185, %add3A_395 : i32
        %swap3A_397 = arith.index_cast %add3A_396 : i32 to index
        %swap3A_398 = arith.constant 32 : index
        %swap3A_399 = tpu.vector_load %arg14[%swap3A_397, %swap3A_398] {strides = array<i32>} : memref<128x64xf32, #tpu.memory_space<vmem>>, vector<16xf32>,
        tpu.vector_store %arg14[%swap3A_397, %swap3A_398], %mul3A_394 {strides = array<i32>} : memref<128x64xf32, #tpu.memory_space<vmem>>, vector<16xf32>,
        %add3A_400 = arith.constant 3 : i32
        %add3A_401 = arith.addi %multiple_of3A_185, %add3A_400 : i32
        %get3A_402 = arith.index_cast %add3A_401 : i32 to index
        %get3A_403 = arith.constant 48 : index
        %get3A_404 = tpu.vector_load %arg12[%get3A_402, %get3A_403] {strides = array<i32>} : memref<128x64xf32, #tpu.memory_space<vmem>>, vector<16xf32>,
        %mul3A_405 = arith.mulf %get3A_404, %gather3A_366 : vector<16xf32>
        %add3A_406 = arith.constant 3 : i32
        %add3A_407 = arith.addi %multiple_of3A_185, %add3A_406 : i32
        %swap3A_408 = arith.index_cast %add3A_407 : i32 to index
        %swap3A_409 = arith.constant 48 : index
        %swap3A_410 = tpu.vector_load %arg14[%swap3A_408, %swap3A_409] {strides = array<i32>} : memref<128x64xf32, #tpu.memory_space<vmem>>, vector<16xf32>,
        tpu.vector_store %arg14[%swap3A_408, %swap3A_409], %mul3A_405 {strides = array<i32>} : memref<128x64xf32, #tpu.memory_space<vmem>>, vector<16xf32>,
        %broadcast_in_dim3A_411 = arith.constant 4 : i32
        %broadcast_in_dim3A_412 = vector.broadcast %broadcast_in_dim3A_411 : i32 to vector<16xi32>
        %lt3A_413 = arith.constant 0 : i32
        %lt3A_414 = vector.broadcast %lt3A_413 : i32 to vector<16xi32>
        %lt3A_415 = arith.cmpi slt, %broadcast_in_dim3A_412, %lt3A_414 : vector<16xi32>
        %add3A_416 = arith.constant 16 : i32
        %add3A_417 = vector.broadcast %add3A_416 : i32 to vector<16xi32>
        %add3A_418 = arith.addi %broadcast_in_dim3A_412, %add3A_417 : vector<16xi32>
        %select_n3A_419 = arith.select %lt3A_415, %add3A_418, %broadcast_in_dim3A_412 : vector<16xi1>, vector<16xi32>
        %broadcast_in_dim3A_420 = vector.shape_cast %select_n3A_419 : vector<16xi32> to vector<16x1xi32>
        %gather3A_421 = vector.shape_cast %broadcast_in_dim3A_420 : vector<16x1xi32> to vector<16xi32>
        %gather3A_422 = tpu.dynamic_gather %get3A_190[%gather3A_421] in [0] : vector<16xf32>, vector<16xi32> -> vector<16xf32>
        %add3A_423 = arith.constant 4 : i32
        %add3A_424 = arith.addi %multiple_of3A_185, %add3A_423 : i32
        %get3A_425 = arith.index_cast %add3A_424 : i32 to index
        %get3A_426 = arith.constant 0 : index
        %get3A_427 = tpu.vector_load %arg12[%get3A_425, %get3A_426] {strides = array<i32>} : memref<128x64xf32, #tpu.memory_space<vmem>>, vector<16xf32>,
        %mul3A_428 = arith.mulf %get3A_427, %gather3A_422 : vector<16xf32>
        %add3A_429 = arith.constant 4 : i32
        %add3A_430 = arith.addi %multiple_of3A_185, %add3A_429 : i32
        %swap3A_431 = arith.index_cast %add3A_430 : i32 to index
        %swap3A_432 = arith.constant 0 : index
        %swap3A_433 = tpu.vector_load %arg14[%swap3A_431, %swap3A_432] {strides = array<i32>} : memref<128x64xf32, #tpu.memory_space<vmem>>, vector<16xf32>,
        tpu.vector_store %arg14[%swap3A_431, %swap3A_432], %mul3A_428 {strides = array<i32>} : memref<128x64xf32, #tpu.memory_space<vmem>>, vector<16xf32>,
        %add3A_434 = arith.constant 4 : i32
        %add3A_435 = arith.addi %multiple_of3A_185, %add3A_434 : i32
        %get3A_436 = arith.index_cast %add3A_435 : i32 to index
        %get3A_437 = arith.constant 16 : index
        %get3A_438 = tpu.vector_load %arg12[%get3A_436, %get3A_437] {strides = array<i32>} : memref<128x64xf32, #tpu.memory_space<vmem>>, vector<16xf32>,
        %mul3A_439 = arith.mulf %get3A_438, %gather3A_422 : vector<16xf32>
        %add3A_440 = arith.constant 4 : i32
        %add3A_441 = arith.addi %multiple_of3A_185, %add3A_440 : i32
        %swap3A_442 = arith.index_cast %add3A_441 : i32 to index
        %swap3A_443 = arith.constant 16 : index
        %swap3A_444 = tpu.vector_load %arg14[%swap3A_442, %swap3A_443] {strides = array<i32>} : memref<128x64xf32, #tpu.memory_space<vmem>>, vector<16xf32>,
        tpu.vector_store %arg14[%swap3A_442, %swap3A_443], %mul3A_439 {strides = array<i32>} : memref<128x64xf32, #tpu.memory_space<vmem>>, vector<16xf32>,
        %add3A_445 = arith.constant 4 : i32
        %add3A_446 = arith.addi %multiple_of3A_185, %add3A_445 : i32
        %get3A_447 = arith.index_cast %add3A_446 : i32 to index
        %get3A_448 = arith.constant 32 : index
        %get3A_449 = tpu.vector_load %arg12[%get3A_447, %get3A_448] {strides = array<i32>} : memref<128x64xf32, #tpu.memory_space<vmem>>, vector<16xf32>,
        %mul3A_450 = arith.mulf %get3A_449, %gather3A_422 : vector<16xf32>
        %add3A_451 = arith.constant 4 : i32
        %add3A_452 = arith.addi %multiple_of3A_185, %add3A_451 : i32
        %swap3A_453 = arith.index_cast %add3A_452 : i32 to index
        %swap3A_454 = arith.constant 32 : index
        %swap3A_455 = tpu.vector_load %arg14[%swap3A_453, %swap3A_454] {strides = array<i32>} : memref<128x64xf32, #tpu.memory_space<vmem>>, vector<16xf32>,
        tpu.vector_store %arg14[%swap3A_453, %swap3A_454], %mul3A_450 {strides = array<i32>} : memref<128x64xf32, #tpu.memory_space<vmem>>, vector<16xf32>,
        %add3A_456 = arith.constant 4 : i32
        %add3A_457 = arith.addi %multiple_of3A_185, %add3A_456 : i32
        %get3A_458 = arith.index_cast %add3A_457 : i32 to index
        %get3A_459 = arith.constant 48 : index
        %get3A_460 = tpu.vector_load %arg12[%get3A_458, %get3A_459] {strides = array<i32>} : memref<128x64xf32, #tpu.memory_space<vmem>>, vector<16xf32>,
        %mul3A_461 = arith.mulf %get3A_460, %gather3A_422 : vector<16xf32>
        %add3A_462 = arith.constant 4 : i32
        %add3A_463 = arith.addi %multiple_of3A_185, %add3A_462 : i32
        %swap3A_464 = arith.index_cast %add3A_463 : i32 to index
        %swap3A_465 = arith.constant 48 : index
        %swap3A_466 = tpu.vector_load %arg14[%swap3A_464, %swap3A_465] {strides = array<i32>} : memref<128x64xf32, #tpu.memory_space<vmem>>, vector<16xf32>,
        tpu.vector_store %arg14[%swap3A_464, %swap3A_465], %mul3A_461 {strides = array<i32>} : memref<128x64xf32, #tpu.memory_space<vmem>>, vector<16xf32>,
        %broadcast_in_dim3A_467 = arith.constant 5 : i32
        %broadcast_in_dim3A_468 = vector.broadcast %broadcast_in_dim3A_467 : i32 to vector<16xi32>
        %lt3A_469 = arith.constant 0 : i32
        %lt3A_470 = vector.broadcast %lt3A_469 : i32 to vector<16xi32>
        %lt3A_471 = arith.cmpi slt, %broadcast_in_dim3A_468, %lt3A_470 : vector<16xi32>
        %add3A_472 = arith.constant 16 : i32
        %add3A_473 = vector.broadcast %add3A_472 : i32 to vector<16xi32>
        %add3A_474 = arith.addi %broadcast_in_dim3A_468, %add3A_473 : vector<16xi32>
        %select_n3A_475 = arith.select %lt3A_471, %add3A_474, %broadcast_in_dim3A_468 : vector<16xi1>, vector<16xi32>
        %broadcast_in_dim3A_476 = vector.shape_cast %select_n3A_475 : vector<16xi32> to vector<16x1xi32>
        %gather3A_477 = vector.shape_cast %broadcast_in_dim3A_476 : vector<16x1xi32> to vector<16xi32>
        %gather3A_478 = tpu.dynamic_gather %get3A_190[%gather3A_477] in [0] : vector<16xf32>, vector<16xi32> -> vector<16xf32>
        %add3A_479 = arith.constant 5 : i32
        %add3A_480 = arith.addi %multiple_of3A_185, %add3A_479 : i32
        %get3A_481 = arith.index_cast %add3A_480 : i32 to index
        %get3A_482 = arith.constant 0 : index
        %get3A_483 = tpu.vector_load %arg12[%get3A_481, %get3A_482] {strides = array<i32>} : memref<128x64xf32, #tpu.memory_space<vmem>>, vector<16xf32>,
        %mul3A_484 = arith.mulf %get3A_483, %gather3A_478 : vector<16xf32>
        %add3A_485 = arith.constant 5 : i32
        %add3A_486 = arith.addi %multiple_of3A_185, %add3A_485 : i32
        %swap3A_487 = arith.index_cast %add3A_486 : i32 to index
        %swap3A_488 = arith.constant 0 : index
        %swap3A_489 = tpu.vector_load %arg14[%swap3A_487, %swap3A_488] {strides = array<i32>} : memref<128x64xf32, #tpu.memory_space<vmem>>, vector<16xf32>,
        tpu.vector_store %arg14[%swap3A_487, %swap3A_488], %mul3A_484 {strides = array<i32>} : memref<128x64xf32, #tpu.memory_space<vmem>>, vector<16xf32>,
        %add3A_490 = arith.constant 5 : i32
        %add3A_491 = arith.addi %multiple_of3A_185, %add3A_490 : i32
        %get3A_492 = arith.index_cast %add3A_491 : i32 to index
        %get3A_493 = arith.constant 16 : index
        %get3A_494 = tpu.vector_load %arg12[%get3A_492, %get3A_493] {strides = array<i32>} : memref<128x64xf32, #tpu.memory_space<vmem>>, vector<16xf32>,
        %mul3A_495 = arith.mulf %get3A_494, %gather3A_478 : vector<16xf32>
        %add3A_496 = arith.constant 5 : i32
        %add3A_497 = arith.addi %multiple_of3A_185, %add3A_496 : i32
        %swap3A_498 = arith.index_cast %add3A_497 : i32 to index
        %swap3A_499 = arith.constant 16 : index
        %swap3A_500 = tpu.vector_load %arg14[%swap3A_498, %swap3A_499] {strides = array<i32>} : memref<128x64xf32, #tpu.memory_space<vmem>>, vector<16xf32>,
        tpu.vector_store %arg14[%swap3A_498, %swap3A_499], %mul3A_495 {strides = array<i32>} : memref<128x64xf32, #tpu.memory_space<vmem>>, vector<16xf32>,
        %add3A_501 = arith.constant 5 : i32
        %add3A_502 = arith.addi %multiple_of3A_185, %add3A_501 : i32
        %get3A_503 = arith.index_cast %add3A_502 : i32 to index
        %get3A_504 = arith.constant 32 : index
        %get3A_505 = tpu.vector_load %arg12[%get3A_503, %get3A_504] {strides = array<i32>} : memref<128x64xf32, #tpu.memory_space<vmem>>, vector<16xf32>,
        %mul3A_506 = arith.mulf %get3A_505, %gather3A_478 : vector<16xf32>
        %add3A_507 = arith.constant 5 : i32
        %add3A_508 = arith.addi %multiple_of3A_185, %add3A_507 : i32
        %swap3A_509 = arith.index_cast %add3A_508 : i32 to index
        %swap3A_510 = arith.constant 32 : index
        %swap3A_511 = tpu.vector_load %arg14[%swap3A_509, %swap3A_510] {strides = array<i32>} : memref<128x64xf32, #tpu.memory_space<vmem>>, vector<16xf32>,
        tpu.vector_store %arg14[%swap3A_509, %swap3A_510], %mul3A_506 {strides = array<i32>} : memref<128x64xf32, #tpu.memory_space<vmem>>, vector<16xf32>,
        %add3A_512 = arith.constant 5 : i32
        %add3A_513 = arith.addi %multiple_of3A_185, %add3A_512 : i32
        %get3A_514 = arith.index_cast %add3A_513 : i32 to index
        %get3A_515 = arith.constant 48 : index
        %get3A_516 = tpu.vector_load %arg12[%get3A_514, %get3A_515] {strides = array<i32>} : memref<128x64xf32, #tpu.memory_space<vmem>>, vector<16xf32>,
        %mul3A_517 = arith.mulf %get3A_516, %gather3A_478 : vector<16xf32>
        %add3A_518 = arith.constant 5 : i32
        %add3A_519 = arith.addi %multiple_of3A_185, %add3A_518 : i32
        %swap3A_520 = arith.index_cast %add3A_519 : i32 to index
        %swap3A_521 = arith.constant 48 : index
        %swap3A_522 = tpu.vector_load %arg14[%swap3A_520, %swap3A_521] {strides = array<i32>} : memref<128x64xf32, #tpu.memory_space<vmem>>, vector<16xf32>,
        tpu.vector_store %arg14[%swap3A_520, %swap3A_521], %mul3A_517 {strides = array<i32>} : memref<128x64xf32, #tpu.memory_space<vmem>>, vector<16xf32>,
        %broadcast_in_dim3A_523 = arith.constant 6 : i32
        %broadcast_in_dim3A_524 = vector.broadcast %broadcast_in_dim3A_523 : i32 to vector<16xi32>
        %lt3A_525 = arith.constant 0 : i32
        %lt3A_526 = vector.broadcast %lt3A_525 : i32 to vector<16xi32>
        %lt3A_527 = arith.cmpi slt, %broadcast_in_dim3A_524, %lt3A_526 : vector<16xi32>
        %add3A_528 = arith.constant 16 : i32
        %add3A_529 = vector.broadcast %add3A_528 : i32 to vector<16xi32>
        %add3A_530 = arith.addi %broadcast_in_dim3A_524, %add3A_529 : vector<16xi32>
        %select_n3A_531 = arith.select %lt3A_527, %add3A_530, %broadcast_in_dim3A_524 : vector<16xi1>, vector<16xi32>
        %broadcast_in_dim3A_532 = vector.shape_cast %select_n3A_531 : vector<16xi32> to vector<16x1xi32>
        %gather3A_533 = vector.shape_cast %broadcast_in_dim3A_532 : vector<16x1xi32> to vector<16xi32>
        %gather3A_534 = tpu.dynamic_gather %get3A_190[%gather3A_533] in [0] : vector<16xf32>, vector<16xi32> -> vector<16xf32>
        %add3A_535 = arith.constant 6 : i32
        %add3A_536 = arith.addi %multiple_of3A_185, %add3A_535 : i32
        %get3A_537 = arith.index_cast %add3A_536 : i32 to index
        %get3A_538 = arith.constant 0 : index
        %get3A_539 = tpu.vector_load %arg12[%get3A_537, %get3A_538] {strides = array<i32>} : memref<128x64xf32, #tpu.memory_space<vmem>>, vector<16xf32>,
        %mul3A_540 = arith.mulf %get3A_539, %gather3A_534 : vector<16xf32>
        %add3A_541 = arith.constant 6 : i32
        %add3A_542 = arith.addi %multiple_of3A_185, %add3A_541 : i32
        %swap3A_543 = arith.index_cast %add3A_542 : i32 to index
        %swap3A_544 = arith.constant 0 : index
        %swap3A_545 = tpu.vector_load %arg14[%swap3A_543, %swap3A_544] {strides = array<i32>} : memref<128x64xf32, #tpu.memory_space<vmem>>, vector<16xf32>,
        tpu.vector_store %arg14[%swap3A_543, %swap3A_544], %mul3A_540 {strides = array<i32>} : memref<128x64xf32, #tpu.memory_space<vmem>>, vector<16xf32>,
        %add3A_546 = arith.constant 6 : i32
        %add3A_547 = arith.addi %multiple_of3A_185, %add3A_546 : i32
        %get3A_548 = arith.index_cast %add3A_547 : i32 to index
        %get3A_549 = arith.constant 16 : index
        %get3A_550 = tpu.vector_load %arg12[%get3A_548, %get3A_549] {strides = array<i32>} : memref<128x64xf32, #tpu.memory_space<vmem>>, vector<16xf32>,
        %mul3A_551 = arith.mulf %get3A_550, %gather3A_534 : vector<16xf32>
        %add3A_552 = arith.constant 6 : i32
        %add3A_553 = arith.addi %multiple_of3A_185, %add3A_552 : i32
        %swap3A_554 = arith.index_cast %add3A_553 : i32 to index
        %swap3A_555 = arith.constant 16 : index
        %swap3A_556 = tpu.vector_load %arg14[%swap3A_554, %swap3A_555] {strides = array<i32>} : memref<128x64xf32, #tpu.memory_space<vmem>>, vector<16xf32>,
        tpu.vector_store %arg14[%swap3A_554, %swap3A_555], %mul3A_551 {strides = array<i32>} : memref<128x64xf32, #tpu.memory_space<vmem>>, vector<16xf32>,
        %add3A_557 = arith.constant 6 : i32
        %add3A_558 = arith.addi %multiple_of3A_185, %add3A_557 : i32
        %get3A_559 = arith.index_cast %add3A_558 : i32 to index
        %get3A_560 = arith.constant 32 : index
        %get3A_561 = tpu.vector_load %arg12[%get3A_559, %get3A_560] {strides = array<i32>} : memref<128x64xf32, #tpu.memory_space<vmem>>, vector<16xf32>,
        %mul3A_562 = arith.mulf %get3A_561, %gather3A_534 : vector<16xf32>
        %add3A_563 = arith.constant 6 : i32
        %add3A_564 = arith.addi %multiple_of3A_185, %add3A_563 : i32
        %swap3A_565 = arith.index_cast %add3A_564 : i32 to index
        %swap3A_566 = arith.constant 32 : index
        %swap3A_567 = tpu.vector_load %arg14[%swap3A_565, %swap3A_566] {strides = array<i32>} : memref<128x64xf32, #tpu.memory_space<vmem>>, vector<16xf32>,
        tpu.vector_store %arg14[%swap3A_565, %swap3A_566], %mul3A_562 {strides = array<i32>} : memref<128x64xf32, #tpu.memory_space<vmem>>, vector<16xf32>,
        %add3A_568 = arith.constant 6 : i32
        %add3A_569 = arith.addi %multiple_of3A_185, %add3A_568 : i32
        %get3A_570 = arith.index_cast %add3A_569 : i32 to index
        %get3A_571 = arith.constant 48 : index
        %get3A_572 = tpu.vector_load %arg12[%get3A_570, %get3A_571] {strides = array<i32>} : memref<128x64xf32, #tpu.memory_space<vmem>>, vector<16xf32>,
        %mul3A_573 = arith.mulf %get3A_572, %gather3A_534 : vector<16xf32>
        %add3A_574 = arith.constant 6 : i32
        %add3A_575 = arith.addi %multiple_of3A_185, %add3A_574 : i32
        %swap3A_576 = arith.index_cast %add3A_575 : i32 to index
        %swap3A_577 = arith.constant 48 : index
        %swap3A_578 = tpu.vector_load %arg14[%swap3A_576, %swap3A_577] {strides = array<i32>} : memref<128x64xf32, #tpu.memory_space<vmem>>, vector<16xf32>,
        tpu.vector_store %arg14[%swap3A_576, %swap3A_577], %mul3A_573 {strides = array<i32>} : memref<128x64xf32, #tpu.memory_space<vmem>>, vector<16xf32>,
        %broadcast_in_dim3A_579 = arith.constant 7 : i32
        %broadcast_in_dim3A_580 = vector.broadcast %broadcast_in_dim3A_579 : i32 to vector<16xi32>
        %lt3A_581 = arith.constant 0 : i32
        %lt3A_582 = vector.broadcast %lt3A_581 : i32 to vector<16xi32>
        %lt3A_583 = arith.cmpi slt, %broadcast_in_dim3A_580, %lt3A_582 : vector<16xi32>
        %add3A_584 = arith.constant 16 : i32
        %add3A_585 = vector.broadcast %add3A_584 : i32 to vector<16xi32>
        %add3A_586 = arith.addi %broadcast_in_dim3A_580, %add3A_585 : vector<16xi32>
        %select_n3A_587 = arith.select %lt3A_583, %add3A_586, %broadcast_in_dim3A_580 : vector<16xi1>, vector<16xi32>
        %broadcast_in_dim3A_588 = vector.shape_cast %select_n3A_587 : vector<16xi32> to vector<16x1xi32>
        %gather3A_589 = vector.shape_cast %broadcast_in_dim3A_588 : vector<16x1xi32> to vector<16xi32>
        %gather3A_590 = tpu.dynamic_gather %get3A_190[%gather3A_589] in [0] : vector<16xf32>, vector<16xi32> -> vector<16xf32>
        %add3A_591 = arith.constant 7 : i32
        %add3A_592 = arith.addi %multiple_of3A_185, %add3A_591 : i32
        %get3A_593 = arith.index_cast %add3A_592 : i32 to index
        %get3A_594 = arith.constant 0 : index
        %get3A_595 = tpu.vector_load %arg12[%get3A_593, %get3A_594] {strides = array<i32>} : memref<128x64xf32, #tpu.memory_space<vmem>>, vector<16xf32>,
        %mul3A_596 = arith.mulf %get3A_595, %gather3A_590 : vector<16xf32>
        %add3A_597 = arith.constant 7 : i32
        %add3A_598 = arith.addi %multiple_of3A_185, %add3A_597 : i32
        %swap3A_599 = arith.index_cast %add3A_598 : i32 to index
        %swap3A_600 = arith.constant 0 : index
        %swap3A_601 = tpu.vector_load %arg14[%swap3A_599, %swap3A_600] {strides = array<i32>} : memref<128x64xf32, #tpu.memory_space<vmem>>, vector<16xf32>,
        tpu.vector_store %arg14[%swap3A_599, %swap3A_600], %mul3A_596 {strides = array<i32>} : memref<128x64xf32, #tpu.memory_space<vmem>>, vector<16xf32>,
        %add3A_602 = arith.constant 7 : i32
        %add3A_603 = arith.addi %multiple_of3A_185, %add3A_602 : i32
        %get3A_604 = arith.index_cast %add3A_603 : i32 to index
        %get3A_605 = arith.constant 16 : index
        %get3A_606 = tpu.vector_load %arg12[%get3A_604, %get3A_605] {strides = array<i32>} : memref<128x64xf32, #tpu.memory_space<vmem>>, vector<16xf32>,
        %mul3A_607 = arith.mulf %get3A_606, %gather3A_590 : vector<16xf32>
        %add3A_608 = arith.constant 7 : i32
        %add3A_609 = arith.addi %multiple_of3A_185, %add3A_608 : i32
        %swap3A_610 = arith.index_cast %add3A_609 : i32 to index
        %swap3A_611 = arith.constant 16 : index
        %swap3A_612 = tpu.vector_load %arg14[%swap3A_610, %swap3A_611] {strides = array<i32>} : memref<128x64xf32, #tpu.memory_space<vmem>>, vector<16xf32>,
        tpu.vector_store %arg14[%swap3A_610, %swap3A_611], %mul3A_607 {strides = array<i32>} : memref<128x64xf32, #tpu.memory_space<vmem>>, vector<16xf32>,
        %add3A_613 = arith.constant 7 : i32
        %add3A_614 = arith.addi %multiple_of3A_185, %add3A_613 : i32
        %get3A_615 = arith.index_cast %add3A_614 : i32 to index
        %get3A_616 = arith.constant 32 : index
        %get3A_617 = tpu.vector_load %arg12[%get3A_615, %get3A_616] {strides = array<i32>} : memref<128x64xf32, #tpu.memory_space<vmem>>, vector<16xf32>,
        %mul3A_618 = arith.mulf %get3A_617, %gather3A_590 : vector<16xf32>
        %add3A_619 = arith.constant 7 : i32
        %add3A_620 = arith.addi %multiple_of3A_185, %add3A_619 : i32
        %swap3A_621 = arith.index_cast %add3A_620 : i32 to index
        %swap3A_622 = arith.constant 32 : index
        %swap3A_623 = tpu.vector_load %arg14[%swap3A_621, %swap3A_622] {strides = array<i32>} : memref<128x64xf32, #tpu.memory_space<vmem>>, vector<16xf32>,
        tpu.vector_store %arg14[%swap3A_621, %swap3A_622], %mul3A_618 {strides = array<i32>} : memref<128x64xf32, #tpu.memory_space<vmem>>, vector<16xf32>,
        %add3A_624 = arith.constant 7 : i32
        %add3A_625 = arith.addi %multiple_of3A_185, %add3A_624 : i32
        %get3A_626 = arith.index_cast %add3A_625 : i32 to index
        %get3A_627 = arith.constant 48 : index
        %get3A_628 = tpu.vector_load %arg12[%get3A_626, %get3A_627] {strides = array<i32>} : memref<128x64xf32, #tpu.memory_space<vmem>>, vector<16xf32>,
        %mul3A_629 = arith.mulf %get3A_628, %gather3A_590 : vector<16xf32>
        %add3A_630 = arith.constant 7 : i32
        %add3A_631 = arith.addi %multiple_of3A_185, %add3A_630 : i32
        %swap3A_632 = arith.index_cast %add3A_631 : i32 to index
        %swap3A_633 = arith.constant 48 : index
        %swap3A_634 = tpu.vector_load %arg14[%swap3A_632, %swap3A_633] {strides = array<i32>} : memref<128x64xf32, #tpu.memory_space<vmem>>, vector<16xf32>,
        tpu.vector_store %arg14[%swap3A_632, %swap3A_633], %mul3A_629 {strides = array<i32>} : memref<128x64xf32, #tpu.memory_space<vmem>>, vector<16xf32>,
        %broadcast_in_dim3A_635 = arith.constant 8 : i32
        %broadcast_in_dim3A_636 = vector.broadcast %broadcast_in_dim3A_635 : i32 to vector<16xi32>
        %lt3A_637 = arith.constant 0 : i32
        %lt3A_638 = vector.broadcast %lt3A_637 : i32 to vector<16xi32>
        %lt3A_639 = arith.cmpi slt, %broadcast_in_dim3A_636, %lt3A_638 : vector<16xi32>
        %add3A_640 = arith.constant 16 : i32
        %add3A_641 = vector.broadcast %add3A_640 : i32 to vector<16xi32>
        %add3A_642 = arith.addi %broadcast_in_dim3A_636, %add3A_641 : vector<16xi32>
        %select_n3A_643 = arith.select %lt3A_639, %add3A_642, %broadcast_in_dim3A_636 : vector<16xi1>, vector<16xi32>
        %broadcast_in_dim3A_644 = vector.shape_cast %select_n3A_643 : vector<16xi32> to vector<16x1xi32>
        %gather3A_645 = vector.shape_cast %broadcast_in_dim3A_644 : vector<16x1xi32> to vector<16xi32>
        %gather3A_646 = tpu.dynamic_gather %get3A_190[%gather3A_645] in [0] : vector<16xf32>, vector<16xi32> -> vector<16xf32>
        %add3A_647 = arith.constant 8 : i32
        %add3A_648 = arith.addi %multiple_of3A_185, %add3A_647 : i32
        %get3A_649 = arith.index_cast %add3A_648 : i32 to index
        %get3A_650 = arith.constant 0 : index
        %get3A_651 = tpu.vector_load %arg12[%get3A_649, %get3A_650] {strides = array<i32>} : memref<128x64xf32, #tpu.memory_space<vmem>>, vector<16xf32>,
        %mul3A_652 = arith.mulf %get3A_651, %gather3A_646 : vector<16xf32>
        %add3A_653 = arith.constant 8 : i32
        %add3A_654 = arith.addi %multiple_of3A_185, %add3A_653 : i32
        %swap3A_655 = arith.index_cast %add3A_654 : i32 to index
        %swap3A_656 = arith.constant 0 : index
        %swap3A_657 = tpu.vector_load %arg14[%swap3A_655, %swap3A_656] {strides = array<i32>} : memref<128x64xf32, #tpu.memory_space<vmem>>, vector<16xf32>,
        tpu.vector_store %arg14[%swap3A_655, %swap3A_656], %mul3A_652 {strides = array<i32>} : memref<128x64xf32, #tpu.memory_space<vmem>>, vector<16xf32>,
        %add3A_658 = arith.constant 8 : i32
        %add3A_659 = arith.addi %multiple_of3A_185, %add3A_658 : i32
        %get3A_660 = arith.index_cast %add3A_659 : i32 to index
        %get3A_661 = arith.constant 16 : index
        %get3A_662 = tpu.vector_load %arg12[%get3A_660, %get3A_661] {strides = array<i32>} : memref<128x64xf32, #tpu.memory_space<vmem>>, vector<16xf32>,
        %mul3A_663 = arith.mulf %get3A_662, %gather3A_646 : vector<16xf32>
        %add3A_664 = arith.constant 8 : i32
        %add3A_665 = arith.addi %multiple_of3A_185, %add3A_664 : i32
        %swap3A_666 = arith.index_cast %add3A_665 : i32 to index
        %swap3A_667 = arith.constant 16 : index
        %swap3A_668 = tpu.vector_load %arg14[%swap3A_666, %swap3A_667] {strides = array<i32>} : memref<128x64xf32, #tpu.memory_space<vmem>>, vector<16xf32>,
        tpu.vector_store %arg14[%swap3A_666, %swap3A_667], %mul3A_663 {strides = array<i32>} : memref<128x64xf32, #tpu.memory_space<vmem>>, vector<16xf32>,
        %add3A_669 = arith.constant 8 : i32
        %add3A_670 = arith.addi %multiple_of3A_185, %add3A_669 : i32
        %get3A_671 = arith.index_cast %add3A_670 : i32 to index
        %get3A_672 = arith.constant 32 : index
        %get3A_673 = tpu.vector_load %arg12[%get3A_671, %get3A_672] {strides = array<i32>} : memref<128x64xf32, #tpu.memory_space<vmem>>, vector<16xf32>,
        %mul3A_674 = arith.mulf %get3A_673, %gather3A_646 : vector<16xf32>
        %add3A_675 = arith.constant 8 : i32
        %add3A_676 = arith.addi %multiple_of3A_185, %add3A_675 : i32
        %swap3A_677 = arith.index_cast %add3A_676 : i32 to index
        %swap3A_678 = arith.constant 32 : index
        %swap3A_679 = tpu.vector_load %arg14[%swap3A_677, %swap3A_678] {strides = array<i32>} : memref<128x64xf32, #tpu.memory_space<vmem>>, vector<16xf32>,
        tpu.vector_store %arg14[%swap3A_677, %swap3A_678], %mul3A_674 {strides = array<i32>} : memref<128x64xf32, #tpu.memory_space<vmem>>, vector<16xf32>,
        %add3A_680 = arith.constant 8 : i32
        %add3A_681 = arith.addi %multiple_of3A_185, %add3A_680 : i32
        %get3A_682 = arith.index_cast %add3A_681 : i32 to index
        %get3A_683 = arith.constant 48 : index
        %get3A_684 = tpu.vector_load %arg12[%get3A_682, %get3A_683] {strides = array<i32>} : memref<128x64xf32, #tpu.memory_space<vmem>>, vector<16xf32>,
        %mul3A_685 = arith.mulf %get3A_684, %gather3A_646 : vector<16xf32>
        %add3A_686 = arith.constant 8 : i32
        %add3A_687 = arith.addi %multiple_of3A_185, %add3A_686 : i32
        %swap3A_688 = arith.index_cast %add3A_687 : i32 to index
        %swap3A_689 = arith.constant 48 : index
        %swap3A_690 = tpu.vector_load %arg14[%swap3A_688, %swap3A_689] {strides = array<i32>} : memref<128x64xf32, #tpu.memory_space<vmem>>, vector<16xf32>,
        tpu.vector_store %arg14[%swap3A_688, %swap3A_689], %mul3A_685 {strides = array<i32>} : memref<128x64xf32, #tpu.memory_space<vmem>>, vector<16xf32>,
        %broadcast_in_dim3A_691 = arith.constant 9 : i32
        %broadcast_in_dim3A_692 = vector.broadcast %broadcast_in_dim3A_691 : i32 to vector<16xi32>
        %lt3A_693 = arith.constant 0 : i32
        %lt3A_694 = vector.broadcast %lt3A_693 : i32 to vector<16xi32>
        %lt3A_695 = arith.cmpi slt, %broadcast_in_dim3A_692, %lt3A_694 : vector<16xi32>
        %add3A_696 = arith.constant 16 : i32
        %add3A_697 = vector.broadcast %add3A_696 : i32 to vector<16xi32>
        %add3A_698 = arith.addi %broadcast_in_dim3A_692, %add3A_697 : vector<16xi32>
        %select_n3A_699 = arith.select %lt3A_695, %add3A_698, %broadcast_in_dim3A_692 : vector<16xi1>, vector<16xi32>
        %broadcast_in_dim3A_700 = vector.shape_cast %select_n3A_699 : vector<16xi32> to vector<16x1xi32>
        %gather3A_701 = vector.shape_cast %broadcast_in_dim3A_700 : vector<16x1xi32> to vector<16xi32>
        %gather3A_702 = tpu.dynamic_gather %get3A_190[%gather3A_701] in [0] : vector<16xf32>, vector<16xi32> -> vector<16xf32>
        %add3A_703 = arith.constant 9 : i32
        %add3A_704 = arith.addi %multiple_of3A_185, %add3A_703 : i32
        %get3A_705 = arith.index_cast %add3A_704 : i32 to index
        %get3A_706 = arith.constant 0 : index
        %get3A_707 = tpu.vector_load %arg12[%get3A_705, %get3A_706] {strides = array<i32>} : memref<128x64xf32, #tpu.memory_space<vmem>>, vector<16xf32>,
        %mul3A_708 = arith.mulf %get3A_707, %gather3A_702 : vector<16xf32>
        %add3A_709 = arith.constant 9 : i32
        %add3A_710 = arith.addi %multiple_of3A_185, %add3A_709 : i32
        %swap3A_711 = arith.index_cast %add3A_710 : i32 to index
        %swap3A_712 = arith.constant 0 : index
        %swap3A_713 = tpu.vector_load %arg14[%swap3A_711, %swap3A_712] {strides = array<i32>} : memref<128x64xf32, #tpu.memory_space<vmem>>, vector<16xf32>,
        tpu.vector_store %arg14[%swap3A_711, %swap3A_712], %mul3A_708 {strides = array<i32>} : memref<128x64xf32, #tpu.memory_space<vmem>>, vector<16xf32>,
        %add3A_714 = arith.constant 9 : i32
        %add3A_715 = arith.addi %multiple_of3A_185, %add3A_714 : i32
        %get3A_716 = arith.index_cast %add3A_715 : i32 to index
        %get3A_717 = arith.constant 16 : index
        %get3A_718 = tpu.vector_load %arg12[%get3A_716, %get3A_717] {strides = array<i32>} : memref<128x64xf32, #tpu.memory_space<vmem>>, vector<16xf32>,
        %mul3A_719 = arith.mulf %get3A_718, %gather3A_702 : vector<16xf32>
        %add3A_720 = arith.constant 9 : i32
        %add3A_721 = arith.addi %multiple_of3A_185, %add3A_720 : i32
        %swap3A_722 = arith.index_cast %add3A_721 : i32 to index
        %swap3A_723 = arith.constant 16 : index
        %swap3A_724 = tpu.vector_load %arg14[%swap3A_722, %swap3A_723] {strides = array<i32>} : memref<128x64xf32, #tpu.memory_space<vmem>>, vector<16xf32>,
        tpu.vector_store %arg14[%swap3A_722, %swap3A_723], %mul3A_719 {strides = array<i32>} : memref<128x64xf32, #tpu.memory_space<vmem>>, vector<16xf32>,
        %add3A_725 = arith.constant 9 : i32
        %add3A_726 = arith.addi %multiple_of3A_185, %add3A_725 : i32
        %get3A_727 = arith.index_cast %add3A_726 : i32 to index
        %get3A_728 = arith.constant 32 : index
        %get3A_729 = tpu.vector_load %arg12[%get3A_727, %get3A_728] {strides = array<i32>} : memref<128x64xf32, #tpu.memory_space<vmem>>, vector<16xf32>,
        %mul3A_730 = arith.mulf %get3A_729, %gather3A_702 : vector<16xf32>
        %add3A_731 = arith.constant 9 : i32
        %add3A_732 = arith.addi %multiple_of3A_185, %add3A_731 : i32
        %swap3A_733 = arith.index_cast %add3A_732 : i32 to index
        %swap3A_734 = arith.constant 32 : index
        %swap3A_735 = tpu.vector_load %arg14[%swap3A_733, %swap3A_734] {strides = array<i32>} : memref<128x64xf32, #tpu.memory_space<vmem>>, vector<16xf32>,
        tpu.vector_store %arg14[%swap3A_733, %swap3A_734], %mul3A_730 {strides = array<i32>} : memref<128x64xf32, #tpu.memory_space<vmem>>, vector<16xf32>,
        %add3A_736 = arith.constant 9 : i32
        %add3A_737 = arith.addi %multiple_of3A_185, %add3A_736 : i32
        %get3A_738 = arith.index_cast %add3A_737 : i32 to index
        %get3A_739 = arith.constant 48 : index
        %get3A_740 = tpu.vector_load %arg12[%get3A_738, %get3A_739] {strides = array<i32>} : memref<128x64xf32, #tpu.memory_space<vmem>>, vector<16xf32>,
        %mul3A_741 = arith.mulf %get3A_740, %gather3A_702 : vector<16xf32>
        %add3A_742 = arith.constant 9 : i32
        %add3A_743 = arith.addi %multiple_of3A_185, %add3A_742 : i32
        %swap3A_744 = arith.index_cast %add3A_743 : i32 to index
        %swap3A_745 = arith.constant 48 : index
        %swap3A_746 = tpu.vector_load %arg14[%swap3A_744, %swap3A_745] {strides = array<i32>} : memref<128x64xf32, #tpu.memory_space<vmem>>, vector<16xf32>,
        tpu.vector_store %arg14[%swap3A_744, %swap3A_745], %mul3A_741 {strides = array<i32>} : memref<128x64xf32, #tpu.memory_space<vmem>>, vector<16xf32>,
        %broadcast_in_dim3A_747 = arith.constant 10 : i32
        %broadcast_in_dim3A_748 = vector.broadcast %broadcast_in_dim3A_747 : i32 to vector<16xi32>
        %lt3A_749 = arith.constant 0 : i32
        %lt3A_750 = vector.broadcast %lt3A_749 : i32 to vector<16xi32>
        %lt3A_751 = arith.cmpi slt, %broadcast_in_dim3A_748, %lt3A_750 : vector<16xi32>
        %add3A_752 = arith.constant 16 : i32
        %add3A_753 = vector.broadcast %add3A_752 : i32 to vector<16xi32>
        %add3A_754 = arith.addi %broadcast_in_dim3A_748, %add3A_753 : vector<16xi32>
        %select_n3A_755 = arith.select %lt3A_751, %add3A_754, %broadcast_in_dim3A_748 : vector<16xi1>, vector<16xi32>
        %broadcast_in_dim3A_756 = vector.shape_cast %select_n3A_755 : vector<16xi32> to vector<16x1xi32>
        %gather3A_757 = vector.shape_cast %broadcast_in_dim3A_756 : vector<16x1xi32> to vector<16xi32>
        %gather3A_758 = tpu.dynamic_gather %get3A_190[%gather3A_757] in [0] : vector<16xf32>, vector<16xi32> -> vector<16xf32>
        %add3A_759 = arith.constant 10 : i32
        %add3A_760 = arith.addi %multiple_of3A_185, %add3A_759 : i32
        %get3A_761 = arith.index_cast %add3A_760 : i32 to index
        %get3A_762 = arith.constant 0 : index
        %get3A_763 = tpu.vector_load %arg12[%get3A_761, %get3A_762] {strides = array<i32>} : memref<128x64xf32, #tpu.memory_space<vmem>>, vector<16xf32>,
        %mul3A_764 = arith.mulf %get3A_763, %gather3A_758 : vector<16xf32>
        %add3A_765 = arith.constant 10 : i32
        %add3A_766 = arith.addi %multiple_of3A_185, %add3A_765 : i32
        %swap3A_767 = arith.index_cast %add3A_766 : i32 to index
        %swap3A_768 = arith.constant 0 : index
        %swap3A_769 = tpu.vector_load %arg14[%swap3A_767, %swap3A_768] {strides = array<i32>} : memref<128x64xf32, #tpu.memory_space<vmem>>, vector<16xf32>,
        tpu.vector_store %arg14[%swap3A_767, %swap3A_768], %mul3A_764 {strides = array<i32>} : memref<128x64xf32, #tpu.memory_space<vmem>>, vector<16xf32>,
        %add3A_770 = arith.constant 10 : i32
        %add3A_771 = arith.addi %multiple_of3A_185, %add3A_770 : i32
        %get3A_772 = arith.index_cast %add3A_771 : i32 to index
        %get3A_773 = arith.constant 16 : index
        %get3A_774 = tpu.vector_load %arg12[%get3A_772, %get3A_773] {strides = array<i32>} : memref<128x64xf32, #tpu.memory_space<vmem>>, vector<16xf32>,
        %mul3A_775 = arith.mulf %get3A_774, %gather3A_758 : vector<16xf32>
        %add3A_776 = arith.constant 10 : i32
        %add3A_777 = arith.addi %multiple_of3A_185, %add3A_776 : i32
        %swap3A_778 = arith.index_cast %add3A_777 : i32 to index
        %swap3A_779 = arith.constant 16 : index
        %swap3A_780 = tpu.vector_load %arg14[%swap3A_778, %swap3A_779] {strides = array<i32>} : memref<128x64xf32, #tpu.memory_space<vmem>>, vector<16xf32>,
        tpu.vector_store %arg14[%swap3A_778, %swap3A_779], %mul3A_775 {strides = array<i32>} : memref<128x64xf32, #tpu.memory_space<vmem>>, vector<16xf32>,
        %add3A_781 = arith.constant 10 : i32
        %add3A_782 = arith.addi %multiple_of3A_185, %add3A_781 : i32
        %get3A_783 = arith.index_cast %add3A_782 : i32 to index
        %get3A_784 = arith.constant 32 : index
        %get3A_785 = tpu.vector_load %arg12[%get3A_783, %get3A_784] {strides = array<i32>} : memref<128x64xf32, #tpu.memory_space<vmem>>, vector<16xf32>,
        %mul3A_786 = arith.mulf %get3A_785, %gather3A_758 : vector<16xf32>
        %add3A_787 = arith.constant 10 : i32
        %add3A_788 = arith.addi %multiple_of3A_185, %add3A_787 : i32
        %swap3A_789 = arith.index_cast %add3A_788 : i32 to index
        %swap3A_790 = arith.constant 32 : index
        %swap3A_791 = tpu.vector_load %arg14[%swap3A_789, %swap3A_790] {strides = array<i32>} : memref<128x64xf32, #tpu.memory_space<vmem>>, vector<16xf32>,
        tpu.vector_store %arg14[%swap3A_789, %swap3A_790], %mul3A_786 {strides = array<i32>} : memref<128x64xf32, #tpu.memory_space<vmem>>, vector<16xf32>,
        %add3A_792 = arith.constant 10 : i32
        %add3A_793 = arith.addi %multiple_of3A_185, %add3A_792 : i32
        %get3A_794 = arith.index_cast %add3A_793 : i32 to index
        %get3A_795 = arith.constant 48 : index
        %get3A_796 = tpu.vector_load %arg12[%get3A_794, %get3A_795] {strides = array<i32>} : memref<128x64xf32, #tpu.memory_space<vmem>>, vector<16xf32>,
        %mul3A_797 = arith.mulf %get3A_796, %gather3A_758 : vector<16xf32>
        %add3A_798 = arith.constant 10 : i32
        %add3A_799 = arith.addi %multiple_of3A_185, %add3A_798 : i32
        %swap3A_800 = arith.index_cast %add3A_799 : i32 to index
        %swap3A_801 = arith.constant 48 : index
        %swap3A_802 = tpu.vector_load %arg14[%swap3A_800, %swap3A_801] {strides = array<i32>} : memref<128x64xf32, #tpu.memory_space<vmem>>, vector<16xf32>,
        tpu.vector_store %arg14[%swap3A_800, %swap3A_801], %mul3A_797 {strides = array<i32>} : memref<128x64xf32, #tpu.memory_space<vmem>>, vector<16xf32>,
        %broadcast_in_dim3A_803 = arith.constant 11 : i32
        %broadcast_in_dim3A_804 = vector.broadcast %broadcast_in_dim3A_803 : i32 to vector<16xi32>
        %lt3A_805 = arith.constant 0 : i32
        %lt3A_806 = vector.broadcast %lt3A_805 : i32 to vector<16xi32>
        %lt3A_807 = arith.cmpi slt, %broadcast_in_dim3A_804, %lt3A_806 : vector<16xi32>
        %add3A_808 = arith.constant 16 : i32
        %add3A_809 = vector.broadcast %add3A_808 : i32 to vector<16xi32>
        %add3A_810 = arith.addi %broadcast_in_dim3A_804, %add3A_809 : vector<16xi32>
        %select_n3A_811 = arith.select %lt3A_807, %add3A_810, %broadcast_in_dim3A_804 : vector<16xi1>, vector<16xi32>
        %broadcast_in_dim3A_812 = vector.shape_cast %select_n3A_811 : vector<16xi32> to vector<16x1xi32>
        %gather3A_813 = vector.shape_cast %broadcast_in_dim3A_812 : vector<16x1xi32> to vector<16xi32>
        %gather3A_814 = tpu.dynamic_gather %get3A_190[%gather3A_813] in [0] : vector<16xf32>, vector<16xi32> -> vector<16xf32>
        %add3A_815 = arith.constant 11 : i32
        %add3A_816 = arith.addi %multiple_of3A_185, %add3A_815 : i32
        %get3A_817 = arith.index_cast %add3A_816 : i32 to index
        %get3A_818 = arith.constant 0 : index
        %get3A_819 = tpu.vector_load %arg12[%get3A_817, %get3A_818] {strides = array<i32>} : memref<128x64xf32, #tpu.memory_space<vmem>>, vector<16xf32>,
        %mul3A_820 = arith.mulf %get3A_819, %gather3A_814 : vector<16xf32>
        %add3A_821 = arith.constant 11 : i32
        %add3A_822 = arith.addi %multiple_of3A_185, %add3A_821 : i32
        %swap3A_823 = arith.index_cast %add3A_822 : i32 to index
        %swap3A_824 = arith.constant 0 : index
        %swap3A_825 = tpu.vector_load %arg14[%swap3A_823, %swap3A_824] {strides = array<i32>} : memref<128x64xf32, #tpu.memory_space<vmem>>, vector<16xf32>,
        tpu.vector_store %arg14[%swap3A_823, %swap3A_824], %mul3A_820 {strides = array<i32>} : memref<128x64xf32, #tpu.memory_space<vmem>>, vector<16xf32>,
        %add3A_826 = arith.constant 11 : i32
        %add3A_827 = arith.addi %multiple_of3A_185, %add3A_826 : i32
        %get3A_828 = arith.index_cast %add3A_827 : i32 to index
        %get3A_829 = arith.constant 16 : index
        %get3A_830 = tpu.vector_load %arg12[%get3A_828, %get3A_829] {strides = array<i32>} : memref<128x64xf32, #tpu.memory_space<vmem>>, vector<16xf32>,
        %mul3A_831 = arith.mulf %get3A_830, %gather3A_814 : vector<16xf32>
        %add3A_832 = arith.constant 11 : i32
        %add3A_833 = arith.addi %multiple_of3A_185, %add3A_832 : i32
        %swap3A_834 = arith.index_cast %add3A_833 : i32 to index
        %swap3A_835 = arith.constant 16 : index
        %swap3A_836 = tpu.vector_load %arg14[%swap3A_834, %swap3A_835] {strides = array<i32>} : memref<128x64xf32, #tpu.memory_space<vmem>>, vector<16xf32>,
        tpu.vector_store %arg14[%swap3A_834, %swap3A_835], %mul3A_831 {strides = array<i32>} : memref<128x64xf32, #tpu.memory_space<vmem>>, vector<16xf32>,
        %add3A_837 = arith.constant 11 : i32
        %add3A_838 = arith.addi %multiple_of3A_185, %add3A_837 : i32
        %get3A_839 = arith.index_cast %add3A_838 : i32 to index
        %get3A_840 = arith.constant 32 : index
        %get3A_841 = tpu.vector_load %arg12[%get3A_839, %get3A_840] {strides = array<i32>} : memref<128x64xf32, #tpu.memory_space<vmem>>, vector<16xf32>,
        %mul3A_842 = arith.mulf %get3A_841, %gather3A_814 : vector<16xf32>
        %add3A_843 = arith.constant 11 : i32
        %add3A_844 = arith.addi %multiple_of3A_185, %add3A_843 : i32
        %swap3A_845 = arith.index_cast %add3A_844 : i32 to index
        %swap3A_846 = arith.constant 32 : index
        %swap3A_847 = tpu.vector_load %arg14[%swap3A_845, %swap3A_846] {strides = array<i32>} : memref<128x64xf32, #tpu.memory_space<vmem>>, vector<16xf32>,
        tpu.vector_store %arg14[%swap3A_845, %swap3A_846], %mul3A_842 {strides = array<i32>} : memref<128x64xf32, #tpu.memory_space<vmem>>, vector<16xf32>,
        %add3A_848 = arith.constant 11 : i32
        %add3A_849 = arith.addi %multiple_of3A_185, %add3A_848 : i32
        %get3A_850 = arith.index_cast %add3A_849 : i32 to index
        %get3A_851 = arith.constant 48 : index
        %get3A_852 = tpu.vector_load %arg12[%get3A_850, %get3A_851] {strides = array<i32>} : memref<128x64xf32, #tpu.memory_space<vmem>>, vector<16xf32>,
        %mul3A_853 = arith.mulf %get3A_852, %gather3A_814 : vector<16xf32>
        %add3A_854 = arith.constant 11 : i32
        %add3A_855 = arith.addi %multiple_of3A_185, %add3A_854 : i32
        %swap3A_856 = arith.index_cast %add3A_855 : i32 to index
        %swap3A_857 = arith.constant 48 : index
        %swap3A_858 = tpu.vector_load %arg14[%swap3A_856, %swap3A_857] {strides = array<i32>} : memref<128x64xf32, #tpu.memory_space<vmem>>, vector<16xf32>,
        tpu.vector_store %arg14[%swap3A_856, %swap3A_857], %mul3A_853 {strides = array<i32>} : memref<128x64xf32, #tpu.memory_space<vmem>>, vector<16xf32>,
        %broadcast_in_dim3A_859 = arith.constant 12 : i32
        %broadcast_in_dim3A_860 = vector.broadcast %broadcast_in_dim3A_859 : i32 to vector<16xi32>
        %lt3A_861 = arith.constant 0 : i32
        %lt3A_862 = vector.broadcast %lt3A_861 : i32 to vector<16xi32>
        %lt3A_863 = arith.cmpi slt, %broadcast_in_dim3A_860, %lt3A_862 : vector<16xi32>
        %add3A_864 = arith.constant 16 : i32
        %add3A_865 = vector.broadcast %add3A_864 : i32 to vector<16xi32>
        %add3A_866 = arith.addi %broadcast_in_dim3A_860, %add3A_865 : vector<16xi32>
        %select_n3A_867 = arith.select %lt3A_863, %add3A_866, %broadcast_in_dim3A_860 : vector<16xi1>, vector<16xi32>
        %broadcast_in_dim3A_868 = vector.shape_cast %select_n3A_867 : vector<16xi32> to vector<16x1xi32>
        %gather3A_869 = vector.shape_cast %broadcast_in_dim3A_868 : vector<16x1xi32> to vector<16xi32>
        %gather3A_870 = tpu.dynamic_gather %get3A_190[%gather3A_869] in [0] : vector<16xf32>, vector<16xi32> -> vector<16xf32>
        %add3A_871 = arith.constant 12 : i32
        %add3A_872 = arith.addi %multiple_of3A_185, %add3A_871 : i32
        %get3A_873 = arith.index_cast %add3A_872 : i32 to index
        %get3A_874 = arith.constant 0 : index
        %get3A_875 = tpu.vector_load %arg12[%get3A_873, %get3A_874] {strides = array<i32>} : memref<128x64xf32, #tpu.memory_space<vmem>>, vector<16xf32>,
        %mul3A_876 = arith.mulf %get3A_875, %gather3A_870 : vector<16xf32>
        %add3A_877 = arith.constant 12 : i32
        %add3A_878 = arith.addi %multiple_of3A_185, %add3A_877 : i32
        %swap3A_879 = arith.index_cast %add3A_878 : i32 to index
        %swap3A_880 = arith.constant 0 : index
        %swap3A_881 = tpu.vector_load %arg14[%swap3A_879, %swap3A_880] {strides = array<i32>} : memref<128x64xf32, #tpu.memory_space<vmem>>, vector<16xf32>,
        tpu.vector_store %arg14[%swap3A_879, %swap3A_880], %mul3A_876 {strides = array<i32>} : memref<128x64xf32, #tpu.memory_space<vmem>>, vector<16xf32>,
        %add3A_882 = arith.constant 12 : i32
        %add3A_883 = arith.addi %multiple_of3A_185, %add3A_882 : i32
        %get3A_884 = arith.index_cast %add3A_883 : i32 to index
        %get3A_885 = arith.constant 16 : index
        %get3A_886 = tpu.vector_load %arg12[%get3A_884, %get3A_885] {strides = array<i32>} : memref<128x64xf32, #tpu.memory_space<vmem>>, vector<16xf32>,
        %mul3A_887 = arith.mulf %get3A_886, %gather3A_870 : vector<16xf32>
        %add3A_888 = arith.constant 12 : i32
        %add3A_889 = arith.addi %multiple_of3A_185, %add3A_888 : i32
        %swap3A_890 = arith.index_cast %add3A_889 : i32 to index
        %swap3A_891 = arith.constant 16 : index
        %swap3A_892 = tpu.vector_load %arg14[%swap3A_890, %swap3A_891] {strides = array<i32>} : memref<128x64xf32, #tpu.memory_space<vmem>>, vector<16xf32>,
        tpu.vector_store %arg14[%swap3A_890, %swap3A_891], %mul3A_887 {strides = array<i32>} : memref<128x64xf32, #tpu.memory_space<vmem>>, vector<16xf32>,
        %add3A_893 = arith.constant 12 : i32
        %add3A_894 = arith.addi %multiple_of3A_185, %add3A_893 : i32
        %get3A_895 = arith.index_cast %add3A_894 : i32 to index
        %get3A_896 = arith.constant 32 : index
        %get3A_897 = tpu.vector_load %arg12[%get3A_895, %get3A_896] {strides = array<i32>} : memref<128x64xf32, #tpu.memory_space<vmem>>, vector<16xf32>,
        %mul3A_898 = arith.mulf %get3A_897, %gather3A_870 : vector<16xf32>
        %add3A_899 = arith.constant 12 : i32
        %add3A_900 = arith.addi %multiple_of3A_185, %add3A_899 : i32
        %swap3A_901 = arith.index_cast %add3A_900 : i32 to index
        %swap3A_902 = arith.constant 32 : index
        %swap3A_903 = tpu.vector_load %arg14[%swap3A_901, %swap3A_902] {strides = array<i32>} : memref<128x64xf32, #tpu.memory_space<vmem>>, vector<16xf32>,
        tpu.vector_store %arg14[%swap3A_901, %swap3A_902], %mul3A_898 {strides = array<i32>} : memref<128x64xf32, #tpu.memory_space<vmem>>, vector<16xf32>,
        %add3A_904 = arith.constant 12 : i32
        %add3A_905 = arith.addi %multiple_of3A_185, %add3A_904 : i32
        %get3A_906 = arith.index_cast %add3A_905 : i32 to index
        %get3A_907 = arith.constant 48 : index
        %get3A_908 = tpu.vector_load %arg12[%get3A_906, %get3A_907] {strides = array<i32>} : memref<128x64xf32, #tpu.memory_space<vmem>>, vector<16xf32>,
        %mul3A_909 = arith.mulf %get3A_908, %gather3A_870 : vector<16xf32>
        %add3A_910 = arith.constant 12 : i32
        %add3A_911 = arith.addi %multiple_of3A_185, %add3A_910 : i32
        %swap3A_912 = arith.index_cast %add3A_911 : i32 to index
        %swap3A_913 = arith.constant 48 : index
        %swap3A_914 = tpu.vector_load %arg14[%swap3A_912, %swap3A_913] {strides = array<i32>} : memref<128x64xf32, #tpu.memory_space<vmem>>, vector<16xf32>,
        tpu.vector_store %arg14[%swap3A_912, %swap3A_913], %mul3A_909 {strides = array<i32>} : memref<128x64xf32, #tpu.memory_space<vmem>>, vector<16xf32>,
        %broadcast_in_dim3A_915 = arith.constant 13 : i32
        %broadcast_in_dim3A_916 = vector.broadcast %broadcast_in_dim3A_915 : i32 to vector<16xi32>
        %lt3A_917 = arith.constant 0 : i32
        %lt3A_918 = vector.broadcast %lt3A_917 : i32 to vector<16xi32>
        %lt3A_919 = arith.cmpi slt, %broadcast_in_dim3A_916, %lt3A_918 : vector<16xi32>
        %add3A_920 = arith.constant 16 : i32
        %add3A_921 = vector.broadcast %add3A_920 : i32 to vector<16xi32>
        %add3A_922 = arith.addi %broadcast_in_dim3A_916, %add3A_921 : vector<16xi32>
        %select_n3A_923 = arith.select %lt3A_919, %add3A_922, %broadcast_in_dim3A_916 : vector<16xi1>, vector<16xi32>
        %broadcast_in_dim3A_924 = vector.shape_cast %select_n3A_923 : vector<16xi32> to vector<16x1xi32>
        %gather3A_925 = vector.shape_cast %broadcast_in_dim3A_924 : vector<16x1xi32> to vector<16xi32>
        %gather3A_926 = tpu.dynamic_gather %get3A_190[%gather3A_925] in [0] : vector<16xf32>, vector<16xi32> -> vector<16xf32>
        %add3A_927 = arith.constant 13 : i32
        %add3A_928 = arith.addi %multiple_of3A_185, %add3A_927 : i32
        %get3A_929 = arith.index_cast %add3A_928 : i32 to index
        %get3A_930 = arith.constant 0 : index
        %get3A_931 = tpu.vector_load %arg12[%get3A_929, %get3A_930] {strides = array<i32>} : memref<128x64xf32, #tpu.memory_space<vmem>>, vector<16xf32>,
        %mul3A_932 = arith.mulf %get3A_931, %gather3A_926 : vector<16xf32>
        %add3A_933 = arith.constant 13 : i32
        %add3A_934 = arith.addi %multiple_of3A_185, %add3A_933 : i32
        %swap3A_935 = arith.index_cast %add3A_934 : i32 to index
        %swap3A_936 = arith.constant 0 : index
        %swap3A_937 = tpu.vector_load %arg14[%swap3A_935, %swap3A_936] {strides = array<i32>} : memref<128x64xf32, #tpu.memory_space<vmem>>, vector<16xf32>,
        tpu.vector_store %arg14[%swap3A_935, %swap3A_936], %mul3A_932 {strides = array<i32>} : memref<128x64xf32, #tpu.memory_space<vmem>>, vector<16xf32>,
        %add3A_938 = arith.constant 13 : i32
        %add3A_939 = arith.addi %multiple_of3A_185, %add3A_938 : i32
        %get3A_940 = arith.index_cast %add3A_939 : i32 to index
        %get3A_941 = arith.constant 16 : index
        %get3A_942 = tpu.vector_load %arg12[%get3A_940, %get3A_941] {strides = array<i32>} : memref<128x64xf32, #tpu.memory_space<vmem>>, vector<16xf32>,
        %mul3A_943 = arith.mulf %get3A_942, %gather3A_926 : vector<16xf32>
        %add3A_944 = arith.constant 13 : i32
        %add3A_945 = arith.addi %multiple_of3A_185, %add3A_944 : i32
        %swap3A_946 = arith.index_cast %add3A_945 : i32 to index
        %swap3A_947 = arith.constant 16 : index
        %swap3A_948 = tpu.vector_load %arg14[%swap3A_946, %swap3A_947] {strides = array<i32>} : memref<128x64xf32, #tpu.memory_space<vmem>>, vector<16xf32>,
        tpu.vector_store %arg14[%swap3A_946, %swap3A_947], %mul3A_943 {strides = array<i32>} : memref<128x64xf32, #tpu.memory_space<vmem>>, vector<16xf32>,
        %add3A_949 = arith.constant 13 : i32
        %add3A_950 = arith.addi %multiple_of3A_185, %add3A_949 : i32
        %get3A_951 = arith.index_cast %add3A_950 : i32 to index
        %get3A_952 = arith.constant 32 : index
        %get3A_953 = tpu.vector_load %arg12[%get3A_951, %get3A_952] {strides = array<i32>} : memref<128x64xf32, #tpu.memory_space<vmem>>, vector<16xf32>,
        %mul3A_954 = arith.mulf %get3A_953, %gather3A_926 : vector<16xf32>
        %add3A_955 = arith.constant 13 : i32
        %add3A_956 = arith.addi %multiple_of3A_185, %add3A_955 : i32
        %swap3A_957 = arith.index_cast %add3A_956 : i32 to index
        %swap3A_958 = arith.constant 32 : index
        %swap3A_959 = tpu.vector_load %arg14[%swap3A_957, %swap3A_958] {strides = array<i32>} : memref<128x64xf32, #tpu.memory_space<vmem>>, vector<16xf32>,
        tpu.vector_store %arg14[%swap3A_957, %swap3A_958], %mul3A_954 {strides = array<i32>} : memref<128x64xf32, #tpu.memory_space<vmem>>, vector<16xf32>,
        %add3A_960 = arith.constant 13 : i32
        %add3A_961 = arith.addi %multiple_of3A_185, %add3A_960 : i32
        %get3A_962 = arith.index_cast %add3A_961 : i32 to index
        %get3A_963 = arith.constant 48 : index
        %get3A_964 = tpu.vector_load %arg12[%get3A_962, %get3A_963] {strides = array<i32>} : memref<128x64xf32, #tpu.memory_space<vmem>>, vector<16xf32>,
        %mul3A_965 = arith.mulf %get3A_964, %gather3A_926 : vector<16xf32>
        %add3A_966 = arith.constant 13 : i32
        %add3A_967 = arith.addi %multiple_of3A_185, %add3A_966 : i32
        %swap3A_968 = arith.index_cast %add3A_967 : i32 to index
        %swap3A_969 = arith.constant 48 : index
        %swap3A_970 = tpu.vector_load %arg14[%swap3A_968, %swap3A_969] {strides = array<i32>} : memref<128x64xf32, #tpu.memory_space<vmem>>, vector<16xf32>,
        tpu.vector_store %arg14[%swap3A_968, %swap3A_969], %mul3A_965 {strides = array<i32>} : memref<128x64xf32, #tpu.memory_space<vmem>>, vector<16xf32>,
        %broadcast_in_dim3A_971 = arith.constant 14 : i32
        %broadcast_in_dim3A_972 = vector.broadcast %broadcast_in_dim3A_971 : i32 to vector<16xi32>
        %lt3A_973 = arith.constant 0 : i32
        %lt3A_974 = vector.broadcast %lt3A_973 : i32 to vector<16xi32>
        %lt3A_975 = arith.cmpi slt, %broadcast_in_dim3A_972, %lt3A_974 : vector<16xi32>
        %add3A_976 = arith.constant 16 : i32
        %add3A_977 = vector.broadcast %add3A_976 : i32 to vector<16xi32>
        %add3A_978 = arith.addi %broadcast_in_dim3A_972, %add3A_977 : vector<16xi32>
        %select_n3A_979 = arith.select %lt3A_975, %add3A_978, %broadcast_in_dim3A_972 : vector<16xi1>, vector<16xi32>
        %broadcast_in_dim3A_980 = vector.shape_cast %select_n3A_979 : vector<16xi32> to vector<16x1xi32>
        %gather3A_981 = vector.shape_cast %broadcast_in_dim3A_980 : vector<16x1xi32> to vector<16xi32>
        %gather3A_982 = tpu.dynamic_gather %get3A_190[%gather3A_981] in [0] : vector<16xf32>, vector<16xi32> -> vector<16xf32>
        %add3A_983 = arith.constant 14 : i32
        %add3A_984 = arith.addi %multiple_of3A_185, %add3A_983 : i32
        %get3A_985 = arith.index_cast %add3A_984 : i32 to index
        %get3A_986 = arith.constant 0 : index
        %get3A_987 = tpu.vector_load %arg12[%get3A_985, %get3A_986] {strides = array<i32>} : memref<128x64xf32, #tpu.memory_space<vmem>>, vector<16xf32>,
        %mul3A_988 = arith.mulf %get3A_987, %gather3A_982 : vector<16xf32>
        %add3A_989 = arith.constant 14 : i32
        %add3A_990 = arith.addi %multiple_of3A_185, %add3A_989 : i32
        %swap3A_991 = arith.index_cast %add3A_990 : i32 to index
        %swap3A_992 = arith.constant 0 : index
        %swap3A_993 = tpu.vector_load %arg14[%swap3A_991, %swap3A_992] {strides = array<i32>} : memref<128x64xf32, #tpu.memory_space<vmem>>, vector<16xf32>,
        tpu.vector_store %arg14[%swap3A_991, %swap3A_992], %mul3A_988 {strides = array<i32>} : memref<128x64xf32, #tpu.memory_space<vmem>>, vector<16xf32>,
        %add3A_994 = arith.constant 14 : i32
        %add3A_995 = arith.addi %multiple_of3A_185, %add3A_994 : i32
        %get3A_996 = arith.index_cast %add3A_995 : i32 to index
        %get3A_997 = arith.constant 16 : index
        %get3A_998 = tpu.vector_load %arg12[%get3A_996, %get3A_997] {strides = array<i32>} : memref<128x64xf32, #tpu.memory_space<vmem>>, vector<16xf32>,
        %mul3A_999 = arith.mulf %get3A_998, %gather3A_982 : vector<16xf32>
        %add3A_1000 = arith.constant 14 : i32
        %add3A_1001 = arith.addi %multiple_of3A_185, %add3A_1000 : i32
        %swap3A_1002 = arith.index_cast %add3A_1001 : i32 to index
        %swap3A_1003 = arith.constant 16 : index
        %swap3A_1004 = tpu.vector_load %arg14[%swap3A_1002, %swap3A_1003] {strides = array<i32>} : memref<128x64xf32, #tpu.memory_space<vmem>>, vector<16xf32>,
        tpu.vector_store %arg14[%swap3A_1002, %swap3A_1003], %mul3A_999 {strides = array<i32>} : memref<128x64xf32, #tpu.memory_space<vmem>>, vector<16xf32>,
        %add3A_1005 = arith.constant 14 : i32
        %add3A_1006 = arith.addi %multiple_of3A_185, %add3A_1005 : i32
        %get3A_1007 = arith.index_cast %add3A_1006 : i32 to index
        %get3A_1008 = arith.constant 32 : index
        %get3A_1009 = tpu.vector_load %arg12[%get3A_1007, %get3A_1008] {strides = array<i32>} : memref<128x64xf32, #tpu.memory_space<vmem>>, vector<16xf32>,
        %mul3A_1010 = arith.mulf %get3A_1009, %gather3A_982 : vector<16xf32>
        %add3A_1011 = arith.constant 14 : i32
        %add3A_1012 = arith.addi %multiple_of3A_185, %add3A_1011 : i32
        %swap3A_1013 = arith.index_cast %add3A_1012 : i32 to index
        %swap3A_1014 = arith.constant 32 : index
        %swap3A_1015 = tpu.vector_load %arg14[%swap3A_1013, %swap3A_1014] {strides = array<i32>} : memref<128x64xf32, #tpu.memory_space<vmem>>, vector<16xf32>,
        tpu.vector_store %arg14[%swap3A_1013, %swap3A_1014], %mul3A_1010 {strides = array<i32>} : memref<128x64xf32, #tpu.memory_space<vmem>>, vector<16xf32>,
        %add3A_1016 = arith.constant 14 : i32
        %add3A_1017 = arith.addi %multiple_of3A_185, %add3A_1016 : i32
        %get3A_1018 = arith.index_cast %add3A_1017 : i32 to index
        %get3A_1019 = arith.constant 48 : index
        %get3A_1020 = tpu.vector_load %arg12[%get3A_1018, %get3A_1019] {strides = array<i32>} : memref<128x64xf32, #tpu.memory_space<vmem>>, vector<16xf32>,
        %mul3A_1021 = arith.mulf %get3A_1020, %gather3A_982 : vector<16xf32>
        %add3A_1022 = arith.constant 14 : i32
        %add3A_1023 = arith.addi %multiple_of3A_185, %add3A_1022 : i32
        %swap3A_1024 = arith.index_cast %add3A_1023 : i32 to index
        %swap3A_1025 = arith.constant 48 : index
        %swap3A_1026 = tpu.vector_load %arg14[%swap3A_1024, %swap3A_1025] {strides = array<i32>} : memref<128x64xf32, #tpu.memory_space<vmem>>, vector<16xf32>,
        tpu.vector_store %arg14[%swap3A_1024, %swap3A_1025], %mul3A_1021 {strides = array<i32>} : memref<128x64xf32, #tpu.memory_space<vmem>>, vector<16xf32>,
        %broadcast_in_dim3A_1027 = arith.constant 15 : i32
        %broadcast_in_dim3A_1028 = vector.broadcast %broadcast_in_dim3A_1027 : i32 to vector<16xi32>
        %lt3A_1029 = arith.constant 0 : i32
        %lt3A_1030 = vector.broadcast %lt3A_1029 : i32 to vector<16xi32>
        %lt3A_1031 = arith.cmpi slt, %broadcast_in_dim3A_1028, %lt3A_1030 : vector<16xi32>
        %add3A_1032 = arith.constant 16 : i32
        %add3A_1033 = vector.broadcast %add3A_1032 : i32 to vector<16xi32>
        %add3A_1034 = arith.addi %broadcast_in_dim3A_1028, %add3A_1033 : vector<16xi32>
        %select_n3A_1035 = arith.select %lt3A_1031, %add3A_1034, %broadcast_in_dim3A_1028 : vector<16xi1>, vector<16xi32>
        %broadcast_in_dim3A_1036 = vector.shape_cast %select_n3A_1035 : vector<16xi32> to vector<16x1xi32>
        %gather3A_1037 = vector.shape_cast %broadcast_in_dim3A_1036 : vector<16x1xi32> to vector<16xi32>
        %gather3A_1038 = tpu.dynamic_gather %get3A_190[%gather3A_1037] in [0] : vector<16xf32>, vector<16xi32> -> vector<16xf32>
        %add3A_1039 = arith.constant 15 : i32
        %add3A_1040 = arith.addi %multiple_of3A_185, %add3A_1039 : i32
        %get3A_1041 = arith.index_cast %add3A_1040 : i32 to index
        %get3A_1042 = arith.constant 0 : index
        %get3A_1043 = tpu.vector_load %arg12[%get3A_1041, %get3A_1042] {strides = array<i32>} : memref<128x64xf32, #tpu.memory_space<vmem>>, vector<16xf32>,
        %mul3A_1044 = arith.mulf %get3A_1043, %gather3A_1038 : vector<16xf32>
        %add3A_1045 = arith.constant 15 : i32
        %add3A_1046 = arith.addi %multiple_of3A_185, %add3A_1045 : i32
        %swap3A_1047 = arith.index_cast %add3A_1046 : i32 to index
        %swap3A_1048 = arith.constant 0 : index
        %swap3A_1049 = tpu.vector_load %arg14[%swap3A_1047, %swap3A_1048] {strides = array<i32>} : memref<128x64xf32, #tpu.memory_space<vmem>>, vector<16xf32>,
        tpu.vector_store %arg14[%swap3A_1047, %swap3A_1048], %mul3A_1044 {strides = array<i32>} : memref<128x64xf32, #tpu.memory_space<vmem>>, vector<16xf32>,
        %add3A_1050 = arith.constant 15 : i32
        %add3A_1051 = arith.addi %multiple_of3A_185, %add3A_1050 : i32
        %get3A_1052 = arith.index_cast %add3A_1051 : i32 to index
        %get3A_1053 = arith.constant 16 : index
        %get3A_1054 = tpu.vector_load %arg12[%get3A_1052, %get3A_1053] {strides = array<i32>} : memref<128x64xf32, #tpu.memory_space<vmem>>, vector<16xf32>,
        %mul3A_1055 = arith.mulf %get3A_1054, %gather3A_1038 : vector<16xf32>
        %add3A_1056 = arith.constant 15 : i32
        %add3A_1057 = arith.addi %multiple_of3A_185, %add3A_1056 : i32
        %swap3A_1058 = arith.index_cast %add3A_1057 : i32 to index
        %swap3A_1059 = arith.constant 16 : index
        %swap3A_1060 = tpu.vector_load %arg14[%swap3A_1058, %swap3A_1059] {strides = array<i32>} : memref<128x64xf32, #tpu.memory_space<vmem>>, vector<16xf32>,
        tpu.vector_store %arg14[%swap3A_1058, %swap3A_1059], %mul3A_1055 {strides = array<i32>} : memref<128x64xf32, #tpu.memory_space<vmem>>, vector<16xf32>,
        %add3A_1061 = arith.constant 15 : i32
        %add3A_1062 = arith.addi %multiple_of3A_185, %add3A_1061 : i32
        %get3A_1063 = arith.index_cast %add3A_1062 : i32 to index
        %get3A_1064 = arith.constant 32 : index
        %get3A_1065 = tpu.vector_load %arg12[%get3A_1063, %get3A_1064] {strides = array<i32>} : memref<128x64xf32, #tpu.memory_space<vmem>>, vector<16xf32>,
        %mul3A_1066 = arith.mulf %get3A_1065, %gather3A_1038 : vector<16xf32>
        %add3A_1067 = arith.constant 15 : i32
        %add3A_1068 = arith.addi %multiple_of3A_185, %add3A_1067 : i32
        %swap3A_1069 = arith.index_cast %add3A_1068 : i32 to index
        %swap3A_1070 = arith.constant 32 : index
        %swap3A_1071 = tpu.vector_load %arg14[%swap3A_1069, %swap3A_1070] {strides = array<i32>} : memref<128x64xf32, #tpu.memory_space<vmem>>, vector<16xf32>,
        tpu.vector_store %arg14[%swap3A_1069, %swap3A_1070], %mul3A_1066 {strides = array<i32>} : memref<128x64xf32, #tpu.memory_space<vmem>>, vector<16xf32>,
        %add3A_1072 = arith.constant 15 : i32
        %add3A_1073 = arith.addi %multiple_of3A_185, %add3A_1072 : i32
        %get3A_1074 = arith.index_cast %add3A_1073 : i32 to index
        %get3A_1075 = arith.constant 48 : index
        %get3A_1076 = tpu.vector_load %arg12[%get3A_1074, %get3A_1075] {strides = array<i32>} : memref<128x64xf32, #tpu.memory_space<vmem>>, vector<16xf32>,
        %mul3A_1077 = arith.mulf %get3A_1076, %gather3A_1038 : vector<16xf32>
        %add3A_1078 = arith.constant 15 : i32
        %add3A_1079 = arith.addi %multiple_of3A_185, %add3A_1078 : i32
        %swap3A_1080 = arith.index_cast %add3A_1079 : i32 to index
        %swap3A_1081 = arith.constant 48 : index
        %swap3A_1082 = tpu.vector_load %arg14[%swap3A_1080, %swap3A_1081] {strides = array<i32>} : memref<128x64xf32, #tpu.memory_space<vmem>>, vector<16xf32>,
        tpu.vector_store %arg14[%swap3A_1080, %swap3A_1081], %mul3A_1077 {strides = array<i32>} : memref<128x64xf32, #tpu.memory_space<vmem>>, vector<16xf32>,
        %scan3A_1083 = arith.constant 1 : i32
        %scan3A_1084 = arith.addi %scan3A_182, %scan3A_1083 : i32
        %mul3A_1085 = arith.constant 16 : i32
        %mul3A_1086 = arith.muli %scan3A_1084, %mul3A_1085 : i32
        %multiple_of3A_1087 = tpu.assume_multiple %mul3A_1086, 16 : i32
        %mul3A_1088 = arith.constant 128 : i32
        %mul3A_1089 = arith.muli %add3A_150, %mul3A_1088 : i32
        %multiple_of3A_1090 = tpu.assume_multiple %mul3A_1089, 128 : i32
        %add3A_1091 = arith.addi %multiple_of3A_1090, %multiple_of3A_1087 : i32
        %get3A_1092 = arith.index_cast %add3A_1091 : i32 to index
        %get3A_1093 = tpu.vector_load %arg10[%get3A_1092] {strides = array<i32>} : memref<8448xf32, #tpu.memory_space<vmem>>, vector<16xf32>,
        %broadcast_in_dim3A_1094 = arith.constant 0 : i32
        %broadcast_in_dim3A_1095 = vector.broadcast %broadcast_in_dim3A_1094 : i32 to vector<16xi32>
        %lt3A_1096 = arith.constant 0 : i32
        %lt3A_1097 = vector.broadcast %lt3A_1096 : i32 to vector<16xi32>
        %lt3A_1098 = arith.cmpi slt, %broadcast_in_dim3A_1095, %lt3A_1097 : vector<16xi32>
        %add3A_1099 = arith.constant 16 : i32
        %add3A_1100 = vector.broadcast %add3A_1099 : i32 to vector<16xi32>
        %add3A_1101 = arith.addi %broadcast_in_dim3A_1095, %add3A_1100 : vector<16xi32>
        %select_n3A_1102 = arith.select %lt3A_1098, %add3A_1101, %broadcast_in_dim3A_1095 : vector<16xi1>, vector<16xi32>
        %broadcast_in_dim3A_1103 = vector.shape_cast %select_n3A_1102 : vector<16xi32> to vector<16x1xi32>
        %gather3A_1104 = vector.shape_cast %broadcast_in_dim3A_1103 : vector<16x1xi32> to vector<16xi32>
        %gather3A_1105 = tpu.dynamic_gather %get3A_1093[%gather3A_1104] in [0] : vector<16xf32>, vector<16xi32> -> vector<16xf32>
        %add3A_1106 = arith.constant 0 : i32
        %add3A_1107 = arith.addi %multiple_of3A_1087, %add3A_1106 : i32
        %get3A_1108 = arith.index_cast %add3A_1107 : i32 to index
        %get3A_1109 = arith.constant 0 : index
        %get3A_1110 = tpu.vector_load %arg12[%get3A_1108, %get3A_1109] {strides = array<i32>} : memref<128x64xf32, #tpu.memory_space<vmem>>, vector<16xf32>,
        %mul3A_1111 = arith.mulf %get3A_1110, %gather3A_1105 : vector<16xf32>
        %add3A_1112 = arith.constant 0 : i32
        %add3A_1113 = arith.addi %multiple_of3A_1087, %add3A_1112 : i32
        %swap3A_1114 = arith.index_cast %add3A_1113 : i32 to index
        %swap3A_1115 = arith.constant 0 : index
        %swap3A_1116 = tpu.vector_load %arg14[%swap3A_1114, %swap3A_1115] {strides = array<i32>} : memref<128x64xf32, #tpu.memory_space<vmem>>, vector<16xf32>,
        tpu.vector_store %arg14[%swap3A_1114, %swap3A_1115], %mul3A_1111 {strides = array<i32>} : memref<128x64xf32, #tpu.memory_space<vmem>>, vector<16xf32>,
        %add3A_1117 = arith.constant 0 : i32
        %add3A_1118 = arith.addi %multiple_of3A_1087, %add3A_1117 : i32
        %get3A_1119 = arith.index_cast %add3A_1118 : i32 to index
        %get3A_1120 = arith.constant 16 : index
        %get3A_1121 = tpu.vector_load %arg12[%get3A_1119, %get3A_1120] {strides = array<i32>} : memref<128x64xf32, #tpu.memory_space<vmem>>, vector<16xf32>,
        %mul3A_1122 = arith.mulf %get3A_1121, %gather3A_1105 : vector<16xf32>
        %add3A_1123 = arith.constant 0 : i32
        %add3A_1124 = arith.addi %multiple_of3A_1087, %add3A_1123 : i32
        %swap3A_1125 = arith.index_cast %add3A_1124 : i32 to index
        %swap3A_1126 = arith.constant 16 : index
        %swap3A_1127 = tpu.vector_load %arg14[%swap3A_1125, %swap3A_1126] {strides = array<i32>} : memref<128x64xf32, #tpu.memory_space<vmem>>, vector<16xf32>,
        tpu.vector_store %arg14[%swap3A_1125, %swap3A_1126], %mul3A_1122 {strides = array<i32>} : memref<128x64xf32, #tpu.memory_space<vmem>>, vector<16xf32>,
        %add3A_1128 = arith.constant 0 : i32
        %add3A_1129 = arith.addi %multiple_of3A_1087, %add3A_1128 : i32
        %get3A_1130 = arith.index_cast %add3A_1129 : i32 to index
        %get3A_1131 = arith.constant 32 : index
        %get3A_1132 = tpu.vector_load %arg12[%get3A_1130, %get3A_1131] {strides = array<i32>} : memref<128x64xf32, #tpu.memory_space<vmem>>, vector<16xf32>,
        %mul3A_1133 = arith.mulf %get3A_1132, %gather3A_1105 : vector<16xf32>
        %add3A_1134 = arith.constant 0 : i32
        %add3A_1135 = arith.addi %multiple_of3A_1087, %add3A_1134 : i32
        %swap3A_1136 = arith.index_cast %add3A_1135 : i32 to index
        %swap3A_1137 = arith.constant 32 : index
        %swap3A_1138 = tpu.vector_load %arg14[%swap3A_1136, %swap3A_1137] {strides = array<i32>} : memref<128x64xf32, #tpu.memory_space<vmem>>, vector<16xf32>,
        tpu.vector_store %arg14[%swap3A_1136, %swap3A_1137], %mul3A_1133 {strides = array<i32>} : memref<128x64xf32, #tpu.memory_space<vmem>>, vector<16xf32>,
        %add3A_1139 = arith.constant 0 : i32
        %add3A_1140 = arith.addi %multiple_of3A_1087, %add3A_1139 : i32
        %get3A_1141 = arith.index_cast %add3A_1140 : i32 to index
        %get3A_1142 = arith.constant 48 : index
        %get3A_1143 = tpu.vector_load %arg12[%get3A_1141, %get3A_1142] {strides = array<i32>} : memref<128x64xf32, #tpu.memory_space<vmem>>, vector<16xf32>,
        %mul3A_1144 = arith.mulf %get3A_1143, %gather3A_1105 : vector<16xf32>
        %add3A_1145 = arith.constant 0 : i32
        %add3A_1146 = arith.addi %multiple_of3A_1087, %add3A_1145 : i32
        %swap3A_1147 = arith.index_cast %add3A_1146 : i32 to index
        %swap3A_1148 = arith.constant 48 : index
        %swap3A_1149 = tpu.vector_load %arg14[%swap3A_1147, %swap3A_1148] {strides = array<i32>} : memref<128x64xf32, #tpu.memory_space<vmem>>, vector<16xf32>,
        tpu.vector_store %arg14[%swap3A_1147, %swap3A_1148], %mul3A_1144 {strides = array<i32>} : memref<128x64xf32, #tpu.memory_space<vmem>>, vector<16xf32>,
        %broadcast_in_dim3A_1150 = arith.constant 1 : i32
        %broadcast_in_dim3A_1151 = vector.broadcast %broadcast_in_dim3A_1150 : i32 to vector<16xi32>
        %lt3A_1152 = arith.constant 0 : i32
        %lt3A_1153 = vector.broadcast %lt3A_1152 : i32 to vector<16xi32>
        %lt3A_1154 = arith.cmpi slt, %broadcast_in_dim3A_1151, %lt3A_1153 : vector<16xi32>
        %add3A_1155 = arith.constant 16 : i32
        %add3A_1156 = vector.broadcast %add3A_1155 : i32 to vector<16xi32>
        %add3A_1157 = arith.addi %broadcast_in_dim3A_1151, %add3A_1156 : vector<16xi32>
        %select_n3A_1158 = arith.select %lt3A_1154, %add3A_1157, %broadcast_in_dim3A_1151 : vector<16xi1>, vector<16xi32>
        %broadcast_in_dim3A_1159 = vector.shape_cast %select_n3A_1158 : vector<16xi32> to vector<16x1xi32>
        %gather3A_1160 = vector.shape_cast %broadcast_in_dim3A_1159 : vector<16x1xi32> to vector<16xi32>
        %gather3A_1161 = tpu.dynamic_gather %get3A_1093[%gather3A_1160] in [0] : vector<16xf32>, vector<16xi32> -> vector<16xf32>
        %add3A_1162 = arith.constant 1 : i32
        %add3A_1163 = arith.addi %multiple_of3A_1087, %add3A_1162 : i32
        %get3A_1164 = arith.index_cast %add3A_1163 : i32 to index
        %get3A_1165 = arith.constant 0 : index
        %get3A_1166 = tpu.vector_load %arg12[%get3A_1164, %get3A_1165] {strides = array<i32>} : memref<128x64xf32, #tpu.memory_space<vmem>>, vector<16xf32>,
        %mul3A_1167 = arith.mulf %get3A_1166, %gather3A_1161 : vector<16xf32>
        %add3A_1168 = arith.constant 1 : i32
        %add3A_1169 = arith.addi %multiple_of3A_1087, %add3A_1168 : i32
        %swap3A_1170 = arith.index_cast %add3A_1169 : i32 to index
        %swap3A_1171 = arith.constant 0 : index
        %swap3A_1172 = tpu.vector_load %arg14[%swap3A_1170, %swap3A_1171] {strides = array<i32>} : memref<128x64xf32, #tpu.memory_space<vmem>>, vector<16xf32>,
        tpu.vector_store %arg14[%swap3A_1170, %swap3A_1171], %mul3A_1167 {strides = array<i32>} : memref<128x64xf32, #tpu.memory_space<vmem>>, vector<16xf32>,
        %add3A_1173 = arith.constant 1 : i32
        %add3A_1174 = arith.addi %multiple_of3A_1087, %add3A_1173 : i32
        %get3A_1175 = arith.index_cast %add3A_1174 : i32 to index
        %get3A_1176 = arith.constant 16 : index
        %get3A_1177 = tpu.vector_load %arg12[%get3A_1175, %get3A_1176] {strides = array<i32>} : memref<128x64xf32, #tpu.memory_space<vmem>>, vector<16xf32>,
        %mul3A_1178 = arith.mulf %get3A_1177, %gather3A_1161 : vector<16xf32>
        %add3A_1179 = arith.constant 1 : i32
        %add3A_1180 = arith.addi %multiple_of3A_1087, %add3A_1179 : i32
        %swap3A_1181 = arith.index_cast %add3A_1180 : i32 to index
        %swap3A_1182 = arith.constant 16 : index
        %swap3A_1183 = tpu.vector_load %arg14[%swap3A_1181, %swap3A_1182] {strides = array<i32>} : memref<128x64xf32, #tpu.memory_space<vmem>>, vector<16xf32>,
        tpu.vector_store %arg14[%swap3A_1181, %swap3A_1182], %mul3A_1178 {strides = array<i32>} : memref<128x64xf32, #tpu.memory_space<vmem>>, vector<16xf32>,
        %add3A_1184 = arith.constant 1 : i32
        %add3A_1185 = arith.addi %multiple_of3A_1087, %add3A_1184 : i32
        %get3A_1186 = arith.index_cast %add3A_1185 : i32 to index
        %get3A_1187 = arith.constant 32 : index
        %get3A_1188 = tpu.vector_load %arg12[%get3A_1186, %get3A_1187] {strides = array<i32>} : memref<128x64xf32, #tpu.memory_space<vmem>>, vector<16xf32>,
        %mul3A_1189 = arith.mulf %get3A_1188, %gather3A_1161 : vector<16xf32>
        %add3A_1190 = arith.constant 1 : i32
        %add3A_1191 = arith.addi %multiple_of3A_1087, %add3A_1190 : i32
        %swap3A_1192 = arith.index_cast %add3A_1191 : i32 to index
        %swap3A_1193 = arith.constant 32 : index
        %swap3A_1194 = tpu.vector_load %arg14[%swap3A_1192, %swap3A_1193] {strides = array<i32>} : memref<128x64xf32, #tpu.memory_space<vmem>>, vector<16xf32>,
        tpu.vector_store %arg14[%swap3A_1192, %swap3A_1193], %mul3A_1189 {strides = array<i32>} : memref<128x64xf32, #tpu.memory_space<vmem>>, vector<16xf32>,
        %add3A_1195 = arith.constant 1 : i32
        %add3A_1196 = arith.addi %multiple_of3A_1087, %add3A_1195 : i32
        %get3A_1197 = arith.index_cast %add3A_1196 : i32 to index
        %get3A_1198 = arith.constant 48 : index
        %get3A_1199 = tpu.vector_load %arg12[%get3A_1197, %get3A_1198] {strides = array<i32>} : memref<128x64xf32, #tpu.memory_space<vmem>>, vector<16xf32>,
        %mul3A_1200 = arith.mulf %get3A_1199, %gather3A_1161 : vector<16xf32>
        %add3A_1201 = arith.constant 1 : i32
        %add3A_1202 = arith.addi %multiple_of3A_1087, %add3A_1201 : i32
        %swap3A_1203 = arith.index_cast %add3A_1202 : i32 to index
        %swap3A_1204 = arith.constant 48 : index
        %swap3A_1205 = tpu.vector_load %arg14[%swap3A_1203, %swap3A_1204] {strides = array<i32>} : memref<128x64xf32, #tpu.memory_space<vmem>>, vector<16xf32>,
        tpu.vector_store %arg14[%swap3A_1203, %swap3A_1204], %mul3A_1200 {strides = array<i32>} : memref<128x64xf32, #tpu.memory_space<vmem>>, vector<16xf32>,
        %broadcast_in_dim3A_1206 = arith.constant 2 : i32
        %broadcast_in_dim3A_1207 = vector.broadcast %broadcast_in_dim3A_1206 : i32 to vector<16xi32>
        %lt3A_1208 = arith.constant 0 : i32
        %lt3A_1209 = vector.broadcast %lt3A_1208 : i32 to vector<16xi32>
        %lt3A_1210 = arith.cmpi slt, %broadcast_in_dim3A_1207, %lt3A_1209 : vector<16xi32>
        %add3A_1211 = arith.constant 16 : i32
        %add3A_1212 = vector.broadcast %add3A_1211 : i32 to vector<16xi32>
        %add3A_1213 = arith.addi %broadcast_in_dim3A_1207, %add3A_1212 : vector<16xi32>
        %select_n3A_1214 = arith.select %lt3A_1210, %add3A_1213, %broadcast_in_dim3A_1207 : vector<16xi1>, vector<16xi32>
        %broadcast_in_dim3A_1215 = vector.shape_cast %select_n3A_1214 : vector<16xi32> to vector<16x1xi32>
        %gather3A_1216 = vector.shape_cast %broadcast_in_dim3A_1215 : vector<16x1xi32> to vector<16xi32>
        %gather3A_1217 = tpu.dynamic_gather %get3A_1093[%gather3A_1216] in [0] : vector<16xf32>, vector<16xi32> -> vector<16xf32>
        %add3A_1218 = arith.constant 2 : i32
        %add3A_1219 = arith.addi %multiple_of3A_1087, %add3A_1218 : i32
        %get3A_1220 = arith.index_cast %add3A_1219 : i32 to index
        %get3A_1221 = arith.constant 0 : index
        %get3A_1222 = tpu.vector_load %arg12[%get3A_1220, %get3A_1221] {strides = array<i32>} : memref<128x64xf32, #tpu.memory_space<vmem>>, vector<16xf32>,
        %mul3A_1223 = arith.mulf %get3A_1222, %gather3A_1217 : vector<16xf32>
        %add3A_1224 = arith.constant 2 : i32
        %add3A_1225 = arith.addi %multiple_of3A_1087, %add3A_1224 : i32
        %swap3A_1226 = arith.index_cast %add3A_1225 : i32 to index
        %swap3A_1227 = arith.constant 0 : index
        %swap3A_1228 = tpu.vector_load %arg14[%swap3A_1226, %swap3A_1227] {strides = array<i32>} : memref<128x64xf32, #tpu.memory_space<vmem>>, vector<16xf32>,
        tpu.vector_store %arg14[%swap3A_1226, %swap3A_1227], %mul3A_1223 {strides = array<i32>} : memref<128x64xf32, #tpu.memory_space<vmem>>, vector<16xf32>,
        %add3A_1229 = arith.constant 2 : i32
        %add3A_1230 = arith.addi %multiple_of3A_1087, %add3A_1229 : i32
        %get3A_1231 = arith.index_cast %add3A_1230 : i32 to index
        %get3A_1232 = arith.constant 16 : index
        %get3A_1233 = tpu.vector_load %arg12[%get3A_1231, %get3A_1232] {strides = array<i32>} : memref<128x64xf32, #tpu.memory_space<vmem>>, vector<16xf32>,
        %mul3A_1234 = arith.mulf %get3A_1233, %gather3A_1217 : vector<16xf32>
        %add3A_1235 = arith.constant 2 : i32
        %add3A_1236 = arith.addi %multiple_of3A_1087, %add3A_1235 : i32
        %swap3A_1237 = arith.index_cast %add3A_1236 : i32 to index
        %swap3A_1238 = arith.constant 16 : index
        %swap3A_1239 = tpu.vector_load %arg14[%swap3A_1237, %swap3A_1238] {strides = array<i32>} : memref<128x64xf32, #tpu.memory_space<vmem>>, vector<16xf32>,
        tpu.vector_store %arg14[%swap3A_1237, %swap3A_1238], %mul3A_1234 {strides = array<i32>} : memref<128x64xf32, #tpu.memory_space<vmem>>, vector<16xf32>,
        %add3A_1240 = arith.constant 2 : i32
        %add3A_1241 = arith.addi %multiple_of3A_1087, %add3A_1240 : i32
        %get3A_1242 = arith.index_cast %add3A_1241 : i32 to index
        %get3A_1243 = arith.constant 32 : index
        %get3A_1244 = tpu.vector_load %arg12[%get3A_1242, %get3A_1243] {strides = array<i32>} : memref<128x64xf32, #tpu.memory_space<vmem>>, vector<16xf32>,
        %mul3A_1245 = arith.mulf %get3A_1244, %gather3A_1217 : vector<16xf32>
        %add3A_1246 = arith.constant 2 : i32
        %add3A_1247 = arith.addi %multiple_of3A_1087, %add3A_1246 : i32
        %swap3A_1248 = arith.index_cast %add3A_1247 : i32 to index
        %swap3A_1249 = arith.constant 32 : index
        %swap3A_1250 = tpu.vector_load %arg14[%swap3A_1248, %swap3A_1249] {strides = array<i32>} : memref<128x64xf32, #tpu.memory_space<vmem>>, vector<16xf32>,
        tpu.vector_store %arg14[%swap3A_1248, %swap3A_1249], %mul3A_1245 {strides = array<i32>} : memref<128x64xf32, #tpu.memory_space<vmem>>, vector<16xf32>,
        %add3A_1251 = arith.constant 2 : i32
        %add3A_1252 = arith.addi %multiple_of3A_1087, %add3A_1251 : i32
        %get3A_1253 = arith.index_cast %add3A_1252 : i32 to index
        %get3A_1254 = arith.constant 48 : index
        %get3A_1255 = tpu.vector_load %arg12[%get3A_1253, %get3A_1254] {strides = array<i32>} : memref<128x64xf32, #tpu.memory_space<vmem>>, vector<16xf32>,
        %mul3A_1256 = arith.mulf %get3A_1255, %gather3A_1217 : vector<16xf32>
        %add3A_1257 = arith.constant 2 : i32
        %add3A_1258 = arith.addi %multiple_of3A_1087, %add3A_1257 : i32
        %swap3A_1259 = arith.index_cast %add3A_1258 : i32 to index
        %swap3A_1260 = arith.constant 48 : index
        %swap3A_1261 = tpu.vector_load %arg14[%swap3A_1259, %swap3A_1260] {strides = array<i32>} : memref<128x64xf32, #tpu.memory_space<vmem>>, vector<16xf32>,
        tpu.vector_store %arg14[%swap3A_1259, %swap3A_1260], %mul3A_1256 {strides = array<i32>} : memref<128x64xf32, #tpu.memory_space<vmem>>, vector<16xf32>,
        %broadcast_in_dim3A_1262 = arith.constant 3 : i32
        %broadcast_in_dim3A_1263 = vector.broadcast %broadcast_in_dim3A_1262 : i32 to vector<16xi32>
        %lt3A_1264 = arith.constant 0 : i32
        %lt3A_1265 = vector.broadcast %lt3A_1264 : i32 to vector<16xi32>
        %lt3A_1266 = arith.cmpi slt, %broadcast_in_dim3A_1263, %lt3A_1265 : vector<16xi32>
        %add3A_1267 = arith.constant 16 : i32
        %add3A_1268 = vector.broadcast %add3A_1267 : i32 to vector<16xi32>
        %add3A_1269 = arith.addi %broadcast_in_dim3A_1263, %add3A_1268 : vector<16xi32>
        %select_n3A_1270 = arith.select %lt3A_1266, %add3A_1269, %broadcast_in_dim3A_1263 : vector<16xi1>, vector<16xi32>
        %broadcast_in_dim3A_1271 = vector.shape_cast %select_n3A_1270 : vector<16xi32> to vector<16x1xi32>
        %gather3A_1272 = vector.shape_cast %broadcast_in_dim3A_1271 : vector<16x1xi32> to vector<16xi32>
        %gather3A_1273 = tpu.dynamic_gather %get3A_1093[%gather3A_1272] in [0] : vector<16xf32>, vector<16xi32> -> vector<16xf32>
        %add3A_1274 = arith.constant 3 : i32
        %add3A_1275 = arith.addi %multiple_of3A_1087, %add3A_1274 : i32
        %get3A_1276 = arith.index_cast %add3A_1275 : i32 to index
        %get3A_1277 = arith.constant 0 : index
        %get3A_1278 = tpu.vector_load %arg12[%get3A_1276, %get3A_1277] {strides = array<i32>} : memref<128x64xf32, #tpu.memory_space<vmem>>, vector<16xf32>,
        %mul3A_1279 = arith.mulf %get3A_1278, %gather3A_1273 : vector<16xf32>
        %add3A_1280 = arith.constant 3 : i32
        %add3A_1281 = arith.addi %multiple_of3A_1087, %add3A_1280 : i32
        %swap3A_1282 = arith.index_cast %add3A_1281 : i32 to index
        %swap3A_1283 = arith.constant 0 : index
        %swap3A_1284 = tpu.vector_load %arg14[%swap3A_1282, %swap3A_1283] {strides = array<i32>} : memref<128x64xf32, #tpu.memory_space<vmem>>, vector<16xf32>,
        tpu.vector_store %arg14[%swap3A_1282, %swap3A_1283], %mul3A_1279 {strides = array<i32>} : memref<128x64xf32, #tpu.memory_space<vmem>>, vector<16xf32>,
        %add3A_1285 = arith.constant 3 : i32
        %add3A_1286 = arith.addi %multiple_of3A_1087, %add3A_1285 : i32
        %get3A_1287 = arith.index_cast %add3A_1286 : i32 to index
        %get3A_1288 = arith.constant 16 : index
        %get3A_1289 = tpu.vector_load %arg12[%get3A_1287, %get3A_1288] {strides = array<i32>} : memref<128x64xf32, #tpu.memory_space<vmem>>, vector<16xf32>,
        %mul3A_1290 = arith.mulf %get3A_1289, %gather3A_1273 : vector<16xf32>
        %add3A_1291 = arith.constant 3 : i32
        %add3A_1292 = arith.addi %multiple_of3A_1087, %add3A_1291 : i32
        %swap3A_1293 = arith.index_cast %add3A_1292 : i32 to index
        %swap3A_1294 = arith.constant 16 : index
        %swap3A_1295 = tpu.vector_load %arg14[%swap3A_1293, %swap3A_1294] {strides = array<i32>} : memref<128x64xf32, #tpu.memory_space<vmem>>, vector<16xf32>,
        tpu.vector_store %arg14[%swap3A_1293, %swap3A_1294], %mul3A_1290 {strides = array<i32>} : memref<128x64xf32, #tpu.memory_space<vmem>>, vector<16xf32>,
        %add3A_1296 = arith.constant 3 : i32
        %add3A_1297 = arith.addi %multiple_of3A_1087, %add3A_1296 : i32
        %get3A_1298 = arith.index_cast %add3A_1297 : i32 to index
        %get3A_1299 = arith.constant 32 : index
        %get3A_1300 = tpu.vector_load %arg12[%get3A_1298, %get3A_1299] {strides = array<i32>} : memref<128x64xf32, #tpu.memory_space<vmem>>, vector<16xf32>,
        %mul3A_1301 = arith.mulf %get3A_1300, %gather3A_1273 : vector<16xf32>
        %add3A_1302 = arith.constant 3 : i32
        %add3A_1303 = arith.addi %multiple_of3A_1087, %add3A_1302 : i32
        %swap3A_1304 = arith.index_cast %add3A_1303 : i32 to index
        %swap3A_1305 = arith.constant 32 : index
        %swap3A_1306 = tpu.vector_load %arg14[%swap3A_1304, %swap3A_1305] {strides = array<i32>} : memref<128x64xf32, #tpu.memory_space<vmem>>, vector<16xf32>,
        tpu.vector_store %arg14[%swap3A_1304, %swap3A_1305], %mul3A_1301 {strides = array<i32>} : memref<128x64xf32, #tpu.memory_space<vmem>>, vector<16xf32>,
        %add3A_1307 = arith.constant 3 : i32
        %add3A_1308 = arith.addi %multiple_of3A_1087, %add3A_1307 : i32
        %get3A_1309 = arith.index_cast %add3A_1308 : i32 to index
        %get3A_1310 = arith.constant 48 : index
        %get3A_1311 = tpu.vector_load %arg12[%get3A_1309, %get3A_1310] {strides = array<i32>} : memref<128x64xf32, #tpu.memory_space<vmem>>, vector<16xf32>,
        %mul3A_1312 = arith.mulf %get3A_1311, %gather3A_1273 : vector<16xf32>
        %add3A_1313 = arith.constant 3 : i32
        %add3A_1314 = arith.addi %multiple_of3A_1087, %add3A_1313 : i32
        %swap3A_1315 = arith.index_cast %add3A_1314 : i32 to index
        %swap3A_1316 = arith.constant 48 : index
        %swap3A_1317 = tpu.vector_load %arg14[%swap3A_1315, %swap3A_1316] {strides = array<i32>} : memref<128x64xf32, #tpu.memory_space<vmem>>, vector<16xf32>,
        tpu.vector_store %arg14[%swap3A_1315, %swap3A_1316], %mul3A_1312 {strides = array<i32>} : memref<128x64xf32, #tpu.memory_space<vmem>>, vector<16xf32>,
        %broadcast_in_dim3A_1318 = arith.constant 4 : i32
        %broadcast_in_dim3A_1319 = vector.broadcast %broadcast_in_dim3A_1318 : i32 to vector<16xi32>
        %lt3A_1320 = arith.constant 0 : i32
        %lt3A_1321 = vector.broadcast %lt3A_1320 : i32 to vector<16xi32>
        %lt3A_1322 = arith.cmpi slt, %broadcast_in_dim3A_1319, %lt3A_1321 : vector<16xi32>
        %add3A_1323 = arith.constant 16 : i32
        %add3A_1324 = vector.broadcast %add3A_1323 : i32 to vector<16xi32>
        %add3A_1325 = arith.addi %broadcast_in_dim3A_1319, %add3A_1324 : vector<16xi32>
        %select_n3A_1326 = arith.select %lt3A_1322, %add3A_1325, %broadcast_in_dim3A_1319 : vector<16xi1>, vector<16xi32>
        %broadcast_in_dim3A_1327 = vector.shape_cast %select_n3A_1326 : vector<16xi32> to vector<16x1xi32>
        %gather3A_1328 = vector.shape_cast %broadcast_in_dim3A_1327 : vector<16x1xi32> to vector<16xi32>
        %gather3A_1329 = tpu.dynamic_gather %get3A_1093[%gather3A_1328] in [0] : vector<16xf32>, vector<16xi32> -> vector<16xf32>
        %add3A_1330 = arith.constant 4 : i32
        %add3A_1331 = arith.addi %multiple_of3A_1087, %add3A_1330 : i32
        %get3A_1332 = arith.index_cast %add3A_1331 : i32 to index
        %get3A_1333 = arith.constant 0 : index
        %get3A_1334 = tpu.vector_load %arg12[%get3A_1332, %get3A_1333] {strides = array<i32>} : memref<128x64xf32, #tpu.memory_space<vmem>>, vector<16xf32>,
        %mul3A_1335 = arith.mulf %get3A_1334, %gather3A_1329 : vector<16xf32>
        %add3A_1336 = arith.constant 4 : i32
        %add3A_1337 = arith.addi %multiple_of3A_1087, %add3A_1336 : i32
        %swap3A_1338 = arith.index_cast %add3A_1337 : i32 to index
        %swap3A_1339 = arith.constant 0 : index
        %swap3A_1340 = tpu.vector_load %arg14[%swap3A_1338, %swap3A_1339] {strides = array<i32>} : memref<128x64xf32, #tpu.memory_space<vmem>>, vector<16xf32>,
        tpu.vector_store %arg14[%swap3A_1338, %swap3A_1339], %mul3A_1335 {strides = array<i32>} : memref<128x64xf32, #tpu.memory_space<vmem>>, vector<16xf32>,
        %add3A_1341 = arith.constant 4 : i32
        %add3A_1342 = arith.addi %multiple_of3A_1087, %add3A_1341 : i32
        %get3A_1343 = arith.index_cast %add3A_1342 : i32 to index
        %get3A_1344 = arith.constant 16 : index
        %get3A_1345 = tpu.vector_load %arg12[%get3A_1343, %get3A_1344] {strides = array<i32>} : memref<128x64xf32, #tpu.memory_space<vmem>>, vector<16xf32>,
        %mul3A_1346 = arith.mulf %get3A_1345, %gather3A_1329 : vector<16xf32>
        %add3A_1347 = arith.constant 4 : i32
        %add3A_1348 = arith.addi %multiple_of3A_1087, %add3A_1347 : i32
        %swap3A_1349 = arith.index_cast %add3A_1348 : i32 to index
        %swap3A_1350 = arith.constant 16 : index
        %swap3A_1351 = tpu.vector_load %arg14[%swap3A_1349, %swap3A_1350] {strides = array<i32>} : memref<128x64xf32, #tpu.memory_space<vmem>>, vector<16xf32>,
        tpu.vector_store %arg14[%swap3A_1349, %swap3A_1350], %mul3A_1346 {strides = array<i32>} : memref<128x64xf32, #tpu.memory_space<vmem>>, vector<16xf32>,
        %add3A_1352 = arith.constant 4 : i32
        %add3A_1353 = arith.addi %multiple_of3A_1087, %add3A_1352 : i32
        %get3A_1354 = arith.index_cast %add3A_1353 : i32 to index
        %get3A_1355 = arith.constant 32 : index
        %get3A_1356 = tpu.vector_load %arg12[%get3A_1354, %get3A_1355] {strides = array<i32>} : memref<128x64xf32, #tpu.memory_space<vmem>>, vector<16xf32>,
        %mul3A_1357 = arith.mulf %get3A_1356, %gather3A_1329 : vector<16xf32>
        %add3A_1358 = arith.constant 4 : i32
        %add3A_1359 = arith.addi %multiple_of3A_1087, %add3A_1358 : i32
        %swap3A_1360 = arith.index_cast %add3A_1359 : i32 to index
        %swap3A_1361 = arith.constant 32 : index
        %swap3A_1362 = tpu.vector_load %arg14[%swap3A_1360, %swap3A_1361] {strides = array<i32>} : memref<128x64xf32, #tpu.memory_space<vmem>>, vector<16xf32>,
        tpu.vector_store %arg14[%swap3A_1360, %swap3A_1361], %mul3A_1357 {strides = array<i32>} : memref<128x64xf32, #tpu.memory_space<vmem>>, vector<16xf32>,
        %add3A_1363 = arith.constant 4 : i32
        %add3A_1364 = arith.addi %multiple_of3A_1087, %add3A_1363 : i32
        %get3A_1365 = arith.index_cast %add3A_1364 : i32 to index
        %get3A_1366 = arith.constant 48 : index
        %get3A_1367 = tpu.vector_load %arg12[%get3A_1365, %get3A_1366] {strides = array<i32>} : memref<128x64xf32, #tpu.memory_space<vmem>>, vector<16xf32>,
        %mul3A_1368 = arith.mulf %get3A_1367, %gather3A_1329 : vector<16xf32>
        %add3A_1369 = arith.constant 4 : i32
        %add3A_1370 = arith.addi %multiple_of3A_1087, %add3A_1369 : i32
        %swap3A_1371 = arith.index_cast %add3A_1370 : i32 to index
        %swap3A_1372 = arith.constant 48 : index
        %swap3A_1373 = tpu.vector_load %arg14[%swap3A_1371, %swap3A_1372] {strides = array<i32>} : memref<128x64xf32, #tpu.memory_space<vmem>>, vector<16xf32>,
        tpu.vector_store %arg14[%swap3A_1371, %swap3A_1372], %mul3A_1368 {strides = array<i32>} : memref<128x64xf32, #tpu.memory_space<vmem>>, vector<16xf32>,
        %broadcast_in_dim3A_1374 = arith.constant 5 : i32
        %broadcast_in_dim3A_1375 = vector.broadcast %broadcast_in_dim3A_1374 : i32 to vector<16xi32>
        %lt3A_1376 = arith.constant 0 : i32
        %lt3A_1377 = vector.broadcast %lt3A_1376 : i32 to vector<16xi32>
        %lt3A_1378 = arith.cmpi slt, %broadcast_in_dim3A_1375, %lt3A_1377 : vector<16xi32>
        %add3A_1379 = arith.constant 16 : i32
        %add3A_1380 = vector.broadcast %add3A_1379 : i32 to vector<16xi32>
        %add3A_1381 = arith.addi %broadcast_in_dim3A_1375, %add3A_1380 : vector<16xi32>
        %select_n3A_1382 = arith.select %lt3A_1378, %add3A_1381, %broadcast_in_dim3A_1375 : vector<16xi1>, vector<16xi32>
        %broadcast_in_dim3A_1383 = vector.shape_cast %select_n3A_1382 : vector<16xi32> to vector<16x1xi32>
        %gather3A_1384 = vector.shape_cast %broadcast_in_dim3A_1383 : vector<16x1xi32> to vector<16xi32>
        %gather3A_1385 = tpu.dynamic_gather %get3A_1093[%gather3A_1384] in [0] : vector<16xf32>, vector<16xi32> -> vector<16xf32>
        %add3A_1386 = arith.constant 5 : i32
        %add3A_1387 = arith.addi %multiple_of3A_1087, %add3A_1386 : i32
        %get3A_1388 = arith.index_cast %add3A_1387 : i32 to index
        %get3A_1389 = arith.constant 0 : index
        %get3A_1390 = tpu.vector_load %arg12[%get3A_1388, %get3A_1389] {strides = array<i32>} : memref<128x64xf32, #tpu.memory_space<vmem>>, vector<16xf32>,
        %mul3A_1391 = arith.mulf %get3A_1390, %gather3A_1385 : vector<16xf32>
        %add3A_1392 = arith.constant 5 : i32
        %add3A_1393 = arith.addi %multiple_of3A_1087, %add3A_1392 : i32
        %swap3A_1394 = arith.index_cast %add3A_1393 : i32 to index
        %swap3A_1395 = arith.constant 0 : index
        %swap3A_1396 = tpu.vector_load %arg14[%swap3A_1394, %swap3A_1395] {strides = array<i32>} : memref<128x64xf32, #tpu.memory_space<vmem>>, vector<16xf32>,
        tpu.vector_store %arg14[%swap3A_1394, %swap3A_1395], %mul3A_1391 {strides = array<i32>} : memref<128x64xf32, #tpu.memory_space<vmem>>, vector<16xf32>,
        %add3A_1397 = arith.constant 5 : i32
        %add3A_1398 = arith.addi %multiple_of3A_1087, %add3A_1397 : i32
        %get3A_1399 = arith.index_cast %add3A_1398 : i32 to index
        %get3A_1400 = arith.constant 16 : index
        %get3A_1401 = tpu.vector_load %arg12[%get3A_1399, %get3A_1400] {strides = array<i32>} : memref<128x64xf32, #tpu.memory_space<vmem>>, vector<16xf32>,
        %mul3A_1402 = arith.mulf %get3A_1401, %gather3A_1385 : vector<16xf32>
        %add3A_1403 = arith.constant 5 : i32
        %add3A_1404 = arith.addi %multiple_of3A_1087, %add3A_1403 : i32
        %swap3A_1405 = arith.index_cast %add3A_1404 : i32 to index
        %swap3A_1406 = arith.constant 16 : index
        %swap3A_1407 = tpu.vector_load %arg14[%swap3A_1405, %swap3A_1406] {strides = array<i32>} : memref<128x64xf32, #tpu.memory_space<vmem>>, vector<16xf32>,
        tpu.vector_store %arg14[%swap3A_1405, %swap3A_1406], %mul3A_1402 {strides = array<i32>} : memref<128x64xf32, #tpu.memory_space<vmem>>, vector<16xf32>,
        %add3A_1408 = arith.constant 5 : i32
        %add3A_1409 = arith.addi %multiple_of3A_1087, %add3A_1408 : i32
        %get3A_1410 = arith.index_cast %add3A_1409 : i32 to index
        %get3A_1411 = arith.constant 32 : index
        %get3A_1412 = tpu.vector_load %arg12[%get3A_1410, %get3A_1411] {strides = array<i32>} : memref<128x64xf32, #tpu.memory_space<vmem>>, vector<16xf32>,
        %mul3A_1413 = arith.mulf %get3A_1412, %gather3A_1385 : vector<16xf32>
        %add3A_1414 = arith.constant 5 : i32
        %add3A_1415 = arith.addi %multiple_of3A_1087, %add3A_1414 : i32
        %swap3A_1416 = arith.index_cast %add3A_1415 : i32 to index
        %swap3A_1417 = arith.constant 32 : index
        %swap3A_1418 = tpu.vector_load %arg14[%swap3A_1416, %swap3A_1417] {strides = array<i32>} : memref<128x64xf32, #tpu.memory_space<vmem>>, vector<16xf32>,
        tpu.vector_store %arg14[%swap3A_1416, %swap3A_1417], %mul3A_1413 {strides = array<i32>} : memref<128x64xf32, #tpu.memory_space<vmem>>, vector<16xf32>,
        %add3A_1419 = arith.constant 5 : i32
        %add3A_1420 = arith.addi %multiple_of3A_1087, %add3A_1419 : i32
        %get3A_1421 = arith.index_cast %add3A_1420 : i32 to index
        %get3A_1422 = arith.constant 48 : index
        %get3A_1423 = tpu.vector_load %arg12[%get3A_1421, %get3A_1422] {strides = array<i32>} : memref<128x64xf32, #tpu.memory_space<vmem>>, vector<16xf32>,
        %mul3A_1424 = arith.mulf %get3A_1423, %gather3A_1385 : vector<16xf32>
        %add3A_1425 = arith.constant 5 : i32
        %add3A_1426 = arith.addi %multiple_of3A_1087, %add3A_1425 : i32
        %swap3A_1427 = arith.index_cast %add3A_1426 : i32 to index
        %swap3A_1428 = arith.constant 48 : index
        %swap3A_1429 = tpu.vector_load %arg14[%swap3A_1427, %swap3A_1428] {strides = array<i32>} : memref<128x64xf32, #tpu.memory_space<vmem>>, vector<16xf32>,
        tpu.vector_store %arg14[%swap3A_1427, %swap3A_1428], %mul3A_1424 {strides = array<i32>} : memref<128x64xf32, #tpu.memory_space<vmem>>, vector<16xf32>,
        %broadcast_in_dim3A_1430 = arith.constant 6 : i32
        %broadcast_in_dim3A_1431 = vector.broadcast %broadcast_in_dim3A_1430 : i32 to vector<16xi32>
        %lt3A_1432 = arith.constant 0 : i32
        %lt3A_1433 = vector.broadcast %lt3A_1432 : i32 to vector<16xi32>
        %lt3A_1434 = arith.cmpi slt, %broadcast_in_dim3A_1431, %lt3A_1433 : vector<16xi32>
        %add3A_1435 = arith.constant 16 : i32
        %add3A_1436 = vector.broadcast %add3A_1435 : i32 to vector<16xi32>
        %add3A_1437 = arith.addi %broadcast_in_dim3A_1431, %add3A_1436 : vector<16xi32>
        %select_n3A_1438 = arith.select %lt3A_1434, %add3A_1437, %broadcast_in_dim3A_1431 : vector<16xi1>, vector<16xi32>
        %broadcast_in_dim3A_1439 = vector.shape_cast %select_n3A_1438 : vector<16xi32> to vector<16x1xi32>
        %gather3A_1440 = vector.shape_cast %broadcast_in_dim3A_1439 : vector<16x1xi32> to vector<16xi32>
        %gather3A_1441 = tpu.dynamic_gather %get3A_1093[%gather3A_1440] in [0] : vector<16xf32>, vector<16xi32> -> vector<16xf32>
        %add3A_1442 = arith.constant 6 : i32
        %add3A_1443 = arith.addi %multiple_of3A_1087, %add3A_1442 : i32
        %get3A_1444 = arith.index_cast %add3A_1443 : i32 to index
        %get3A_1445 = arith.constant 0 : index
        %get3A_1446 = tpu.vector_load %arg12[%get3A_1444, %get3A_1445] {strides = array<i32>} : memref<128x64xf32, #tpu.memory_space<vmem>>, vector<16xf32>,
        %mul3A_1447 = arith.mulf %get3A_1446, %gather3A_1441 : vector<16xf32>
        %add3A_1448 = arith.constant 6 : i32
        %add3A_1449 = arith.addi %multiple_of3A_1087, %add3A_1448 : i32
        %swap3A_1450 = arith.index_cast %add3A_1449 : i32 to index
        %swap3A_1451 = arith.constant 0 : index
        %swap3A_1452 = tpu.vector_load %arg14[%swap3A_1450, %swap3A_1451] {strides = array<i32>} : memref<128x64xf32, #tpu.memory_space<vmem>>, vector<16xf32>,
        tpu.vector_store %arg14[%swap3A_1450, %swap3A_1451], %mul3A_1447 {strides = array<i32>} : memref<128x64xf32, #tpu.memory_space<vmem>>, vector<16xf32>,
        %add3A_1453 = arith.constant 6 : i32
        %add3A_1454 = arith.addi %multiple_of3A_1087, %add3A_1453 : i32
        %get3A_1455 = arith.index_cast %add3A_1454 : i32 to index
        %get3A_1456 = arith.constant 16 : index
        %get3A_1457 = tpu.vector_load %arg12[%get3A_1455, %get3A_1456] {strides = array<i32>} : memref<128x64xf32, #tpu.memory_space<vmem>>, vector<16xf32>,
        %mul3A_1458 = arith.mulf %get3A_1457, %gather3A_1441 : vector<16xf32>
        %add3A_1459 = arith.constant 6 : i32
        %add3A_1460 = arith.addi %multiple_of3A_1087, %add3A_1459 : i32
        %swap3A_1461 = arith.index_cast %add3A_1460 : i32 to index
        %swap3A_1462 = arith.constant 16 : index
        %swap3A_1463 = tpu.vector_load %arg14[%swap3A_1461, %swap3A_1462] {strides = array<i32>} : memref<128x64xf32, #tpu.memory_space<vmem>>, vector<16xf32>,
        tpu.vector_store %arg14[%swap3A_1461, %swap3A_1462], %mul3A_1458 {strides = array<i32>} : memref<128x64xf32, #tpu.memory_space<vmem>>, vector<16xf32>,
        %add3A_1464 = arith.constant 6 : i32
        %add3A_1465 = arith.addi %multiple_of3A_1087, %add3A_1464 : i32
        %get3A_1466 = arith.index_cast %add3A_1465 : i32 to index
        %get3A_1467 = arith.constant 32 : index
        %get3A_1468 = tpu.vector_load %arg12[%get3A_1466, %get3A_1467] {strides = array<i32>} : memref<128x64xf32, #tpu.memory_space<vmem>>, vector<16xf32>,
        %mul3A_1469 = arith.mulf %get3A_1468, %gather3A_1441 : vector<16xf32>
        %add3A_1470 = arith.constant 6 : i32
        %add3A_1471 = arith.addi %multiple_of3A_1087, %add3A_1470 : i32
        %swap3A_1472 = arith.index_cast %add3A_1471 : i32 to index
        %swap3A_1473 = arith.constant 32 : index
        %swap3A_1474 = tpu.vector_load %arg14[%swap3A_1472, %swap3A_1473] {strides = array<i32>} : memref<128x64xf32, #tpu.memory_space<vmem>>, vector<16xf32>,
        tpu.vector_store %arg14[%swap3A_1472, %swap3A_1473], %mul3A_1469 {strides = array<i32>} : memref<128x64xf32, #tpu.memory_space<vmem>>, vector<16xf32>,
        %add3A_1475 = arith.constant 6 : i32
        %add3A_1476 = arith.addi %multiple_of3A_1087, %add3A_1475 : i32
        %get3A_1477 = arith.index_cast %add3A_1476 : i32 to index
        %get3A_1478 = arith.constant 48 : index
        %get3A_1479 = tpu.vector_load %arg12[%get3A_1477, %get3A_1478] {strides = array<i32>} : memref<128x64xf32, #tpu.memory_space<vmem>>, vector<16xf32>,
        %mul3A_1480 = arith.mulf %get3A_1479, %gather3A_1441 : vector<16xf32>
        %add3A_1481 = arith.constant 6 : i32
        %add3A_1482 = arith.addi %multiple_of3A_1087, %add3A_1481 : i32
        %swap3A_1483 = arith.index_cast %add3A_1482 : i32 to index
        %swap3A_1484 = arith.constant 48 : index
        %swap3A_1485 = tpu.vector_load %arg14[%swap3A_1483, %swap3A_1484] {strides = array<i32>} : memref<128x64xf32, #tpu.memory_space<vmem>>, vector<16xf32>,
        tpu.vector_store %arg14[%swap3A_1483, %swap3A_1484], %mul3A_1480 {strides = array<i32>} : memref<128x64xf32, #tpu.memory_space<vmem>>, vector<16xf32>,
        %broadcast_in_dim3A_1486 = arith.constant 7 : i32
        %broadcast_in_dim3A_1487 = vector.broadcast %broadcast_in_dim3A_1486 : i32 to vector<16xi32>
        %lt3A_1488 = arith.constant 0 : i32
        %lt3A_1489 = vector.broadcast %lt3A_1488 : i32 to vector<16xi32>
        %lt3A_1490 = arith.cmpi slt, %broadcast_in_dim3A_1487, %lt3A_1489 : vector<16xi32>
        %add3A_1491 = arith.constant 16 : i32
        %add3A_1492 = vector.broadcast %add3A_1491 : i32 to vector<16xi32>
        %add3A_1493 = arith.addi %broadcast_in_dim3A_1487, %add3A_1492 : vector<16xi32>
        %select_n3A_1494 = arith.select %lt3A_1490, %add3A_1493, %broadcast_in_dim3A_1487 : vector<16xi1>, vector<16xi32>
        %broadcast_in_dim3A_1495 = vector.shape_cast %select_n3A_1494 : vector<16xi32> to vector<16x1xi32>
        %gather3A_1496 = vector.shape_cast %broadcast_in_dim3A_1495 : vector<16x1xi32> to vector<16xi32>
        %gather3A_1497 = tpu.dynamic_gather %get3A_1093[%gather3A_1496] in [0] : vector<16xf32>, vector<16xi32> -> vector<16xf32>
        %add3A_1498 = arith.constant 7 : i32
        %add3A_1499 = arith.addi %multiple_of3A_1087, %add3A_1498 : i32
        %get3A_1500 = arith.index_cast %add3A_1499 : i32 to index
        %get3A_1501 = arith.constant 0 : index
        %get3A_1502 = tpu.vector_load %arg12[%get3A_1500, %get3A_1501] {strides = array<i32>} : memref<128x64xf32, #tpu.memory_space<vmem>>, vector<16xf32>,
        %mul3A_1503 = arith.mulf %get3A_1502, %gather3A_1497 : vector<16xf32>
        %add3A_1504 = arith.constant 7 : i32
        %add3A_1505 = arith.addi %multiple_of3A_1087, %add3A_1504 : i32
        %swap3A_1506 = arith.index_cast %add3A_1505 : i32 to index
        %swap3A_1507 = arith.constant 0 : index
        %swap3A_1508 = tpu.vector_load %arg14[%swap3A_1506, %swap3A_1507] {strides = array<i32>} : memref<128x64xf32, #tpu.memory_space<vmem>>, vector<16xf32>,
        tpu.vector_store %arg14[%swap3A_1506, %swap3A_1507], %mul3A_1503 {strides = array<i32>} : memref<128x64xf32, #tpu.memory_space<vmem>>, vector<16xf32>,
        %add3A_1509 = arith.constant 7 : i32
        %add3A_1510 = arith.addi %multiple_of3A_1087, %add3A_1509 : i32
        %get3A_1511 = arith.index_cast %add3A_1510 : i32 to index
        %get3A_1512 = arith.constant 16 : index
        %get3A_1513 = tpu.vector_load %arg12[%get3A_1511, %get3A_1512] {strides = array<i32>} : memref<128x64xf32, #tpu.memory_space<vmem>>, vector<16xf32>,
        %mul3A_1514 = arith.mulf %get3A_1513, %gather3A_1497 : vector<16xf32>
        %add3A_1515 = arith.constant 7 : i32
        %add3A_1516 = arith.addi %multiple_of3A_1087, %add3A_1515 : i32
        %swap3A_1517 = arith.index_cast %add3A_1516 : i32 to index
        %swap3A_1518 = arith.constant 16 : index
        %swap3A_1519 = tpu.vector_load %arg14[%swap3A_1517, %swap3A_1518] {strides = array<i32>} : memref<128x64xf32, #tpu.memory_space<vmem>>, vector<16xf32>,
        tpu.vector_store %arg14[%swap3A_1517, %swap3A_1518], %mul3A_1514 {strides = array<i32>} : memref<128x64xf32, #tpu.memory_space<vmem>>, vector<16xf32>,
        %add3A_1520 = arith.constant 7 : i32
        %add3A_1521 = arith.addi %multiple_of3A_1087, %add3A_1520 : i32
        %get3A_1522 = arith.index_cast %add3A_1521 : i32 to index
        %get3A_1523 = arith.constant 32 : index
        %get3A_1524 = tpu.vector_load %arg12[%get3A_1522, %get3A_1523] {strides = array<i32>} : memref<128x64xf32, #tpu.memory_space<vmem>>, vector<16xf32>,
        %mul3A_1525 = arith.mulf %get3A_1524, %gather3A_1497 : vector<16xf32>
        %add3A_1526 = arith.constant 7 : i32
        %add3A_1527 = arith.addi %multiple_of3A_1087, %add3A_1526 : i32
        %swap3A_1528 = arith.index_cast %add3A_1527 : i32 to index
        %swap3A_1529 = arith.constant 32 : index
        %swap3A_1530 = tpu.vector_load %arg14[%swap3A_1528, %swap3A_1529] {strides = array<i32>} : memref<128x64xf32, #tpu.memory_space<vmem>>, vector<16xf32>,
        tpu.vector_store %arg14[%swap3A_1528, %swap3A_1529], %mul3A_1525 {strides = array<i32>} : memref<128x64xf32, #tpu.memory_space<vmem>>, vector<16xf32>,
        %add3A_1531 = arith.constant 7 : i32
        %add3A_1532 = arith.addi %multiple_of3A_1087, %add3A_1531 : i32
        %get3A_1533 = arith.index_cast %add3A_1532 : i32 to index
        %get3A_1534 = arith.constant 48 : index
        %get3A_1535 = tpu.vector_load %arg12[%get3A_1533, %get3A_1534] {strides = array<i32>} : memref<128x64xf32, #tpu.memory_space<vmem>>, vector<16xf32>,
        %mul3A_1536 = arith.mulf %get3A_1535, %gather3A_1497 : vector<16xf32>
        %add3A_1537 = arith.constant 7 : i32
        %add3A_1538 = arith.addi %multiple_of3A_1087, %add3A_1537 : i32
        %swap3A_1539 = arith.index_cast %add3A_1538 : i32 to index
        %swap3A_1540 = arith.constant 48 : index
        %swap3A_1541 = tpu.vector_load %arg14[%swap3A_1539, %swap3A_1540] {strides = array<i32>} : memref<128x64xf32, #tpu.memory_space<vmem>>, vector<16xf32>,
        tpu.vector_store %arg14[%swap3A_1539, %swap3A_1540], %mul3A_1536 {strides = array<i32>} : memref<128x64xf32, #tpu.memory_space<vmem>>, vector<16xf32>,
        %broadcast_in_dim3A_1542 = arith.constant 8 : i32
        %broadcast_in_dim3A_1543 = vector.broadcast %broadcast_in_dim3A_1542 : i32 to vector<16xi32>
        %lt3A_1544 = arith.constant 0 : i32
        %lt3A_1545 = vector.broadcast %lt3A_1544 : i32 to vector<16xi32>
        %lt3A_1546 = arith.cmpi slt, %broadcast_in_dim3A_1543, %lt3A_1545 : vector<16xi32>
        %add3A_1547 = arith.constant 16 : i32
        %add3A_1548 = vector.broadcast %add3A_1547 : i32 to vector<16xi32>
        %add3A_1549 = arith.addi %broadcast_in_dim3A_1543, %add3A_1548 : vector<16xi32>
        %select_n3A_1550 = arith.select %lt3A_1546, %add3A_1549, %broadcast_in_dim3A_1543 : vector<16xi1>, vector<16xi32>
        %broadcast_in_dim3A_1551 = vector.shape_cast %select_n3A_1550 : vector<16xi32> to vector<16x1xi32>
        %gather3A_1552 = vector.shape_cast %broadcast_in_dim3A_1551 : vector<16x1xi32> to vector<16xi32>
        %gather3A_1553 = tpu.dynamic_gather %get3A_1093[%gather3A_1552] in [0] : vector<16xf32>, vector<16xi32> -> vector<16xf32>
        %add3A_1554 = arith.constant 8 : i32
        %add3A_1555 = arith.addi %multiple_of3A_1087, %add3A_1554 : i32
        %get3A_1556 = arith.index_cast %add3A_1555 : i32 to index
        %get3A_1557 = arith.constant 0 : index
        %get3A_1558 = tpu.vector_load %arg12[%get3A_1556, %get3A_1557] {strides = array<i32>} : memref<128x64xf32, #tpu.memory_space<vmem>>, vector<16xf32>,
        %mul3A_1559 = arith.mulf %get3A_1558, %gather3A_1553 : vector<16xf32>
        %add3A_1560 = arith.constant 8 : i32
        %add3A_1561 = arith.addi %multiple_of3A_1087, %add3A_1560 : i32
        %swap3A_1562 = arith.index_cast %add3A_1561 : i32 to index
        %swap3A_1563 = arith.constant 0 : index
        %swap3A_1564 = tpu.vector_load %arg14[%swap3A_1562, %swap3A_1563] {strides = array<i32>} : memref<128x64xf32, #tpu.memory_space<vmem>>, vector<16xf32>,
        tpu.vector_store %arg14[%swap3A_1562, %swap3A_1563], %mul3A_1559 {strides = array<i32>} : memref<128x64xf32, #tpu.memory_space<vmem>>, vector<16xf32>,
        %add3A_1565 = arith.constant 8 : i32
        %add3A_1566 = arith.addi %multiple_of3A_1087, %add3A_1565 : i32
        %get3A_1567 = arith.index_cast %add3A_1566 : i32 to index
        %get3A_1568 = arith.constant 16 : index
        %get3A_1569 = tpu.vector_load %arg12[%get3A_1567, %get3A_1568] {strides = array<i32>} : memref<128x64xf32, #tpu.memory_space<vmem>>, vector<16xf32>,
        %mul3A_1570 = arith.mulf %get3A_1569, %gather3A_1553 : vector<16xf32>
        %add3A_1571 = arith.constant 8 : i32
        %add3A_1572 = arith.addi %multiple_of3A_1087, %add3A_1571 : i32
        %swap3A_1573 = arith.index_cast %add3A_1572 : i32 to index
        %swap3A_1574 = arith.constant 16 : index
        %swap3A_1575 = tpu.vector_load %arg14[%swap3A_1573, %swap3A_1574] {strides = array<i32>} : memref<128x64xf32, #tpu.memory_space<vmem>>, vector<16xf32>,
        tpu.vector_store %arg14[%swap3A_1573, %swap3A_1574], %mul3A_1570 {strides = array<i32>} : memref<128x64xf32, #tpu.memory_space<vmem>>, vector<16xf32>,
        %add3A_1576 = arith.constant 8 : i32
        %add3A_1577 = arith.addi %multiple_of3A_1087, %add3A_1576 : i32
        %get3A_1578 = arith.index_cast %add3A_1577 : i32 to index
        %get3A_1579 = arith.constant 32 : index
        %get3A_1580 = tpu.vector_load %arg12[%get3A_1578, %get3A_1579] {strides = array<i32>} : memref<128x64xf32, #tpu.memory_space<vmem>>, vector<16xf32>,
        %mul3A_1581 = arith.mulf %get3A_1580, %gather3A_1553 : vector<16xf32>
        %add3A_1582 = arith.constant 8 : i32
        %add3A_1583 = arith.addi %multiple_of3A_1087, %add3A_1582 : i32
        %swap3A_1584 = arith.index_cast %add3A_1583 : i32 to index
        %swap3A_1585 = arith.constant 32 : index
        %swap3A_1586 = tpu.vector_load %arg14[%swap3A_1584, %swap3A_1585] {strides = array<i32>} : memref<128x64xf32, #tpu.memory_space<vmem>>, vector<16xf32>,
        tpu.vector_store %arg14[%swap3A_1584, %swap3A_1585], %mul3A_1581 {strides = array<i32>} : memref<128x64xf32, #tpu.memory_space<vmem>>, vector<16xf32>,
        %add3A_1587 = arith.constant 8 : i32
        %add3A_1588 = arith.addi %multiple_of3A_1087, %add3A_1587 : i32
        %get3A_1589 = arith.index_cast %add3A_1588 : i32 to index
        %get3A_1590 = arith.constant 48 : index
        %get3A_1591 = tpu.vector_load %arg12[%get3A_1589, %get3A_1590] {strides = array<i32>} : memref<128x64xf32, #tpu.memory_space<vmem>>, vector<16xf32>,
        %mul3A_1592 = arith.mulf %get3A_1591, %gather3A_1553 : vector<16xf32>
        %add3A_1593 = arith.constant 8 : i32
        %add3A_1594 = arith.addi %multiple_of3A_1087, %add3A_1593 : i32
        %swap3A_1595 = arith.index_cast %add3A_1594 : i32 to index
        %swap3A_1596 = arith.constant 48 : index
        %swap3A_1597 = tpu.vector_load %arg14[%swap3A_1595, %swap3A_1596] {strides = array<i32>} : memref<128x64xf32, #tpu.memory_space<vmem>>, vector<16xf32>,
        tpu.vector_store %arg14[%swap3A_1595, %swap3A_1596], %mul3A_1592 {strides = array<i32>} : memref<128x64xf32, #tpu.memory_space<vmem>>, vector<16xf32>,
        %broadcast_in_dim3A_1598 = arith.constant 9 : i32
        %broadcast_in_dim3A_1599 = vector.broadcast %broadcast_in_dim3A_1598 : i32 to vector<16xi32>
        %lt3A_1600 = arith.constant 0 : i32
        %lt3A_1601 = vector.broadcast %lt3A_1600 : i32 to vector<16xi32>
        %lt3A_1602 = arith.cmpi slt, %broadcast_in_dim3A_1599, %lt3A_1601 : vector<16xi32>
        %add3A_1603 = arith.constant 16 : i32
        %add3A_1604 = vector.broadcast %add3A_1603 : i32 to vector<16xi32>
        %add3A_1605 = arith.addi %broadcast_in_dim3A_1599, %add3A_1604 : vector<16xi32>
        %select_n3A_1606 = arith.select %lt3A_1602, %add3A_1605, %broadcast_in_dim3A_1599 : vector<16xi1>, vector<16xi32>
        %broadcast_in_dim3A_1607 = vector.shape_cast %select_n3A_1606 : vector<16xi32> to vector<16x1xi32>
        %gather3A_1608 = vector.shape_cast %broadcast_in_dim3A_1607 : vector<16x1xi32> to vector<16xi32>
        %gather3A_1609 = tpu.dynamic_gather %get3A_1093[%gather3A_1608] in [0] : vector<16xf32>, vector<16xi32> -> vector<16xf32>
        %add3A_1610 = arith.constant 9 : i32
        %add3A_1611 = arith.addi %multiple_of3A_1087, %add3A_1610 : i32
        %get3A_1612 = arith.index_cast %add3A_1611 : i32 to index
        %get3A_1613 = arith.constant 0 : index
        %get3A_1614 = tpu.vector_load %arg12[%get3A_1612, %get3A_1613] {strides = array<i32>} : memref<128x64xf32, #tpu.memory_space<vmem>>, vector<16xf32>,
        %mul3A_1615 = arith.mulf %get3A_1614, %gather3A_1609 : vector<16xf32>
        %add3A_1616 = arith.constant 9 : i32
        %add3A_1617 = arith.addi %multiple_of3A_1087, %add3A_1616 : i32
        %swap3A_1618 = arith.index_cast %add3A_1617 : i32 to index
        %swap3A_1619 = arith.constant 0 : index
        %swap3A_1620 = tpu.vector_load %arg14[%swap3A_1618, %swap3A_1619] {strides = array<i32>} : memref<128x64xf32, #tpu.memory_space<vmem>>, vector<16xf32>,
        tpu.vector_store %arg14[%swap3A_1618, %swap3A_1619], %mul3A_1615 {strides = array<i32>} : memref<128x64xf32, #tpu.memory_space<vmem>>, vector<16xf32>,
        %add3A_1621 = arith.constant 9 : i32
        %add3A_1622 = arith.addi %multiple_of3A_1087, %add3A_1621 : i32
        %get3A_1623 = arith.index_cast %add3A_1622 : i32 to index
        %get3A_1624 = arith.constant 16 : index
        %get3A_1625 = tpu.vector_load %arg12[%get3A_1623, %get3A_1624] {strides = array<i32>} : memref<128x64xf32, #tpu.memory_space<vmem>>, vector<16xf32>,
        %mul3A_1626 = arith.mulf %get3A_1625, %gather3A_1609 : vector<16xf32>
        %add3A_1627 = arith.constant 9 : i32
        %add3A_1628 = arith.addi %multiple_of3A_1087, %add3A_1627 : i32
        %swap3A_1629 = arith.index_cast %add3A_1628 : i32 to index
        %swap3A_1630 = arith.constant 16 : index
        %swap3A_1631 = tpu.vector_load %arg14[%swap3A_1629, %swap3A_1630] {strides = array<i32>} : memref<128x64xf32, #tpu.memory_space<vmem>>, vector<16xf32>,
        tpu.vector_store %arg14[%swap3A_1629, %swap3A_1630], %mul3A_1626 {strides = array<i32>} : memref<128x64xf32, #tpu.memory_space<vmem>>, vector<16xf32>,
        %add3A_1632 = arith.constant 9 : i32
        %add3A_1633 = arith.addi %multiple_of3A_1087, %add3A_1632 : i32
        %get3A_1634 = arith.index_cast %add3A_1633 : i32 to index
        %get3A_1635 = arith.constant 32 : index
        %get3A_1636 = tpu.vector_load %arg12[%get3A_1634, %get3A_1635] {strides = array<i32>} : memref<128x64xf32, #tpu.memory_space<vmem>>, vector<16xf32>,
        %mul3A_1637 = arith.mulf %get3A_1636, %gather3A_1609 : vector<16xf32>
        %add3A_1638 = arith.constant 9 : i32
        %add3A_1639 = arith.addi %multiple_of3A_1087, %add3A_1638 : i32
        %swap3A_1640 = arith.index_cast %add3A_1639 : i32 to index
        %swap3A_1641 = arith.constant 32 : index
        %swap3A_1642 = tpu.vector_load %arg14[%swap3A_1640, %swap3A_1641] {strides = array<i32>} : memref<128x64xf32, #tpu.memory_space<vmem>>, vector<16xf32>,
        tpu.vector_store %arg14[%swap3A_1640, %swap3A_1641], %mul3A_1637 {strides = array<i32>} : memref<128x64xf32, #tpu.memory_space<vmem>>, vector<16xf32>,
        %add3A_1643 = arith.constant 9 : i32
        %add3A_1644 = arith.addi %multiple_of3A_1087, %add3A_1643 : i32
        %get3A_1645 = arith.index_cast %add3A_1644 : i32 to index
        %get3A_1646 = arith.constant 48 : index
        %get3A_1647 = tpu.vector_load %arg12[%get3A_1645, %get3A_1646] {strides = array<i32>} : memref<128x64xf32, #tpu.memory_space<vmem>>, vector<16xf32>,
        %mul3A_1648 = arith.mulf %get3A_1647, %gather3A_1609 : vector<16xf32>
        %add3A_1649 = arith.constant 9 : i32
        %add3A_1650 = arith.addi %multiple_of3A_1087, %add3A_1649 : i32
        %swap3A_1651 = arith.index_cast %add3A_1650 : i32 to index
        %swap3A_1652 = arith.constant 48 : index
        %swap3A_1653 = tpu.vector_load %arg14[%swap3A_1651, %swap3A_1652] {strides = array<i32>} : memref<128x64xf32, #tpu.memory_space<vmem>>, vector<16xf32>,
        tpu.vector_store %arg14[%swap3A_1651, %swap3A_1652], %mul3A_1648 {strides = array<i32>} : memref<128x64xf32, #tpu.memory_space<vmem>>, vector<16xf32>,
        %broadcast_in_dim3A_1654 = arith.constant 10 : i32
        %broadcast_in_dim3A_1655 = vector.broadcast %broadcast_in_dim3A_1654 : i32 to vector<16xi32>
        %lt3A_1656 = arith.constant 0 : i32
        %lt3A_1657 = vector.broadcast %lt3A_1656 : i32 to vector<16xi32>
        %lt3A_1658 = arith.cmpi slt, %broadcast_in_dim3A_1655, %lt3A_1657 : vector<16xi32>
        %add3A_1659 = arith.constant 16 : i32
        %add3A_1660 = vector.broadcast %add3A_1659 : i32 to vector<16xi32>
        %add3A_1661 = arith.addi %broadcast_in_dim3A_1655, %add3A_1660 : vector<16xi32>
        %select_n3A_1662 = arith.select %lt3A_1658, %add3A_1661, %broadcast_in_dim3A_1655 : vector<16xi1>, vector<16xi32>
        %broadcast_in_dim3A_1663 = vector.shape_cast %select_n3A_1662 : vector<16xi32> to vector<16x1xi32>
        %gather3A_1664 = vector.shape_cast %broadcast_in_dim3A_1663 : vector<16x1xi32> to vector<16xi32>
        %gather3A_1665 = tpu.dynamic_gather %get3A_1093[%gather3A_1664] in [0] : vector<16xf32>, vector<16xi32> -> vector<16xf32>
        %add3A_1666 = arith.constant 10 : i32
        %add3A_1667 = arith.addi %multiple_of3A_1087, %add3A_1666 : i32
        %get3A_1668 = arith.index_cast %add3A_1667 : i32 to index
        %get3A_1669 = arith.constant 0 : index
        %get3A_1670 = tpu.vector_load %arg12[%get3A_1668, %get3A_1669] {strides = array<i32>} : memref<128x64xf32, #tpu.memory_space<vmem>>, vector<16xf32>,
        %mul3A_1671 = arith.mulf %get3A_1670, %gather3A_1665 : vector<16xf32>
        %add3A_1672 = arith.constant 10 : i32
        %add3A_1673 = arith.addi %multiple_of3A_1087, %add3A_1672 : i32
        %swap3A_1674 = arith.index_cast %add3A_1673 : i32 to index
        %swap3A_1675 = arith.constant 0 : index
        %swap3A_1676 = tpu.vector_load %arg14[%swap3A_1674, %swap3A_1675] {strides = array<i32>} : memref<128x64xf32, #tpu.memory_space<vmem>>, vector<16xf32>,
        tpu.vector_store %arg14[%swap3A_1674, %swap3A_1675], %mul3A_1671 {strides = array<i32>} : memref<128x64xf32, #tpu.memory_space<vmem>>, vector<16xf32>,
        %add3A_1677 = arith.constant 10 : i32
        %add3A_1678 = arith.addi %multiple_of3A_1087, %add3A_1677 : i32
        %get3A_1679 = arith.index_cast %add3A_1678 : i32 to index
        %get3A_1680 = arith.constant 16 : index
        %get3A_1681 = tpu.vector_load %arg12[%get3A_1679, %get3A_1680] {strides = array<i32>} : memref<128x64xf32, #tpu.memory_space<vmem>>, vector<16xf32>,
        %mul3A_1682 = arith.mulf %get3A_1681, %gather3A_1665 : vector<16xf32>
        %add3A_1683 = arith.constant 10 : i32
        %add3A_1684 = arith.addi %multiple_of3A_1087, %add3A_1683 : i32
        %swap3A_1685 = arith.index_cast %add3A_1684 : i32 to index
        %swap3A_1686 = arith.constant 16 : index
        %swap3A_1687 = tpu.vector_load %arg14[%swap3A_1685, %swap3A_1686] {strides = array<i32>} : memref<128x64xf32, #tpu.memory_space<vmem>>, vector<16xf32>,
        tpu.vector_store %arg14[%swap3A_1685, %swap3A_1686], %mul3A_1682 {strides = array<i32>} : memref<128x64xf32, #tpu.memory_space<vmem>>, vector<16xf32>,
        %add3A_1688 = arith.constant 10 : i32
        %add3A_1689 = arith.addi %multiple_of3A_1087, %add3A_1688 : i32
        %get3A_1690 = arith.index_cast %add3A_1689 : i32 to index
        %get3A_1691 = arith.constant 32 : index
        %get3A_1692 = tpu.vector_load %arg12[%get3A_1690, %get3A_1691] {strides = array<i32>} : memref<128x64xf32, #tpu.memory_space<vmem>>, vector<16xf32>,
        %mul3A_1693 = arith.mulf %get3A_1692, %gather3A_1665 : vector<16xf32>
        %add3A_1694 = arith.constant 10 : i32
        %add3A_1695 = arith.addi %multiple_of3A_1087, %add3A_1694 : i32
        %swap3A_1696 = arith.index_cast %add3A_1695 : i32 to index
        %swap3A_1697 = arith.constant 32 : index
        %swap3A_1698 = tpu.vector_load %arg14[%swap3A_1696, %swap3A_1697] {strides = array<i32>} : memref<128x64xf32, #tpu.memory_space<vmem>>, vector<16xf32>,
        tpu.vector_store %arg14[%swap3A_1696, %swap3A_1697], %mul3A_1693 {strides = array<i32>} : memref<128x64xf32, #tpu.memory_space<vmem>>, vector<16xf32>,
        %add3A_1699 = arith.constant 10 : i32
        %add3A_1700 = arith.addi %multiple_of3A_1087, %add3A_1699 : i32
        %get3A_1701 = arith.index_cast %add3A_1700 : i32 to index
        %get3A_1702 = arith.constant 48 : index
        %get3A_1703 = tpu.vector_load %arg12[%get3A_1701, %get3A_1702] {strides = array<i32>} : memref<128x64xf32, #tpu.memory_space<vmem>>, vector<16xf32>,
        %mul3A_1704 = arith.mulf %get3A_1703, %gather3A_1665 : vector<16xf32>
        %add3A_1705 = arith.constant 10 : i32
        %add3A_1706 = arith.addi %multiple_of3A_1087, %add3A_1705 : i32
        %swap3A_1707 = arith.index_cast %add3A_1706 : i32 to index
        %swap3A_1708 = arith.constant 48 : index
        %swap3A_1709 = tpu.vector_load %arg14[%swap3A_1707, %swap3A_1708] {strides = array<i32>} : memref<128x64xf32, #tpu.memory_space<vmem>>, vector<16xf32>,
        tpu.vector_store %arg14[%swap3A_1707, %swap3A_1708], %mul3A_1704 {strides = array<i32>} : memref<128x64xf32, #tpu.memory_space<vmem>>, vector<16xf32>,
        %broadcast_in_dim3A_1710 = arith.constant 11 : i32
        %broadcast_in_dim3A_1711 = vector.broadcast %broadcast_in_dim3A_1710 : i32 to vector<16xi32>
        %lt3A_1712 = arith.constant 0 : i32
        %lt3A_1713 = vector.broadcast %lt3A_1712 : i32 to vector<16xi32>
        %lt3A_1714 = arith.cmpi slt, %broadcast_in_dim3A_1711, %lt3A_1713 : vector<16xi32>
        %add3A_1715 = arith.constant 16 : i32
        %add3A_1716 = vector.broadcast %add3A_1715 : i32 to vector<16xi32>
        %add3A_1717 = arith.addi %broadcast_in_dim3A_1711, %add3A_1716 : vector<16xi32>
        %select_n3A_1718 = arith.select %lt3A_1714, %add3A_1717, %broadcast_in_dim3A_1711 : vector<16xi1>, vector<16xi32>
        %broadcast_in_dim3A_1719 = vector.shape_cast %select_n3A_1718 : vector<16xi32> to vector<16x1xi32>
        %gather3A_1720 = vector.shape_cast %broadcast_in_dim3A_1719 : vector<16x1xi32> to vector<16xi32>
        %gather3A_1721 = tpu.dynamic_gather %get3A_1093[%gather3A_1720] in [0] : vector<16xf32>, vector<16xi32> -> vector<16xf32>
        %add3A_1722 = arith.constant 11 : i32
        %add3A_1723 = arith.addi %multiple_of3A_1087, %add3A_1722 : i32
        %get3A_1724 = arith.index_cast %add3A_1723 : i32 to index
        %get3A_1725 = arith.constant 0 : index
        %get3A_1726 = tpu.vector_load %arg12[%get3A_1724, %get3A_1725] {strides = array<i32>} : memref<128x64xf32, #tpu.memory_space<vmem>>, vector<16xf32>,
        %mul3A_1727 = arith.mulf %get3A_1726, %gather3A_1721 : vector<16xf32>
        %add3A_1728 = arith.constant 11 : i32
        %add3A_1729 = arith.addi %multiple_of3A_1087, %add3A_1728 : i32
        %swap3A_1730 = arith.index_cast %add3A_1729 : i32 to index
        %swap3A_1731 = arith.constant 0 : index
        %swap3A_1732 = tpu.vector_load %arg14[%swap3A_1730, %swap3A_1731] {strides = array<i32>} : memref<128x64xf32, #tpu.memory_space<vmem>>, vector<16xf32>,
        tpu.vector_store %arg14[%swap3A_1730, %swap3A_1731], %mul3A_1727 {strides = array<i32>} : memref<128x64xf32, #tpu.memory_space<vmem>>, vector<16xf32>,
        %add3A_1733 = arith.constant 11 : i32
        %add3A_1734 = arith.addi %multiple_of3A_1087, %add3A_1733 : i32
        %get3A_1735 = arith.index_cast %add3A_1734 : i32 to index
        %get3A_1736 = arith.constant 16 : index
        %get3A_1737 = tpu.vector_load %arg12[%get3A_1735, %get3A_1736] {strides = array<i32>} : memref<128x64xf32, #tpu.memory_space<vmem>>, vector<16xf32>,
        %mul3A_1738 = arith.mulf %get3A_1737, %gather3A_1721 : vector<16xf32>
        %add3A_1739 = arith.constant 11 : i32
        %add3A_1740 = arith.addi %multiple_of3A_1087, %add3A_1739 : i32
        %swap3A_1741 = arith.index_cast %add3A_1740 : i32 to index
        %swap3A_1742 = arith.constant 16 : index
        %swap3A_1743 = tpu.vector_load %arg14[%swap3A_1741, %swap3A_1742] {strides = array<i32>} : memref<128x64xf32, #tpu.memory_space<vmem>>, vector<16xf32>,
        tpu.vector_store %arg14[%swap3A_1741, %swap3A_1742], %mul3A_1738 {strides = array<i32>} : memref<128x64xf32, #tpu.memory_space<vmem>>, vector<16xf32>,
        %add3A_1744 = arith.constant 11 : i32
        %add3A_1745 = arith.addi %multiple_of3A_1087, %add3A_1744 : i32
        %get3A_1746 = arith.index_cast %add3A_1745 : i32 to index
        %get3A_1747 = arith.constant 32 : index
        %get3A_1748 = tpu.vector_load %arg12[%get3A_1746, %get3A_1747] {strides = array<i32>} : memref<128x64xf32, #tpu.memory_space<vmem>>, vector<16xf32>,
        %mul3A_1749 = arith.mulf %get3A_1748, %gather3A_1721 : vector<16xf32>
        %add3A_1750 = arith.constant 11 : i32
        %add3A_1751 = arith.addi %multiple_of3A_1087, %add3A_1750 : i32
        %swap3A_1752 = arith.index_cast %add3A_1751 : i32 to index
        %swap3A_1753 = arith.constant 32 : index
        %swap3A_1754 = tpu.vector_load %arg14[%swap3A_1752, %swap3A_1753] {strides = array<i32>} : memref<128x64xf32, #tpu.memory_space<vmem>>, vector<16xf32>,
        tpu.vector_store %arg14[%swap3A_1752, %swap3A_1753], %mul3A_1749 {strides = array<i32>} : memref<128x64xf32, #tpu.memory_space<vmem>>, vector<16xf32>,
        %add3A_1755 = arith.constant 11 : i32
        %add3A_1756 = arith.addi %multiple_of3A_1087, %add3A_1755 : i32
        %get3A_1757 = arith.index_cast %add3A_1756 : i32 to index
        %get3A_1758 = arith.constant 48 : index
        %get3A_1759 = tpu.vector_load %arg12[%get3A_1757, %get3A_1758] {strides = array<i32>} : memref<128x64xf32, #tpu.memory_space<vmem>>, vector<16xf32>,
        %mul3A_1760 = arith.mulf %get3A_1759, %gather3A_1721 : vector<16xf32>
        %add3A_1761 = arith.constant 11 : i32
        %add3A_1762 = arith.addi %multiple_of3A_1087, %add3A_1761 : i32
        %swap3A_1763 = arith.index_cast %add3A_1762 : i32 to index
        %swap3A_1764 = arith.constant 48 : index
        %swap3A_1765 = tpu.vector_load %arg14[%swap3A_1763, %swap3A_1764] {strides = array<i32>} : memref<128x64xf32, #tpu.memory_space<vmem>>, vector<16xf32>,
        tpu.vector_store %arg14[%swap3A_1763, %swap3A_1764], %mul3A_1760 {strides = array<i32>} : memref<128x64xf32, #tpu.memory_space<vmem>>, vector<16xf32>,
        %broadcast_in_dim3A_1766 = arith.constant 12 : i32
        %broadcast_in_dim3A_1767 = vector.broadcast %broadcast_in_dim3A_1766 : i32 to vector<16xi32>
        %lt3A_1768 = arith.constant 0 : i32
        %lt3A_1769 = vector.broadcast %lt3A_1768 : i32 to vector<16xi32>
        %lt3A_1770 = arith.cmpi slt, %broadcast_in_dim3A_1767, %lt3A_1769 : vector<16xi32>
        %add3A_1771 = arith.constant 16 : i32
        %add3A_1772 = vector.broadcast %add3A_1771 : i32 to vector<16xi32>
        %add3A_1773 = arith.addi %broadcast_in_dim3A_1767, %add3A_1772 : vector<16xi32>
        %select_n3A_1774 = arith.select %lt3A_1770, %add3A_1773, %broadcast_in_dim3A_1767 : vector<16xi1>, vector<16xi32>
        %broadcast_in_dim3A_1775 = vector.shape_cast %select_n3A_1774 : vector<16xi32> to vector<16x1xi32>
        %gather3A_1776 = vector.shape_cast %broadcast_in_dim3A_1775 : vector<16x1xi32> to vector<16xi32>
        %gather3A_1777 = tpu.dynamic_gather %get3A_1093[%gather3A_1776] in [0] : vector<16xf32>, vector<16xi32> -> vector<16xf32>
        %add3A_1778 = arith.constant 12 : i32
        %add3A_1779 = arith.addi %multiple_of3A_1087, %add3A_1778 : i32
        %get3A_1780 = arith.index_cast %add3A_1779 : i32 to index
        %get3A_1781 = arith.constant 0 : index
        %get3A_1782 = tpu.vector_load %arg12[%get3A_1780, %get3A_1781] {strides = array<i32>} : memref<128x64xf32, #tpu.memory_space<vmem>>, vector<16xf32>,
        %mul3A_1783 = arith.mulf %get3A_1782, %gather3A_1777 : vector<16xf32>
        %add3A_1784 = arith.constant 12 : i32
        %add3A_1785 = arith.addi %multiple_of3A_1087, %add3A_1784 : i32
        %swap3A_1786 = arith.index_cast %add3A_1785 : i32 to index
        %swap3A_1787 = arith.constant 0 : index
        %swap3A_1788 = tpu.vector_load %arg14[%swap3A_1786, %swap3A_1787] {strides = array<i32>} : memref<128x64xf32, #tpu.memory_space<vmem>>, vector<16xf32>,
        tpu.vector_store %arg14[%swap3A_1786, %swap3A_1787], %mul3A_1783 {strides = array<i32>} : memref<128x64xf32, #tpu.memory_space<vmem>>, vector<16xf32>,
        %add3A_1789 = arith.constant 12 : i32
        %add3A_1790 = arith.addi %multiple_of3A_1087, %add3A_1789 : i32
        %get3A_1791 = arith.index_cast %add3A_1790 : i32 to index
        %get3A_1792 = arith.constant 16 : index
        %get3A_1793 = tpu.vector_load %arg12[%get3A_1791, %get3A_1792] {strides = array<i32>} : memref<128x64xf32, #tpu.memory_space<vmem>>, vector<16xf32>,
        %mul3A_1794 = arith.mulf %get3A_1793, %gather3A_1777 : vector<16xf32>
        %add3A_1795 = arith.constant 12 : i32
        %add3A_1796 = arith.addi %multiple_of3A_1087, %add3A_1795 : i32
        %swap3A_1797 = arith.index_cast %add3A_1796 : i32 to index
        %swap3A_1798 = arith.constant 16 : index
        %swap3A_1799 = tpu.vector_load %arg14[%swap3A_1797, %swap3A_1798] {strides = array<i32>} : memref<128x64xf32, #tpu.memory_space<vmem>>, vector<16xf32>,
        tpu.vector_store %arg14[%swap3A_1797, %swap3A_1798], %mul3A_1794 {strides = array<i32>} : memref<128x64xf32, #tpu.memory_space<vmem>>, vector<16xf32>,
        %add3A_1800 = arith.constant 12 : i32
        %add3A_1801 = arith.addi %multiple_of3A_1087, %add3A_1800 : i32
        %get3A_1802 = arith.index_cast %add3A_1801 : i32 to index
        %get3A_1803 = arith.constant 32 : index
        %get3A_1804 = tpu.vector_load %arg12[%get3A_1802, %get3A_1803] {strides = array<i32>} : memref<128x64xf32, #tpu.memory_space<vmem>>, vector<16xf32>,
        %mul3A_1805 = arith.mulf %get3A_1804, %gather3A_1777 : vector<16xf32>
        %add3A_1806 = arith.constant 12 : i32
        %add3A_1807 = arith.addi %multiple_of3A_1087, %add3A_1806 : i32
        %swap3A_1808 = arith.index_cast %add3A_1807 : i32 to index
        %swap3A_1809 = arith.constant 32 : index
        %swap3A_1810 = tpu.vector_load %arg14[%swap3A_1808, %swap3A_1809] {strides = array<i32>} : memref<128x64xf32, #tpu.memory_space<vmem>>, vector<16xf32>,
        tpu.vector_store %arg14[%swap3A_1808, %swap3A_1809], %mul3A_1805 {strides = array<i32>} : memref<128x64xf32, #tpu.memory_space<vmem>>, vector<16xf32>,
        %add3A_1811 = arith.constant 12 : i32
        %add3A_1812 = arith.addi %multiple_of3A_1087, %add3A_1811 : i32
        %get3A_1813 = arith.index_cast %add3A_1812 : i32 to index
        %get3A_1814 = arith.constant 48 : index
        %get3A_1815 = tpu.vector_load %arg12[%get3A_1813, %get3A_1814] {strides = array<i32>} : memref<128x64xf32, #tpu.memory_space<vmem>>, vector<16xf32>,
        %mul3A_1816 = arith.mulf %get3A_1815, %gather3A_1777 : vector<16xf32>
        %add3A_1817 = arith.constant 12 : i32
        %add3A_1818 = arith.addi %multiple_of3A_1087, %add3A_1817 : i32
        %swap3A_1819 = arith.index_cast %add3A_1818 : i32 to index
        %swap3A_1820 = arith.constant 48 : index
        %swap3A_1821 = tpu.vector_load %arg14[%swap3A_1819, %swap3A_1820] {strides = array<i32>} : memref<128x64xf32, #tpu.memory_space<vmem>>, vector<16xf32>,
        tpu.vector_store %arg14[%swap3A_1819, %swap3A_1820], %mul3A_1816 {strides = array<i32>} : memref<128x64xf32, #tpu.memory_space<vmem>>, vector<16xf32>,
        %broadcast_in_dim3A_1822 = arith.constant 13 : i32
        %broadcast_in_dim3A_1823 = vector.broadcast %broadcast_in_dim3A_1822 : i32 to vector<16xi32>
        %lt3A_1824 = arith.constant 0 : i32
        %lt3A_1825 = vector.broadcast %lt3A_1824 : i32 to vector<16xi32>
        %lt3A_1826 = arith.cmpi slt, %broadcast_in_dim3A_1823, %lt3A_1825 : vector<16xi32>
        %add3A_1827 = arith.constant 16 : i32
        %add3A_1828 = vector.broadcast %add3A_1827 : i32 to vector<16xi32>
        %add3A_1829 = arith.addi %broadcast_in_dim3A_1823, %add3A_1828 : vector<16xi32>
        %select_n3A_1830 = arith.select %lt3A_1826, %add3A_1829, %broadcast_in_dim3A_1823 : vector<16xi1>, vector<16xi32>
        %broadcast_in_dim3A_1831 = vector.shape_cast %select_n3A_1830 : vector<16xi32> to vector<16x1xi32>
        %gather3A_1832 = vector.shape_cast %broadcast_in_dim3A_1831 : vector<16x1xi32> to vector<16xi32>
        %gather3A_1833 = tpu.dynamic_gather %get3A_1093[%gather3A_1832] in [0] : vector<16xf32>, vector<16xi32> -> vector<16xf32>
        %add3A_1834 = arith.constant 13 : i32
        %add3A_1835 = arith.addi %multiple_of3A_1087, %add3A_1834 : i32
        %get3A_1836 = arith.index_cast %add3A_1835 : i32 to index
        %get3A_1837 = arith.constant 0 : index
        %get3A_1838 = tpu.vector_load %arg12[%get3A_1836, %get3A_1837] {strides = array<i32>} : memref<128x64xf32, #tpu.memory_space<vmem>>, vector<16xf32>,
        %mul3A_1839 = arith.mulf %get3A_1838, %gather3A_1833 : vector<16xf32>
        %add3A_1840 = arith.constant 13 : i32
        %add3A_1841 = arith.addi %multiple_of3A_1087, %add3A_1840 : i32
        %swap3A_1842 = arith.index_cast %add3A_1841 : i32 to index
        %swap3A_1843 = arith.constant 0 : index
        %swap3A_1844 = tpu.vector_load %arg14[%swap3A_1842, %swap3A_1843] {strides = array<i32>} : memref<128x64xf32, #tpu.memory_space<vmem>>, vector<16xf32>,
        tpu.vector_store %arg14[%swap3A_1842, %swap3A_1843], %mul3A_1839 {strides = array<i32>} : memref<128x64xf32, #tpu.memory_space<vmem>>, vector<16xf32>,
        %add3A_1845 = arith.constant 13 : i32
        %add3A_1846 = arith.addi %multiple_of3A_1087, %add3A_1845 : i32
        %get3A_1847 = arith.index_cast %add3A_1846 : i32 to index
        %get3A_1848 = arith.constant 16 : index
        %get3A_1849 = tpu.vector_load %arg12[%get3A_1847, %get3A_1848] {strides = array<i32>} : memref<128x64xf32, #tpu.memory_space<vmem>>, vector<16xf32>,
        %mul3A_1850 = arith.mulf %get3A_1849, %gather3A_1833 : vector<16xf32>
        %add3A_1851 = arith.constant 13 : i32
        %add3A_1852 = arith.addi %multiple_of3A_1087, %add3A_1851 : i32
        %swap3A_1853 = arith.index_cast %add3A_1852 : i32 to index
        %swap3A_1854 = arith.constant 16 : index
        %swap3A_1855 = tpu.vector_load %arg14[%swap3A_1853, %swap3A_1854] {strides = array<i32>} : memref<128x64xf32, #tpu.memory_space<vmem>>, vector<16xf32>,
        tpu.vector_store %arg14[%swap3A_1853, %swap3A_1854], %mul3A_1850 {strides = array<i32>} : memref<128x64xf32, #tpu.memory_space<vmem>>, vector<16xf32>,
        %add3A_1856 = arith.constant 13 : i32
        %add3A_1857 = arith.addi %multiple_of3A_1087, %add3A_1856 : i32
        %get3A_1858 = arith.index_cast %add3A_1857 : i32 to index
        %get3A_1859 = arith.constant 32 : index
        %get3A_1860 = tpu.vector_load %arg12[%get3A_1858, %get3A_1859] {strides = array<i32>} : memref<128x64xf32, #tpu.memory_space<vmem>>, vector<16xf32>,
        %mul3A_1861 = arith.mulf %get3A_1860, %gather3A_1833 : vector<16xf32>
        %add3A_1862 = arith.constant 13 : i32
        %add3A_1863 = arith.addi %multiple_of3A_1087, %add3A_1862 : i32
        %swap3A_1864 = arith.index_cast %add3A_1863 : i32 to index
        %swap3A_1865 = arith.constant 32 : index
        %swap3A_1866 = tpu.vector_load %arg14[%swap3A_1864, %swap3A_1865] {strides = array<i32>} : memref<128x64xf32, #tpu.memory_space<vmem>>, vector<16xf32>,
        tpu.vector_store %arg14[%swap3A_1864, %swap3A_1865], %mul3A_1861 {strides = array<i32>} : memref<128x64xf32, #tpu.memory_space<vmem>>, vector<16xf32>,
        %add3A_1867 = arith.constant 13 : i32
        %add3A_1868 = arith.addi %multiple_of3A_1087, %add3A_1867 : i32
        %get3A_1869 = arith.index_cast %add3A_1868 : i32 to index
        %get3A_1870 = arith.constant 48 : index
        %get3A_1871 = tpu.vector_load %arg12[%get3A_1869, %get3A_1870] {strides = array<i32>} : memref<128x64xf32, #tpu.memory_space<vmem>>, vector<16xf32>,
        %mul3A_1872 = arith.mulf %get3A_1871, %gather3A_1833 : vector<16xf32>
        %add3A_1873 = arith.constant 13 : i32
        %add3A_1874 = arith.addi %multiple_of3A_1087, %add3A_1873 : i32
        %swap3A_1875 = arith.index_cast %add3A_1874 : i32 to index
        %swap3A_1876 = arith.constant 48 : index
        %swap3A_1877 = tpu.vector_load %arg14[%swap3A_1875, %swap3A_1876] {strides = array<i32>} : memref<128x64xf32, #tpu.memory_space<vmem>>, vector<16xf32>,
        tpu.vector_store %arg14[%swap3A_1875, %swap3A_1876], %mul3A_1872 {strides = array<i32>} : memref<128x64xf32, #tpu.memory_space<vmem>>, vector<16xf32>,
        %broadcast_in_dim3A_1878 = arith.constant 14 : i32
        %broadcast_in_dim3A_1879 = vector.broadcast %broadcast_in_dim3A_1878 : i32 to vector<16xi32>
        %lt3A_1880 = arith.constant 0 : i32
        %lt3A_1881 = vector.broadcast %lt3A_1880 : i32 to vector<16xi32>
        %lt3A_1882 = arith.cmpi slt, %broadcast_in_dim3A_1879, %lt3A_1881 : vector<16xi32>
        %add3A_1883 = arith.constant 16 : i32
        %add3A_1884 = vector.broadcast %add3A_1883 : i32 to vector<16xi32>
        %add3A_1885 = arith.addi %broadcast_in_dim3A_1879, %add3A_1884 : vector<16xi32>
        %select_n3A_1886 = arith.select %lt3A_1882, %add3A_1885, %broadcast_in_dim3A_1879 : vector<16xi1>, vector<16xi32>
        %broadcast_in_dim3A_1887 = vector.shape_cast %select_n3A_1886 : vector<16xi32> to vector<16x1xi32>
        %gather3A_1888 = vector.shape_cast %broadcast_in_dim3A_1887 : vector<16x1xi32> to vector<16xi32>
        %gather3A_1889 = tpu.dynamic_gather %get3A_1093[%gather3A_1888] in [0] : vector<16xf32>, vector<16xi32> -> vector<16xf32>
        %add3A_1890 = arith.constant 14 : i32
        %add3A_1891 = arith.addi %multiple_of3A_1087, %add3A_1890 : i32
        %get3A_1892 = arith.index_cast %add3A_1891 : i32 to index
        %get3A_1893 = arith.constant 0 : index
        %get3A_1894 = tpu.vector_load %arg12[%get3A_1892, %get3A_1893] {strides = array<i32>} : memref<128x64xf32, #tpu.memory_space<vmem>>, vector<16xf32>,
        %mul3A_1895 = arith.mulf %get3A_1894, %gather3A_1889 : vector<16xf32>
        %add3A_1896 = arith.constant 14 : i32
        %add3A_1897 = arith.addi %multiple_of3A_1087, %add3A_1896 : i32
        %swap3A_1898 = arith.index_cast %add3A_1897 : i32 to index
        %swap3A_1899 = arith.constant 0 : index
        %swap3A_1900 = tpu.vector_load %arg14[%swap3A_1898, %swap3A_1899] {strides = array<i32>} : memref<128x64xf32, #tpu.memory_space<vmem>>, vector<16xf32>,
        tpu.vector_store %arg14[%swap3A_1898, %swap3A_1899], %mul3A_1895 {strides = array<i32>} : memref<128x64xf32, #tpu.memory_space<vmem>>, vector<16xf32>,
        %add3A_1901 = arith.constant 14 : i32
        %add3A_1902 = arith.addi %multiple_of3A_1087, %add3A_1901 : i32
        %get3A_1903 = arith.index_cast %add3A_1902 : i32 to index
        %get3A_1904 = arith.constant 16 : index
        %get3A_1905 = tpu.vector_load %arg12[%get3A_1903, %get3A_1904] {strides = array<i32>} : memref<128x64xf32, #tpu.memory_space<vmem>>, vector<16xf32>,
        %mul3A_1906 = arith.mulf %get3A_1905, %gather3A_1889 : vector<16xf32>
        %add3A_1907 = arith.constant 14 : i32
        %add3A_1908 = arith.addi %multiple_of3A_1087, %add3A_1907 : i32
        %swap3A_1909 = arith.index_cast %add3A_1908 : i32 to index
        %swap3A_1910 = arith.constant 16 : index
        %swap3A_1911 = tpu.vector_load %arg14[%swap3A_1909, %swap3A_1910] {strides = array<i32>} : memref<128x64xf32, #tpu.memory_space<vmem>>, vector<16xf32>,
        tpu.vector_store %arg14[%swap3A_1909, %swap3A_1910], %mul3A_1906 {strides = array<i32>} : memref<128x64xf32, #tpu.memory_space<vmem>>, vector<16xf32>,
        %add3A_1912 = arith.constant 14 : i32
        %add3A_1913 = arith.addi %multiple_of3A_1087, %add3A_1912 : i32
        %get3A_1914 = arith.index_cast %add3A_1913 : i32 to index
        %get3A_1915 = arith.constant 32 : index
        %get3A_1916 = tpu.vector_load %arg12[%get3A_1914, %get3A_1915] {strides = array<i32>} : memref<128x64xf32, #tpu.memory_space<vmem>>, vector<16xf32>,
        %mul3A_1917 = arith.mulf %get3A_1916, %gather3A_1889 : vector<16xf32>
        %add3A_1918 = arith.constant 14 : i32
        %add3A_1919 = arith.addi %multiple_of3A_1087, %add3A_1918 : i32
        %swap3A_1920 = arith.index_cast %add3A_1919 : i32 to index
        %swap3A_1921 = arith.constant 32 : index
        %swap3A_1922 = tpu.vector_load %arg14[%swap3A_1920, %swap3A_1921] {strides = array<i32>} : memref<128x64xf32, #tpu.memory_space<vmem>>, vector<16xf32>,
        tpu.vector_store %arg14[%swap3A_1920, %swap3A_1921], %mul3A_1917 {strides = array<i32>} : memref<128x64xf32, #tpu.memory_space<vmem>>, vector<16xf32>,
        %add3A_1923 = arith.constant 14 : i32
        %add3A_1924 = arith.addi %multiple_of3A_1087, %add3A_1923 : i32
        %get3A_1925 = arith.index_cast %add3A_1924 : i32 to index
        %get3A_1926 = arith.constant 48 : index
        %get3A_1927 = tpu.vector_load %arg12[%get3A_1925, %get3A_1926] {strides = array<i32>} : memref<128x64xf32, #tpu.memory_space<vmem>>, vector<16xf32>,
        %mul3A_1928 = arith.mulf %get3A_1927, %gather3A_1889 : vector<16xf32>
        %add3A_1929 = arith.constant 14 : i32
        %add3A_1930 = arith.addi %multiple_of3A_1087, %add3A_1929 : i32
        %swap3A_1931 = arith.index_cast %add3A_1930 : i32 to index
        %swap3A_1932 = arith.constant 48 : index
        %swap3A_1933 = tpu.vector_load %arg14[%swap3A_1931, %swap3A_1932] {strides = array<i32>} : memref<128x64xf32, #tpu.memory_space<vmem>>, vector<16xf32>,
        tpu.vector_store %arg14[%swap3A_1931, %swap3A_1932], %mul3A_1928 {strides = array<i32>} : memref<128x64xf32, #tpu.memory_space<vmem>>, vector<16xf32>,
        %broadcast_in_dim3A_1934 = arith.constant 15 : i32
        %broadcast_in_dim3A_1935 = vector.broadcast %broadcast_in_dim3A_1934 : i32 to vector<16xi32>
        %lt3A_1936 = arith.constant 0 : i32
        %lt3A_1937 = vector.broadcast %lt3A_1936 : i32 to vector<16xi32>
        %lt3A_1938 = arith.cmpi slt, %broadcast_in_dim3A_1935, %lt3A_1937 : vector<16xi32>
        %add3A_1939 = arith.constant 16 : i32
        %add3A_1940 = vector.broadcast %add3A_1939 : i32 to vector<16xi32>
        %add3A_1941 = arith.addi %broadcast_in_dim3A_1935, %add3A_1940 : vector<16xi32>
        %select_n3A_1942 = arith.select %lt3A_1938, %add3A_1941, %broadcast_in_dim3A_1935 : vector<16xi1>, vector<16xi32>
        %broadcast_in_dim3A_1943 = vector.shape_cast %select_n3A_1942 : vector<16xi32> to vector<16x1xi32>
        %gather3A_1944 = vector.shape_cast %broadcast_in_dim3A_1943 : vector<16x1xi32> to vector<16xi32>
        %gather3A_1945 = tpu.dynamic_gather %get3A_1093[%gather3A_1944] in [0] : vector<16xf32>, vector<16xi32> -> vector<16xf32>
        %add3A_1946 = arith.constant 15 : i32
        %add3A_1947 = arith.addi %multiple_of3A_1087, %add3A_1946 : i32
        %get3A_1948 = arith.index_cast %add3A_1947 : i32 to index
        %get3A_1949 = arith.constant 0 : index
        %get3A_1950 = tpu.vector_load %arg12[%get3A_1948, %get3A_1949] {strides = array<i32>} : memref<128x64xf32, #tpu.memory_space<vmem>>, vector<16xf32>,
        %mul3A_1951 = arith.mulf %get3A_1950, %gather3A_1945 : vector<16xf32>
        %add3A_1952 = arith.constant 15 : i32
        %add3A_1953 = arith.addi %multiple_of3A_1087, %add3A_1952 : i32
        %swap3A_1954 = arith.index_cast %add3A_1953 : i32 to index
        %swap3A_1955 = arith.constant 0 : index
        %swap3A_1956 = tpu.vector_load %arg14[%swap3A_1954, %swap3A_1955] {strides = array<i32>} : memref<128x64xf32, #tpu.memory_space<vmem>>, vector<16xf32>,
        tpu.vector_store %arg14[%swap3A_1954, %swap3A_1955], %mul3A_1951 {strides = array<i32>} : memref<128x64xf32, #tpu.memory_space<vmem>>, vector<16xf32>,
        %add3A_1957 = arith.constant 15 : i32
        %add3A_1958 = arith.addi %multiple_of3A_1087, %add3A_1957 : i32
        %get3A_1959 = arith.index_cast %add3A_1958 : i32 to index
        %get3A_1960 = arith.constant 16 : index
        %get3A_1961 = tpu.vector_load %arg12[%get3A_1959, %get3A_1960] {strides = array<i32>} : memref<128x64xf32, #tpu.memory_space<vmem>>, vector<16xf32>,
        %mul3A_1962 = arith.mulf %get3A_1961, %gather3A_1945 : vector<16xf32>
        %add3A_1963 = arith.constant 15 : i32
        %add3A_1964 = arith.addi %multiple_of3A_1087, %add3A_1963 : i32
        %swap3A_1965 = arith.index_cast %add3A_1964 : i32 to index
        %swap3A_1966 = arith.constant 16 : index
        %swap3A_1967 = tpu.vector_load %arg14[%swap3A_1965, %swap3A_1966] {strides = array<i32>} : memref<128x64xf32, #tpu.memory_space<vmem>>, vector<16xf32>,
        tpu.vector_store %arg14[%swap3A_1965, %swap3A_1966], %mul3A_1962 {strides = array<i32>} : memref<128x64xf32, #tpu.memory_space<vmem>>, vector<16xf32>,
        %add3A_1968 = arith.constant 15 : i32
        %add3A_1969 = arith.addi %multiple_of3A_1087, %add3A_1968 : i32
        %get3A_1970 = arith.index_cast %add3A_1969 : i32 to index
        %get3A_1971 = arith.constant 32 : index
        %get3A_1972 = tpu.vector_load %arg12[%get3A_1970, %get3A_1971] {strides = array<i32>} : memref<128x64xf32, #tpu.memory_space<vmem>>, vector<16xf32>,
        %mul3A_1973 = arith.mulf %get3A_1972, %gather3A_1945 : vector<16xf32>
        %add3A_1974 = arith.constant 15 : i32
        %add3A_1975 = arith.addi %multiple_of3A_1087, %add3A_1974 : i32
        %swap3A_1976 = arith.index_cast %add3A_1975 : i32 to index
        %swap3A_1977 = arith.constant 32 : index
        %swap3A_1978 = tpu.vector_load %arg14[%swap3A_1976, %swap3A_1977] {strides = array<i32>} : memref<128x64xf32, #tpu.memory_space<vmem>>, vector<16xf32>,
        tpu.vector_store %arg14[%swap3A_1976, %swap3A_1977], %mul3A_1973 {strides = array<i32>} : memref<128x64xf32, #tpu.memory_space<vmem>>, vector<16xf32>,
        %add3A_1979 = arith.constant 15 : i32
        %add3A_1980 = arith.addi %multiple_of3A_1087, %add3A_1979 : i32
        %get3A_1981 = arith.index_cast %add3A_1980 : i32 to index
        %get3A_1982 = arith.constant 48 : index
        %get3A_1983 = tpu.vector_load %arg12[%get3A_1981, %get3A_1982] {strides = array<i32>} : memref<128x64xf32, #tpu.memory_space<vmem>>, vector<16xf32>,
        %mul3A_1984 = arith.mulf %get3A_1983, %gather3A_1945 : vector<16xf32>
        %add3A_1985 = arith.constant 15 : i32
        %add3A_1986 = arith.addi %multiple_of3A_1087, %add3A_1985 : i32
        %swap3A_1987 = arith.index_cast %add3A_1986 : i32 to index
        %swap3A_1988 = arith.constant 48 : index
        %swap3A_1989 = tpu.vector_load %arg14[%swap3A_1987, %swap3A_1988] {strides = array<i32>} : memref<128x64xf32, #tpu.memory_space<vmem>>, vector<16xf32>,
        tpu.vector_store %arg14[%swap3A_1987, %swap3A_1988], %mul3A_1984 {strides = array<i32>} : memref<128x64xf32, #tpu.memory_space<vmem>>, vector<16xf32>,
      }
      %scan3A_168 = arith.constant 8 : i32
      %add3A_169 = arith.constant 2 : i32
      %add3A_170 = arith.addi %add3A_150, %add3A_169 : i32
      %lt3A_171 = arith.constant 66 : i32
      %lt3A_172 = arith.cmpi slt, %add3A_170, %lt3A_171 : i32
      %convert_element_type3A_173 = arith.extui %lt3A_172 : i1 to i32
      %cond3A_174 = arith.constant 0 : i32
      %cond3A_175 = arith.cmpi ne, %convert_element_type3A_173, %cond3A_174 : i32
      scf.if %cond3A_175 {
        %add3A_182 = arith.constant 2 : i32
        %add3A_183 = arith.addi %add3A_150, %add3A_182 : i32
        %mul3A_184 = arith.constant 128 : i32
        %mul3A_185 = arith.muli %add3A_183, %mul3A_184 : i32
        %multiple_of3A_186 = tpu.assume_multiple %mul3A_185, 128 : i32
        %dma_start3A_187 = tpu.memref_slice %arg8[%multiple_of3A_186] : memref<8448xi32, #tpu.memory_space<vmem>> -> memref<128xi32, #tpu.memory_space<vmem>>
        %dma_start3A_188 = arith.constant 0 : i32
        %dma_start3A_189 = arith.constant 0 : i32
        %dma_start3A_190 = tpu.memref_slice %arg2[%dma_start3A_188, %dma_start3A_189] : memref<16384x64xf32, #tpu.memory_space<hbm>> -> memref<16384x64xf32, #tpu.memory_space<hbm>>
        tpu.enqueue_indirect_dma source(%dma_start3A_190 : memref<16384x64xf32, #tpu.memory_space<hbm>>) target(%arg12 : memref<128x64xf32, #tpu.memory_space<vmem>>) offsets(%dma_start3A_187 : memref<128xi32, #tpu.memory_space<vmem>>) semaphore(%arg17 : memref<!tpu.dma_semaphore, #tpu.memory_space<semaphore_mem>>)
      } else {
      }
      %dma_start3A_176 = arith.constant 0 : i32
      %dma_start3A_177 = tpu.memref_slice %arg9[%add3A_150, %dma_start3A_176] : memref<66x128xi32, #tpu.memory_space<vmem>> -> memref<1x128xi32, #tpu.memory_space<vmem>>
      %dma_start3A_178 = tpu.memref_squeeze %dma_start3A_177 : memref<1x128xi32, #tpu.memory_space<vmem>> -> memref<128xi32, #tpu.memory_space<vmem>>
      %dma_start3A_179 = arith.constant 0 : i32
      %dma_start3A_180 = arith.constant 0 : i32
      %dma_start3A_181 = tpu.memref_slice %arg7[%dma_start3A_179, %dma_start3A_180] : memref<16384x64xf32, #tpu.memory_space<vmem_shared>> -> memref<16384x64xf32, #tpu.memory_space<vmem_shared>>
      tpu.enqueue_indirect_dma source(%arg14 : memref<128x64xf32, #tpu.memory_space<vmem>>) target(%dma_start3A_181 : memref<16384x64xf32, #tpu.memory_space<vmem_shared>>) offsets(%dma_start3A_178 : memref<128xi32, #tpu.memory_space<vmem>>) semaphore(%arg19 : memref<!tpu.dma_semaphore, #tpu.memory_space<semaphore_mem>>) {add = true}
    }
    %scan3A_71 = arith.constant 33 : i32
    %dma_wait3A_72 = arith.constant 0 : i32
    %dma_wait3A_73 = arith.constant 0 : i32
    %dma_wait3A_74 = tpu.memref_slice %arg9[%dma_wait3A_72, %dma_wait3A_73] : memref<66x128xi32, #tpu.memory_space<vmem>> -> memref<1x128xi32, #tpu.memory_space<vmem>>
    %dma_wait3A_75 = tpu.memref_squeeze %dma_wait3A_74 : memref<1x128xi32, #tpu.memory_space<vmem>> -> memref<128xi32, #tpu.memory_space<vmem>>
    %dma_wait3A_76 = arith.constant 0 : i32
    %dma_wait3A_77 = arith.constant 0 : i32
    %dma_wait3A_78 = tpu.memref_slice %arg7[%dma_wait3A_76, %dma_wait3A_77] : memref<16384x64xf32, #tpu.memory_space<vmem_shared>> -> memref<16384x64xf32, #tpu.memory_space<vmem_shared>>
    tpu.wait_indirect_dma semaphore(%arg18 : memref<!tpu.dma_semaphore, #tpu.memory_space<semaphore_mem>>) src(%arg13 : memref<128x64xf32, #tpu.memory_space<vmem>>) dst(%dma_wait3A_78 : memref<16384x64xf32, #tpu.memory_space<vmem_shared>>)
    %dma_wait3A_79 = arith.constant 1 : i32
    %dma_wait3A_80 = arith.constant 0 : i32
    %dma_wait3A_81 = tpu.memref_slice %arg9[%dma_wait3A_79, %dma_wait3A_80] : memref<66x128xi32, #tpu.memory_space<vmem>> -> memref<1x128xi32, #tpu.memory_space<vmem>>
    %dma_wait3A_82 = tpu.memref_squeeze %dma_wait3A_81 : memref<1x128xi32, #tpu.memory_space<vmem>> -> memref<128xi32, #tpu.memory_space<vmem>>
    %dma_wait3A_83 = arith.constant 0 : i32
    %dma_wait3A_84 = arith.constant 0 : i32
    %dma_wait3A_85 = tpu.memref_slice %arg7[%dma_wait3A_83, %dma_wait3A_84] : memref<16384x64xf32, #tpu.memory_space<vmem_shared>> -> memref<16384x64xf32, #tpu.memory_space<vmem_shared>>
    tpu.wait_indirect_dma semaphore(%arg19 : memref<!tpu.dma_semaphore, #tpu.memory_space<semaphore_mem>>) src(%arg14 : memref<128x64xf32, #tpu.memory_space<vmem>>) dst(%dma_wait3A_85 : memref<16384x64xf32, #tpu.memory_space<vmem_shared>>)
    %barrier3A_86 = arith.constant 0 : index
    tpu.barrier barrier_id(%barrier3A_86)
    %mul3A_87 = arith.constant 1024 : i32
    %mul3A_88 = arith.muli %arg1, %mul3A_87 : i32
    %add3A_89 = arith.constant 0 : i32
    %add3A_90 = arith.addi %mul3A_88, %add3A_89 : i32
    "tpu.region"() ({
      %run_scoped3A = tpu.sem_alloc : memref<!tpu.dma_semaphore, #tpu.memory_space<semaphore_mem>>
      %dma_start3A_119 = arith.constant 0 : i32
      %dma_start3A_120 = arith.constant 0 : i32
      %dma_start3A_121 = tpu.memref_slice %arg6[%arg0, %dma_start3A_119, %dma_start3A_120] : memref<2x16384x64xf32, #tpu.memory_space<hbm>> -> memref<1x16384x64xf32, #tpu.memory_space<hbm>>
      %dma_start3A_122 = tpu.memref_squeeze %dma_start3A_121 : memref<1x16384x64xf32, #tpu.memory_space<hbm>> -> memref<16384x64xf32, #tpu.memory_space<hbm>>
      %dma_start3A_123 = arith.constant 0 : i32
      %dma_start3A_124 = tpu.memref_slice %dma_start3A_122[%add3A_90, %dma_start3A_123] : memref<16384x64xf32, #tpu.memory_space<hbm>> -> memref<128x64xf32, #tpu.memory_space<hbm>>
      %dma_start3A_125 = arith.constant 0 : i32
      %dma_start3A_126 = tpu.memref_slice %arg7[%add3A_90, %dma_start3A_125] : memref<16384x64xf32, #tpu.memory_space<vmem_shared>> -> memref<128x64xf32, #tpu.memory_space<vmem_shared>>
      tpu.enqueue_dma source(%dma_start3A_126 : memref<128x64xf32, #tpu.memory_space<vmem_shared>>) target(%dma_start3A_124 : memref<128x64xf32, #tpu.memory_space<hbm>>) target_semaphore(%run_scoped3A : memref<!tpu.dma_semaphore, #tpu.memory_space<semaphore_mem>>)
      %dma_wait3A_127 = arith.constant 0 : i32
      %dma_wait3A_128 = arith.constant 0 : i32
      %dma_wait3A_129 = tpu.memref_slice %arg6[%arg0, %dma_wait3A_127, %dma_wait3A_128] : memref<2x16384x64xf32, #tpu.memory_space<hbm>> -> memref<1x16384x64xf32, #tpu.memory_space<hbm>>
      %dma_wait3A_130 = tpu.memref_squeeze %dma_wait3A_129 : memref<1x16384x64xf32, #tpu.memory_space<hbm>> -> memref<16384x64xf32, #tpu.memory_space<hbm>>
      %dma_wait3A_131 = arith.constant 0 : i32
      %dma_wait3A_132 = tpu.memref_slice %dma_wait3A_130[%add3A_90, %dma_wait3A_131] : memref<16384x64xf32, #tpu.memory_space<hbm>> -> memref<128x64xf32, #tpu.memory_space<hbm>>
      %dma_wait3A_133 = arith.constant 0 : i32
      %dma_wait3A_134 = tpu.memref_slice %arg7[%add3A_90, %dma_wait3A_133] : memref<16384x64xf32, #tpu.memory_space<vmem_shared>> -> memref<128x64xf32, #tpu.memory_space<vmem_shared>>
      tpu.wait_dma2 semaphore(%run_scoped3A : memref<!tpu.dma_semaphore, #tpu.memory_space<semaphore_mem>>) src(%dma_wait3A_134 : memref<128x64xf32, #tpu.memory_space<vmem_shared>>) dst(%dma_wait3A_132 : memref<128x64xf32, #tpu.memory_space<hbm>>)
      tpu.yield
    }) : () -> ()
    %mul3A_91 = arith.constant 1024 : i32
    %mul3A_92 = arith.muli %arg1, %mul3A_91 : i32
    %add3A_93 = arith.constant 128 : i32
    %add3A_94 = arith.addi %mul3A_92, %add3A_93 : i32
    "tpu.region"() ({
      %run_scoped3A = tpu.sem_alloc : memref<!tpu.dma_semaphore, #tpu.memory_space<semaphore_mem>>
      %dma_start3A_119 = arith.constant 0 : i32
      %dma_start3A_120 = arith.constant 0 : i32
      %dma_start3A_121 = tpu.memref_slice %arg6[%arg0, %dma_start3A_119, %dma_start3A_120] : memref<2x16384x64xf32, #tpu.memory_space<hbm>> -> memref<1x16384x64xf32, #tpu.memory_space<hbm>>
      %dma_start3A_122 = tpu.memref_squeeze %dma_start3A_121 : memref<1x16384x64xf32, #tpu.memory_space<hbm>> -> memref<16384x64xf32, #tpu.memory_space<hbm>>
      %dma_start3A_123 = arith.constant 0 : i32
      %dma_start3A_124 = tpu.memref_slice %dma_start3A_122[%add3A_94, %dma_start3A_123] : memref<16384x64xf32, #tpu.memory_space<hbm>> -> memref<128x64xf32, #tpu.memory_space<hbm>>
      %dma_start3A_125 = arith.constant 0 : i32
      %dma_start3A_126 = tpu.memref_slice %arg7[%add3A_94, %dma_start3A_125] : memref<16384x64xf32, #tpu.memory_space<vmem_shared>> -> memref<128x64xf32, #tpu.memory_space<vmem_shared>>
      tpu.enqueue_dma source(%dma_start3A_126 : memref<128x64xf32, #tpu.memory_space<vmem_shared>>) target(%dma_start3A_124 : memref<128x64xf32, #tpu.memory_space<hbm>>) target_semaphore(%run_scoped3A : memref<!tpu.dma_semaphore, #tpu.memory_space<semaphore_mem>>)
      %dma_wait3A_127 = arith.constant 0 : i32
      %dma_wait3A_128 = arith.constant 0 : i32
      %dma_wait3A_129 = tpu.memref_slice %arg6[%arg0, %dma_wait3A_127, %dma_wait3A_128] : memref<2x16384x64xf32, #tpu.memory_space<hbm>> -> memref<1x16384x64xf32, #tpu.memory_space<hbm>>
      %dma_wait3A_130 = tpu.memref_squeeze %dma_wait3A_129 : memref<1x16384x64xf32, #tpu.memory_space<hbm>> -> memref<16384x64xf32, #tpu.memory_space<hbm>>
      %dma_wait3A_131 = arith.constant 0 : i32
      %dma_wait3A_132 = tpu.memref_slice %dma_wait3A_130[%add3A_94, %dma_wait3A_131] : memref<16384x64xf32, #tpu.memory_space<hbm>> -> memref<128x64xf32, #tpu.memory_space<hbm>>
      %dma_wait3A_133 = arith.constant 0 : i32
      %dma_wait3A_134 = tpu.memref_slice %arg7[%add3A_94, %dma_wait3A_133] : memref<16384x64xf32, #tpu.memory_space<vmem_shared>> -> memref<128x64xf32, #tpu.memory_space<vmem_shared>>
      tpu.wait_dma2 semaphore(%run_scoped3A : memref<!tpu.dma_semaphore, #tpu.memory_space<semaphore_mem>>) src(%dma_wait3A_134 : memref<128x64xf32, #tpu.memory_space<vmem_shared>>) dst(%dma_wait3A_132 : memref<128x64xf32, #tpu.memory_space<hbm>>)
      tpu.yield
    }) : () -> ()
    %mul3A_95 = arith.constant 1024 : i32
    %mul3A_96 = arith.muli %arg1, %mul3A_95 : i32
    %add3A_97 = arith.constant 256 : i32
    %add3A_98 = arith.addi %mul3A_96, %add3A_97 : i32
    "tpu.region"() ({
      %run_scoped3A = tpu.sem_alloc : memref<!tpu.dma_semaphore, #tpu.memory_space<semaphore_mem>>
      %dma_start3A_119 = arith.constant 0 : i32
      %dma_start3A_120 = arith.constant 0 : i32
      %dma_start3A_121 = tpu.memref_slice %arg6[%arg0, %dma_start3A_119, %dma_start3A_120] : memref<2x16384x64xf32, #tpu.memory_space<hbm>> -> memref<1x16384x64xf32, #tpu.memory_space<hbm>>
      %dma_start3A_122 = tpu.memref_squeeze %dma_start3A_121 : memref<1x16384x64xf32, #tpu.memory_space<hbm>> -> memref<16384x64xf32, #tpu.memory_space<hbm>>
      %dma_start3A_123 = arith.constant 0 : i32
      %dma_start3A_124 = tpu.memref_slice %dma_start3A_122[%add3A_98, %dma_start3A_123] : memref<16384x64xf32, #tpu.memory_space<hbm>> -> memref<128x64xf32, #tpu.memory_space<hbm>>
      %dma_start3A_125 = arith.constant 0 : i32
      %dma_start3A_126 = tpu.memref_slice %arg7[%add3A_98, %dma_start3A_125] : memref<16384x64xf32, #tpu.memory_space<vmem_shared>> -> memref<128x64xf32, #tpu.memory_space<vmem_shared>>
      tpu.enqueue_dma source(%dma_start3A_126 : memref<128x64xf32, #tpu.memory_space<vmem_shared>>) target(%dma_start3A_124 : memref<128x64xf32, #tpu.memory_space<hbm>>) target_semaphore(%run_scoped3A : memref<!tpu.dma_semaphore, #tpu.memory_space<semaphore_mem>>)
      %dma_wait3A_127 = arith.constant 0 : i32
      %dma_wait3A_128 = arith.constant 0 : i32
      %dma_wait3A_129 = tpu.memref_slice %arg6[%arg0, %dma_wait3A_127, %dma_wait3A_128] : memref<2x16384x64xf32, #tpu.memory_space<hbm>> -> memref<1x16384x64xf32, #tpu.memory_space<hbm>>
      %dma_wait3A_130 = tpu.memref_squeeze %dma_wait3A_129 : memref<1x16384x64xf32, #tpu.memory_space<hbm>> -> memref<16384x64xf32, #tpu.memory_space<hbm>>
      %dma_wait3A_131 = arith.constant 0 : i32
      %dma_wait3A_132 = tpu.memref_slice %dma_wait3A_130[%add3A_98, %dma_wait3A_131] : memref<16384x64xf32, #tpu.memory_space<hbm>> -> memref<128x64xf32, #tpu.memory_space<hbm>>
      %dma_wait3A_133 = arith.constant 0 : i32
      %dma_wait3A_134 = tpu.memref_slice %arg7[%add3A_98, %dma_wait3A_133] : memref<16384x64xf32, #tpu.memory_space<vmem_shared>> -> memref<128x64xf32, #tpu.memory_space<vmem_shared>>
      tpu.wait_dma2 semaphore(%run_scoped3A : memref<!tpu.dma_semaphore, #tpu.memory_space<semaphore_mem>>) src(%dma_wait3A_134 : memref<128x64xf32, #tpu.memory_space<vmem_shared>>) dst(%dma_wait3A_132 : memref<128x64xf32, #tpu.memory_space<hbm>>)
      tpu.yield
    }) : () -> ()
    %mul3A_99 = arith.constant 1024 : i32
    %mul3A_100 = arith.muli %arg1, %mul3A_99 : i32
    %add3A_101 = arith.constant 384 : i32
    %add3A_102 = arith.addi %mul3A_100, %add3A_101 : i32
    "tpu.region"() ({
      %run_scoped3A = tpu.sem_alloc : memref<!tpu.dma_semaphore, #tpu.memory_space<semaphore_mem>>
      %dma_start3A_119 = arith.constant 0 : i32
      %dma_start3A_120 = arith.constant 0 : i32
      %dma_start3A_121 = tpu.memref_slice %arg6[%arg0, %dma_start3A_119, %dma_start3A_120] : memref<2x16384x64xf32, #tpu.memory_space<hbm>> -> memref<1x16384x64xf32, #tpu.memory_space<hbm>>
      %dma_start3A_122 = tpu.memref_squeeze %dma_start3A_121 : memref<1x16384x64xf32, #tpu.memory_space<hbm>> -> memref<16384x64xf32, #tpu.memory_space<hbm>>
      %dma_start3A_123 = arith.constant 0 : i32
      %dma_start3A_124 = tpu.memref_slice %dma_start3A_122[%add3A_102, %dma_start3A_123] : memref<16384x64xf32, #tpu.memory_space<hbm>> -> memref<128x64xf32, #tpu.memory_space<hbm>>
      %dma_start3A_125 = arith.constant 0 : i32
      %dma_start3A_126 = tpu.memref_slice %arg7[%add3A_102, %dma_start3A_125] : memref<16384x64xf32, #tpu.memory_space<vmem_shared>> -> memref<128x64xf32, #tpu.memory_space<vmem_shared>>
      tpu.enqueue_dma source(%dma_start3A_126 : memref<128x64xf32, #tpu.memory_space<vmem_shared>>) target(%dma_start3A_124 : memref<128x64xf32, #tpu.memory_space<hbm>>) target_semaphore(%run_scoped3A : memref<!tpu.dma_semaphore, #tpu.memory_space<semaphore_mem>>)
      %dma_wait3A_127 = arith.constant 0 : i32
      %dma_wait3A_128 = arith.constant 0 : i32
      %dma_wait3A_129 = tpu.memref_slice %arg6[%arg0, %dma_wait3A_127, %dma_wait3A_128] : memref<2x16384x64xf32, #tpu.memory_space<hbm>> -> memref<1x16384x64xf32, #tpu.memory_space<hbm>>
      %dma_wait3A_130 = tpu.memref_squeeze %dma_wait3A_129 : memref<1x16384x64xf32, #tpu.memory_space<hbm>> -> memref<16384x64xf32, #tpu.memory_space<hbm>>
      %dma_wait3A_131 = arith.constant 0 : i32
      %dma_wait3A_132 = tpu.memref_slice %dma_wait3A_130[%add3A_102, %dma_wait3A_131] : memref<16384x64xf32, #tpu.memory_space<hbm>> -> memref<128x64xf32, #tpu.memory_space<hbm>>
      %dma_wait3A_133 = arith.constant 0 : i32
      %dma_wait3A_134 = tpu.memref_slice %arg7[%add3A_102, %dma_wait3A_133] : memref<16384x64xf32, #tpu.memory_space<vmem_shared>> -> memref<128x64xf32, #tpu.memory_space<vmem_shared>>
      tpu.wait_dma2 semaphore(%run_scoped3A : memref<!tpu.dma_semaphore, #tpu.memory_space<semaphore_mem>>) src(%dma_wait3A_134 : memref<128x64xf32, #tpu.memory_space<vmem_shared>>) dst(%dma_wait3A_132 : memref<128x64xf32, #tpu.memory_space<hbm>>)
      tpu.yield
    }) : () -> ()
    %mul3A_103 = arith.constant 1024 : i32
    %mul3A_104 = arith.muli %arg1, %mul3A_103 : i32
    %add3A_105 = arith.constant 512 : i32
    %add3A_106 = arith.addi %mul3A_104, %add3A_105 : i32
    "tpu.region"() ({
      %run_scoped3A = tpu.sem_alloc : memref<!tpu.dma_semaphore, #tpu.memory_space<semaphore_mem>>
      %dma_start3A_119 = arith.constant 0 : i32
      %dma_start3A_120 = arith.constant 0 : i32
      %dma_start3A_121 = tpu.memref_slice %arg6[%arg0, %dma_start3A_119, %dma_start3A_120] : memref<2x16384x64xf32, #tpu.memory_space<hbm>> -> memref<1x16384x64xf32, #tpu.memory_space<hbm>>
      %dma_start3A_122 = tpu.memref_squeeze %dma_start3A_121 : memref<1x16384x64xf32, #tpu.memory_space<hbm>> -> memref<16384x64xf32, #tpu.memory_space<hbm>>
      %dma_start3A_123 = arith.constant 0 : i32
      %dma_start3A_124 = tpu.memref_slice %dma_start3A_122[%add3A_106, %dma_start3A_123] : memref<16384x64xf32, #tpu.memory_space<hbm>> -> memref<128x64xf32, #tpu.memory_space<hbm>>
      %dma_start3A_125 = arith.constant 0 : i32
      %dma_start3A_126 = tpu.memref_slice %arg7[%add3A_106, %dma_start3A_125] : memref<16384x64xf32, #tpu.memory_space<vmem_shared>> -> memref<128x64xf32, #tpu.memory_space<vmem_shared>>
      tpu.enqueue_dma source(%dma_start3A_126 : memref<128x64xf32, #tpu.memory_space<vmem_shared>>) target(%dma_start3A_124 : memref<128x64xf32, #tpu.memory_space<hbm>>) target_semaphore(%run_scoped3A : memref<!tpu.dma_semaphore, #tpu.memory_space<semaphore_mem>>)
      %dma_wait3A_127 = arith.constant 0 : i32
      %dma_wait3A_128 = arith.constant 0 : i32
      %dma_wait3A_129 = tpu.memref_slice %arg6[%arg0, %dma_wait3A_127, %dma_wait3A_128] : memref<2x16384x64xf32, #tpu.memory_space<hbm>> -> memref<1x16384x64xf32, #tpu.memory_space<hbm>>
      %dma_wait3A_130 = tpu.memref_squeeze %dma_wait3A_129 : memref<1x16384x64xf32, #tpu.memory_space<hbm>> -> memref<16384x64xf32, #tpu.memory_space<hbm>>
      %dma_wait3A_131 = arith.constant 0 : i32
      %dma_wait3A_132 = tpu.memref_slice %dma_wait3A_130[%add3A_106, %dma_wait3A_131] : memref<16384x64xf32, #tpu.memory_space<hbm>> -> memref<128x64xf32, #tpu.memory_space<hbm>>
      %dma_wait3A_133 = arith.constant 0 : i32
      %dma_wait3A_134 = tpu.memref_slice %arg7[%add3A_106, %dma_wait3A_133] : memref<16384x64xf32, #tpu.memory_space<vmem_shared>> -> memref<128x64xf32, #tpu.memory_space<vmem_shared>>
      tpu.wait_dma2 semaphore(%run_scoped3A : memref<!tpu.dma_semaphore, #tpu.memory_space<semaphore_mem>>) src(%dma_wait3A_134 : memref<128x64xf32, #tpu.memory_space<vmem_shared>>) dst(%dma_wait3A_132 : memref<128x64xf32, #tpu.memory_space<hbm>>)
      tpu.yield
    }) : () -> ()
    %mul3A_107 = arith.constant 1024 : i32
    %mul3A_108 = arith.muli %arg1, %mul3A_107 : i32
    %add3A_109 = arith.constant 640 : i32
    %add3A_110 = arith.addi %mul3A_108, %add3A_109 : i32
    "tpu.region"() ({
      %run_scoped3A = tpu.sem_alloc : memref<!tpu.dma_semaphore, #tpu.memory_space<semaphore_mem>>
      %dma_start3A_119 = arith.constant 0 : i32
      %dma_start3A_120 = arith.constant 0 : i32
      %dma_start3A_121 = tpu.memref_slice %arg6[%arg0, %dma_start3A_119, %dma_start3A_120] : memref<2x16384x64xf32, #tpu.memory_space<hbm>> -> memref<1x16384x64xf32, #tpu.memory_space<hbm>>
      %dma_start3A_122 = tpu.memref_squeeze %dma_start3A_121 : memref<1x16384x64xf32, #tpu.memory_space<hbm>> -> memref<16384x64xf32, #tpu.memory_space<hbm>>
      %dma_start3A_123 = arith.constant 0 : i32
      %dma_start3A_124 = tpu.memref_slice %dma_start3A_122[%add3A_110, %dma_start3A_123] : memref<16384x64xf32, #tpu.memory_space<hbm>> -> memref<128x64xf32, #tpu.memory_space<hbm>>
      %dma_start3A_125 = arith.constant 0 : i32
      %dma_start3A_126 = tpu.memref_slice %arg7[%add3A_110, %dma_start3A_125] : memref<16384x64xf32, #tpu.memory_space<vmem_shared>> -> memref<128x64xf32, #tpu.memory_space<vmem_shared>>
      tpu.enqueue_dma source(%dma_start3A_126 : memref<128x64xf32, #tpu.memory_space<vmem_shared>>) target(%dma_start3A_124 : memref<128x64xf32, #tpu.memory_space<hbm>>) target_semaphore(%run_scoped3A : memref<!tpu.dma_semaphore, #tpu.memory_space<semaphore_mem>>)
      %dma_wait3A_127 = arith.constant 0 : i32
      %dma_wait3A_128 = arith.constant 0 : i32
      %dma_wait3A_129 = tpu.memref_slice %arg6[%arg0, %dma_wait3A_127, %dma_wait3A_128] : memref<2x16384x64xf32, #tpu.memory_space<hbm>> -> memref<1x16384x64xf32, #tpu.memory_space<hbm>>
      %dma_wait3A_130 = tpu.memref_squeeze %dma_wait3A_129 : memref<1x16384x64xf32, #tpu.memory_space<hbm>> -> memref<16384x64xf32, #tpu.memory_space<hbm>>
      %dma_wait3A_131 = arith.constant 0 : i32
      %dma_wait3A_132 = tpu.memref_slice %dma_wait3A_130[%add3A_110, %dma_wait3A_131] : memref<16384x64xf32, #tpu.memory_space<hbm>> -> memref<128x64xf32, #tpu.memory_space<hbm>>
      %dma_wait3A_133 = arith.constant 0 : i32
      %dma_wait3A_134 = tpu.memref_slice %arg7[%add3A_110, %dma_wait3A_133] : memref<16384x64xf32, #tpu.memory_space<vmem_shared>> -> memref<128x64xf32, #tpu.memory_space<vmem_shared>>
      tpu.wait_dma2 semaphore(%run_scoped3A : memref<!tpu.dma_semaphore, #tpu.memory_space<semaphore_mem>>) src(%dma_wait3A_134 : memref<128x64xf32, #tpu.memory_space<vmem_shared>>) dst(%dma_wait3A_132 : memref<128x64xf32, #tpu.memory_space<hbm>>)
      tpu.yield
    }) : () -> ()
    %mul3A_111 = arith.constant 1024 : i32
    %mul3A_112 = arith.muli %arg1, %mul3A_111 : i32
    %add3A_113 = arith.constant 768 : i32
    %add3A_114 = arith.addi %mul3A_112, %add3A_113 : i32
    "tpu.region"() ({
      %run_scoped3A = tpu.sem_alloc : memref<!tpu.dma_semaphore, #tpu.memory_space<semaphore_mem>>
      %dma_start3A_119 = arith.constant 0 : i32
      %dma_start3A_120 = arith.constant 0 : i32
      %dma_start3A_121 = tpu.memref_slice %arg6[%arg0, %dma_start3A_119, %dma_start3A_120] : memref<2x16384x64xf32, #tpu.memory_space<hbm>> -> memref<1x16384x64xf32, #tpu.memory_space<hbm>>
      %dma_start3A_122 = tpu.memref_squeeze %dma_start3A_121 : memref<1x16384x64xf32, #tpu.memory_space<hbm>> -> memref<16384x64xf32, #tpu.memory_space<hbm>>
      %dma_start3A_123 = arith.constant 0 : i32
      %dma_start3A_124 = tpu.memref_slice %dma_start3A_122[%add3A_114, %dma_start3A_123] : memref<16384x64xf32, #tpu.memory_space<hbm>> -> memref<128x64xf32, #tpu.memory_space<hbm>>
      %dma_start3A_125 = arith.constant 0 : i32
      %dma_start3A_126 = tpu.memref_slice %arg7[%add3A_114, %dma_start3A_125] : memref<16384x64xf32, #tpu.memory_space<vmem_shared>> -> memref<128x64xf32, #tpu.memory_space<vmem_shared>>
      tpu.enqueue_dma source(%dma_start3A_126 : memref<128x64xf32, #tpu.memory_space<vmem_shared>>) target(%dma_start3A_124 : memref<128x64xf32, #tpu.memory_space<hbm>>) target_semaphore(%run_scoped3A : memref<!tpu.dma_semaphore, #tpu.memory_space<semaphore_mem>>)
      %dma_wait3A_127 = arith.constant 0 : i32
      %dma_wait3A_128 = arith.constant 0 : i32
      %dma_wait3A_129 = tpu.memref_slice %arg6[%arg0, %dma_wait3A_127, %dma_wait3A_128] : memref<2x16384x64xf32, #tpu.memory_space<hbm>> -> memref<1x16384x64xf32, #tpu.memory_space<hbm>>
      %dma_wait3A_130 = tpu.memref_squeeze %dma_wait3A_129 : memref<1x16384x64xf32, #tpu.memory_space<hbm>> -> memref<16384x64xf32, #tpu.memory_space<hbm>>
      %dma_wait3A_131 = arith.constant 0 : i32
      %dma_wait3A_132 = tpu.memref_slice %dma_wait3A_130[%add3A_114, %dma_wait3A_131] : memref<16384x64xf32, #tpu.memory_space<hbm>> -> memref<128x64xf32, #tpu.memory_space<hbm>>
      %dma_wait3A_133 = arith.constant 0 : i32
      %dma_wait3A_134 = tpu.memref_slice %arg7[%add3A_114, %dma_wait3A_133] : memref<16384x64xf32, #tpu.memory_space<vmem_shared>> -> memref<128x64xf32, #tpu.memory_space<vmem_shared>>
      tpu.wait_dma2 semaphore(%run_scoped3A : memref<!tpu.dma_semaphore, #tpu.memory_space<semaphore_mem>>) src(%dma_wait3A_134 : memref<128x64xf32, #tpu.memory_space<vmem_shared>>) dst(%dma_wait3A_132 : memref<128x64xf32, #tpu.memory_space<hbm>>)
      tpu.yield
    }) : () -> ()
    %mul3A_115 = arith.constant 1024 : i32
    %mul3A_116 = arith.muli %arg1, %mul3A_115 : i32
    %add3A_117 = arith.constant 896 : i32
    %add3A_118 = arith.addi %mul3A_116, %add3A_117 : i32
    "tpu.region"() ({
      %run_scoped3A = tpu.sem_alloc : memref<!tpu.dma_semaphore, #tpu.memory_space<semaphore_mem>>
      %dma_start3A_119 = arith.constant 0 : i32
      %dma_start3A_120 = arith.constant 0 : i32
      %dma_start3A_121 = tpu.memref_slice %arg6[%arg0, %dma_start3A_119, %dma_start3A_120] : memref<2x16384x64xf32, #tpu.memory_space<hbm>> -> memref<1x16384x64xf32, #tpu.memory_space<hbm>>
      %dma_start3A_122 = tpu.memref_squeeze %dma_start3A_121 : memref<1x16384x64xf32, #tpu.memory_space<hbm>> -> memref<16384x64xf32, #tpu.memory_space<hbm>>
      %dma_start3A_123 = arith.constant 0 : i32
      %dma_start3A_124 = tpu.memref_slice %dma_start3A_122[%add3A_118, %dma_start3A_123] : memref<16384x64xf32, #tpu.memory_space<hbm>> -> memref<128x64xf32, #tpu.memory_space<hbm>>
      %dma_start3A_125 = arith.constant 0 : i32
      %dma_start3A_126 = tpu.memref_slice %arg7[%add3A_118, %dma_start3A_125] : memref<16384x64xf32, #tpu.memory_space<vmem_shared>> -> memref<128x64xf32, #tpu.memory_space<vmem_shared>>
      tpu.enqueue_dma source(%dma_start3A_126 : memref<128x64xf32, #tpu.memory_space<vmem_shared>>) target(%dma_start3A_124 : memref<128x64xf32, #tpu.memory_space<hbm>>) target_semaphore(%run_scoped3A : memref<!tpu.dma_semaphore, #tpu.memory_space<semaphore_mem>>)
      %dma_wait3A_127 = arith.constant 0 : i32
      %dma_wait3A_128 = arith.constant 0 : i32
      %dma_wait3A_129 = tpu.memref_slice %arg6[%arg0, %dma_wait3A_127, %dma_wait3A_128] : memref<2x16384x64xf32, #tpu.memory_space<hbm>> -> memref<1x16384x64xf32, #tpu.memory_space<hbm>>
      %dma_wait3A_130 = tpu.memref_squeeze %dma_wait3A_129 : memref<1x16384x64xf32, #tpu.memory_space<hbm>> -> memref<16384x64xf32, #tpu.memory_space<hbm>>
      %dma_wait3A_131 = arith.constant 0 : i32
      %dma_wait3A_132 = tpu.memref_slice %dma_wait3A_130[%add3A_118, %dma_wait3A_131] : memref<16384x64xf32, #tpu.memory_space<hbm>> -> memref<128x64xf32, #tpu.memory_space<hbm>>
      %dma_wait3A_133 = arith.constant 0 : i32
      %dma_wait3A_134 = tpu.memref_slice %arg7[%add3A_118, %dma_wait3A_133] : memref<16384x64xf32, #tpu.memory_space<vmem_shared>> -> memref<128x64xf32, #tpu.memory_space<vmem_shared>>
      tpu.wait_dma2 semaphore(%run_scoped3A : memref<!tpu.dma_semaphore, #tpu.memory_space<semaphore_mem>>) src(%dma_wait3A_134 : memref<128x64xf32, #tpu.memory_space<vmem_shared>>) dst(%dma_wait3A_132 : memref<128x64xf32, #tpu.memory_space<hbm>>)
      tpu.yield
    }) : () -> ()
    return
  }
}

</mosaic_0001>

<sc_bundles>
// kernel: kernel.3.cloned.1.call-start
scs
__scs_entry_jumppad:
0x0: {  	(pc) =	sbr.rel $0x88, $3  }
0x1: {  	(tag) =	ssettag $0x0;
	lr =	simm.s32 $0x1  }
0x2: {  	[smem:$0x3F9C] =	sst lr;
	_ =	strace $0xD0000000  }
0x3: {  	_ = 	snop  }
0x4: {  	_ = 	snop  }
0x5: {  	_ = 	snop  }
0x6: {  	_ = 	snop  }
0x7: {  	_ = 	snop  }
__scs_overlays_trampoline_lowered:
0x8: {  	[smem:$0x3FAB] =	sst s0  }
0x9: {  	[smem:$0x3FAC] =	sst s1  }
0xa: {  	[smem:$0x3FAD] =	sst s2  }
0xb: {  	[smem:$0x3FAE] =	sst s3  }
0xc: {  	[smem:$0x3FAF] =	sst s4  }
0xd: {  	[smem:$0x3FB0] =	sst s5  }
0xe: {  	[smem:$0x3FB1] =	sst s6  }
0xf: {  	[smem:$0x3FB2] =	sst s7  }
0x10: {  	[smem:$0x3FB3] =	sst s8  }
0x11: {  	[smem:$0x3FB4] =	sst s9;
	s0 =	simm.s32 @!p0 $0x0  }
0x12: {  	s1 =	sld [smem:$0x3F9A];
	s0 =	simm.s32 @p0 $0x1  }
0x13: {  	[smem:$0x3FB5] =	sst s0;
	s0 =	simm.s32 @!p1 $0x0  }
0x14: {  	s2 =	sld [smem:$0x3F99];
	s0 =	simm.s32 @p1 $0x1  }
0x15: {  	[smem:$0x3FB6] =	sst s0;
	s0 =	simm.s32 @!p2 $0x0  }
0x16: {  	s3 =	sld [smem:$0x3FDB];
	s0 =	simm.s32 @p2 $0x1  }
0x17: {  	s4 =	simm.s32 $0x1BF5;
	[smem:$0x3FB8] =	sst s0  }
0x18: {  	s0 =	sld [smem:$0x3F9B];
	_ =	swait.ge [sflag:s4], $0x0  }
0x19: {  	s7 =	sld [smem:$0x3F9C]  }
0x1a: {  	s8 =	sadd.s32 $0xFFFFE003, lr  }
0x1b: {  	s9 =	sadd.s32 $0xFFFFFEF7, lr;
	s5 =	simm.s32 $0xFFFFFFFF;
	p2 =	slt.u32 s8, $0xFFFFF086  }
0x1c: {  	p1 =	slt.u32 s9, $0xF7A;
	s5 =	simm.s32 @!p2 $0x0  }
0x1d: {  	s5 =	simm.s32 @p1 $0x1;
	p0 =	seq.s32 s7, s2  }
0x1e: {  	s7 =	smul.u32 @!p0 $0xF7A, s2;
	p2 =	seq.s32 @!p0 s5, $0x0  }
0x1f: {  	s9 =	smul.u32 $0xF7A, s1;
	s8 =	simm.s32 @!p0 $0x1BF5;
	p2 =	por !p2, p0  }
0x20: {  	[sflag:s8] =	ssyncset.s32 @!p0 $0xFFFFF086;
	s6 =	sadd.s32 @!p0 s3, s7;
	s7 =	simm.s32 @!p0 $0x108  }
0x21: {  	s3 =	sadd.s32 s3, s9;
	s6 =	sadd.s32 @!p0 $0x88, s6;
	s7 =	simm.s32 @p2 $0x1082  }
0x22: {  	[simem:s7], [sflag:s8] =	dma.local @!p0 [hbm:s6], $0xF7A  }
0x23: {  	s9 =	sor.u32 $0xD0000000, s2;
	s6 =	simm.s32 $0x108;
	_ =	swait.ge @!p0 [sflag:s8], $0x0  }
0x24: {  	s3 =	sadd.s32 $0x88, s3;
	s6 =	simm.s32 @!p1 $0x1082;
	[sflag:s4] =	ssyncset.s32 $0xFFFFF086  }
0x25: {  	[simem:s6], [sflag:s4] =	dma.local [hbm:s3], $0xF7A  }
0x26: {  	[smem:$0x3F9C] =	sst s1;
	(tag) =	ssettag s2;
	_ =	strace s9  }
0x27: {  	s1 =	sld [smem:$0x3FAC]  }
0x28: {  	s2 =	sld [smem:$0x3FAD]  }
0x29: {  	s4 =	sld [smem:$0x3FAF]  }
0x2a: {  	p0 =	seq.s32 s5, $0x0;
	s5 =	sld [smem:$0x3FB0]  }
0x2b: {  	s6 =	sld [smem:$0x3FB1]  }
0x2c: {  	s7 =	sld [smem:$0x3FB2]  }
0x2d: {  	s3 =	simm.s32 $0x108;
	s8 =	sld [smem:$0x3FB3]  }
0x2e: {  	s3 =	simm.s32 @!p0 $0x1082;
	s9 =	sld [smem:$0x3FB4]  }
0x2f: {  	lr =	sadd.s32 s0, s3;
	s0 =	sld [smem:$0x3FAB]  }
0x30: {  	s3 =	sld [smem:$0x3FAE]  }
0x31: {  	[smem:$0x3FB7] =	sst s10  }
0x32: {  	s10 =	sld [smem:$0x3FB5];
	_ =	sdelay $0x3  }
0x33: {  	p0 =	seq.s32 s10, $0x1;
	s10 =	sld [smem:$0x3FB7];
	_ =	sdelay $0x3  }
0x34: {  	[smem:$0x3FB7] =	sst s10  }
0x35: {  	s10 =	sld [smem:$0x3FB6];
	_ =	sdelay $0x3  }
0x36: {  	p1 =	seq.s32 s10, $0x1;
	s10 =	sld [smem:$0x3FB7];
	_ =	sdelay $0x3  }
0x37: {  	[smem:$0x3FB7] =	sst s10  }
0x38: {  	s10 =	sld [smem:$0x3FB8]  }
0x39: {  	_ = 	snop;
	(pc) =	sbr.ind lr, $3  }
0x3a: {  	_ = 	snop  }
0x3b: {  	_ = 	snop  }
0x3c: {  	p2 =	seq.s32 s10, $0x1;
	s10 =	sld [smem:$0x3FB7]  }
0x3d: {  	_ =	shalt  }
0x3e: {  	_ =	shalt  }
0x3f: {  	_ =	shalt  }
0x40: {  	_ =	shalt  }
0x41: {  	_ =	shalt  }
0x42: {  	_ =	shalt  }
0x43: {  	_ =	shalt  }
0x44: {  	_ =	shalt  }
0x45: {  	_ =	shalt  }
0x46: {  	_ =	shalt  }
0x47: {  	_ =	shalt  }
0x48: {  	_ =	shalt  }
0x49: {  	_ =	shalt  }
0x4a: {  	_ =	shalt  }
0x4b: {  	_ =	shalt  }
0x4c: {  	_ =	shalt  }
0x4d: {  	_ =	shalt  }
0x4e: {  	_ =	shalt  }
0x4f: {  	_ =	shalt  }
0x50: {  	_ =	shalt  }
0x51: {  	_ =	shalt  }
0x52: {  	_ =	shalt  }
0x53: {  	_ =	shalt  }
0x54: {  	_ =	shalt  }
0x55: {  	_ =	shalt  }
0x56: {  	_ =	shalt  }
0x57: {  	_ =	shalt  }
0x58: {  	_ =	shalt  }
0x59: {  	_ =	shalt  }
0x5a: {  	_ =	shalt  }
0x5b: {  	_ =	shalt  }
0x5c: {  	_ =	shalt  }
0x5d: {  	_ =	shalt  }
0x5e: {  	_ =	shalt  }
0x5f: {  	_ =	shalt  }
0x60: {  	_ =	shalt  }
0x61: {  	_ =	shalt  }
0x62: {  	_ =	shalt  }
0x63: {  	_ =	shalt  }
0x64: {  	_ =	shalt  }
0x65: {  	_ =	shalt  }
0x66: {  	_ =	shalt  }
0x67: {  	_ =	shalt  }
0x68: {  	_ =	shalt  }
0x69: {  	_ =	shalt  }
0x6a: {  	_ =	shalt  }
0x6b: {  	_ =	shalt  }
0x6c: {  	_ =	shalt  }
0x6d: {  	_ =	shalt  }
0x6e: {  	_ =	shalt  }
0x6f: {  	_ =	shalt  }
0x70: {  	_ =	shalt  }
0x71: {  	_ =	shalt  }
0x72: {  	_ =	shalt  }
0x73: {  	_ =	shalt  }
0x74: {  	_ =	shalt  }
0x75: {  	_ =	shalt  }
0x76: {  	_ =	shalt  }
0x77: {  	_ =	shalt  }
0x78: {  	_ =	shalt  }
0x79: {  	_ =	shalt  }
0x7a: {  	_ =	shalt  }
0x7b: {  	_ =	shalt  }
0x7c: {  	_ =	shalt  }
0x7d: {  	_ =	shalt  }
0x7e: {  	_ =	shalt  }
0x7f: {  	_ =	shalt  }
0x80: {  	_ =	shalt  }
0x81: {  	_ =	shalt  }
0x82: {  	_ =	shalt  }
0x83: {  	_ =	shalt  }
0x84: {  	_ =	shalt  }
0x85: {  	_ =	shalt  }
0x86: {  	_ =	shalt  }
0x87: {  	_ =	shalt  }
.Lfunc_end0:
.L_simem_size_0:
called_computation_lowered:
.L_overlay_start_0:
0x88: {  	s2 =	sld [smem:$0x3FD9]  }
0x89: {  	s3 =	sld [smem:$0x3FFE];
	_ =	sdelay $0x1  }
0x8a: {  	s1 =	srdreg.scid  }
0x8b: {  	s0 =	sand.u32 $0x1, s1  }
0x8c: {  	s17 =	sshll.u32 s0, $0xA;
	s2 =	sadd.s32 s3, s2  }
0x8d: {  	s2 =	sadd.s32 s2, s17  }
0x8e: {  	[smem:$0x3FC3] =	sst s2  }
0x8f: {  	_ = 	snop  }
0x90: {  	s2 =	sld [smem:$0x3FD0];
	(tm) =	ssettm $0x1  }
0x91: {  	s18 =	sld [smem:$0x3FFB];
	_ =	sdelay $0x3  }
0x92: {  	_ =	strace s18  }
0x93: {  	s3 =	sld [smem:$0x3FFC];
	_ =	sdelay $0x3  }
0x94: {  	_ =	strace s3  }
0x95: {  	s3 =	sld [smem:$0x3FFD];
	_ =	sdelay $0x3  }
0x96: {  	_ =	strace s3  }
0x97: {  	_ =	strace $0x8FFFFFFF  }
0x98: {  	s19 =	sld [smem:$0x3FDB];
	_ =	sdelay $0x1  }
0x99: {  	s4 =	simm.s32 $_scs_section_size  }
0x9a: {  	s5 =	simm.s32 $_size__tile_overlayer_lowered;
	s6 =	simm.s32 $_tile_overlayer_lowered  }
0x9b: {  	s22 =	simm.s32 $0x1BFF;
	s21 =	sshll.u32 s6, $0x1;
	s3 =	sadd.s32 s4, s19  }
0x9c: {  	s7 =	simm.s32 $0x0;
	s20 =	sshll.u32 s5, $0x1;
	s5 =	sadd.s32 s21, s3  }
0x9d: {  	[timem:s7], [sflag:s22] =	dma.local [hbm:s5], s20  }
0x9e: {  	_ =	swait.ge [sflag:s22], s20  }
0x9f: {  	s4 =	ssub.s32 $0x0, s20;
	[sflag:s22] =	ssyncset.done $0x0  }
0xa0: {  	[sflag:s22] =	ssyncadd.s32 s4;
	_ =	sdelay $0x1  }
0xa1: {  	s23 =	simm.s32 $0x1B8B  }
0xa2: {  	_ =	swait.ge [sflag:s23], $0x1  }
0xa3: {  	[sflag:s23] =	ssyncset.done $0x0  }
0xa4: {  	s25 =	simm.s32 $0x1B8E;
	s24 =	sld [smem:$0x3FFE];
	[sflag:s23] =	ssyncadd.s32 $0xFFFFFFFF  }
0xa5: {  	s26 =	simm.s32 $execute0_lowered;
	[smem:$0x3FD2] =	sst s25  }
0xa6: {  	s5 =	sshll.u32 s26, $0x1;
	_ =	strace $0x80000046;
	[dreg:$0x1] =	wrdreg $0xFFFFFFFF  }
0xa7: {  	s28 =	simm.s32 $_size_execute0_lowered;
	s3 =	sadd.s32 s3, s5;
	[dreg:$0x0] =	wrdreg $0x0  }
0xa8: {  	s5 =	sshll.u32 s28, $0x1;
	[dreg:$0x2] =	wrdreg s3  }
0xa9: {  	[dreg:$0x3] =	wrdreg s5  }
0xaa: {  	[dreg:$0x4] =	wrdreg $0xC0  }
0xab: {  	_ =	task [dreg:s7], $0x5FFFF  }
0xac: {  	[dreg:$0x1] =	wrdreg $0xFFFFFFFF  }
0xad: {  	[dreg:$0x0] =	wrdreg $0x60  }
0xae: {  	[dreg:$0x2] =	wrdreg s2  }
0xaf: {  	[dreg:$0x3] =	wrdreg s24  }
0xb0: {  	[dreg:$0x4] =	wrdreg $0x0  }
0xb1: {  	[dreg:$0x5] =	wrdreg $0x9  }
0xb2: {  	_ =	task.clear_ibuf [dreg:s7], $0x6FFFF;
	_ =	strace $0x90000046  }
0xb3: {  	s29 =	simm.s32 $0x9;
	_ =	strace $0x80000048  }
0xb4: {  	_ =	swait.ge [sflag:s29], $0x1  }
0xb5: {  	[sflag:s29] =	ssyncadd.s32 $0xFFFFFFFF  }
0xb6: {  	_ =	strace $0x90000048  }
0xb7: {  	_ =	sfence  }
0xb8: {  	s30 =	sld [smem:$0x0];
	_ =	sdelay $0x2  }
0xb9: {  	s31 =	sshll.u32 s1, $0xD;
	s1 =	sshrl.u32 s1, $0x2  }
0xba: {  	s3 =	sand.u32 $0x4000, s31;
	s1 =	sadd.s32 s1, s30  }
0xbb: {  	s0 =	sor.u32 s3, s0;
	s1 =	sshll.u32 s1, $0x11  }
0xbc: {  	s0 =	sor.u32 s1, s0  }
0xbd: {  	s0 =	sadd.s32 $0x8F2B, s0  }
0xbe: {  	[sflag:s0] =	ssyncadd.remote.s32 $0x1  }
0xbf: {  	_ =	sfence.sel $0xFFFF  }
0xc0: {  	[dreg:$0x0] =	wrdreg $0xFFFFFFFF;
	(pc) =	sbr.abs _section_cstart, $3  }
0xc1: {  	[dreg:$0x1] =	wrdreg $0xFFFFFFFF  }
0xc2: {  	_ =	task.clear_ibuf [dreg:s7], $0x2FFFF;
	_ =	strace $0x9FFFFFFF  }
0xc3: {  	(tm) =	ssettm $0x7FFFFFFF  }
tec
execute0_lowered:
.L_overlay_start_1:
0x0: {  	(tag) =	ssettag $0x1  }
0x1: {  	s1 =	rddreg [dreg:$0x0]  }
0x2: {  	s0 =	rddreg [dreg:$0x1]  }
0x3: {  	s2 =	srdreg.scid;
	s20 =	stileid.u32  }
0x4: {  	s3 =	rddreg [dreg:$0x2];
	s4 =	simm.s32 $0x0;
	s29 =	simm.s32 $0x16300  }
0x5: {  	s30 =	simm.s32 $0x6;
	s31 =	simm.s32 $0x1;
	s28 =	simm.s32 $0x18300  }
0x6: {  	s2 =	sand.u32 $0x1, s2;
	s5 =	sshll.u32 s20, $0x1;
	[smem:$0x7FF] =	sst s4  }
0x7: {  	s24 =	sshll.u32 s20, $0x10;
	s20 =	sshll.u32 s20, $0xD;
	s5 =	sor.u32 s2, s5  }
0x8: {  	_ =	strace $0x80000047;
	s6 =	sshll.u32 s2, $0x11;
	s2 =	ssub.s32 $0x2, s2  }
0x9: {  	s25 =	sor.u32 $0x2000, s24;
	s8 =	sadd.s32 s24, s3;
	s26 =	sor.u32 $0x4000, s24  }
0xa: {  	s16 =	sor.u32 $0x6000, s24;
	s17 =	sor.u32 $0x8000, s24;
	s18 =	sor.u32 $0xA000, s24  }
0xb: {  	s19 =	sor.u32 $0xC000, s24;
	s5 =	smul.u32 $0x420, s5;
	s22 =	sshrl.u32 s2, $0x1  }
0xc: {  	s9 =	sadd.s32 s25, s3;
	s10 =	sadd.s32 s26, s3;
	s11 =	sadd.s32 s16, s3  }
0xd: {  	s12 =	sadd.s32 s17, s3;
	s13 =	sadd.s32 s18, s3;
	s14 =	sadd.s32 s19, s3  }
0xe: {  	s16 =	sshrl.u32 s16, $0x3;
	s17 =	sshrl.u32 s17, $0x3;
	s18 =	sshrl.u32 s18, $0x3  }
0xf: {  	s19 =	sshrl.u32 s19, $0x3;
	s2 =	ssub.s32 s2, s22;
	s5 =	sadd.s32 s5, s0  }
0x10: {  	s0 =	sadd.s32 s6, s0;
	s6 =	sor.u32 $0xE000, s24;
	s2 =	smax.u32 s2, $0x1  }
0x11: {  	s23 =	sadd.s32 $0x11800, s5;
	s7 =	sadd.s32 $0x9400, s5;
	[dreg:$0x7] =	wrdreg s2  }
0x12: {  	s5 =	sadd.s32 $0x1000, s5;
	s15 =	sadd.s32 s6, s3;
	[dreg:$0x4] =	wrdreg s23  }
0x13: {  	s0 =	sadd.s32 $0x19C00, s0;
	s6 =	sshrl.u32 s6, $0x3;
	[dreg:$0x5] =	wrdreg s7  }
0x14: {  	s2 =	simm.s32 $0x80;
	[dreg:$0x6] =	wrdreg s5;
	s5 =	sshrl.u32 s25, $0x3  }
0x15: {  	s7 =	sshrl.u32 s26, $0x3;
	s21 =	sadd.s32 s20, s0;
	s24 =	sadd.s32 s16, s0  }
0x16: {  	s25 =	sadd.s32 s17, s0;
	s26 =	sadd.s32 s18, s0;
	[dreg:$0x8] =	wrdreg s21  }
0x17: {  	v0 =	vimm.f32 $0.0e+00;
	v1 =	vimm.s32 $0x0;
	s20 =	simm.s32 $0x10000;
	s16 =	simm.s32 $0x0;
	[dreg:$0xb] =	wrdreg s24  }
.Ltmp0:
0x18: {  	v2 =	vimm.s32 $0x1;
	v3 =	vimm.s32 $0x2;
	v4 =	vimm.s32 $0x3;
	s22 =	sadd.s32 s5, s0;
	[dreg:$0xc] =	wrdreg s25;
	(pc) =	sbr.rel .LBB2_1-.Ltmp0, $4  }
0x19: {  	v5 =	vimm.s32 $0x4;
	v6 =	vimm.s32 $0x5;
	v7 =	vimm.s32 $0x6;
	s23 =	sadd.s32 s7, s0;
	[dreg:$0xd] =	wrdreg s26;
	s24 =	sadd.s32 s6, s0  }
0x1a: {  	v8 =	vimm.s32 $0x7;
	v9 =	vimm.s32 $0x8;
	v10 =	vimm.s32 $0x9;
	s26 =	simm.s32 $0x2;
	s5 =	simm.s32 $0x3;
	s6 =	simm.s32 $0x1C300  }
0x1b: {  	v11 =	vimm.s32 $0xA;
	v12 =	vimm.s32 $0xB;
	v13 =	vimm.s32 $0xC;
	s7 =	simm.s32 $0x4;
	s25 =	simm.s32 $0x5;
	[dreg:$0x9] =	wrdreg s22  }
0x1c: {  	v14 =	vimm.s32 $0xD;
	v15 =	vimm.s32 $0xE;
	v16 =	vimm.s32 $0xF;
	[dreg:$0xa] =	wrdreg s23;
	s23 =	sadd.s32 s19, s0;
	s0 =	simm.s32 $0x1A300  }
.LBB2_10:
0x1d: {  	[spmem:s3] =	stream.indirect.scatter.add.f32 [tilespmem:s6], [sflag:$0x5], $0x40, s19, s2, $0xb8;
	[tilespmem:$0x1E300] =	vst v63  }
0x1e: {  	_ =	swait.ge [sflag:s7], $0x2000  }
0x1f: {  	[sflag:s7] =	ssyncset.done $0x0  }
0x20: {  	[sflag:s7] =	ssyncadd.s32 $0xFFFFE000  }
0x21: {  	_ =	swait.ge [sflag:s25], $0x2000  }
0x22: {  	[sflag:s25] =	ssyncset.done $0x0  }
0x23: {  	s17 =	stileid.u32;
	[sflag:s25] =	ssyncadd.s32 $0xFFFFE000  }
0x24: {  	s17 =	sshll.u32 s17, $0x6;
	[bflag:$0x0] =	sbarrier.arrive $0xFFFF  }
0x25: {  	s18 =	sshrl.u32 s8, $0x3;
	s17 =	sor.u32 $0x1C06, s17;
	s20 =	rddreg [dreg:$0x8]  }
0x26: {  	[hbm:s20], [sflag:s17] =	dma.local [spmem:s18], $0x400  }
0x27: {  	_ =	swait.ge [sflag:s30], $0x400  }
0x28: {  	[sflag:s30] =	ssyncset.done $0x0  }
0x29: {  	s21 =	sshrl.u32 s9, $0x3;
	s22 =	rddreg [dreg:$0x9];
	[sflag:s30] =	ssyncadd.s32 $0xFFFFFC00  }
0x2a: {  	[hbm:s22], [sflag:s17] =	dma.local [spmem:s21], $0x400  }
0x2b: {  	_ =	swait.ge [sflag:s30], $0x400  }
0x2c: {  	[sflag:s30] =	ssyncset.done $0x0  }
0x2d: {  	s19 =	sshrl.u32 s10, $0x3;
	s20 =	rddreg [dreg:$0xa];
	[sflag:s30] =	ssyncadd.s32 $0xFFFFFC00  }
0x2e: {  	[hbm:s20], [sflag:s17] =	dma.local [spmem:s19], $0x400  }
0x2f: {  	_ =	swait.ge [sflag:s30], $0x400  }
0x30: {  	[sflag:s30] =	ssyncset.done $0x0  }
0x31: {  	s21 =	sshrl.u32 s11, $0x3;
	s22 =	rddreg [dreg:$0xb];
	[sflag:s30] =	ssyncadd.s32 $0xFFFFFC00  }
0x32: {  	[hbm:s22], [sflag:s17] =	dma.local [spmem:s21], $0x400  }
0x33: {  	_ =	swait.ge [sflag:s30], $0x400  }
0x34: {  	[sflag:s30] =	ssyncset.done $0x0  }
0x35: {  	s19 =	sshrl.u32 s12, $0x3;
	s20 =	rddreg [dreg:$0xc];
	[sflag:s30] =	ssyncadd.s32 $0xFFFFFC00  }
0x36: {  	[hbm:s20], [sflag:s17] =	dma.local [spmem:s19], $0x400  }
0x37: {  	_ =	swait.ge [sflag:s30], $0x400  }
0x38: {  	[sflag:s30] =	ssyncset.done $0x0  }
0x39: {  	s21 =	sshrl.u32 s13, $0x3;
	s22 =	rddreg [dreg:$0xd];
	[sflag:s30] =	ssyncadd.s32 $0xFFFFFC00  }
0x3a: {  	[hbm:s22], [sflag:s17] =	dma.local [spmem:s21], $0x400  }
0x3b: {  	_ =	swait.ge [sflag:s30], $0x400  }
0x3c: {  	[sflag:s30] =	ssyncset.done $0x0  }
0x3d: {  	s20 =	sshrl.u32 s14, $0x3;
	[sflag:s30] =	ssyncadd.s32 $0xFFFFFC00  }
0x3e: {  	[hbm:s23], [sflag:s17] =	dma.local [spmem:s20], $0x400  }
0x3f: {  	_ =	swait.ge [sflag:s30], $0x400  }
0x40: {  	[sflag:s30] =	ssyncset.done $0x0  }
0x41: {  	s21 =	sshrl.u32 s15, $0x3;
	[sflag:s30] =	ssyncadd.s32 $0xFFFFFC00  }
0x42: {  	[hbm:s24], [sflag:s17] =	dma.local [spmem:s21], $0x400  }
0x43: {  	_ =	swait.ge [sflag:s30], $0x400  }
0x44: {  	s16 =	sadd.s32 $0x1, s16;
	s22 =	rddreg [dreg:$0x7]  }
0x45: {  	p0 =	sne.s32 s16, s22  }
.Ltmp1:
0x46: {  	_ = 	snop;
	(pc) =	sbr.rel @!p0 .LBB2_11-.Ltmp1, $3  }
0x47: {  	_ =	sdelay $0x1  }
0x48: {  	[sflag:s30] =	ssyncset.done $0x0  }
0x49: {  	s20 =	simm.s32 $0x10000;
	[sflag:s30] =	ssyncadd.s32 $0xFFFFFC00  }
.LBB2_1:
0x4a: {  	s17 =	rddreg [dreg:$0x4]  }
0x4b: {  	s19 =	rddreg [dreg:$0x5]  }
0x4c: {  	[tilespmem:s20], [sflag:$0x1] =	stream.linear.gather [hbm4b:s17+s4], $0x2100, $0x38;
	[tilespmem:$0x1E300] =	vst v63  }
0x4d: {  	s18 =	simm.s32 $0x12100;
	s21 =	rddreg [dreg:$0x6]  }
0x4e: {  	[tilespmem:s18], [sflag:$0x1] =	stream.linear.gather [hbm4b:s19+s4], $0x2100, $0x38;
	[tilespmem:$0x1E300] =	vst v63  }
0x4f: {  	s22 =	simm.s32 $0x14200;
	s17 =	simm.s32 $0x0;
	s18 =	simm.s32 $0x100  }
0x50: {  	[tilespmem:s22], [sflag:$0x1] =	stream.linear.gather [hbm4b:s21+s4], $0x2100, $0x38;
	[tilespmem:$0x1E300] =	vst v63  }
.LBB2_2:
0x51: {  	p0 =	sne.s32 s18, $0x7F00;
	[tilespmem:s17+$0x16330] =	vst v0;
	s19 =	smov.u32 s18;
	s18 =	sadd.s32 $0x100, s18  }
.Ltmp2:
0x52: {  	[tilespmem:s17+$0x16320] =	vst v0;
	(pc) =	sbr.rel @p0 .LBB2_2-.Ltmp2, $3  }
0x53: {  	[tilespmem:s17+$0x16300] =	vst v0  }
0x54: {  	[tilespmem:s17+$0x16310] =	vst v0;
	_ =	sdelay $0x1  }
0x55: {  	s17 =	sshra.s32 s19, $0x2  }
0x56: {  	[tilespmem:s17+$0x16330] =	vst v0  }
0x57: {  	[tilespmem:s17+$0x16320] =	vst v0  }
0x58: {  	[tilespmem:s17+$0x16300] =	vst v0  }
0x59: {  	[tilespmem:s17+$0x16310] =	vst v0  }
0x5a: {  	[spmem:s8] =	stream.linear.scatter [tilespmem:s29], [sflag:$0x6], $0x2000, $0x38;
	[tilespmem:$0x1E300] =	vst v63  }
0x5b: {  	_ =	swait.ge [sflag:s30], $0x2000  }
0x5c: {  	[sflag:s30] =	ssyncset.done $0x0  }
0x5d: {  	[sflag:s30] =	ssyncadd.s32 $0xFFFFE000  }
0x5e: {  	[spmem:s9] =	stream.linear.scatter [tilespmem:s29], [sflag:$0x6], $0x2000, $0x38;
	[tilespmem:$0x1E300] =	vst v63  }
0x5f: {  	_ =	swait.ge [sflag:s30], $0x2000  }
0x60: {  	[sflag:s30] =	ssyncset.done $0x0  }
0x61: {  	[sflag:s30] =	ssyncadd.s32 $0xFFFFE000  }
0x62: {  	[spmem:s10] =	stream.linear.scatter [tilespmem:s29], [sflag:$0x6], $0x2000, $0x38;
	[tilespmem:$0x1E300] =	vst v63  }
0x63: {  	_ =	swait.ge [sflag:s30], $0x2000  }
0x64: {  	[sflag:s30] =	ssyncset.done $0x0  }
0x65: {  	[sflag:s30] =	ssyncadd.s32 $0xFFFFE000  }
0x66: {  	[spmem:s11] =	stream.linear.scatter [tilespmem:s29], [sflag:$0x6], $0x2000, $0x38;
	[tilespmem:$0x1E300] =	vst v63  }
0x67: {  	_ =	swait.ge [sflag:s30], $0x2000  }
0x68: {  	[sflag:s30] =	ssyncset.done $0x0  }
0x69: {  	[sflag:s30] =	ssyncadd.s32 $0xFFFFE000  }
0x6a: {  	[spmem:s12] =	stream.linear.scatter [tilespmem:s29], [sflag:$0x6], $0x2000, $0x38;
	[tilespmem:$0x1E300] =	vst v63  }
0x6b: {  	_ =	swait.ge [sflag:s30], $0x2000  }
0x6c: {  	[sflag:s30] =	ssyncset.done $0x0  }
0x6d: {  	[sflag:s30] =	ssyncadd.s32 $0xFFFFE000  }
0x6e: {  	[spmem:s13] =	stream.linear.scatter [tilespmem:s29], [sflag:$0x6], $0x2000, $0x38;
	[tilespmem:$0x1E300] =	vst v63  }
0x6f: {  	_ =	swait.ge [sflag:s30], $0x2000  }
0x70: {  	[sflag:s30] =	ssyncset.done $0x0  }
0x71: {  	[sflag:s30] =	ssyncadd.s32 $0xFFFFE000  }
0x72: {  	[spmem:s14] =	stream.linear.scatter [tilespmem:s29], [sflag:$0x6], $0x2000, $0x38;
	[tilespmem:$0x1E300] =	vst v63  }
0x73: {  	_ =	swait.ge [sflag:s30], $0x2000  }
0x74: {  	[sflag:s30] =	ssyncset.done $0x0  }
0x75: {  	[sflag:s30] =	ssyncadd.s32 $0xFFFFE000  }
0x76: {  	[spmem:s15] =	stream.linear.scatter [tilespmem:s29], [sflag:$0x6], $0x2000, $0x38;
	[tilespmem:$0x1E300] =	vst v63  }
0x77: {  	_ =	swait.ge [sflag:s30], $0x2000  }
0x78: {  	[sflag:s30] =	ssyncset.done $0x0  }
0x79: {  	[sflag:s30] =	ssyncadd.s32 $0xFFFFE000  }
0x7a: {  	_ =	swait.ge [sflag:s31], $0x2100  }
0x7b: {  	[sflag:s31] =	ssyncset.done $0x0  }
0x7c: {  	[sflag:s31] =	ssyncadd.s32 $0xFFFFDF00  }
0x7d: {  	_ =	swait.ge [sflag:s31], $0x2100  }
0x7e: {  	[sflag:s31] =	ssyncset.done $0x0  }
0x7f: {  	[sflag:s31] =	ssyncadd.s32 $0xFFFFDF00  }
0x80: {  	_ =	swait.ge [sflag:s31], $0x2100  }
0x81: {  	[sflag:s31] =	ssyncset.done $0x0  }
0x82: {  	[sflag:s31] =	ssyncadd.s32 $0xFFFFDF00  }
0x83: {  	[tilespmem:s29], [sflag:$0x2] =	stream.indirect.gather [hbm4b:s1+s2], $0x40, s20, s2, $0xb8;
	[tilespmem:$0x1E300] =	vst v63  }
0x84: {  	s22 =	simm.s32 $0x10080  }
0x85: {  	[tilespmem:s28], [sflag:$0x3] =	stream.indirect.gather [hbm4b:s1+s2], $0x40, s22, s2, $0xb8;
	[tilespmem:$0x1E300] =	vst v63  }
0x86: {  	s17 =	simm.s32 $0x0;
	[bflag:$0x0] =	sbarrier.arrive $0xFFFF  }
.LBB2_4:
0x87: {  	_ =	swait.ge [sflag:s26], $0x2000;
	s19 =	sshll.u32 s17, $0xA  }
0x88: {  	p0 =	seq.s32 s17, $0x0;
	[sflag:s26] =	ssyncset.done $0x0;
	s18 =	sshra.s32 s19, $0x2  }
0x89: {  	s20 =	simm.s32 @!p0 $0x4;
	[sflag:s26] =	ssyncadd.s32 $0xFFFFE000;
	s21 =	sadd.s32 $0x14200, s18  }
0x8a: {  	_ =	swait.ge @!p0 [sflag:s20], $0x2000;
	v17 =	vmov s21  }
0x8b: {  	[sflag:s20] =	ssyncset.done @!p0 $0x0  }
0x8c: {  	[sflag:s20] =	ssyncadd.s32 @!p0 $0xFFFFE000;
	s20 =	simm.s32 $0x0  }
.LBB2_5:
0x8d: {  	s22 =	sshll.u32 s20, $0x4  }
0x8e: {  	s21 =	sand.u32 $0x3FFFFFF0, s22  }
0x8f: {  	v18 =	vld.idx.msk [tilespmem:v17+s21+$0x0 ss:$0x1], $0xffff  }
0x90: {  	s21 =	sshll.u32 s20, $0xA  }
0x91: {  	v19 =	vld [tilespmem:s21+$0x16300]  }
0x92: {  	v20 =	vld [tilespmem:s21+$0x16310]  }
0x93: {  	v21 =	vld [tilespmem:s21+$0x16320]  }
0x94: {  	v23 =	vld [tilespmem:s21+$0x16330];
	v22 =	vperm.xlane v18, v1  }
0x95: {  	v24 =	vld [tilespmem:s21+$0x16340]  }
0x96: {  	v25 =	vld [tilespmem:s21+$0x16350];
	v19 =	vmul.f32 v19, v22  }
0x97: {  	v26 =	vld [tilespmem:s21+$0x16360];
	v20 =	vmul.f32 v20, v22  }
0x98: {  	v27 =	vld [tilespmem:s21+$0x16370];
	v38 =	vperm.xlane v18, v2;
	[tilespmem:s21+$0x1A300] =	vst v19;
	v19 =	vmul.f32 v21, v22  }
0x99: {  	v40 =	vld [tilespmem:s21+$0x16380];
	v39 =	vmul.f32 v23, v22;
	[tilespmem:s21+$0x1A310] =	vst v20  }
0x9a: {  	v41 =	vld [tilespmem:s21+$0x16390];
	[tilespmem:s21+$0x1A320] =	vst v19;
	v19 =	vmul.f32 v24, v38  }
0x9b: {  	v43 =	vld [tilespmem:s21+$0x163A0];
	v42 =	vmul.f32 v25, v38;
	[tilespmem:s21+$0x1A330] =	vst v39  }
0x9c: {  	v45 =	vld [tilespmem:s21+$0x163B0];
	v44 =	vperm.xlane v18, v3;
	[tilespmem:s21+$0x1A340] =	vst v19;
	v19 =	vmul.f32 v26, v38  }
0x9d: {  	v47 =	vld [tilespmem:s21+$0x163C0];
	v46 =	vmul.f32 v27, v38;
	[tilespmem:s21+$0x1A350] =	vst v42  }
0x9e: {  	v48 =	vld [tilespmem:s21+$0x163D0];
	[tilespmem:s21+$0x1A360] =	vst v19;
	v19 =	vmul.f32 v40, v44  }
0x9f: {  	v50 =	vld [tilespmem:s21+$0x163E0];
	v49 =	vmul.f32 v41, v44;
	[tilespmem:s21+$0x1A370] =	vst v46  }
0xa0: {  	v52 =	vld [tilespmem:s21+$0x163F0];
	v51 =	vperm.xlane v18, v4;
	[tilespmem:s21+$0x1A380] =	vst v19;
	v19 =	vmul.f32 v43, v44  }
0xa1: {  	v54 =	vld [tilespmem:s21+$0x16400];
	v53 =	vmul.f32 v45, v44;
	[tilespmem:s21+$0x1A390] =	vst v49  }
0xa2: {  	v55 =	vld [tilespmem:s21+$0x16410];
	[tilespmem:s21+$0x1A3A0] =	vst v19;
	v19 =	vmul.f32 v47, v51  }
0xa3: {  	v57 =	vld [tilespmem:s21+$0x16420];
	v56 =	vmul.f32 v48, v51;
	[tilespmem:s21+$0x1A3B0] =	vst v53  }
0xa4: {  	v59 =	vld [tilespmem:s21+$0x16430];
	v58 =	vperm.xlane v18, v5;
	[tilespmem:s21+$0x1A3C0] =	vst v19;
	v19 =	vmul.f32 v50, v51  }
0xa5: {  	v61 =	vld [tilespmem:s21+$0x16440];
	v60 =	vmul.f32 v52, v51;
	[tilespmem:s21+$0x1A3D0] =	vst v56  }
0xa6: {  	v62 =	vld [tilespmem:s21+$0x16450];
	[tilespmem:s21+$0x1A3E0] =	vst v19;
	v19 =	vmul.f32 v54, v58  }
0xa7: {  	v30 =	vld [tilespmem:s21+$0x16460];
	v63 =	vmul.f32 v55, v58;
	[tilespmem:s21+$0x1A3F0] =	vst v60  }
0xa8: {  	v31 =	vperm.xlane v18, v6;
	v56 =	vld [tilespmem:s21+$0x16550];
	[tilespmem:s21+$0x1A400] =	vst v19;
	v19 =	vmul.f32 v57, v58  }
0xa9: {  	v34 =	vld [tilespmem:s21+$0x16480];
	v33 =	vmul.f32 v59, v58;
	[tilespmem:s21+$0x1A410] =	vst v63  }
0xaa: {  	v32 =	vld [tilespmem:s21+$0x16470];
	[tilespmem:s21+$0x1A420] =	vst v19;
	v19 =	vmul.f32 v61, v31  }
0xab: {  	v37 =	vld [tilespmem:s21+$0x164A0];
	v36 =	vmul.f32 v62, v31;
	v59 =	vperm.xlane v18, v10;
	[tilespmem:s21+$0x1A430] =	vst v33  }
0xac: {  	v60 =	vld [tilespmem:s21+$0x16570];
	v38 =	vperm.xlane v18, v7;
	[tilespmem:s21+$0x1A440] =	vst v19;
	v19 =	vmul.f32 v30, v31  }
0xad: {  	v41 =	vld [tilespmem:s21+$0x164C0];
	[tilespmem:s21+$0x1A450] =	vst v36;
	v28 =	vmul.f32 v56, v59  }
0xae: {  	v35 =	vld [tilespmem:s21+$0x16490];
	[tilespmem:s21+$0x1A460] =	vst v19;
	v19 =	vmul.f32 v34, v38  }
0xaf: {  	v40 =	vmul.f32 v32, v31;
	[tilespmem:s21+$0x1A550] =	vst v28;
	v44 =	vld [tilespmem:s21+$0x164E0]  }
0xb0: {  	v45 =	vperm.xlane v18, v8;
	v39 =	vld [tilespmem:s21+$0x164B0];
	[tilespmem:s21+$0x1A480] =	vst v19;
	v19 =	vmul.f32 v37, v38  }
0xb1: {  	v48 =	vld [tilespmem:s21+$0x16500];
	v32 =	vmul.f32 v60, v59;
	[tilespmem:s21+$0x1A470] =	vst v40  }
0xb2: {  	v42 =	vld [tilespmem:s21+$0x164D0];
	[tilespmem:s21+$0x1A4A0] =	vst v19;
	v19 =	vmul.f32 v41, v45  }
0xb3: {  	v43 =	vmul.f32 v35, v38;
	[tilespmem:s21+$0x1A570] =	vst v32;
	v51 =	vld [tilespmem:s21+$0x16520]  }
0xb4: {  	v52 =	vperm.xlane v18, v9;
	v46 =	vld [tilespmem:s21+$0x164F0];
	[tilespmem:s21+$0x1A4C0] =	vst v19;
	v19 =	vmul.f32 v44, v45  }
0xb5: {  	v55 =	vld [tilespmem:s21+$0x16540];
	[tilespmem:s21+$0x1A490] =	vst v43;
	v47 =	vmul.f32 v39, v38  }
0xb6: {  	v49 =	vld [tilespmem:s21+$0x16510];
	[tilespmem:s21+$0x1A4E0] =	vst v19;
	v19 =	vmul.f32 v48, v52  }
0xb7: {  	[tilespmem:s21+$0x1A4B0] =	vst v47;
	v50 =	vmul.f32 v42, v45;
	v58 =	vld [tilespmem:s21+$0x16560]  }
0xb8: {  	v53 =	vld [tilespmem:s21+$0x16530];
	[tilespmem:s21+$0x1A500] =	vst v19;
	v19 =	vmul.f32 v51, v52  }
0xb9: {  	v62 =	vld [tilespmem:s21+$0x16580];
	[tilespmem:s21+$0x1A4D0] =	vst v50;
	v54 =	vmul.f32 v46, v45  }
0xba: {  	v63 =	vld [tilespmem:s21+$0x16590];
	[tilespmem:s21+$0x1A520] =	vst v19;
	v19 =	vmul.f32 v55, v59  }
0xbb: {  	v29 =	vld [tilespmem:s21+$0x165A0];
	[tilespmem:s21+$0x1A4F0] =	vst v54;
	v57 =	vmul.f32 v49, v52  }
0xbc: {  	v30 =	vperm.xlane v18, v11;
	v31 =	vld [tilespmem:s21+$0x165B0];
	[tilespmem:s21+$0x1A540] =	vst v19;
	v19 =	vmul.f32 v58, v59  }
0xbd: {  	v33 =	vld [tilespmem:s21+$0x165C0];
	[tilespmem:s21+$0x1A510] =	vst v57;
	v61 =	vmul.f32 v53, v52  }
0xbe: {  	v34 =	vld [tilespmem:s21+$0x165D0];
	[tilespmem:s21+$0x1A560] =	vst v19;
	v19 =	vmul.f32 v62, v30  }
0xbf: {  	v36 =	vld [tilespmem:s21+$0x165E0];
	[tilespmem:s21+$0x1A530] =	vst v61;
	v35 =	vmul.f32 v63, v30  }
0xc0: {  	v37 =	vperm.xlane v18, v12;
	v38 =	vld [tilespmem:s21+$0x165F0];
	[tilespmem:s21+$0x1A580] =	vst v19;
	v19 =	vmul.f32 v29, v30  }
0xc1: {  	v40 =	vld [tilespmem:s21+$0x16600];
	[tilespmem:s21+$0x1A590] =	vst v35;
	v39 =	vmul.f32 v31, v30  }
0xc2: {  	v41 =	vld [tilespmem:s21+$0x16610];
	[tilespmem:s21+$0x1A5A0] =	vst v19;
	v19 =	vmul.f32 v33, v37  }
0xc3: {  	v43 =	vld [tilespmem:s21+$0x16620];
	[tilespmem:s21+$0x1A5B0] =	vst v39;
	v42 =	vmul.f32 v34, v37  }
0xc4: {  	v44 =	vperm.xlane v18, v13;
	v45 =	vld [tilespmem:s21+$0x16630];
	[tilespmem:s21+$0x1A5C0] =	vst v19;
	v19 =	vmul.f32 v36, v37  }
0xc5: {  	v47 =	vld [tilespmem:s21+$0x16640];
	[tilespmem:s21+$0x1A5D0] =	vst v42;
	v46 =	vmul.f32 v38, v37  }
0xc6: {  	v48 =	vld [tilespmem:s21+$0x16650];
	[tilespmem:s21+$0x1A5E0] =	vst v19;
	v19 =	vmul.f32 v40, v44  }
0xc7: {  	v50 =	vld [tilespmem:s21+$0x16660];
	[tilespmem:s21+$0x1A5F0] =	vst v46;
	v49 =	vmul.f32 v41, v44  }
0xc8: {  	v51 =	vperm.xlane v18, v14;
	v52 =	vld [tilespmem:s21+$0x16670];
	[tilespmem:s21+$0x1A600] =	vst v19;
	v19 =	vmul.f32 v43, v44  }
0xc9: {  	v54 =	vld [tilespmem:s21+$0x16680];
	[tilespmem:s21+$0x1A610] =	vst v49;
	v53 =	vmul.f32 v45, v44  }
0xca: {  	v55 =	vld [tilespmem:s21+$0x16690];
	[tilespmem:s21+$0x1A620] =	vst v19;
	v19 =	vmul.f32 v47, v51  }
0xcb: {  	v57 =	vld [tilespmem:s21+$0x166A0];
	[tilespmem:s21+$0x1A630] =	vst v53;
	v56 =	vmul.f32 v48, v51  }
0xcc: {  	v58 =	vperm.xlane v18, v15;
	v59 =	vld [tilespmem:s21+$0x166B0];
	[tilespmem:s21+$0x1A640] =	vst v19;
	v19 =	vmul.f32 v50, v51  }
0xcd: {  	v61 =	vld [tilespmem:s21+$0x166C0];
	[tilespmem:s21+$0x1A650] =	vst v56;
	v60 =	vmul.f32 v52, v51  }
0xce: {  	v62 =	vld [tilespmem:s21+$0x166D0];
	[tilespmem:s21+$0x1A660] =	vst v19;
	v19 =	vmul.f32 v54, v58  }
0xcf: {  	v27 =	vld [tilespmem:s21+$0x166E0];
	[tilespmem:s21+$0x1A670] =	vst v60;
	v63 =	vmul.f32 v55, v58  }
0xd0: {  	v28 =	vld [tilespmem:s21+$0x166F0];
	v18 =	vperm.xlane v18, v16;
	[tilespmem:s21+$0x1A680] =	vst v19;
	v19 =	vmul.f32 v57, v58  }
0xd1: {  	[tilespmem:s21+$0x1A690] =	vst v63;
	v29 =	vmul.f32 v59, v58  }
0xd2: {  	[tilespmem:s21+$0x1A6A0] =	vst v19;
	v19 =	vmul.f32 v61, v18  }
0xd3: {  	[tilespmem:s21+$0x1A6B0] =	vst v29;
	v30 =	vmul.f32 v62, v18  }
0xd4: {  	[tilespmem:s21+$0x1A6C0] =	vst v19;
	v19 =	vmul.f32 v27, v18  }
0xd5: {  	[tilespmem:s21+$0x1A6D0] =	vst v30;
	v18 =	vmul.f32 v28, v18  }
0xd6: {  	[tilespmem:s21+$0x1A6E0] =	vst v19  }
0xd7: {  	s22 =	sor.u32 $0x10, s22;
	[tilespmem:s21+$0x1A6F0] =	vst v18  }
0xd8: {  	v18 =	vld.idx.msk [tilespmem:v17+s22+$0x0 ss:$0x1], $0xffff  }
0xd9: {  	s22 =	sshll.u32 s22, $0x6  }
0xda: {  	v19 =	vld [tilespmem:s22+$0x16300]  }
0xdb: {  	v20 =	vld [tilespmem:s22+$0x16310]  }
0xdc: {  	v33 =	vld [tilespmem:s22+$0x16330]  }
0xdd: {  	v31 =	vld [tilespmem:s22+$0x16320];
	v32 =	vperm.xlane v18, v1;
	_ =	sdelay $0x1  }
0xde: {  	v19 =	vmul.f32 v19, v32  }
0xdf: {  	v20 =	vmul.f32 v20, v32  }
0xe0: {  	v34 =	vmul.f32 v33, v32;
	[tilespmem:s22+$0x1A300] =	vst v19  }
0xe1: {  	v19 =	vmul.f32 v31, v32;
	[tilespmem:s22+$0x1A310] =	vst v20  }
0xe2: {  	[tilespmem:s22+$0x1A330] =	vst v34  }
0xe3: {  	[tilespmem:s22+$0x1A320] =	vst v19  }
0xe4: {  	v19 =	vld [tilespmem:s21+$0x16740]  }
0xe5: {  	v20 =	vld [tilespmem:s21+$0x16750]  }
0xe6: {  	v35 =	vld [tilespmem:s21+$0x16760]  }
0xe7: {  	v36 =	vperm.xlane v18, v2;
	v37 =	vld [tilespmem:s21+$0x16770]  }
0xe8: {  	v38 =	vld [tilespmem:s21+$0x16780]  }
0xe9: {  	v39 =	vld [tilespmem:s21+$0x16790];
	v19 =	vmul.f32 v19, v36  }
0xea: {  	v40 =	vld [tilespmem:s21+$0x167A0];
	v20 =	vmul.f32 v20, v36  }
0xeb: {  	v41 =	vperm.xlane v18, v3;
	v42 =	vld [tilespmem:s21+$0x167B0];
	[tilespmem:s21+$0x1A740] =	vst v19;
	v19 =	vmul.f32 v35, v36  }
0xec: {  	v44 =	vld [tilespmem:s21+$0x167C0];
	v43 =	vmul.f32 v37, v36;
	[tilespmem:s21+$0x1A750] =	vst v20  }
0xed: {  	v45 =	vld [tilespmem:s21+$0x167D0];
	[tilespmem:s21+$0x1A760] =	vst v19;
	v19 =	vmul.f32 v38, v41  }
0xee: {  	v47 =	vld [tilespmem:s21+$0x167E0];
	v46 =	vmul.f32 v39, v41;
	[tilespmem:s21+$0x1A770] =	vst v43  }
0xef: {  	v48 =	vperm.xlane v18, v4;
	v49 =	vld [tilespmem:s21+$0x167F0];
	[tilespmem:s21+$0x1A780] =	vst v19;
	v19 =	vmul.f32 v40, v41  }
0xf0: {  	v51 =	vld [tilespmem:s21+$0x16800];
	v50 =	vmul.f32 v42, v41;
	[tilespmem:s21+$0x1A790] =	vst v46  }
0xf1: {  	v52 =	vld [tilespmem:s21+$0x16810];
	[tilespmem:s21+$0x1A7A0] =	vst v19;
	v19 =	vmul.f32 v44, v48  }
0xf2: {  	v54 =	vld [tilespmem:s21+$0x16820];
	v53 =	vmul.f32 v45, v48;
	[tilespmem:s21+$0x1A7B0] =	vst v50  }
0xf3: {  	v55 =	vperm.xlane v18, v5;
	v56 =	vld [tilespmem:s21+$0x16830];
	[tilespmem:s21+$0x1A7C0] =	vst v19;
	v19 =	vmul.f32 v47, v48  }
0xf4: {  	v58 =	vld [tilespmem:s21+$0x16840];
	v57 =	vmul.f32 v49, v48;
	[tilespmem:s21+$0x1A7D0] =	vst v53  }
0xf5: {  	v59 =	vld [tilespmem:s21+$0x16850];
	[tilespmem:s21+$0x1A7E0] =	vst v19;
	v19 =	vmul.f32 v51, v55  }
0xf6: {  	v61 =	vld [tilespmem:s21+$0x16860];
	v60 =	vmul.f32 v52, v55;
	[tilespmem:s21+$0x1A7F0] =	vst v57  }
0xf7: {  	v62 =	vperm.xlane v18, v6;
	v31 =	vld [tilespmem:s21+$0x16890];
	[tilespmem:s21+$0x1A800] =	vst v19;
	v19 =	vmul.f32 v54, v55  }
0xf8: {  	v30 =	vld [tilespmem:s21+$0x16880];
	v29 =	vmul.f32 v56, v55;
	[tilespmem:s21+$0x1A810] =	vst v60  }
0xf9: {  	v63 =	vld [tilespmem:s21+$0x16870];
	[tilespmem:s21+$0x1A820] =	vst v19;
	v19 =	vmul.f32 v58, v62  }
0xfa: {  	v34 =	vperm.xlane v18, v7;
	v33 =	vld [tilespmem:s21+$0x168A0];
	v32 =	vmul.f32 v59, v62;
	[tilespmem:s21+$0x1A830] =	vst v29  }
0xfb: {  	v35 =	vld [tilespmem:s21+$0x168B0];
	[tilespmem:s21+$0x1A840] =	vst v19;
	v19 =	vmul.f32 v61, v62  }
0xfc: {  	v37 =	vld [tilespmem:s21+$0x168C0];
	v39 =	vmul.f32 v31, v34;
	[tilespmem:s21+$0x1A850] =	vst v32  }
0xfd: {  	v42 =	vld [tilespmem:s21+$0x168F0];
	[tilespmem:s21+$0x1A860] =	vst v19;
	v19 =	vmul.f32 v30, v34  }
0xfe: {  	v36 =	vmul.f32 v63, v62;
	[tilespmem:s21+$0x1A890] =	vst v39;
	v40 =	vld [tilespmem:s21+$0x168E0]  }
0xff: {  	v38 =	vld [tilespmem:s21+$0x168D0];
	v41 =	vperm.xlane v18, v8;
	[tilespmem:s21+$0x1A880] =	vst v19;
	v19 =	vmul.f32 v33, v34  }
0x100: {  	[tilespmem:s21+$0x1A870] =	vst v36;
	v43 =	vmul.f32 v35, v34;
	v44 =	vld [tilespmem:s21+$0x16900]  }
0x101: {  	v45 =	vld [tilespmem:s21+$0x16910];
	[tilespmem:s21+$0x1A8A0] =	vst v19;
	v19 =	vmul.f32 v37, v41  }
0x102: {  	v50 =	vmul.f32 v42, v41;
	[tilespmem:s21+$0x1A8B0] =	vst v43;
	v47 =	vld [tilespmem:s21+$0x16920]  }
0x103: {  	v49 =	vld [tilespmem:s21+$0x16930];
	v48 =	vperm.xlane v18, v9;
	[tilespmem:s21+$0x1A8C0] =	vst v19;
	v19 =	vmul.f32 v40, v41  }
0x104: {  	v46 =	vmul.f32 v38, v41;
	[tilespmem:s21+$0x1A8F0] =	vst v50;
	v51 =	vld [tilespmem:s21+$0x16940]  }
0x105: {  	v52 =	vld [tilespmem:s21+$0x16950];
	[tilespmem:s21+$0x1A8E0] =	vst v19;
	v19 =	vmul.f32 v44, v48  }
0x106: {  	[tilespmem:s21+$0x1A8D0] =	vst v46;
	v53 =	vmul.f32 v45, v48;
	v54 =	vld [tilespmem:s21+$0x16960]  }
0x107: {  	v56 =	vld [tilespmem:s21+$0x16970];
	v55 =	vperm.xlane v18, v10;
	[tilespmem:s21+$0x1A900] =	vst v19;
	v19 =	vmul.f32 v47, v48  }
0x108: {  	v57 =	vmul.f32 v49, v48;
	[tilespmem:s21+$0x1A910] =	vst v53;
	v58 =	vld [tilespmem:s21+$0x16980]  }
0x109: {  	v59 =	vld [tilespmem:s21+$0x16990];
	[tilespmem:s21+$0x1A920] =	vst v19;
	v19 =	vmul.f32 v51, v55  }
0x10a: {  	[tilespmem:s21+$0x1A930] =	vst v57;
	v60 =	vmul.f32 v52, v55;
	v61 =	vld [tilespmem:s21+$0x169A0]  }
0x10b: {  	v63 =	vld [tilespmem:s21+$0x169B0];
	v62 =	vperm.xlane v18, v11;
	[tilespmem:s21+$0x1A940] =	vst v19;
	v19 =	vmul.f32 v54, v55  }
0x10c: {  	v29 =	vld [tilespmem:s21+$0x169C0];
	v28 =	vmul.f32 v56, v55;
	[tilespmem:s21+$0x1A950] =	vst v60  }
0x10d: {  	v30 =	vld [tilespmem:s21+$0x169D0];
	[tilespmem:s21+$0x1A960] =	vst v19;
	v19 =	vmul.f32 v58, v62  }
0x10e: {  	v32 =	vld [tilespmem:s21+$0x169E0];
	[tilespmem:s21+$0x1A970] =	vst v28;
	v31 =	vmul.f32 v59, v62  }
0x10f: {  	v33 =	vperm.xlane v18, v12;
	v34 =	vld [tilespmem:s21+$0x169F0];
	[tilespmem:s21+$0x1A980] =	vst v19;
	v19 =	vmul.f32 v61, v62  }
0x110: {  	v36 =	vld [tilespmem:s21+$0x16A00];
	v35 =	vmul.f32 v63, v62;
	[tilespmem:s21+$0x1A990] =	vst v31  }
0x111: {  	v37 =	vld [tilespmem:s21+$0x16A10];
	[tilespmem:s21+$0x1A9A0] =	vst v19;
	v19 =	vmul.f32 v29, v33  }
0x112: {  	v39 =	vld [tilespmem:s21+$0x16A20];
	[tilespmem:s21+$0x1A9B0] =	vst v35;
	v38 =	vmul.f32 v30, v33  }
0x113: {  	v40 =	vperm.xlane v18, v13;
	v41 =	vld [tilespmem:s21+$0x16A30];
	[tilespmem:s21+$0x1A9C0] =	vst v19;
	v19 =	vmul.f32 v32, v33  }
0x114: {  	v43 =	vld [tilespmem:s21+$0x16A40];
	[tilespmem:s21+$0x1A9D0] =	vst v38;
	v42 =	vmul.f32 v34, v33  }
0x115: {  	v44 =	vld [tilespmem:s21+$0x16A50];
	[tilespmem:s21+$0x1A9E0] =	vst v19;
	v19 =	vmul.f32 v36, v40  }
0x116: {  	v46 =	vld [tilespmem:s21+$0x16A60];
	[tilespmem:s21+$0x1A9F0] =	vst v42;
	v45 =	vmul.f32 v37, v40  }
0x117: {  	v47 =	vperm.xlane v18, v14;
	v48 =	vld [tilespmem:s21+$0x16A70];
	[tilespmem:s21+$0x1AA00] =	vst v19;
	v19 =	vmul.f32 v39, v40  }
0x118: {  	v50 =	vld [tilespmem:s21+$0x16A80];
	[tilespmem:s21+$0x1AA10] =	vst v45;
	v49 =	vmul.f32 v41, v40  }
0x119: {  	v51 =	vld [tilespmem:s21+$0x16A90];
	[tilespmem:s21+$0x1AA20] =	vst v19;
	v19 =	vmul.f32 v43, v47  }
0x11a: {  	v53 =	vld [tilespmem:s21+$0x16AA0];
	[tilespmem:s21+$0x1AA30] =	vst v49;
	v52 =	vmul.f32 v44, v47  }
0x11b: {  	v54 =	vperm.xlane v18, v15;
	v55 =	vld [tilespmem:s21+$0x16AB0];
	[tilespmem:s21+$0x1AA40] =	vst v19;
	v19 =	vmul.f32 v46, v47  }
0x11c: {  	v57 =	vld [tilespmem:s21+$0x16AC0];
	[tilespmem:s21+$0x1AA50] =	vst v52;
	v56 =	vmul.f32 v48, v47  }
0x11d: {  	v58 =	vld [tilespmem:s21+$0x16AD0];
	[tilespmem:s21+$0x1AA60] =	vst v19;
	v19 =	vmul.f32 v50, v54  }
0x11e: {  	v60 =	vld [tilespmem:s21+$0x16AE0];
	[tilespmem:s21+$0x1AA70] =	vst v56;
	v59 =	vmul.f32 v51, v54  }
0x11f: {  	v18 =	vperm.xlane v18, v16;
	v61 =	vld [tilespmem:s21+$0x16AF0];
	[tilespmem:s21+$0x1AA80] =	vst v19;
	v19 =	vmul.f32 v53, v54  }
0x120: {  	[tilespmem:s21+$0x1AA90] =	vst v59;
	v62 =	vmul.f32 v55, v54  }
0x121: {  	p1 =	slt.u32 s20, $0x6;
	[tilespmem:s21+$0x1AAA0] =	vst v19;
	v19 =	vmul.f32 v57, v18  }
.Ltmp3:
0x122: {  	[tilespmem:s21+$0x1AAB0] =	vst v62;
	v63 =	vmul.f32 v58, v18;
	(pc) =	sbr.rel @p1 .LBB2_5-.Ltmp3, $4  }
0x123: {  	[tilespmem:s21+$0x1AAC0] =	vst v19;
	v19 =	vmul.f32 v60, v18  }
0x124: {  	[tilespmem:s21+$0x1AAD0] =	vst v63;
	v18 =	vmul.f32 v61, v18  }
0x125: {  	s22 =	sadd.s32 $0x2, s20;
	[tilespmem:s21+$0x1AAE0] =	vst v19  }
0x126: {  	s20 =	smov.u32 s22;
	[tilespmem:s21+$0x1AAF0] =	vst v18  }
0x127: {  	p1 =	seq.s32 s17, $0x20  }
0x128: {  	s20 =	sshra.s32 @!p1 s19, $0x2  }
0x129: {  	s21 =	simm.s32 @!p1 $0x80;
	s22 =	simm.s32 @!p1 $0x16300;
	s20 =	sadd.s32 @!p1 $0x10100, s20  }
0x12a: {  	[tilespmem:s22], [sflag:$0x2] =	stream.indirect.gather @!p1 [hbm4b:s1+s21], $0x40, s20, s21, $0xb8;
	[tilespmem:$0x1E300] =	vst v63  }
0x12b: {  	s22 =	sadd.s32 $0x12100, s18  }
0x12c: {  	[spmem:s3] =	stream.indirect.scatter.add.f32 [tilespmem:s0], [sflag:$0x4], $0x40, s22, s2, $0xb8;
	[tilespmem:$0x1E300] =	vst v63  }
0x12d: {  	s21 =	sor.u32 $0x200, s19;
	_ =	swait.ge [sflag:s5], $0x2000  }
0x12e: {  	s19 =	sshra.s32 s21, $0x2;
	[sflag:s5] =	ssyncset.done $0x0  }
0x12f: {  	s20 =	simm.s32 @!p0 $0x5;
	s22 =	sadd.s32 $0x14200, s19;
	[sflag:s5] =	ssyncadd.s32 $0xFFFFE000  }
0x130: {  	v17 =	vmov s22;
	_ =	swait.ge @!p0 [sflag:s20], $0x2000  }
0x131: {  	[sflag:s20] =	ssyncset.done @!p0 $0x0  }
0x132: {  	[sflag:s20] =	ssyncadd.s32 @!p0 $0xFFFFE000;
	s20 =	simm.s32 $0x0  }
.LBB2_7:
0x133: {  	s22 =	sshll.u32 s20, $0x4  }
0x134: {  	s21 =	sand.u32 $0x3FFFFFF0, s22  }
0x135: {  	v18 =	vld.idx.msk [tilespmem:v17+s21+$0x0 ss:$0x1], $0xffff  }
0x136: {  	s21 =	sshll.u32 s20, $0xA  }
0x137: {  	v19 =	vld [tilespmem:s21+$0x18300]  }
0x138: {  	v20 =	vld [tilespmem:s21+$0x18310]  }
0x139: {  	v21 =	vld [tilespmem:s21+$0x18320]  }
0x13a: {  	v23 =	vld [tilespmem:s21+$0x18330];
	v22 =	vperm.xlane v18, v1  }
0x13b: {  	v24 =	vld [tilespmem:s21+$0x18340]  }
0x13c: {  	v25 =	vld [tilespmem:s21+$0x18350];
	v19 =	vmul.f32 v19, v22  }
0x13d: {  	v26 =	vld [tilespmem:s21+$0x18360];
	v20 =	vmul.f32 v20, v22  }
0x13e: {  	v27 =	vld [tilespmem:s21+$0x18370];
	v38 =	vperm.xlane v18, v2;
	[tilespmem:s21+$0x1C300] =	vst v19;
	v19 =	vmul.f32 v21, v22  }
0x13f: {  	v40 =	vld [tilespmem:s21+$0x18380];
	v39 =	vmul.f32 v23, v22;
	[tilespmem:s21+$0x1C310] =	vst v20  }
0x140: {  	v41 =	vld [tilespmem:s21+$0x18390];
	[tilespmem:s21+$0x1C320] =	vst v19;
	v19 =	vmul.f32 v24, v38  }
0x141: {  	v43 =	vld [tilespmem:s21+$0x183A0];
	v42 =	vmul.f32 v25, v38;
	[tilespmem:s21+$0x1C330] =	vst v39  }
0x142: {  	v45 =	vld [tilespmem:s21+$0x183B0];
	v44 =	vperm.xlane v18, v3;
	[tilespmem:s21+$0x1C340] =	vst v19;
	v19 =	vmul.f32 v26, v38  }
0x143: {  	v47 =	vld [tilespmem:s21+$0x183C0];
	v46 =	vmul.f32 v27, v38;
	[tilespmem:s21+$0x1C350] =	vst v42  }
0x144: {  	v48 =	vld [tilespmem:s21+$0x183D0];
	[tilespmem:s21+$0x1C360] =	vst v19;
	v19 =	vmul.f32 v40, v44  }
0x145: {  	v50 =	vld [tilespmem:s21+$0x183E0];
	v49 =	vmul.f32 v41, v44;
	[tilespmem:s21+$0x1C370] =	vst v46  }
0x146: {  	v52 =	vld [tilespmem:s21+$0x183F0];
	v51 =	vperm.xlane v18, v4;
	[tilespmem:s21+$0x1C380] =	vst v19;
	v19 =	vmul.f32 v43, v44  }
0x147: {  	v54 =	vld [tilespmem:s21+$0x18400];
	v53 =	vmul.f32 v45, v44;
	[tilespmem:s21+$0x1C390] =	vst v49  }
0x148: {  	v55 =	vld [tilespmem:s21+$0x18410];
	[tilespmem:s21+$0x1C3A0] =	vst v19;
	v19 =	vmul.f32 v47, v51  }
0x149: {  	v57 =	vld [tilespmem:s21+$0x18420];
	v56 =	vmul.f32 v48, v51;
	[tilespmem:s21+$0x1C3B0] =	vst v53  }
0x14a: {  	v59 =	vld [tilespmem:s21+$0x18430];
	v58 =	vperm.xlane v18, v5;
	[tilespmem:s21+$0x1C3C0] =	vst v19;
	v19 =	vmul.f32 v50, v51  }
0x14b: {  	v61 =	vld [tilespmem:s21+$0x18440];
	v60 =	vmul.f32 v52, v51;
	[tilespmem:s21+$0x1C3D0] =	vst v56  }
0x14c: {  	v62 =	vld [tilespmem:s21+$0x18450];
	[tilespmem:s21+$0x1C3E0] =	vst v19;
	v19 =	vmul.f32 v54, v58  }
0x14d: {  	v30 =	vld [tilespmem:s21+$0x18460];
	v63 =	vmul.f32 v55, v58;
	[tilespmem:s21+$0x1C3F0] =	vst v60  }
0x14e: {  	v31 =	vperm.xlane v18, v6;
	v56 =	vld [tilespmem:s21+$0x18550];
	[tilespmem:s21+$0x1C400] =	vst v19;
	v19 =	vmul.f32 v57, v58  }
0x14f: {  	v34 =	vld [tilespmem:s21+$0x18480];
	v33 =	vmul.f32 v59, v58;
	[tilespmem:s21+$0x1C410] =	vst v63  }
0x150: {  	v32 =	vld [tilespmem:s21+$0x18470];
	[tilespmem:s21+$0x1C420] =	vst v19;
	v19 =	vmul.f32 v61, v31  }
0x151: {  	v37 =	vld [tilespmem:s21+$0x184A0];
	v36 =	vmul.f32 v62, v31;
	v59 =	vperm.xlane v18, v10;
	[tilespmem:s21+$0x1C430] =	vst v33  }
0x152: {  	v60 =	vld [tilespmem:s21+$0x18570];
	v38 =	vperm.xlane v18, v7;
	[tilespmem:s21+$0x1C440] =	vst v19;
	v19 =	vmul.f32 v30, v31  }
0x153: {  	v41 =	vld [tilespmem:s21+$0x184C0];
	[tilespmem:s21+$0x1C450] =	vst v36;
	v28 =	vmul.f32 v56, v59  }
0x154: {  	v35 =	vld [tilespmem:s21+$0x18490];
	[tilespmem:s21+$0x1C460] =	vst v19;
	v19 =	vmul.f32 v34, v38  }
0x155: {  	v40 =	vmul.f32 v32, v31;
	[tilespmem:s21+$0x1C550] =	vst v28;
	v44 =	vld [tilespmem:s21+$0x184E0]  }
0x156: {  	v45 =	vperm.xlane v18, v8;
	v39 =	vld [tilespmem:s21+$0x184B0];
	[tilespmem:s21+$0x1C480] =	vst v19;
	v19 =	vmul.f32 v37, v38  }
0x157: {  	v48 =	vld [tilespmem:s21+$0x18500];
	v32 =	vmul.f32 v60, v59;
	[tilespmem:s21+$0x1C470] =	vst v40  }
0x158: {  	v42 =	vld [tilespmem:s21+$0x184D0];
	[tilespmem:s21+$0x1C4A0] =	vst v19;
	v19 =	vmul.f32 v41, v45  }
0x159: {  	v43 =	vmul.f32 v35, v38;
	[tilespmem:s21+$0x1C570] =	vst v32;
	v51 =	vld [tilespmem:s21+$0x18520]  }
0x15a: {  	v52 =	vperm.xlane v18, v9;
	v46 =	vld [tilespmem:s21+$0x184F0];
	[tilespmem:s21+$0x1C4C0] =	vst v19;
	v19 =	vmul.f32 v44, v45  }
0x15b: {  	v55 =	vld [tilespmem:s21+$0x18540];
	[tilespmem:s21+$0x1C490] =	vst v43;
	v47 =	vmul.f32 v39, v38  }
0x15c: {  	v49 =	vld [tilespmem:s21+$0x18510];
	[tilespmem:s21+$0x1C4E0] =	vst v19;
	v19 =	vmul.f32 v48, v52  }
0x15d: {  	[tilespmem:s21+$0x1C4B0] =	vst v47;
	v50 =	vmul.f32 v42, v45;
	v58 =	vld [tilespmem:s21+$0x18560]  }
0x15e: {  	v53 =	vld [tilespmem:s21+$0x18530];
	[tilespmem:s21+$0x1C500] =	vst v19;
	v19 =	vmul.f32 v51, v52  }
0x15f: {  	v62 =	vld [tilespmem:s21+$0x18580];
	[tilespmem:s21+$0x1C4D0] =	vst v50;
	v54 =	vmul.f32 v46, v45  }
0x160: {  	v63 =	vld [tilespmem:s21+$0x18590];
	[tilespmem:s21+$0x1C520] =	vst v19;
	v19 =	vmul.f32 v55, v59  }
0x161: {  	v29 =	vld [tilespmem:s21+$0x185A0];
	[tilespmem:s21+$0x1C4F0] =	vst v54;
	v57 =	vmul.f32 v49, v52  }
0x162: {  	v30 =	vperm.xlane v18, v11;
	v31 =	vld [tilespmem:s21+$0x185B0];
	[tilespmem:s21+$0x1C540] =	vst v19;
	v19 =	vmul.f32 v58, v59  }
0x163: {  	v33 =	vld [tilespmem:s21+$0x185C0];
	[tilespmem:s21+$0x1C510] =	vst v57;
	v61 =	vmul.f32 v53, v52  }
0x164: {  	v34 =	vld [tilespmem:s21+$0x185D0];
	[tilespmem:s21+$0x1C560] =	vst v19;
	v19 =	vmul.f32 v62, v30  }
0x165: {  	v36 =	vld [tilespmem:s21+$0x185E0];
	[tilespmem:s21+$0x1C530] =	vst v61;
	v35 =	vmul.f32 v63, v30  }
0x166: {  	v37 =	vperm.xlane v18, v12;
	v38 =	vld [tilespmem:s21+$0x185F0];
	[tilespmem:s21+$0x1C580] =	vst v19;
	v19 =	vmul.f32 v29, v30  }
0x167: {  	v40 =	vld [tilespmem:s21+$0x18600];
	[tilespmem:s21+$0x1C590] =	vst v35;
	v39 =	vmul.f32 v31, v30  }
0x168: {  	v41 =	vld [tilespmem:s21+$0x18610];
	[tilespmem:s21+$0x1C5A0] =	vst v19;
	v19 =	vmul.f32 v33, v37  }
0x169: {  	v43 =	vld [tilespmem:s21+$0x18620];
	[tilespmem:s21+$0x1C5B0] =	vst v39;
	v42 =	vmul.f32 v34, v37  }
0x16a: {  	v44 =	vperm.xlane v18, v13;
	v45 =	vld [tilespmem:s21+$0x18630];
	[tilespmem:s21+$0x1C5C0] =	vst v19;
	v19 =	vmul.f32 v36, v37  }
0x16b: {  	v47 =	vld [tilespmem:s21+$0x18640];
	[tilespmem:s21+$0x1C5D0] =	vst v42;
	v46 =	vmul.f32 v38, v37  }
0x16c: {  	v48 =	vld [tilespmem:s21+$0x18650];
	[tilespmem:s21+$0x1C5E0] =	vst v19;
	v19 =	vmul.f32 v40, v44  }
0x16d: {  	v50 =	vld [tilespmem:s21+$0x18660];
	[tilespmem:s21+$0x1C5F0] =	vst v46;
	v49 =	vmul.f32 v41, v44  }
0x16e: {  	v51 =	vperm.xlane v18, v14;
	v52 =	vld [tilespmem:s21+$0x18670];
	[tilespmem:s21+$0x1C600] =	vst v19;
	v19 =	vmul.f32 v43, v44  }
0x16f: {  	v54 =	vld [tilespmem:s21+$0x18680];
	[tilespmem:s21+$0x1C610] =	vst v49;
	v53 =	vmul.f32 v45, v44  }
0x170: {  	v55 =	vld [tilespmem:s21+$0x18690];
	[tilespmem:s21+$0x1C620] =	vst v19;
	v19 =	vmul.f32 v47, v51  }
0x171: {  	v57 =	vld [tilespmem:s21+$0x186A0];
	[tilespmem:s21+$0x1C630] =	vst v53;
	v56 =	vmul.f32 v48, v51  }
0x172: {  	v58 =	vperm.xlane v18, v15;
	v59 =	vld [tilespmem:s21+$0x186B0];
	[tilespmem:s21+$0x1C640] =	vst v19;
	v19 =	vmul.f32 v50, v51  }
0x173: {  	v61 =	vld [tilespmem:s21+$0x186C0];
	[tilespmem:s21+$0x1C650] =	vst v56;
	v60 =	vmul.f32 v52, v51  }
0x174: {  	v62 =	vld [tilespmem:s21+$0x186D0];
	[tilespmem:s21+$0x1C660] =	vst v19;
	v19 =	vmul.f32 v54, v58  }
0x175: {  	v27 =	vld [tilespmem:s21+$0x186E0];
	[tilespmem:s21+$0x1C670] =	vst v60;
	v63 =	vmul.f32 v55, v58  }
0x176: {  	v28 =	vld [tilespmem:s21+$0x186F0];
	v18 =	vperm.xlane v18, v16;
	[tilespmem:s21+$0x1C680] =	vst v19;
	v19 =	vmul.f32 v57, v58  }
0x177: {  	[tilespmem:s21+$0x1C690] =	vst v63;
	v29 =	vmul.f32 v59, v58  }
0x178: {  	[tilespmem:s21+$0x1C6A0] =	vst v19;
	v19 =	vmul.f32 v61, v18  }
0x179: {  	[tilespmem:s21+$0x1C6B0] =	vst v29;
	v30 =	vmul.f32 v62, v18  }
0x17a: {  	[tilespmem:s21+$0x1C6C0] =	vst v19;
	v19 =	vmul.f32 v27, v18  }
0x17b: {  	[tilespmem:s21+$0x1C6D0] =	vst v30;
	v18 =	vmul.f32 v28, v18  }
0x17c: {  	[tilespmem:s21+$0x1C6E0] =	vst v19  }
0x17d: {  	s22 =	sor.u32 $0x10, s22;
	[tilespmem:s21+$0x1C6F0] =	vst v18  }
0x17e: {  	v18 =	vld.idx.msk [tilespmem:v17+s22+$0x0 ss:$0x1], $0xffff  }
0x17f: {  	s22 =	sshll.u32 s22, $0x6  }
0x180: {  	v19 =	vld [tilespmem:s22+$0x18300]  }
0x181: {  	v20 =	vld [tilespmem:s22+$0x18310]  }
0x182: {  	v33 =	vld [tilespmem:s22+$0x18330]  }
0x183: {  	v31 =	vld [tilespmem:s22+$0x18320];
	v32 =	vperm.xlane v18, v1;
	_ =	sdelay $0x1  }
0x184: {  	v19 =	vmul.f32 v19, v32  }
0x185: {  	v20 =	vmul.f32 v20, v32  }
0x186: {  	v34 =	vmul.f32 v33, v32;
	[tilespmem:s22+$0x1C300] =	vst v19  }
0x187: {  	v19 =	vmul.f32 v31, v32;
	[tilespmem:s22+$0x1C310] =	vst v20  }
0x188: {  	[tilespmem:s22+$0x1C330] =	vst v34  }
0x189: {  	[tilespmem:s22+$0x1C320] =	vst v19  }
0x18a: {  	v19 =	vld [tilespmem:s21+$0x18740]  }
0x18b: {  	v20 =	vld [tilespmem:s21+$0x18750]  }
0x18c: {  	v35 =	vld [tilespmem:s21+$0x18760]  }
0x18d: {  	v36 =	vperm.xlane v18, v2;
	v37 =	vld [tilespmem:s21+$0x18770]  }
0x18e: {  	v38 =	vld [tilespmem:s21+$0x18780]  }
0x18f: {  	v39 =	vld [tilespmem:s21+$0x18790];
	v19 =	vmul.f32 v19, v36  }
0x190: {  	v40 =	vld [tilespmem:s21+$0x187A0];
	v20 =	vmul.f32 v20, v36  }
0x191: {  	v41 =	vperm.xlane v18, v3;
	v42 =	vld [tilespmem:s21+$0x187B0];
	[tilespmem:s21+$0x1C740] =	vst v19;
	v19 =	vmul.f32 v35, v36  }
0x192: {  	v44 =	vld [tilespmem:s21+$0x187C0];
	v43 =	vmul.f32 v37, v36;
	[tilespmem:s21+$0x1C750] =	vst v20  }
0x193: {  	v45 =	vld [tilespmem:s21+$0x187D0];
	[tilespmem:s21+$0x1C760] =	vst v19;
	v19 =	vmul.f32 v38, v41  }
0x194: {  	v47 =	vld [tilespmem:s21+$0x187E0];
	v46 =	vmul.f32 v39, v41;
	[tilespmem:s21+$0x1C770] =	vst v43  }
0x195: {  	v48 =	vperm.xlane v18, v4;
	v49 =	vld [tilespmem:s21+$0x187F0];
	[tilespmem:s21+$0x1C780] =	vst v19;
	v19 =	vmul.f32 v40, v41  }
0x196: {  	v51 =	vld [tilespmem:s21+$0x18800];
	v50 =	vmul.f32 v42, v41;
	[tilespmem:s21+$0x1C790] =	vst v46  }
0x197: {  	v52 =	vld [tilespmem:s21+$0x18810];
	[tilespmem:s21+$0x1C7A0] =	vst v19;
	v19 =	vmul.f32 v44, v48  }
0x198: {  	v54 =	vld [tilespmem:s21+$0x18820];
	v53 =	vmul.f32 v45, v48;
	[tilespmem:s21+$0x1C7B0] =	vst v50  }
0x199: {  	v55 =	vperm.xlane v18, v5;
	v56 =	vld [tilespmem:s21+$0x18830];
	[tilespmem:s21+$0x1C7C0] =	vst v19;
	v19 =	vmul.f32 v47, v48  }
0x19a: {  	v58 =	vld [tilespmem:s21+$0x18840];
	v57 =	vmul.f32 v49, v48;
	[tilespmem:s21+$0x1C7D0] =	vst v53  }
0x19b: {  	v59 =	vld [tilespmem:s21+$0x18850];
	[tilespmem:s21+$0x1C7E0] =	vst v19;
	v19 =	vmul.f32 v51, v55  }
0x19c: {  	v61 =	vld [tilespmem:s21+$0x18860];
	v60 =	vmul.f32 v52, v55;
	[tilespmem:s21+$0x1C7F0] =	vst v57  }
0x19d: {  	v62 =	vperm.xlane v18, v6;
	v31 =	vld [tilespmem:s21+$0x18890];
	[tilespmem:s21+$0x1C800] =	vst v19;
	v19 =	vmul.f32 v54, v55  }
0x19e: {  	v30 =	vld [tilespmem:s21+$0x18880];
	v29 =	vmul.f32 v56, v55;
	[tilespmem:s21+$0x1C810] =	vst v60  }
0x19f: {  	v63 =	vld [tilespmem:s21+$0x18870];
	[tilespmem:s21+$0x1C820] =	vst v19;
	v19 =	vmul.f32 v58, v62  }
0x1a0: {  	v34 =	vperm.xlane v18, v7;
	v33 =	vld [tilespmem:s21+$0x188A0];
	v32 =	vmul.f32 v59, v62;
	[tilespmem:s21+$0x1C830] =	vst v29  }
0x1a1: {  	v35 =	vld [tilespmem:s21+$0x188B0];
	[tilespmem:s21+$0x1C840] =	vst v19;
	v19 =	vmul.f32 v61, v62  }
0x1a2: {  	v37 =	vld [tilespmem:s21+$0x188C0];
	v39 =	vmul.f32 v31, v34;
	[tilespmem:s21+$0x1C850] =	vst v32  }
0x1a3: {  	v42 =	vld [tilespmem:s21+$0x188F0];
	[tilespmem:s21+$0x1C860] =	vst v19;
	v19 =	vmul.f32 v30, v34  }
0x1a4: {  	v36 =	vmul.f32 v63, v62;
	[tilespmem:s21+$0x1C890] =	vst v39;
	v40 =	vld [tilespmem:s21+$0x188E0]  }
0x1a5: {  	v38 =	vld [tilespmem:s21+$0x188D0];
	v41 =	vperm.xlane v18, v8;
	[tilespmem:s21+$0x1C880] =	vst v19;
	v19 =	vmul.f32 v33, v34  }
0x1a6: {  	[tilespmem:s21+$0x1C870] =	vst v36;
	v43 =	vmul.f32 v35, v34;
	v44 =	vld [tilespmem:s21+$0x18900]  }
0x1a7: {  	v45 =	vld [tilespmem:s21+$0x18910];
	[tilespmem:s21+$0x1C8A0] =	vst v19;
	v19 =	vmul.f32 v37, v41  }
0x1a8: {  	v50 =	vmul.f32 v42, v41;
	[tilespmem:s21+$0x1C8B0] =	vst v43;
	v47 =	vld [tilespmem:s21+$0x18920]  }
0x1a9: {  	v49 =	vld [tilespmem:s21+$0x18930];
	v48 =	vperm.xlane v18, v9;
	[tilespmem:s21+$0x1C8C0] =	vst v19;
	v19 =	vmul.f32 v40, v41  }
0x1aa: {  	v46 =	vmul.f32 v38, v41;
	[tilespmem:s21+$0x1C8F0] =	vst v50;
	v51 =	vld [tilespmem:s21+$0x18940]  }
0x1ab: {  	v52 =	vld [tilespmem:s21+$0x18950];
	[tilespmem:s21+$0x1C8E0] =	vst v19;
	v19 =	vmul.f32 v44, v48  }
0x1ac: {  	[tilespmem:s21+$0x1C8D0] =	vst v46;
	v53 =	vmul.f32 v45, v48;
	v54 =	vld [tilespmem:s21+$0x18960]  }
0x1ad: {  	v56 =	vld [tilespmem:s21+$0x18970];
	v55 =	vperm.xlane v18, v10;
	[tilespmem:s21+$0x1C900] =	vst v19;
	v19 =	vmul.f32 v47, v48  }
0x1ae: {  	v57 =	vmul.f32 v49, v48;
	[tilespmem:s21+$0x1C910] =	vst v53;
	v58 =	vld [tilespmem:s21+$0x18980]  }
0x1af: {  	v59 =	vld [tilespmem:s21+$0x18990];
	[tilespmem:s21+$0x1C920] =	vst v19;
	v19 =	vmul.f32 v51, v55  }
0x1b0: {  	[tilespmem:s21+$0x1C930] =	vst v57;
	v60 =	vmul.f32 v52, v55;
	v61 =	vld [tilespmem:s21+$0x189A0]  }
0x1b1: {  	v63 =	vld [tilespmem:s21+$0x189B0];
	v62 =	vperm.xlane v18, v11;
	[tilespmem:s21+$0x1C940] =	vst v19;
	v19 =	vmul.f32 v54, v55  }
0x1b2: {  	v29 =	vld [tilespmem:s21+$0x189C0];
	v28 =	vmul.f32 v56, v55;
	[tilespmem:s21+$0x1C950] =	vst v60  }
0x1b3: {  	v30 =	vld [tilespmem:s21+$0x189D0];
	[tilespmem:s21+$0x1C960] =	vst v19;
	v19 =	vmul.f32 v58, v62  }
0x1b4: {  	v32 =	vld [tilespmem:s21+$0x189E0];
	[tilespmem:s21+$0x1C970] =	vst v28;
	v31 =	vmul.f32 v59, v62  }
0x1b5: {  	v33 =	vperm.xlane v18, v12;
	v34 =	vld [tilespmem:s21+$0x189F0];
	[tilespmem:s21+$0x1C980] =	vst v19;
	v19 =	vmul.f32 v61, v62  }
0x1b6: {  	v36 =	vld [tilespmem:s21+$0x18A00];
	v35 =	vmul.f32 v63, v62;
	[tilespmem:s21+$0x1C990] =	vst v31  }
0x1b7: {  	v37 =	vld [tilespmem:s21+$0x18A10];
	[tilespmem:s21+$0x1C9A0] =	vst v19;
	v19 =	vmul.f32 v29, v33  }
0x1b8: {  	v39 =	vld [tilespmem:s21+$0x18A20];
	[tilespmem:s21+$0x1C9B0] =	vst v35;
	v38 =	vmul.f32 v30, v33  }
0x1b9: {  	v40 =	vperm.xlane v18, v13;
	v41 =	vld [tilespmem:s21+$0x18A30];
	[tilespmem:s21+$0x1C9C0] =	vst v19;
	v19 =	vmul.f32 v32, v33  }
0x1ba: {  	v43 =	vld [tilespmem:s21+$0x18A40];
	[tilespmem:s21+$0x1C9D0] =	vst v38;
	v42 =	vmul.f32 v34, v33  }
0x1bb: {  	v44 =	vld [tilespmem:s21+$0x18A50];
	[tilespmem:s21+$0x1C9E0] =	vst v19;
	v19 =	vmul.f32 v36, v40  }
0x1bc: {  	v46 =	vld [tilespmem:s21+$0x18A60];
	[tilespmem:s21+$0x1C9F0] =	vst v42;
	v45 =	vmul.f32 v37, v40  }
0x1bd: {  	v47 =	vperm.xlane v18, v14;
	v48 =	vld [tilespmem:s21+$0x18A70];
	[tilespmem:s21+$0x1CA00] =	vst v19;
	v19 =	vmul.f32 v39, v40  }
0x1be: {  	v50 =	vld [tilespmem:s21+$0x18A80];
	[tilespmem:s21+$0x1CA10] =	vst v45;
	v49 =	vmul.f32 v41, v40  }
0x1bf: {  	v51 =	vld [tilespmem:s21+$0x18A90];
	[tilespmem:s21+$0x1CA20] =	vst v19;
	v19 =	vmul.f32 v43, v47  }
0x1c0: {  	v53 =	vld [tilespmem:s21+$0x18AA0];
	[tilespmem:s21+$0x1CA30] =	vst v49;
	v52 =	vmul.f32 v44, v47  }
0x1c1: {  	v54 =	vperm.xlane v18, v15;
	v55 =	vld [tilespmem:s21+$0x18AB0];
	[tilespmem:s21+$0x1CA40] =	vst v19;
	v19 =	vmul.f32 v46, v47  }
0x1c2: {  	v57 =	vld [tilespmem:s21+$0x18AC0];
	[tilespmem:s21+$0x1CA50] =	vst v52;
	v56 =	vmul.f32 v48, v47  }
0x1c3: {  	v58 =	vld [tilespmem:s21+$0x18AD0];
	[tilespmem:s21+$0x1CA60] =	vst v19;
	v19 =	vmul.f32 v50, v54  }
0x1c4: {  	v60 =	vld [tilespmem:s21+$0x18AE0];
	[tilespmem:s21+$0x1CA70] =	vst v56;
	v59 =	vmul.f32 v51, v54  }
0x1c5: {  	v18 =	vperm.xlane v18, v16;
	v61 =	vld [tilespmem:s21+$0x18AF0];
	[tilespmem:s21+$0x1CA80] =	vst v19;
	v19 =	vmul.f32 v53, v54  }
0x1c6: {  	[tilespmem:s21+$0x1CA90] =	vst v59;
	v62 =	vmul.f32 v55, v54  }
0x1c7: {  	p0 =	slt.u32 s20, $0x6;
	[tilespmem:s21+$0x1CAA0] =	vst v19;
	v19 =	vmul.f32 v57, v18  }
.Ltmp4:
0x1c8: {  	[tilespmem:s21+$0x1CAB0] =	vst v62;
	v63 =	vmul.f32 v58, v18;
	(pc) =	sbr.rel @p0 .LBB2_7-.Ltmp4, $4  }
0x1c9: {  	[tilespmem:s21+$0x1CAC0] =	vst v19;
	v19 =	vmul.f32 v60, v18  }
0x1ca: {  	[tilespmem:s21+$0x1CAD0] =	vst v63;
	v18 =	vmul.f32 v61, v18  }
0x1cb: {  	s22 =	sadd.s32 $0x2, s20;
	[tilespmem:s21+$0x1CAE0] =	vst v19  }
0x1cc: {  	s20 =	smov.u32 s22;
	[tilespmem:s21+$0x1CAF0] =	vst v18  }
.Ltmp5:
0x1cd: {  	(pc) =	sbr.rel @p1 .LBB2_10-.Ltmp5, $2  }
0x1ce: {  	_ =	sdelay $0x2  }
0x1cf: {  	s19 =	sadd.s32 $0x12100, s19  }
.Ltmp6:
0x1d0: {  	(pc) =	sbr.rel .LBB2_4-.Ltmp6, $4  }
0x1d1: {  	s18 =	sadd.s32 $0x10180, s18  }
0x1d2: {  	[tilespmem:s28], [sflag:$0x3] =	stream.indirect.gather [hbm4b:s1+s2], $0x40, s18, s2, $0xb8;
	[tilespmem:$0x1E300] =	vst v63  }
0x1d3: {  	s17 =	sadd.s32 $0x1, s17  }
0x1d4: {  	[spmem:s3] =	stream.indirect.scatter.add.f32 [tilespmem:s6], [sflag:$0x5], $0x40, s19, s2, $0xb8;
	[tilespmem:$0x1E300] =	vst v63  }
.LBB2_11:
0x1d5: {  	_ =	sfence.sel $0x180000  }
0x1d6: {  	[bflag:$0x0] =	sbarrier.arrive $0xFFFF  }
0x1d7: {  	_ =	strace $0x90000047  }
0x1d8: {  	s0 =	stileid.u32;
	[bflag:$0x2] =	sbarrier.arrive $0xFFFF  }
0x1d9: {  	p0 =	sne.s32 s0, $0x0;
	s0 =	rddreg [dreg:$0x3]  }
0x1da: {  	s0 =	sadd.s32 @!p0 $0x100000, s0  }
0x1db: {  	[sflag:s0] =	ssyncadd.tile.s32 @!p0 $0x1;
	_ =	shalt  }
.Lfunc_end2:
_tile_overlayer_lowered:
.L_overlay_start_2:
0x1dc: {  	(tag) =	ssettag $0x2  }
0x1dd: {  	s0 =	rddreg [dreg:$0x0];
	s2 =	stileid.u32  }
0x1de: {  	s1 =	rddreg [dreg:$0x1];
	p0 =	sne.s32 s2, $0x0  }
0x1df: {  	s3 =	rddreg [dreg:$0x2];
	[bflag:$0x3] =	sbarrier.arrive $0xFFFF;
	s2 =	simm.s32 @!p0 $0x1C06  }
0x1e0: {  	[timem:s3], [sflag:s2] =	dma.local @!p0 [hbm:s0], s1  }
0x1e1: {  	s0 =	simm.s32 @!p0 $0x6  }
0x1e2: {  	_ =	swait.ge @!p0 [sflag:s0], s1  }
0x1e3: {  	s1 =	ssub.s32 @!p0 $0x0, s1;
	[sflag:s0] =	ssyncset.done @!p0 $0x0  }
0x1e4: {  	[sflag:s0] =	ssyncadd.s32 @!p0 s1  }
0x1e5: {  	[bflag:$0x3] =	sbarrier.arrive $0xFFFF  }
0x1e6: {  	_ =	shalt  }

</sc_bundles>
